<compile_context>
chip_gen: v7x
topology: tpu7x:2x2x1
jax: 0.10.2.dev20260603
libtpu: 0.0.44.dev20260713+nightly
codegen_flags: <defaults>
</compile_context>

<pallas_src>
import functools

import jax
import jax.numpy as jnp
from jax import lax
from jax.experimental import pallas as pl
from jax.experimental.pallas import tpu as pltpu
from jax.experimental.pallas import tpu_sc as plsc

_B, _T, _H, _V = 1024, 200, 64, 100000
_NST, _NKC, _NKR, _NOBS = 3, 2, 4, 3
_NW = 32
_VB = 128
_VP = 100096
_NBLK = _VP // _VB
_K1_ITERS = -(-_NBLK // _NW)
_NUNIT = _T * 8
_UPW = _NUNIT // _NW

_MESH = plsc.VectorSubcoreMesh(core_axis_name="c", subcore_axis_name="s")
_CPARAMS = pltpu.CompilerParams(needs_layout_passes=False)


@functools.partial(
    pl.kernel,
    out_type=(
        jax.ShapeDtypeStruct((_VP, 2 * _H), jnp.float32),
        jax.ShapeDtypeStruct((_VP, 2 * _H), jnp.float32),
        jax.ShapeDtypeStruct((_VP, 2 * _H), jnp.float32),
    ),
    mesh=_MESH,
    compiler_params=_CPARAMS,
    scratch_types=[
        pltpu.VMEM((5, _H, _VB), jnp.float32),
        pltpu.VMEM((_VB, 2 * _H), jnp.float32),
        pltpu.VMEM((_VB, 2 * _H), jnp.float32),
        pltpu.VMEM((_VB, 2 * _H), jnp.float32),
        pltpu.SemaphoreType.DMA,
        pltpu.SemaphoreType.DMA,
        pltpu.SemaphoreType.DMA,
        pltpu.SemaphoreType.DMA,
        pltpu.SemaphoreType.DMA,
        pltpu.SemaphoreType.DMA,
    ],
)
def _sc_reformat(ekcv, estv, ekc2, esta, estb,
                 tin, tkc, tsta, tstb, si0, si1, si2, si3, si4, sem_out):
    wid = lax.axis_index("s") * 2 + lax.axis_index("c")
    lane = lax.iota(jnp.int32, 16)
    rowv = [lane + c * 16 for c in range(_VB // 16)]
    sin = [si0, si1, si2, si3, si4]

    def transpose_field(slot, dst, coff):
        pltpu.make_async_copy(ekcv.at[0, :, pl.ds(0, _VB)],
                              tin.at[slot], sin[slot]).wait()

        def hbody(h, c2):
            col = jnp.full((16,), coff + h, jnp.int32)
            for c in range(_VB // 16):
                val = tin[slot, h, pl.ds(c * 16, 16)]
                plsc.store_scatter(dst, [rowv[c], col], val)
            return c2

        lax.fori_loop(0, _H, hbody, 0)

    def block(it, carry):
        blk = it * _NW + wid

        @pl.when(blk < _NBLK)
        def _():
            v0 = pl.multiple_of(blk * _VB, _VB)
            for f in range(_NKC):
                pltpu.async_copy(ekcv.at[f, :, pl.ds(v0, _VB)],
                                 tin.at[f], sin[f])
            for f in range(_NST):
                pltpu.async_copy(estv.at[f, :, pl.ds(v0, _VB)],
                                 tin.at[_NKC + f], sin[_NKC + f])

            @pl.when(it > 0)
            def _():
                pltpu.make_async_copy(tkc, ekc2.at[pl.ds(0, _VB)],
                                      sem_out).wait()
                pltpu.make_async_copy(tsta, esta.at[pl.ds(0, _VB)],
                                      sem_out).wait()
                pltpu.make_async_copy(tstb, estb.at[pl.ds(0, _VB)],
                                      sem_out).wait()

            transpose_field(0, tkc, 0)
            transpose_field(1, tkc, _H)
            pltpu.async_copy(tkc, ekc2.at[pl.ds(v0, _VB)], sem_out)
            transpose_field(2, tsta, 0)
            transpose_field(3, tsta, _H)
            pltpu.async_copy(tsta, esta.at[pl.ds(v0, _VB)], sem_out)
            transpose_field(4, tstb, 0)
            pltpu.async_copy(tstb, estb.at[pl.ds(v0, _VB)], sem_out)

        return carry

    lax.fori_loop(0, _K1_ITERS, block, 0)
    pltpu.make_async_copy(tkc, ekc2.at[pl.ds(0, _VB)], sem_out).wait()
    pltpu.make_async_copy(tsta, esta.at[pl.ds(0, _VB)], sem_out).wait()
    pltpu.make_async_copy(tstb, estb.at[pl.ds(0, _VB)], sem_out).wait()


@functools.partial(
    pl.kernel,
    out_type=(
        jax.ShapeDtypeStruct((_T * 6 * 8, 8, 8, 128), jnp.float32),
        jax.ShapeDtypeStruct((_T * 3 * 8, 8, 8, 128), jnp.float32),
        jax.ShapeDtypeStruct((_NST * 8, 8, 8, 128), jnp.float32),
    ),
    mesh=_MESH,
    compiler_params=_CPARAMS,
    scratch_types=[
        pltpu.VMEM((8, 128), jnp.float32),
        pltpu.VMEM((128,), jnp.int32),
        pltpu.VMEM((128,), jnp.int32),
        pltpu.VMEM((128, 2 * _H), jnp.float32),
        pltpu.VMEM((128, 2 * _H), jnp.float32),
        pltpu.VMEM((48, 8, 128), jnp.float32),
        pltpu.VMEM((24, 8, 128), jnp.float32),
        pltpu.VMEM((256,), jnp.float32),
        pltpu.VMEM((256,), jnp.float32),
        pltpu.VMEM((192,), jnp.float32),
        pltpu.VMEM((192,), jnp.float32),
        pltpu.SemaphoreType.DMA,
        pltpu.SemaphoreType.DMA,
        pltpu.SemaphoreType.DMA,
        pltpu.SemaphoreType.DMA,
        pltpu.SemaphoreType.DMA,
    ],
)
def _sc_main(scal2, kcidx, statx, ekc2, esta, estb, wkr1, bkr1, wob1, bob1,
             ko, oo, so,
             sv, i0, i1, ga, gb, kslab, oslab, wkr_v, bkr_v, wob_v, bob_v,
             sem_sv, sem_ii, sem_g, sem_ko, sem_oo):
    wid = lax.axis_index("s") * 2 + lax.axis_index("c")
    lane = lax.iota(jnp.int32, 16)
    rowbase = [lane + c * 16 for c in range(8)]

    pltpu.sync_copy(wkr1, wkr_v)
    pltpu.sync_copy(bkr1, bkr_v)
    pltpu.sync_copy(wob1, wob_v)
    pltpu.sync_copy(bob1, bob_v)

    def fire_in(u):
        t = u // 8
        b0 = pl.multiple_of((u % 8) * 128, 128)
        pltpu.async_copy(scal2.at[t, :, pl.ds(b0, 128)], sv, sem_sv)
        pltpu.async_copy(kcidx.at[t, 0, pl.ds(b0, 128)], i0, sem_ii)
        pltpu.async_copy(kcidx.at[t, 1, pl.ds(b0, 128)], i1, sem_ii)

    def dense_slab(slab, j, wref, bref, woff, row0):
        srow = [sv[j, pl.ds(c * 16, 16)] for c in range(8)]

        def hbody(h, c2):
            hq = h // 8
            hr = h % 8
            hsplat = jnp.full((16,), woff + h, jnp.int32)
            wv = plsc.load_gather(wref, [hsplat])
            for c in range(8):
                slab[row0 + hq, hr, pl.ds(c * 16, 16)] = srow[c] * wv
            return c2

        lax.fori_loop(0, _H, hbody, 0)

    def kc_slab(slab, g, coff, row0):
        def hbody(h, c2):
            hq = h // 8
            hr = h % 8
            colv = jnp.full((16,), coff + h, jnp.int32)
            for c in range(8):
                val = plsc.load_gather(g, [rowbase[c], colv])
                slab[row0 + hq, hr, pl.ds(c * 16, 16)] = val
            return c2

        lax.fori_loop(0, _H, hbody, 0)

    fire_in(wid * _UPW)

    def unit(ui, carry):
        u = wid * _UPW + ui
        t = u // 8
        bb = u % 8
        pltpu.make_async_copy(scal2.at[0, :, pl.ds(0, 128)], sv, sem_sv).wait()
        pltpu.make_async_copy(kcidx.at[0, 0, pl.ds(0, 128)], i0, sem_ii).wait()
        pltpu.make_async_copy(kcidx.at[0, 1, pl.ds(0, 128)], i1, sem_ii).wait()
        pltpu.async_copy(ekc2.at[i0], ga, sem_g)
        pltpu.async_copy(ekc2.at[i1], gb, sem_g)

        @pl.when(ui > 0)
        def _():
            pltpu.make_async_copy(kslab, ko.at[pl.ds(0, 48), 0], sem_ko).wait()

        for j in range(_NKR):
            dense_slab(kslab, j, wkr_v, bkr_v, j * _H, j * 8)

        @pl.when(ui > 0)
        def _():
            pltpu.make_async_copy(oslab, oo.at[pl.ds(0, 24), 0], sem_oo).wait()

        for j in range(_NOBS):
            dense_slab(oslab, _NKR + j, wob_v, bob_v, j * _H, j * 8)

        pltpu.make_async_copy(ekc2.at[pl.ds(0, 128)], ga, sem_g).wait()
        pltpu.make_async_copy(ekc2.at[pl.ds(0, 128)], gb, sem_g).wait()
        kc_slab(kslab, ga, 0, 4 * 8)
        kc_slab(kslab, gb, _H, 5 * 8)

        @pl.when(ui + 1 < _UPW)
        def _():
            fire_in(u + 1)

        pltpu.async_copy(kslab, ko.at[pl.ds(t * 48, 48), bb], sem_ko)
        pltpu.async_copy(oslab, oo.at[pl.ds(t * 24, 24), bb], sem_oo)
        return carry

    lax.fori_loop(0, _UPW, unit, 0)
    pltpu.make_async_copy(kslab, ko.at[pl.ds(0, 48), 0], sem_ko).wait()
    pltpu.make_async_copy(oslab, oo.at[pl.ds(0, 24), 0], sem_oo).wait()

    @pl.when(wid < _NST * 8)
    def _():
        f = wid // 8
        bb = wid % 8
        b0 = pl.multiple_of(bb * 128, 128)
        pltpu.sync_copy(statx.at[f, pl.ds(b0, 128)], i0)
        for ff in range(2):
            @pl.when(f == ff)
            def _():
                pltpu.async_copy(esta.at[i0], ga, sem_g).wait()

        @pl.when(f == 2)
        def _():
            pltpu.async_copy(estb.at[i0], ga, sem_g).wait()

        coff = (f % 2) * _H

        def hbody(h, c2):
            hq = h // 8
            hr = h % 8
            colv = jnp.full((16,), coff + h, jnp.int32)
            for c in range(8):
                val = plsc.load_gather(ga, [rowbase[c], colv])
                oslab[hq, hr, pl.ds(c * 16, 16)] = val
            return c2

        lax.fori_loop(0, _H, hbody, 0)
        pltpu.sync_copy(oslab.at[pl.ds(0, 8)], so.at[pl.ds(f * 8, 8), bb])


def kernel(static, known_real, known_categorical, observed,
           E_static, E_kc, W_kr, b_kr, W_obs, b_obs):
    ekcv = jnp.swapaxes(E_kc, 1, 2)
    estv = jnp.swapaxes(E_static, 1, 2)
    ekc2, esta, estb = _sc_reformat(ekcv, estv)
    scal2 = jnp.transpose(
        jnp.concatenate(
            [known_real, observed, jnp.zeros((_B, _T, 1), jnp.float32)],
            axis=-1),
        (1, 2, 0))
    kcidx = jnp.transpose(known_categorical.astype(jnp.int32), (1, 2, 0))
    statx = jnp.transpose(static.astype(jnp.int32), (1, 0))
    ko, oo, so = _sc_main(scal2, kcidx, statx, ekc2, esta, estb,
                          W_kr.reshape(-1), b_kr.reshape(-1),
                          W_obs.reshape(-1), b_obs.reshape(-1))
    known = (ko.reshape(_T, 6, 8, 8, 8, 128)
             .transpose(3, 5, 0, 2, 4, 1)
             .reshape(_B, _T, _H, 6))
    obs = (oo.reshape(_T, 3, 8, 8, 8, 128)
           .transpose(3, 5, 0, 2, 4, 1)
           .reshape(_B, _T, _H, 3))
    static_emb = (so.reshape(_NST, 8, 8, 8, 128)
                  .transpose(2, 4, 0, 1, 3)
                  .reshape(_B, _NST, _H))
    return (static_emb, known, obs)

# --- scband reference (transcript-rebuilt; emitter-appended) ---
"""Pipeline reference for scband-tftinput-embedding-17970143167187 (READ-ONLY COPY).

The authoritative reference and input builder live on the scoring server;
editing this copy changes nothing except your own understanding.
"""

import jax, jax.numpy as jnp
import numpy as np

B, T, H, V = 1024, 200, 64, 100000
N_STATIC, N_KC, N_KR, N_OBS = 3, 2, 4, 3

def setup_inputs(seed: int = 0) -> dict:
    key = jax.random.key(seed)
    ks = jax.random.split(key, 10)
    static = jax.random.randint(ks[0], (B, N_STATIC), 0, V, dtype=jnp.int64 if jax.config.jax_enable_x64 else jnp.int32)
    known_real = jax.random.normal(ks[1], (B, T, N_KR), dtype=jnp.float32)
    known_categorical = jax.random.randint(ks[2], (B, T, N_KC), 0, V, dtype=jnp.int64 if jax.config.jax_enable_x64 else jnp.int32)
    observed = jax.random.normal(ks[3], (B, T, N_OBS), dtype=jnp.float32)
    E_static = jax.random.normal(ks[4], (N_STATIC, V, H), dtype=jnp.float32) * 0.02
    E_kc = jax.random.normal(ks[5], (N_KC, V, H), dtype=jnp.float32) * 0.02
    W_kr = jax.random.normal(ks[6], (N_KR, H), dtype=jnp.float32) * 0.02
    b_kr = jnp.zeros((N_KR, H), dtype=jnp.float32)
    W_obs = jax.random.normal(ks[7], (N_OBS, H), dtype=jnp.float32) * 0.02
    b_obs = jnp.zeros((N_OBS, H), dtype=jnp.float32)
    return {"static": static, "known_real": known_real, "known_categorical": known_categorical,
            "observed": observed, "E_static": E_static, "E_kc": E_kc,
            "W_kr": W_kr, "b_kr": b_kr, "W_obs": W_obs, "b_obs": b_obs}

def reference(static, known_real, known_categorical, observed, E_static, E_kc, W_kr, b_kr, W_obs, b_obs):
    # static embeddings: for each static field i, gather column i and look up table i
    static_emb = jnp.stack([jnp.take(E_static[i], static[:, i], axis=0) for i in range(N_STATIC)], axis=1)  # (B, n_s, H)
    # known real: per-feature scalar -> H dense projection (TimeDistributed Dense on a 1-dim input)
    kr = jnp.stack([known_real[..., i][..., None] * W_kr[i][None, None, :] + b_kr[i][None, None, :]
                    for i in range(N_KR)], axis=-1)  # (B, T, H, n_kr)
    # known categorical: per-field embedding lookup over time
    kc = jnp.stack([jnp.take(E_kc[i], known_categorical[..., i], axis=0) for i in range(N_KC)], axis=-1)  # (B, T, H, n_kc)
    known = jnp.concatenate([kr, kc], axis=-1)  # (B, T, H, n_kr + n_kc)
    # observed real: per-feature scalar -> H dense projection
    obs = jnp.stack([observed[..., i][..., None] * W_obs[i][None, None, :] + b_obs[i][None, None, :]
                     for i in range(N_OBS)], axis=-1)  # (B, T, H, n_o)
    return (static_emb, known, obs)

if __name__ == "__main__":
    import jax
    _d = setup_inputs()
    print(jax.jit(kernel)(*tuple(_d.values())))

</pallas_src>

<mosaic_0001>
#map = affine_map<(d0, d1) -> (0, 0, 0)>
#map1 = affine_map<(d0, d1) -> (0, 0)>
module attributes {stable_mosaic.version = 14 : i64} {
  func.func @_sc_reformat(%arg0: i32, %arg1: i32, %arg2: memref<2x64x100000xf32, #tpu.memory_space<hbm>>, %arg3: memref<3x64x100000xf32, #tpu.memory_space<hbm>>, %arg4: memref<100096x128xf32, #tpu.memory_space<hbm>>, %arg5: memref<100096x128xf32, #tpu.memory_space<hbm>>, %arg6: memref<100096x128xf32, #tpu.memory_space<hbm>>, %arg7: memref<5x64x128xf32, #tpu.memory_space<vmem>>, %arg8: memref<128x128xf32, #tpu.memory_space<vmem>>, %arg9: memref<128x128xf32, #tpu.memory_space<vmem>>, %arg10: memref<128x128xf32, #tpu.memory_space<vmem>>, %arg11: memref<!tpu.dma_semaphore, #tpu.memory_space<semaphore_mem>>, %arg12: memref<!tpu.dma_semaphore, #tpu.memory_space<semaphore_mem>>, %arg13: memref<!tpu.dma_semaphore, #tpu.memory_space<semaphore_mem>>, %arg14: memref<!tpu.dma_semaphore, #tpu.memory_space<semaphore_mem>>, %arg15: memref<!tpu.dma_semaphore, #tpu.memory_space<semaphore_mem>>, %arg16: memref<!tpu.dma_semaphore, #tpu.memory_space<semaphore_mem>>) attributes {dimension_semantics = [#tpu.dimension_semantics<core_parallel>, #tpu.dimension_semantics<subcore_parallel>], iteration_bounds = array<i64: 2, 16>, scalar_prefetch = 0 : i64, scratch_operands = 10 : i64, tpu.core_type = #tpu.core_type<sc_vector_subcore>, window_params = [{transform_indices = #map}, {transform_indices = #map}, {transform_indices = #map1}, {transform_indices = #map1}, {transform_indices = #map1}]} {
    %mul3A = arith.constant 2 : i32
    %mul3A_0 = arith.muli %arg1, %mul3A : i32
    %add3A = arith.addi %mul3A_0, %arg0 : i32
    %iota3A = tpu.iota {dimensions = array<i32: 0>} : vector<16xi32>
    %add3A_1 = arith.constant 0 : i32
    %add3A_2 = vector.broadcast %add3A_1 : i32 to vector<16xi32>
    %add3A_3 = arith.addi %iota3A, %add3A_2 : vector<16xi32>
    %add3A_4 = arith.constant 16 : i32
    %add3A_5 = vector.broadcast %add3A_4 : i32 to vector<16xi32>
    %add3A_6 = arith.addi %iota3A, %add3A_5 : vector<16xi32>
    %add3A_7 = arith.constant 32 : i32
    %add3A_8 = vector.broadcast %add3A_7 : i32 to vector<16xi32>
    %add3A_9 = arith.addi %iota3A, %add3A_8 : vector<16xi32>
    %add3A_10 = arith.constant 48 : i32
    %add3A_11 = vector.broadcast %add3A_10 : i32 to vector<16xi32>
    %add3A_12 = arith.addi %iota3A, %add3A_11 : vector<16xi32>
    %add3A_13 = arith.constant 64 : i32
    %add3A_14 = vector.broadcast %add3A_13 : i32 to vector<16xi32>
    %add3A_15 = arith.addi %iota3A, %add3A_14 : vector<16xi32>
    %add3A_16 = arith.constant 80 : i32
    %add3A_17 = vector.broadcast %add3A_16 : i32 to vector<16xi32>
    %add3A_18 = arith.addi %iota3A, %add3A_17 : vector<16xi32>
    %add3A_19 = arith.constant 96 : i32
    %add3A_20 = vector.broadcast %add3A_19 : i32 to vector<16xi32>
    %add3A_21 = arith.addi %iota3A, %add3A_20 : vector<16xi32>
    %add3A_22 = arith.constant 112 : i32
    %add3A_23 = vector.broadcast %add3A_22 : i32 to vector<16xi32>
    %add3A_24 = arith.addi %iota3A, %add3A_23 : vector<16xi32>
    %scan3A = arith.constant 0 : i32
    %scan3A_25 = arith.constant 0 : i32
    %scan3A_26 = arith.constant 25 : i32
    %scan3A_27 = arith.addi %scan3A_25, %scan3A_26 : i32
    %scan3A_28 = arith.constant 1 : i32
    scf.for %scan3A_47 = %scan3A_25 to %scan3A_27 step %scan3A_28  : i32 {
      %mul3A_48 = arith.constant 32 : i32
      %mul3A_49 = arith.muli %scan3A_47, %mul3A_48 : i32
      %add3A_50 = arith.addi %mul3A_49, %add3A : i32
      %lt3A = arith.constant 782 : i32
      %lt3A_51 = arith.cmpi slt, %add3A_50, %lt3A : i32
      %convert_element_type3A = arith.extui %lt3A_51 : i1 to i32
      %cond3A = arith.constant 0 : i32
      %cond3A_52 = arith.cmpi ne, %convert_element_type3A, %cond3A : i32
      scf.if %cond3A_52 {
        %mul3A_53 = arith.constant 128 : i32
        %mul3A_54 = arith.muli %add3A_50, %mul3A_53 : i32
        %multiple_of3A = tpu.assume_multiple %mul3A_54, 128 : i32
        %dma_start3A = arith.constant 0 : i32
        %dma_start3A_55 = arith.constant 0 : i32
        %dma_start3A_56 = arith.constant 0 : i32
        %dma_start3A_57 = arith.constant 0 : i32
        %dma_start3A_58 = tpu.memref_slice %arg7[%dma_start3A_55, %dma_start3A_56, %dma_start3A_57] : memref<5x64x128xf32, #tpu.memory_space<vmem>> -> memref<1x64x128xf32, #tpu.memory_space<vmem>>
        %dma_start3A_59 = tpu.memref_squeeze %dma_start3A_58 : memref<1x64x128xf32, #tpu.memory_space<vmem>> -> memref<64x128xf32, #tpu.memory_space<vmem>>
        %dma_start3A_60 = arith.constant 0 : i32
        %dma_start3A_61 = tpu.memref_slice %arg2[%dma_start3A, %dma_start3A_60, %multiple_of3A] : memref<2x64x100000xf32, #tpu.memory_space<hbm>> -> memref<1x64x128xf32, #tpu.memory_space<hbm>>
        %dma_start3A_62 = tpu.memref_squeeze %dma_start3A_61 : memref<1x64x128xf32, #tpu.memory_space<hbm>> -> memref<64x128xf32, #tpu.memory_space<hbm>>
        %dma_start3A_63 = arith.constant 0 : i32
        %dma_start3A_64 = arith.constant 0 : i32
        %dma_start3A_65 = tpu.memref_slice %arg7[%dma_start3A_55, %dma_start3A_63, %dma_start3A_64] : memref<5x64x128xf32, #tpu.memory_space<vmem>> -> memref<1x64x128xf32, #tpu.memory_space<vmem>>
        %dma_start3A_66 = tpu.memref_squeeze %dma_start3A_65 : memref<1x64x128xf32, #tpu.memory_space<vmem>> -> memref<64x128xf32, #tpu.memory_space<vmem>>
        %dma_start3A_67 = arith.constant 0 : i32
        %dma_start3A_68 = tpu.memref_slice %arg2[%dma_start3A, %dma_start3A_67, %multiple_of3A] : memref<2x64x100000xf32, #tpu.memory_space<hbm>> -> memref<1x64x128xf32, #tpu.memory_space<hbm>>
        %dma_start3A_69 = tpu.memref_squeeze %dma_start3A_68 : memref<1x64x128xf32, #tpu.memory_space<hbm>> -> memref<64x128xf32, #tpu.memory_space<hbm>>
        tpu.enqueue_dma source(%dma_start3A_69 : memref<64x128xf32, #tpu.memory_space<hbm>>) target(%dma_start3A_66 : memref<64x128xf32, #tpu.memory_space<vmem>>) target_semaphore(%arg11 : memref<!tpu.dma_semaphore, #tpu.memory_space<semaphore_mem>>)
        %dma_start3A_70 = arith.constant 1 : i32
        %dma_start3A_71 = arith.constant 1 : i32
        %dma_start3A_72 = arith.constant 0 : i32
        %dma_start3A_73 = arith.constant 0 : i32
        %dma_start3A_74 = tpu.memref_slice %arg7[%dma_start3A_71, %dma_start3A_72, %dma_start3A_73] : memref<5x64x128xf32, #tpu.memory_space<vmem>> -> memref<1x64x128xf32, #tpu.memory_space<vmem>>
        %dma_start3A_75 = tpu.memref_squeeze %dma_start3A_74 : memref<1x64x128xf32, #tpu.memory_space<vmem>> -> memref<64x128xf32, #tpu.memory_space<vmem>>
        %dma_start3A_76 = arith.constant 0 : i32
        %dma_start3A_77 = tpu.memref_slice %arg2[%dma_start3A_70, %dma_start3A_76, %multiple_of3A] : memref<2x64x100000xf32, #tpu.memory_space<hbm>> -> memref<1x64x128xf32, #tpu.memory_space<hbm>>
        %dma_start3A_78 = tpu.memref_squeeze %dma_start3A_77 : memref<1x64x128xf32, #tpu.memory_space<hbm>> -> memref<64x128xf32, #tpu.memory_space<hbm>>
        %dma_start3A_79 = arith.constant 0 : i32
        %dma_start3A_80 = arith.constant 0 : i32
        %dma_start3A_81 = tpu.memref_slice %arg7[%dma_start3A_71, %dma_start3A_79, %dma_start3A_80] : memref<5x64x128xf32, #tpu.memory_space<vmem>> -> memref<1x64x128xf32, #tpu.memory_space<vmem>>
        %dma_start3A_82 = tpu.memref_squeeze %dma_start3A_81 : memref<1x64x128xf32, #tpu.memory_space<vmem>> -> memref<64x128xf32, #tpu.memory_space<vmem>>
        %dma_start3A_83 = arith.constant 0 : i32
        %dma_start3A_84 = tpu.memref_slice %arg2[%dma_start3A_70, %dma_start3A_83, %multiple_of3A] : memref<2x64x100000xf32, #tpu.memory_space<hbm>> -> memref<1x64x128xf32, #tpu.memory_space<hbm>>
        %dma_start3A_85 = tpu.memref_squeeze %dma_start3A_84 : memref<1x64x128xf32, #tpu.memory_space<hbm>> -> memref<64x128xf32, #tpu.memory_space<hbm>>
        tpu.enqueue_dma source(%dma_start3A_85 : memref<64x128xf32, #tpu.memory_space<hbm>>) target(%dma_start3A_82 : memref<64x128xf32, #tpu.memory_space<vmem>>) target_semaphore(%arg12 : memref<!tpu.dma_semaphore, #tpu.memory_space<semaphore_mem>>)
        %dma_start3A_86 = arith.constant 0 : i32
        %dma_start3A_87 = arith.constant 2 : i32
        %dma_start3A_88 = arith.constant 0 : i32
        %dma_start3A_89 = arith.constant 0 : i32
        %dma_start3A_90 = tpu.memref_slice %arg7[%dma_start3A_87, %dma_start3A_88, %dma_start3A_89] : memref<5x64x128xf32, #tpu.memory_space<vmem>> -> memref<1x64x128xf32, #tpu.memory_space<vmem>>
        %dma_start3A_91 = tpu.memref_squeeze %dma_start3A_90 : memref<1x64x128xf32, #tpu.memory_space<vmem>> -> memref<64x128xf32, #tpu.memory_space<vmem>>
        %dma_start3A_92 = arith.constant 0 : i32
        %dma_start3A_93 = tpu.memref_slice %arg3[%dma_start3A_86, %dma_start3A_92, %multiple_of3A] : memref<3x64x100000xf32, #tpu.memory_space<hbm>> -> memref<1x64x128xf32, #tpu.memory_space<hbm>>
        %dma_start3A_94 = tpu.memref_squeeze %dma_start3A_93 : memref<1x64x128xf32, #tpu.memory_space<hbm>> -> memref<64x128xf32, #tpu.memory_space<hbm>>
        %dma_start3A_95 = arith.constant 0 : i32
        %dma_start3A_96 = arith.constant 0 : i32
        %dma_start3A_97 = tpu.memref_slice %arg7[%dma_start3A_87, %dma_start3A_95, %dma_start3A_96] : memref<5x64x128xf32, #tpu.memory_space<vmem>> -> memref<1x64x128xf32, #tpu.memory_space<vmem>>
        %dma_start3A_98 = tpu.memref_squeeze %dma_start3A_97 : memref<1x64x128xf32, #tpu.memory_space<vmem>> -> memref<64x128xf32, #tpu.memory_space<vmem>>
        %dma_start3A_99 = arith.constant 0 : i32
        %dma_start3A_100 = tpu.memref_slice %arg3[%dma_start3A_86, %dma_start3A_99, %multiple_of3A] : memref<3x64x100000xf32, #tpu.memory_space<hbm>> -> memref<1x64x128xf32, #tpu.memory_space<hbm>>
        %dma_start3A_101 = tpu.memref_squeeze %dma_start3A_100 : memref<1x64x128xf32, #tpu.memory_space<hbm>> -> memref<64x128xf32, #tpu.memory_space<hbm>>
        tpu.enqueue_dma source(%dma_start3A_101 : memref<64x128xf32, #tpu.memory_space<hbm>>) target(%dma_start3A_98 : memref<64x128xf32, #tpu.memory_space<vmem>>) target_semaphore(%arg13 : memref<!tpu.dma_semaphore, #tpu.memory_space<semaphore_mem>>)
        %dma_start3A_102 = arith.constant 1 : i32
        %dma_start3A_103 = arith.constant 3 : i32
        %dma_start3A_104 = arith.constant 0 : i32
        %dma_start3A_105 = arith.constant 0 : i32
        %dma_start3A_106 = tpu.memref_slice %arg7[%dma_start3A_103, %dma_start3A_104, %dma_start3A_105] : memref<5x64x128xf32, #tpu.memory_space<vmem>> -> memref<1x64x128xf32, #tpu.memory_space<vmem>>
        %dma_start3A_107 = tpu.memref_squeeze %dma_start3A_106 : memref<1x64x128xf32, #tpu.memory_space<vmem>> -> memref<64x128xf32, #tpu.memory_space<vmem>>
        %dma_start3A_108 = arith.constant 0 : i32
        %dma_start3A_109 = tpu.memref_slice %arg3[%dma_start3A_102, %dma_start3A_108, %multiple_of3A] : memref<3x64x100000xf32, #tpu.memory_space<hbm>> -> memref<1x64x128xf32, #tpu.memory_space<hbm>>
        %dma_start3A_110 = tpu.memref_squeeze %dma_start3A_109 : memref<1x64x128xf32, #tpu.memory_space<hbm>> -> memref<64x128xf32, #tpu.memory_space<hbm>>
        %dma_start3A_111 = arith.constant 0 : i32
        %dma_start3A_112 = arith.constant 0 : i32
        %dma_start3A_113 = tpu.memref_slice %arg7[%dma_start3A_103, %dma_start3A_111, %dma_start3A_112] : memref<5x64x128xf32, #tpu.memory_space<vmem>> -> memref<1x64x128xf32, #tpu.memory_space<vmem>>
        %dma_start3A_114 = tpu.memref_squeeze %dma_start3A_113 : memref<1x64x128xf32, #tpu.memory_space<vmem>> -> memref<64x128xf32, #tpu.memory_space<vmem>>
        %dma_start3A_115 = arith.constant 0 : i32
        %dma_start3A_116 = tpu.memref_slice %arg3[%dma_start3A_102, %dma_start3A_115, %multiple_of3A] : memref<3x64x100000xf32, #tpu.memory_space<hbm>> -> memref<1x64x128xf32, #tpu.memory_space<hbm>>
        %dma_start3A_117 = tpu.memref_squeeze %dma_start3A_116 : memref<1x64x128xf32, #tpu.memory_space<hbm>> -> memref<64x128xf32, #tpu.memory_space<hbm>>
        tpu.enqueue_dma source(%dma_start3A_117 : memref<64x128xf32, #tpu.memory_space<hbm>>) target(%dma_start3A_114 : memref<64x128xf32, #tpu.memory_space<vmem>>) target_semaphore(%arg14 : memref<!tpu.dma_semaphore, #tpu.memory_space<semaphore_mem>>)
        %dma_start3A_118 = arith.constant 2 : i32
        %dma_start3A_119 = arith.constant 4 : i32
        %dma_start3A_120 = arith.constant 0 : i32
        %dma_start3A_121 = arith.constant 0 : i32
        %dma_start3A_122 = tpu.memref_slice %arg7[%dma_start3A_119, %dma_start3A_120, %dma_start3A_121] : memref<5x64x128xf32, #tpu.memory_space<vmem>> -> memref<1x64x128xf32, #tpu.memory_space<vmem>>
        %dma_start3A_123 = tpu.memref_squeeze %dma_start3A_122 : memref<1x64x128xf32, #tpu.memory_space<vmem>> -> memref<64x128xf32, #tpu.memory_space<vmem>>
        %dma_start3A_124 = arith.constant 0 : i32
        %dma_start3A_125 = tpu.memref_slice %arg3[%dma_start3A_118, %dma_start3A_124, %multiple_of3A] : memref<3x64x100000xf32, #tpu.memory_space<hbm>> -> memref<1x64x128xf32, #tpu.memory_space<hbm>>
        %dma_start3A_126 = tpu.memref_squeeze %dma_start3A_125 : memref<1x64x128xf32, #tpu.memory_space<hbm>> -> memref<64x128xf32, #tpu.memory_space<hbm>>
        %dma_start3A_127 = arith.constant 0 : i32
        %dma_start3A_128 = arith.constant 0 : i32
        %dma_start3A_129 = tpu.memref_slice %arg7[%dma_start3A_119, %dma_start3A_127, %dma_start3A_128] : memref<5x64x128xf32, #tpu.memory_space<vmem>> -> memref<1x64x128xf32, #tpu.memory_space<vmem>>
        %dma_start3A_130 = tpu.memref_squeeze %dma_start3A_129 : memref<1x64x128xf32, #tpu.memory_space<vmem>> -> memref<64x128xf32, #tpu.memory_space<vmem>>
        %dma_start3A_131 = arith.constant 0 : i32
        %dma_start3A_132 = tpu.memref_slice %arg3[%dma_start3A_118, %dma_start3A_131, %multiple_of3A] : memref<3x64x100000xf32, #tpu.memory_space<hbm>> -> memref<1x64x128xf32, #tpu.memory_space<hbm>>
        %dma_start3A_133 = tpu.memref_squeeze %dma_start3A_132 : memref<1x64x128xf32, #tpu.memory_space<hbm>> -> memref<64x128xf32, #tpu.memory_space<hbm>>
        tpu.enqueue_dma source(%dma_start3A_133 : memref<64x128xf32, #tpu.memory_space<hbm>>) target(%dma_start3A_130 : memref<64x128xf32, #tpu.memory_space<vmem>>) target_semaphore(%arg15 : memref<!tpu.dma_semaphore, #tpu.memory_space<semaphore_mem>>)
        %gt3A = arith.constant 0 : i32
        %gt3A_134 = arith.cmpi sgt, %scan3A_47, %gt3A : i32
        %convert_element_type3A_135 = arith.extui %gt3A_134 : i1 to i32
        %cond3A_136 = arith.constant 0 : i32
        %cond3A_137 = arith.cmpi ne, %convert_element_type3A_135, %cond3A_136 : i32
        scf.if %cond3A_137 {
          %dma_wait3A_270 = arith.constant 0 : i32
          %dma_wait3A_271 = arith.constant 0 : i32
          %dma_wait3A_272 = tpu.memref_slice %arg4[%dma_wait3A_270, %dma_wait3A_271] : memref<100096x128xf32, #tpu.memory_space<hbm>> -> memref<128x128xf32, #tpu.memory_space<hbm>>
          %dma_wait3A_273 = arith.constant 0 : i32
          %dma_wait3A_274 = arith.constant 0 : i32
          %dma_wait3A_275 = tpu.memref_slice %arg4[%dma_wait3A_273, %dma_wait3A_274] : memref<100096x128xf32, #tpu.memory_space<hbm>> -> memref<128x128xf32, #tpu.memory_space<hbm>>
          tpu.wait_dma2 semaphore(%arg16 : memref<!tpu.dma_semaphore, #tpu.memory_space<semaphore_mem>>) src(%arg8 : memref<128x128xf32, #tpu.memory_space<vmem>>) dst(%dma_wait3A_275 : memref<128x128xf32, #tpu.memory_space<hbm>>)
          %dma_wait3A_276 = arith.constant 0 : i32
          %dma_wait3A_277 = arith.constant 0 : i32
          %dma_wait3A_278 = tpu.memref_slice %arg5[%dma_wait3A_276, %dma_wait3A_277] : memref<100096x128xf32, #tpu.memory_space<hbm>> -> memref<128x128xf32, #tpu.memory_space<hbm>>
          %dma_wait3A_279 = arith.constant 0 : i32
          %dma_wait3A_280 = arith.constant 0 : i32
          %dma_wait3A_281 = tpu.memref_slice %arg5[%dma_wait3A_279, %dma_wait3A_280] : memref<100096x128xf32, #tpu.memory_space<hbm>> -> memref<128x128xf32, #tpu.memory_space<hbm>>
          tpu.wait_dma2 semaphore(%arg16 : memref<!tpu.dma_semaphore, #tpu.memory_space<semaphore_mem>>) src(%arg9 : memref<128x128xf32, #tpu.memory_space<vmem>>) dst(%dma_wait3A_281 : memref<128x128xf32, #tpu.memory_space<hbm>>)
          %dma_wait3A_282 = arith.constant 0 : i32
          %dma_wait3A_283 = arith.constant 0 : i32
          %dma_wait3A_284 = tpu.memref_slice %arg6[%dma_wait3A_282, %dma_wait3A_283] : memref<100096x128xf32, #tpu.memory_space<hbm>> -> memref<128x128xf32, #tpu.memory_space<hbm>>
          %dma_wait3A_285 = arith.constant 0 : i32
          %dma_wait3A_286 = arith.constant 0 : i32
          %dma_wait3A_287 = tpu.memref_slice %arg6[%dma_wait3A_285, %dma_wait3A_286] : memref<100096x128xf32, #tpu.memory_space<hbm>> -> memref<128x128xf32, #tpu.memory_space<hbm>>
          tpu.wait_dma2 semaphore(%arg16 : memref<!tpu.dma_semaphore, #tpu.memory_space<semaphore_mem>>) src(%arg10 : memref<128x128xf32, #tpu.memory_space<vmem>>) dst(%dma_wait3A_287 : memref<128x128xf32, #tpu.memory_space<hbm>>)
        } else {
        }
        %dma_wait3A_138 = arith.constant 0 : i32
        %dma_wait3A_139 = arith.constant 0 : i32
        %dma_wait3A_140 = arith.constant 0 : i32
        %dma_wait3A_141 = arith.constant 0 : i32
        %dma_wait3A_142 = tpu.memref_slice %arg7[%dma_wait3A_139, %dma_wait3A_140, %dma_wait3A_141] : memref<5x64x128xf32, #tpu.memory_space<vmem>> -> memref<1x64x128xf32, #tpu.memory_space<vmem>>
        %dma_wait3A_143 = tpu.memref_squeeze %dma_wait3A_142 : memref<1x64x128xf32, #tpu.memory_space<vmem>> -> memref<64x128xf32, #tpu.memory_space<vmem>>
        %dma_wait3A_144 = arith.constant 0 : i32
        %dma_wait3A_145 = arith.constant 0 : i32
        %dma_wait3A_146 = tpu.memref_slice %arg2[%dma_wait3A_138, %dma_wait3A_144, %dma_wait3A_145] : memref<2x64x100000xf32, #tpu.memory_space<hbm>> -> memref<1x64x128xf32, #tpu.memory_space<hbm>>
        %dma_wait3A_147 = tpu.memref_squeeze %dma_wait3A_146 : memref<1x64x128xf32, #tpu.memory_space<hbm>> -> memref<64x128xf32, #tpu.memory_space<hbm>>
        %dma_wait3A_148 = arith.constant 0 : i32
        %dma_wait3A_149 = arith.constant 0 : i32
        %dma_wait3A_150 = tpu.memref_slice %arg7[%dma_wait3A_139, %dma_wait3A_148, %dma_wait3A_149] : memref<5x64x128xf32, #tpu.memory_space<vmem>> -> memref<1x64x128xf32, #tpu.memory_space<vmem>>
        %dma_wait3A_151 = tpu.memref_squeeze %dma_wait3A_150 : memref<1x64x128xf32, #tpu.memory_space<vmem>> -> memref<64x128xf32, #tpu.memory_space<vmem>>
        %dma_wait3A_152 = arith.constant 0 : i32
        %dma_wait3A_153 = arith.constant 0 : i32
        %dma_wait3A_154 = tpu.memref_slice %arg2[%dma_wait3A_138, %dma_wait3A_152, %dma_wait3A_153] : memref<2x64x100000xf32, #tpu.memory_space<hbm>> -> memref<1x64x128xf32, #tpu.memory_space<hbm>>
        %dma_wait3A_155 = tpu.memref_squeeze %dma_wait3A_154 : memref<1x64x128xf32, #tpu.memory_space<hbm>> -> memref<64x128xf32, #tpu.memory_space<hbm>>
        tpu.wait_dma2 semaphore(%arg11 : memref<!tpu.dma_semaphore, #tpu.memory_space<semaphore_mem>>) src(%dma_wait3A_155 : memref<64x128xf32, #tpu.memory_space<hbm>>) dst(%dma_wait3A_151 : memref<64x128xf32, #tpu.memory_space<vmem>>)
        %scan3A_156 = arith.constant 0 : i32
        %scan3A_157 = arith.constant 0 : i32
        %scan3A_158 = arith.constant 64 : i32
        %scan3A_159 = arith.addi %scan3A_157, %scan3A_158 : i32
        %scan3A_160 = arith.constant 1 : i32
        scf.for %scan3A_270 = %scan3A_157 to %scan3A_159 step %scan3A_160  : i32 {
          %add3A_271 = arith.constant 0 : i32
          %add3A_272 = arith.addi %add3A_271, %scan3A_270 : i32
          %broadcast_in_dim3A = vector.broadcast %add3A_272 : i32 to vector<16xi32>
          %get3A = arith.constant 0 : i32
          %get3A_273 = arith.index_cast %get3A : i32 to index
          %get3A_274 = arith.index_cast %scan3A_270 : i32 to index
          %get3A_275 = arith.constant 0 : index
          %get3A_276 = tpu.vector_load %arg7[%get3A_273, %get3A_274, %get3A_275] {strides = array<i32>} : memref<5x64x128xf32, #tpu.memory_space<vmem>>, vector<16xf32>,
          tpu.vector_store_idx %arg8[%add3A_3, %broadcast_in_dim3A], %get3A_276 : memref<128x128xf32, #tpu.memory_space<vmem>>[vector<16xi32>, vector<16xi32>], vector<16xf32>,
          %get3A_277 = arith.constant 0 : i32
          %get3A_278 = arith.index_cast %get3A_277 : i32 to index
          %get3A_279 = arith.index_cast %scan3A_270 : i32 to index
          %get3A_280 = arith.constant 16 : index
          %get3A_281 = tpu.vector_load %arg7[%get3A_278, %get3A_279, %get3A_280] {strides = array<i32>} : memref<5x64x128xf32, #tpu.memory_space<vmem>>, vector<16xf32>,
          tpu.vector_store_idx %arg8[%add3A_6, %broadcast_in_dim3A], %get3A_281 : memref<128x128xf32, #tpu.memory_space<vmem>>[vector<16xi32>, vector<16xi32>], vector<16xf32>,
          %get3A_282 = arith.constant 0 : i32
          %get3A_283 = arith.index_cast %get3A_282 : i32 to index
          %get3A_284 = arith.index_cast %scan3A_270 : i32 to index
          %get3A_285 = arith.constant 32 : index
          %get3A_286 = tpu.vector_load %arg7[%get3A_283, %get3A_284, %get3A_285] {strides = array<i32>} : memref<5x64x128xf32, #tpu.memory_space<vmem>>, vector<16xf32>,
          tpu.vector_store_idx %arg8[%add3A_9, %broadcast_in_dim3A], %get3A_286 : memref<128x128xf32, #tpu.memory_space<vmem>>[vector<16xi32>, vector<16xi32>], vector<16xf32>,
          %get3A_287 = arith.constant 0 : i32
          %get3A_288 = arith.index_cast %get3A_287 : i32 to index
          %get3A_289 = arith.index_cast %scan3A_270 : i32 to index
          %get3A_290 = arith.constant 48 : index
          %get3A_291 = tpu.vector_load %arg7[%get3A_288, %get3A_289, %get3A_290] {strides = array<i32>} : memref<5x64x128xf32, #tpu.memory_space<vmem>>, vector<16xf32>,
          tpu.vector_store_idx %arg8[%add3A_12, %broadcast_in_dim3A], %get3A_291 : memref<128x128xf32, #tpu.memory_space<vmem>>[vector<16xi32>, vector<16xi32>], vector<16xf32>,
          %get3A_292 = arith.constant 0 : i32
          %get3A_293 = arith.index_cast %get3A_292 : i32 to index
          %get3A_294 = arith.index_cast %scan3A_270 : i32 to index
          %get3A_295 = arith.constant 64 : index
          %get3A_296 = tpu.vector_load %arg7[%get3A_293, %get3A_294, %get3A_295] {strides = array<i32>} : memref<5x64x128xf32, #tpu.memory_space<vmem>>, vector<16xf32>,
          tpu.vector_store_idx %arg8[%add3A_15, %broadcast_in_dim3A], %get3A_296 : memref<128x128xf32, #tpu.memory_space<vmem>>[vector<16xi32>, vector<16xi32>], vector<16xf32>,
          %get3A_297 = arith.constant 0 : i32
          %get3A_298 = arith.index_cast %get3A_297 : i32 to index
          %get3A_299 = arith.index_cast %scan3A_270 : i32 to index
          %get3A_300 = arith.constant 80 : index
          %get3A_301 = tpu.vector_load %arg7[%get3A_298, %get3A_299, %get3A_300] {strides = array<i32>} : memref<5x64x128xf32, #tpu.memory_space<vmem>>, vector<16xf32>,
          tpu.vector_store_idx %arg8[%add3A_18, %broadcast_in_dim3A], %get3A_301 : memref<128x128xf32, #tpu.memory_space<vmem>>[vector<16xi32>, vector<16xi32>], vector<16xf32>,
          %get3A_302 = arith.constant 0 : i32
          %get3A_303 = arith.index_cast %get3A_302 : i32 to index
          %get3A_304 = arith.index_cast %scan3A_270 : i32 to index
          %get3A_305 = arith.constant 96 : index
          %get3A_306 = tpu.vector_load %arg7[%get3A_303, %get3A_304, %get3A_305] {strides = array<i32>} : memref<5x64x128xf32, #tpu.memory_space<vmem>>, vector<16xf32>,
          tpu.vector_store_idx %arg8[%add3A_21, %broadcast_in_dim3A], %get3A_306 : memref<128x128xf32, #tpu.memory_space<vmem>>[vector<16xi32>, vector<16xi32>], vector<16xf32>,
          %get3A_307 = arith.constant 0 : i32
          %get3A_308 = arith.index_cast %get3A_307 : i32 to index
          %get3A_309 = arith.index_cast %scan3A_270 : i32 to index
          %get3A_310 = arith.constant 112 : index
          %get3A_311 = tpu.vector_load %arg7[%get3A_308, %get3A_309, %get3A_310] {strides = array<i32>} : memref<5x64x128xf32, #tpu.memory_space<vmem>>, vector<16xf32>,
          tpu.vector_store_idx %arg8[%add3A_24, %broadcast_in_dim3A], %get3A_311 : memref<128x128xf32, #tpu.memory_space<vmem>>[vector<16xi32>, vector<16xi32>], vector<16xf32>,
        }
        %scan3A_161 = arith.constant 64 : i32
        %dma_wait3A_162 = arith.constant 0 : i32
        %dma_wait3A_163 = arith.constant 1 : i32
        %dma_wait3A_164 = arith.constant 0 : i32
        %dma_wait3A_165 = arith.constant 0 : i32
        %dma_wait3A_166 = tpu.memref_slice %arg7[%dma_wait3A_163, %dma_wait3A_164, %dma_wait3A_165] : memref<5x64x128xf32, #tpu.memory_space<vmem>> -> memref<1x64x128xf32, #tpu.memory_space<vmem>>
        %dma_wait3A_167 = tpu.memref_squeeze %dma_wait3A_166 : memref<1x64x128xf32, #tpu.memory_space<vmem>> -> memref<64x128xf32, #tpu.memory_space<vmem>>
        %dma_wait3A_168 = arith.constant 0 : i32
        %dma_wait3A_169 = arith.constant 0 : i32
        %dma_wait3A_170 = tpu.memref_slice %arg2[%dma_wait3A_162, %dma_wait3A_168, %dma_wait3A_169] : memref<2x64x100000xf32, #tpu.memory_space<hbm>> -> memref<1x64x128xf32, #tpu.memory_space<hbm>>
        %dma_wait3A_171 = tpu.memref_squeeze %dma_wait3A_170 : memref<1x64x128xf32, #tpu.memory_space<hbm>> -> memref<64x128xf32, #tpu.memory_space<hbm>>
        %dma_wait3A_172 = arith.constant 0 : i32
        %dma_wait3A_173 = arith.constant 0 : i32
        %dma_wait3A_174 = tpu.memref_slice %arg7[%dma_wait3A_163, %dma_wait3A_172, %dma_wait3A_173] : memref<5x64x128xf32, #tpu.memory_space<vmem>> -> memref<1x64x128xf32, #tpu.memory_space<vmem>>
        %dma_wait3A_175 = tpu.memref_squeeze %dma_wait3A_174 : memref<1x64x128xf32, #tpu.memory_space<vmem>> -> memref<64x128xf32, #tpu.memory_space<vmem>>
        %dma_wait3A_176 = arith.constant 0 : i32
        %dma_wait3A_177 = arith.constant 0 : i32
        %dma_wait3A_178 = tpu.memref_slice %arg2[%dma_wait3A_162, %dma_wait3A_176, %dma_wait3A_177] : memref<2x64x100000xf32, #tpu.memory_space<hbm>> -> memref<1x64x128xf32, #tpu.memory_space<hbm>>
        %dma_wait3A_179 = tpu.memref_squeeze %dma_wait3A_178 : memref<1x64x128xf32, #tpu.memory_space<hbm>> -> memref<64x128xf32, #tpu.memory_space<hbm>>
        tpu.wait_dma2 semaphore(%arg12 : memref<!tpu.dma_semaphore, #tpu.memory_space<semaphore_mem>>) src(%dma_wait3A_179 : memref<64x128xf32, #tpu.memory_space<hbm>>) dst(%dma_wait3A_175 : memref<64x128xf32, #tpu.memory_space<vmem>>)
        %scan3A_180 = arith.constant 0 : i32
        %scan3A_181 = arith.constant 0 : i32
        %scan3A_182 = arith.constant 64 : i32
        %scan3A_183 = arith.addi %scan3A_181, %scan3A_182 : i32
        %scan3A_184 = arith.constant 1 : i32
        scf.for %scan3A_270 = %scan3A_181 to %scan3A_183 step %scan3A_184  : i32 {
          %add3A_271 = arith.constant 64 : i32
          %add3A_272 = arith.addi %add3A_271, %scan3A_270 : i32
          %broadcast_in_dim3A = vector.broadcast %add3A_272 : i32 to vector<16xi32>
          %get3A = arith.constant 1 : i32
          %get3A_273 = arith.index_cast %get3A : i32 to index
          %get3A_274 = arith.index_cast %scan3A_270 : i32 to index
          %get3A_275 = arith.constant 0 : index
          %get3A_276 = tpu.vector_load %arg7[%get3A_273, %get3A_274, %get3A_275] {strides = array<i32>} : memref<5x64x128xf32, #tpu.memory_space<vmem>>, vector<16xf32>,
          tpu.vector_store_idx %arg8[%add3A_3, %broadcast_in_dim3A], %get3A_276 : memref<128x128xf32, #tpu.memory_space<vmem>>[vector<16xi32>, vector<16xi32>], vector<16xf32>,
          %get3A_277 = arith.constant 1 : i32
          %get3A_278 = arith.index_cast %get3A_277 : i32 to index
          %get3A_279 = arith.index_cast %scan3A_270 : i32 to index
          %get3A_280 = arith.constant 16 : index
          %get3A_281 = tpu.vector_load %arg7[%get3A_278, %get3A_279, %get3A_280] {strides = array<i32>} : memref<5x64x128xf32, #tpu.memory_space<vmem>>, vector<16xf32>,
          tpu.vector_store_idx %arg8[%add3A_6, %broadcast_in_dim3A], %get3A_281 : memref<128x128xf32, #tpu.memory_space<vmem>>[vector<16xi32>, vector<16xi32>], vector<16xf32>,
          %get3A_282 = arith.constant 1 : i32
          %get3A_283 = arith.index_cast %get3A_282 : i32 to index
          %get3A_284 = arith.index_cast %scan3A_270 : i32 to index
          %get3A_285 = arith.constant 32 : index
          %get3A_286 = tpu.vector_load %arg7[%get3A_283, %get3A_284, %get3A_285] {strides = array<i32>} : memref<5x64x128xf32, #tpu.memory_space<vmem>>, vector<16xf32>,
          tpu.vector_store_idx %arg8[%add3A_9, %broadcast_in_dim3A], %get3A_286 : memref<128x128xf32, #tpu.memory_space<vmem>>[vector<16xi32>, vector<16xi32>], vector<16xf32>,
          %get3A_287 = arith.constant 1 : i32
          %get3A_288 = arith.index_cast %get3A_287 : i32 to index
          %get3A_289 = arith.index_cast %scan3A_270 : i32 to index
          %get3A_290 = arith.constant 48 : index
          %get3A_291 = tpu.vector_load %arg7[%get3A_288, %get3A_289, %get3A_290] {strides = array<i32>} : memref<5x64x128xf32, #tpu.memory_space<vmem>>, vector<16xf32>,
          tpu.vector_store_idx %arg8[%add3A_12, %broadcast_in_dim3A], %get3A_291 : memref<128x128xf32, #tpu.memory_space<vmem>>[vector<16xi32>, vector<16xi32>], vector<16xf32>,
          %get3A_292 = arith.constant 1 : i32
          %get3A_293 = arith.index_cast %get3A_292 : i32 to index
          %get3A_294 = arith.index_cast %scan3A_270 : i32 to index
          %get3A_295 = arith.constant 64 : index
          %get3A_296 = tpu.vector_load %arg7[%get3A_293, %get3A_294, %get3A_295] {strides = array<i32>} : memref<5x64x128xf32, #tpu.memory_space<vmem>>, vector<16xf32>,
          tpu.vector_store_idx %arg8[%add3A_15, %broadcast_in_dim3A], %get3A_296 : memref<128x128xf32, #tpu.memory_space<vmem>>[vector<16xi32>, vector<16xi32>], vector<16xf32>,
          %get3A_297 = arith.constant 1 : i32
          %get3A_298 = arith.index_cast %get3A_297 : i32 to index
          %get3A_299 = arith.index_cast %scan3A_270 : i32 to index
          %get3A_300 = arith.constant 80 : index
          %get3A_301 = tpu.vector_load %arg7[%get3A_298, %get3A_299, %get3A_300] {strides = array<i32>} : memref<5x64x128xf32, #tpu.memory_space<vmem>>, vector<16xf32>,
          tpu.vector_store_idx %arg8[%add3A_18, %broadcast_in_dim3A], %get3A_301 : memref<128x128xf32, #tpu.memory_space<vmem>>[vector<16xi32>, vector<16xi32>], vector<16xf32>,
          %get3A_302 = arith.constant 1 : i32
          %get3A_303 = arith.index_cast %get3A_302 : i32 to index
          %get3A_304 = arith.index_cast %scan3A_270 : i32 to index
          %get3A_305 = arith.constant 96 : index
          %get3A_306 = tpu.vector_load %arg7[%get3A_303, %get3A_304, %get3A_305] {strides = array<i32>} : memref<5x64x128xf32, #tpu.memory_space<vmem>>, vector<16xf32>,
          tpu.vector_store_idx %arg8[%add3A_21, %broadcast_in_dim3A], %get3A_306 : memref<128x128xf32, #tpu.memory_space<vmem>>[vector<16xi32>, vector<16xi32>], vector<16xf32>,
          %get3A_307 = arith.constant 1 : i32
          %get3A_308 = arith.index_cast %get3A_307 : i32 to index
          %get3A_309 = arith.index_cast %scan3A_270 : i32 to index
          %get3A_310 = arith.constant 112 : index
          %get3A_311 = tpu.vector_load %arg7[%get3A_308, %get3A_309, %get3A_310] {strides = array<i32>} : memref<5x64x128xf32, #tpu.memory_space<vmem>>, vector<16xf32>,
          tpu.vector_store_idx %arg8[%add3A_24, %broadcast_in_dim3A], %get3A_311 : memref<128x128xf32, #tpu.memory_space<vmem>>[vector<16xi32>, vector<16xi32>], vector<16xf32>,
        }
        %scan3A_185 = arith.constant 64 : i32
        %dma_start3A_186 = arith.constant 0 : i32
        %dma_start3A_187 = tpu.memref_slice %arg4[%multiple_of3A, %dma_start3A_186] : memref<100096x128xf32, #tpu.memory_space<hbm>> -> memref<128x128xf32, #tpu.memory_space<hbm>>
        %dma_start3A_188 = arith.constant 0 : i32
        %dma_start3A_189 = tpu.memref_slice %arg4[%multiple_of3A, %dma_start3A_188] : memref<100096x128xf32, #tpu.memory_space<hbm>> -> memref<128x128xf32, #tpu.memory_space<hbm>>
        tpu.enqueue_dma source(%arg8 : memref<128x128xf32, #tpu.memory_space<vmem>>) target(%dma_start3A_189 : memref<128x128xf32, #tpu.memory_space<hbm>>) target_semaphore(%arg16 : memref<!tpu.dma_semaphore, #tpu.memory_space<semaphore_mem>>)
        %dma_wait3A_190 = arith.constant 0 : i32
        %dma_wait3A_191 = arith.constant 2 : i32
        %dma_wait3A_192 = arith.constant 0 : i32
        %dma_wait3A_193 = arith.constant 0 : i32
        %dma_wait3A_194 = tpu.memref_slice %arg7[%dma_wait3A_191, %dma_wait3A_192, %dma_wait3A_193] : memref<5x64x128xf32, #tpu.memory_space<vmem>> -> memref<1x64x128xf32, #tpu.memory_space<vmem>>
        %dma_wait3A_195 = tpu.memref_squeeze %dma_wait3A_194 : memref<1x64x128xf32, #tpu.memory_space<vmem>> -> memref<64x128xf32, #tpu.memory_space<vmem>>
        %dma_wait3A_196 = arith.constant 0 : i32
        %dma_wait3A_197 = arith.constant 0 : i32
        %dma_wait3A_198 = tpu.memref_slice %arg2[%dma_wait3A_190, %dma_wait3A_196, %dma_wait3A_197] : memref<2x64x100000xf32, #tpu.memory_space<hbm>> -> memref<1x64x128xf32, #tpu.memory_space<hbm>>
        %dma_wait3A_199 = tpu.memref_squeeze %dma_wait3A_198 : memref<1x64x128xf32, #tpu.memory_space<hbm>> -> memref<64x128xf32, #tpu.memory_space<hbm>>
        %dma_wait3A_200 = arith.constant 0 : i32
        %dma_wait3A_201 = arith.constant 0 : i32
        %dma_wait3A_202 = tpu.memref_slice %arg7[%dma_wait3A_191, %dma_wait3A_200, %dma_wait3A_201] : memref<5x64x128xf32, #tpu.memory_space<vmem>> -> memref<1x64x128xf32, #tpu.memory_space<vmem>>
        %dma_wait3A_203 = tpu.memref_squeeze %dma_wait3A_202 : memref<1x64x128xf32, #tpu.memory_space<vmem>> -> memref<64x128xf32, #tpu.memory_space<vmem>>
        %dma_wait3A_204 = arith.constant 0 : i32
        %dma_wait3A_205 = arith.constant 0 : i32
        %dma_wait3A_206 = tpu.memref_slice %arg2[%dma_wait3A_190, %dma_wait3A_204, %dma_wait3A_205] : memref<2x64x100000xf32, #tpu.memory_space<hbm>> -> memref<1x64x128xf32, #tpu.memory_space<hbm>>
        %dma_wait3A_207 = tpu.memref_squeeze %dma_wait3A_206 : memref<1x64x128xf32, #tpu.memory_space<hbm>> -> memref<64x128xf32, #tpu.memory_space<hbm>>
        tpu.wait_dma2 semaphore(%arg13 : memref<!tpu.dma_semaphore, #tpu.memory_space<semaphore_mem>>) src(%dma_wait3A_207 : memref<64x128xf32, #tpu.memory_space<hbm>>) dst(%dma_wait3A_203 : memref<64x128xf32, #tpu.memory_space<vmem>>)
        %scan3A_208 = arith.constant 0 : i32
        %scan3A_209 = arith.constant 0 : i32
        %scan3A_210 = arith.constant 64 : i32
        %scan3A_211 = arith.addi %scan3A_209, %scan3A_210 : i32
        %scan3A_212 = arith.constant 1 : i32
        scf.for %scan3A_270 = %scan3A_209 to %scan3A_211 step %scan3A_212  : i32 {
          %add3A_271 = arith.constant 0 : i32
          %add3A_272 = arith.addi %add3A_271, %scan3A_270 : i32
          %broadcast_in_dim3A = vector.broadcast %add3A_272 : i32 to vector<16xi32>
          %get3A = arith.constant 2 : i32
          %get3A_273 = arith.index_cast %get3A : i32 to index
          %get3A_274 = arith.index_cast %scan3A_270 : i32 to index
          %get3A_275 = arith.constant 0 : index
          %get3A_276 = tpu.vector_load %arg7[%get3A_273, %get3A_274, %get3A_275] {strides = array<i32>} : memref<5x64x128xf32, #tpu.memory_space<vmem>>, vector<16xf32>,
          tpu.vector_store_idx %arg9[%add3A_3, %broadcast_in_dim3A], %get3A_276 : memref<128x128xf32, #tpu.memory_space<vmem>>[vector<16xi32>, vector<16xi32>], vector<16xf32>,
          %get3A_277 = arith.constant 2 : i32
          %get3A_278 = arith.index_cast %get3A_277 : i32 to index
          %get3A_279 = arith.index_cast %scan3A_270 : i32 to index
          %get3A_280 = arith.constant 16 : index
          %get3A_281 = tpu.vector_load %arg7[%get3A_278, %get3A_279, %get3A_280] {strides = array<i32>} : memref<5x64x128xf32, #tpu.memory_space<vmem>>, vector<16xf32>,
          tpu.vector_store_idx %arg9[%add3A_6, %broadcast_in_dim3A], %get3A_281 : memref<128x128xf32, #tpu.memory_space<vmem>>[vector<16xi32>, vector<16xi32>], vector<16xf32>,
          %get3A_282 = arith.constant 2 : i32
          %get3A_283 = arith.index_cast %get3A_282 : i32 to index
          %get3A_284 = arith.index_cast %scan3A_270 : i32 to index
          %get3A_285 = arith.constant 32 : index
          %get3A_286 = tpu.vector_load %arg7[%get3A_283, %get3A_284, %get3A_285] {strides = array<i32>} : memref<5x64x128xf32, #tpu.memory_space<vmem>>, vector<16xf32>,
          tpu.vector_store_idx %arg9[%add3A_9, %broadcast_in_dim3A], %get3A_286 : memref<128x128xf32, #tpu.memory_space<vmem>>[vector<16xi32>, vector<16xi32>], vector<16xf32>,
          %get3A_287 = arith.constant 2 : i32
          %get3A_288 = arith.index_cast %get3A_287 : i32 to index
          %get3A_289 = arith.index_cast %scan3A_270 : i32 to index
          %get3A_290 = arith.constant 48 : index
          %get3A_291 = tpu.vector_load %arg7[%get3A_288, %get3A_289, %get3A_290] {strides = array<i32>} : memref<5x64x128xf32, #tpu.memory_space<vmem>>, vector<16xf32>,
          tpu.vector_store_idx %arg9[%add3A_12, %broadcast_in_dim3A], %get3A_291 : memref<128x128xf32, #tpu.memory_space<vmem>>[vector<16xi32>, vector<16xi32>], vector<16xf32>,
          %get3A_292 = arith.constant 2 : i32
          %get3A_293 = arith.index_cast %get3A_292 : i32 to index
          %get3A_294 = arith.index_cast %scan3A_270 : i32 to index
          %get3A_295 = arith.constant 64 : index
          %get3A_296 = tpu.vector_load %arg7[%get3A_293, %get3A_294, %get3A_295] {strides = array<i32>} : memref<5x64x128xf32, #tpu.memory_space<vmem>>, vector<16xf32>,
          tpu.vector_store_idx %arg9[%add3A_15, %broadcast_in_dim3A], %get3A_296 : memref<128x128xf32, #tpu.memory_space<vmem>>[vector<16xi32>, vector<16xi32>], vector<16xf32>,
          %get3A_297 = arith.constant 2 : i32
          %get3A_298 = arith.index_cast %get3A_297 : i32 to index
          %get3A_299 = arith.index_cast %scan3A_270 : i32 to index
          %get3A_300 = arith.constant 80 : index
          %get3A_301 = tpu.vector_load %arg7[%get3A_298, %get3A_299, %get3A_300] {strides = array<i32>} : memref<5x64x128xf32, #tpu.memory_space<vmem>>, vector<16xf32>,
          tpu.vector_store_idx %arg9[%add3A_18, %broadcast_in_dim3A], %get3A_301 : memref<128x128xf32, #tpu.memory_space<vmem>>[vector<16xi32>, vector<16xi32>], vector<16xf32>,
          %get3A_302 = arith.constant 2 : i32
          %get3A_303 = arith.index_cast %get3A_302 : i32 to index
          %get3A_304 = arith.index_cast %scan3A_270 : i32 to index
          %get3A_305 = arith.constant 96 : index
          %get3A_306 = tpu.vector_load %arg7[%get3A_303, %get3A_304, %get3A_305] {strides = array<i32>} : memref<5x64x128xf32, #tpu.memory_space<vmem>>, vector<16xf32>,
          tpu.vector_store_idx %arg9[%add3A_21, %broadcast_in_dim3A], %get3A_306 : memref<128x128xf32, #tpu.memory_space<vmem>>[vector<16xi32>, vector<16xi32>], vector<16xf32>,
          %get3A_307 = arith.constant 2 : i32
          %get3A_308 = arith.index_cast %get3A_307 : i32 to index
          %get3A_309 = arith.index_cast %scan3A_270 : i32 to index
          %get3A_310 = arith.constant 112 : index
          %get3A_311 = tpu.vector_load %arg7[%get3A_308, %get3A_309, %get3A_310] {strides = array<i32>} : memref<5x64x128xf32, #tpu.memory_space<vmem>>, vector<16xf32>,
          tpu.vector_store_idx %arg9[%add3A_24, %broadcast_in_dim3A], %get3A_311 : memref<128x128xf32, #tpu.memory_space<vmem>>[vector<16xi32>, vector<16xi32>], vector<16xf32>,
        }
        %scan3A_213 = arith.constant 64 : i32
        %dma_wait3A_214 = arith.constant 0 : i32
        %dma_wait3A_215 = arith.constant 3 : i32
        %dma_wait3A_216 = arith.constant 0 : i32
        %dma_wait3A_217 = arith.constant 0 : i32
        %dma_wait3A_218 = tpu.memref_slice %arg7[%dma_wait3A_215, %dma_wait3A_216, %dma_wait3A_217] : memref<5x64x128xf32, #tpu.memory_space<vmem>> -> memref<1x64x128xf32, #tpu.memory_space<vmem>>
        %dma_wait3A_219 = tpu.memref_squeeze %dma_wait3A_218 : memref<1x64x128xf32, #tpu.memory_space<vmem>> -> memref<64x128xf32, #tpu.memory_space<vmem>>
        %dma_wait3A_220 = arith.constant 0 : i32
        %dma_wait3A_221 = arith.constant 0 : i32
        %dma_wait3A_222 = tpu.memref_slice %arg2[%dma_wait3A_214, %dma_wait3A_220, %dma_wait3A_221] : memref<2x64x100000xf32, #tpu.memory_space<hbm>> -> memref<1x64x128xf32, #tpu.memory_space<hbm>>
        %dma_wait3A_223 = tpu.memref_squeeze %dma_wait3A_222 : memref<1x64x128xf32, #tpu.memory_space<hbm>> -> memref<64x128xf32, #tpu.memory_space<hbm>>
        %dma_wait3A_224 = arith.constant 0 : i32
        %dma_wait3A_225 = arith.constant 0 : i32
        %dma_wait3A_226 = tpu.memref_slice %arg7[%dma_wait3A_215, %dma_wait3A_224, %dma_wait3A_225] : memref<5x64x128xf32, #tpu.memory_space<vmem>> -> memref<1x64x128xf32, #tpu.memory_space<vmem>>
        %dma_wait3A_227 = tpu.memref_squeeze %dma_wait3A_226 : memref<1x64x128xf32, #tpu.memory_space<vmem>> -> memref<64x128xf32, #tpu.memory_space<vmem>>
        %dma_wait3A_228 = arith.constant 0 : i32
        %dma_wait3A_229 = arith.constant 0 : i32
        %dma_wait3A_230 = tpu.memref_slice %arg2[%dma_wait3A_214, %dma_wait3A_228, %dma_wait3A_229] : memref<2x64x100000xf32, #tpu.memory_space<hbm>> -> memref<1x64x128xf32, #tpu.memory_space<hbm>>
        %dma_wait3A_231 = tpu.memref_squeeze %dma_wait3A_230 : memref<1x64x128xf32, #tpu.memory_space<hbm>> -> memref<64x128xf32, #tpu.memory_space<hbm>>
        tpu.wait_dma2 semaphore(%arg14 : memref<!tpu.dma_semaphore, #tpu.memory_space<semaphore_mem>>) src(%dma_wait3A_231 : memref<64x128xf32, #tpu.memory_space<hbm>>) dst(%dma_wait3A_227 : memref<64x128xf32, #tpu.memory_space<vmem>>)
        %scan3A_232 = arith.constant 0 : i32
        %scan3A_233 = arith.constant 0 : i32
        %scan3A_234 = arith.constant 64 : i32
        %scan3A_235 = arith.addi %scan3A_233, %scan3A_234 : i32
        %scan3A_236 = arith.constant 1 : i32
        scf.for %scan3A_270 = %scan3A_233 to %scan3A_235 step %scan3A_236  : i32 {
          %add3A_271 = arith.constant 64 : i32
          %add3A_272 = arith.addi %add3A_271, %scan3A_270 : i32
          %broadcast_in_dim3A = vector.broadcast %add3A_272 : i32 to vector<16xi32>
          %get3A = arith.constant 3 : i32
          %get3A_273 = arith.index_cast %get3A : i32 to index
          %get3A_274 = arith.index_cast %scan3A_270 : i32 to index
          %get3A_275 = arith.constant 0 : index
          %get3A_276 = tpu.vector_load %arg7[%get3A_273, %get3A_274, %get3A_275] {strides = array<i32>} : memref<5x64x128xf32, #tpu.memory_space<vmem>>, vector<16xf32>,
          tpu.vector_store_idx %arg9[%add3A_3, %broadcast_in_dim3A], %get3A_276 : memref<128x128xf32, #tpu.memory_space<vmem>>[vector<16xi32>, vector<16xi32>], vector<16xf32>,
          %get3A_277 = arith.constant 3 : i32
          %get3A_278 = arith.index_cast %get3A_277 : i32 to index
          %get3A_279 = arith.index_cast %scan3A_270 : i32 to index
          %get3A_280 = arith.constant 16 : index
          %get3A_281 = tpu.vector_load %arg7[%get3A_278, %get3A_279, %get3A_280] {strides = array<i32>} : memref<5x64x128xf32, #tpu.memory_space<vmem>>, vector<16xf32>,
          tpu.vector_store_idx %arg9[%add3A_6, %broadcast_in_dim3A], %get3A_281 : memref<128x128xf32, #tpu.memory_space<vmem>>[vector<16xi32>, vector<16xi32>], vector<16xf32>,
          %get3A_282 = arith.constant 3 : i32
          %get3A_283 = arith.index_cast %get3A_282 : i32 to index
          %get3A_284 = arith.index_cast %scan3A_270 : i32 to index
          %get3A_285 = arith.constant 32 : index
          %get3A_286 = tpu.vector_load %arg7[%get3A_283, %get3A_284, %get3A_285] {strides = array<i32>} : memref<5x64x128xf32, #tpu.memory_space<vmem>>, vector<16xf32>,
          tpu.vector_store_idx %arg9[%add3A_9, %broadcast_in_dim3A], %get3A_286 : memref<128x128xf32, #tpu.memory_space<vmem>>[vector<16xi32>, vector<16xi32>], vector<16xf32>,
          %get3A_287 = arith.constant 3 : i32
          %get3A_288 = arith.index_cast %get3A_287 : i32 to index
          %get3A_289 = arith.index_cast %scan3A_270 : i32 to index
          %get3A_290 = arith.constant 48 : index
          %get3A_291 = tpu.vector_load %arg7[%get3A_288, %get3A_289, %get3A_290] {strides = array<i32>} : memref<5x64x128xf32, #tpu.memory_space<vmem>>, vector<16xf32>,
          tpu.vector_store_idx %arg9[%add3A_12, %broadcast_in_dim3A], %get3A_291 : memref<128x128xf32, #tpu.memory_space<vmem>>[vector<16xi32>, vector<16xi32>], vector<16xf32>,
          %get3A_292 = arith.constant 3 : i32
          %get3A_293 = arith.index_cast %get3A_292 : i32 to index
          %get3A_294 = arith.index_cast %scan3A_270 : i32 to index
          %get3A_295 = arith.constant 64 : index
          %get3A_296 = tpu.vector_load %arg7[%get3A_293, %get3A_294, %get3A_295] {strides = array<i32>} : memref<5x64x128xf32, #tpu.memory_space<vmem>>, vector<16xf32>,
          tpu.vector_store_idx %arg9[%add3A_15, %broadcast_in_dim3A], %get3A_296 : memref<128x128xf32, #tpu.memory_space<vmem>>[vector<16xi32>, vector<16xi32>], vector<16xf32>,
          %get3A_297 = arith.constant 3 : i32
          %get3A_298 = arith.index_cast %get3A_297 : i32 to index
          %get3A_299 = arith.index_cast %scan3A_270 : i32 to index
          %get3A_300 = arith.constant 80 : index
          %get3A_301 = tpu.vector_load %arg7[%get3A_298, %get3A_299, %get3A_300] {strides = array<i32>} : memref<5x64x128xf32, #tpu.memory_space<vmem>>, vector<16xf32>,
          tpu.vector_store_idx %arg9[%add3A_18, %broadcast_in_dim3A], %get3A_301 : memref<128x128xf32, #tpu.memory_space<vmem>>[vector<16xi32>, vector<16xi32>], vector<16xf32>,
          %get3A_302 = arith.constant 3 : i32
          %get3A_303 = arith.index_cast %get3A_302 : i32 to index
          %get3A_304 = arith.index_cast %scan3A_270 : i32 to index
          %get3A_305 = arith.constant 96 : index
          %get3A_306 = tpu.vector_load %arg7[%get3A_303, %get3A_304, %get3A_305] {strides = array<i32>} : memref<5x64x128xf32, #tpu.memory_space<vmem>>, vector<16xf32>,
          tpu.vector_store_idx %arg9[%add3A_21, %broadcast_in_dim3A], %get3A_306 : memref<128x128xf32, #tpu.memory_space<vmem>>[vector<16xi32>, vector<16xi32>], vector<16xf32>,
          %get3A_307 = arith.constant 3 : i32
          %get3A_308 = arith.index_cast %get3A_307 : i32 to index
          %get3A_309 = arith.index_cast %scan3A_270 : i32 to index
          %get3A_310 = arith.constant 112 : index
          %get3A_311 = tpu.vector_load %arg7[%get3A_308, %get3A_309, %get3A_310] {strides = array<i32>} : memref<5x64x128xf32, #tpu.memory_space<vmem>>, vector<16xf32>,
          tpu.vector_store_idx %arg9[%add3A_24, %broadcast_in_dim3A], %get3A_311 : memref<128x128xf32, #tpu.memory_space<vmem>>[vector<16xi32>, vector<16xi32>], vector<16xf32>,
        }
        %scan3A_237 = arith.constant 64 : i32
        %dma_start3A_238 = arith.constant 0 : i32
        %dma_start3A_239 = tpu.memref_slice %arg5[%multiple_of3A, %dma_start3A_238] : memref<100096x128xf32, #tpu.memory_space<hbm>> -> memref<128x128xf32, #tpu.memory_space<hbm>>
        %dma_start3A_240 = arith.constant 0 : i32
        %dma_start3A_241 = tpu.memref_slice %arg5[%multiple_of3A, %dma_start3A_240] : memref<100096x128xf32, #tpu.memory_space<hbm>> -> memref<128x128xf32, #tpu.memory_space<hbm>>
        tpu.enqueue_dma source(%arg9 : memref<128x128xf32, #tpu.memory_space<vmem>>) target(%dma_start3A_241 : memref<128x128xf32, #tpu.memory_space<hbm>>) target_semaphore(%arg16 : memref<!tpu.dma_semaphore, #tpu.memory_space<semaphore_mem>>)
        %dma_wait3A_242 = arith.constant 0 : i32
        %dma_wait3A_243 = arith.constant 4 : i32
        %dma_wait3A_244 = arith.constant 0 : i32
        %dma_wait3A_245 = arith.constant 0 : i32
        %dma_wait3A_246 = tpu.memref_slice %arg7[%dma_wait3A_243, %dma_wait3A_244, %dma_wait3A_245] : memref<5x64x128xf32, #tpu.memory_space<vmem>> -> memref<1x64x128xf32, #tpu.memory_space<vmem>>
        %dma_wait3A_247 = tpu.memref_squeeze %dma_wait3A_246 : memref<1x64x128xf32, #tpu.memory_space<vmem>> -> memref<64x128xf32, #tpu.memory_space<vmem>>
        %dma_wait3A_248 = arith.constant 0 : i32
        %dma_wait3A_249 = arith.constant 0 : i32
        %dma_wait3A_250 = tpu.memref_slice %arg2[%dma_wait3A_242, %dma_wait3A_248, %dma_wait3A_249] : memref<2x64x100000xf32, #tpu.memory_space<hbm>> -> memref<1x64x128xf32, #tpu.memory_space<hbm>>
        %dma_wait3A_251 = tpu.memref_squeeze %dma_wait3A_250 : memref<1x64x128xf32, #tpu.memory_space<hbm>> -> memref<64x128xf32, #tpu.memory_space<hbm>>
        %dma_wait3A_252 = arith.constant 0 : i32
        %dma_wait3A_253 = arith.constant 0 : i32
        %dma_wait3A_254 = tpu.memref_slice %arg7[%dma_wait3A_243, %dma_wait3A_252, %dma_wait3A_253] : memref<5x64x128xf32, #tpu.memory_space<vmem>> -> memref<1x64x128xf32, #tpu.memory_space<vmem>>
        %dma_wait3A_255 = tpu.memref_squeeze %dma_wait3A_254 : memref<1x64x128xf32, #tpu.memory_space<vmem>> -> memref<64x128xf32, #tpu.memory_space<vmem>>
        %dma_wait3A_256 = arith.constant 0 : i32
        %dma_wait3A_257 = arith.constant 0 : i32
        %dma_wait3A_258 = tpu.memref_slice %arg2[%dma_wait3A_242, %dma_wait3A_256, %dma_wait3A_257] : memref<2x64x100000xf32, #tpu.memory_space<hbm>> -> memref<1x64x128xf32, #tpu.memory_space<hbm>>
        %dma_wait3A_259 = tpu.memref_squeeze %dma_wait3A_258 : memref<1x64x128xf32, #tpu.memory_space<hbm>> -> memref<64x128xf32, #tpu.memory_space<hbm>>
        tpu.wait_dma2 semaphore(%arg15 : memref<!tpu.dma_semaphore, #tpu.memory_space<semaphore_mem>>) src(%dma_wait3A_259 : memref<64x128xf32, #tpu.memory_space<hbm>>) dst(%dma_wait3A_255 : memref<64x128xf32, #tpu.memory_space<vmem>>)
        %scan3A_260 = arith.constant 0 : i32
        %scan3A_261 = arith.constant 0 : i32
        %scan3A_262 = arith.constant 64 : i32
        %scan3A_263 = arith.addi %scan3A_261, %scan3A_262 : i32
        %scan3A_264 = arith.constant 1 : i32
        scf.for %scan3A_270 = %scan3A_261 to %scan3A_263 step %scan3A_264  : i32 {
          %add3A_271 = arith.constant 0 : i32
          %add3A_272 = arith.addi %add3A_271, %scan3A_270 : i32
          %broadcast_in_dim3A = vector.broadcast %add3A_272 : i32 to vector<16xi32>
          %get3A = arith.constant 4 : i32
          %get3A_273 = arith.index_cast %get3A : i32 to index
          %get3A_274 = arith.index_cast %scan3A_270 : i32 to index
          %get3A_275 = arith.constant 0 : index
          %get3A_276 = tpu.vector_load %arg7[%get3A_273, %get3A_274, %get3A_275] {strides = array<i32>} : memref<5x64x128xf32, #tpu.memory_space<vmem>>, vector<16xf32>,
          tpu.vector_store_idx %arg10[%add3A_3, %broadcast_in_dim3A], %get3A_276 : memref<128x128xf32, #tpu.memory_space<vmem>>[vector<16xi32>, vector<16xi32>], vector<16xf32>,
          %get3A_277 = arith.constant 4 : i32
          %get3A_278 = arith.index_cast %get3A_277 : i32 to index
          %get3A_279 = arith.index_cast %scan3A_270 : i32 to index
          %get3A_280 = arith.constant 16 : index
          %get3A_281 = tpu.vector_load %arg7[%get3A_278, %get3A_279, %get3A_280] {strides = array<i32>} : memref<5x64x128xf32, #tpu.memory_space<vmem>>, vector<16xf32>,
          tpu.vector_store_idx %arg10[%add3A_6, %broadcast_in_dim3A], %get3A_281 : memref<128x128xf32, #tpu.memory_space<vmem>>[vector<16xi32>, vector<16xi32>], vector<16xf32>,
          %get3A_282 = arith.constant 4 : i32
          %get3A_283 = arith.index_cast %get3A_282 : i32 to index
          %get3A_284 = arith.index_cast %scan3A_270 : i32 to index
          %get3A_285 = arith.constant 32 : index
          %get3A_286 = tpu.vector_load %arg7[%get3A_283, %get3A_284, %get3A_285] {strides = array<i32>} : memref<5x64x128xf32, #tpu.memory_space<vmem>>, vector<16xf32>,
          tpu.vector_store_idx %arg10[%add3A_9, %broadcast_in_dim3A], %get3A_286 : memref<128x128xf32, #tpu.memory_space<vmem>>[vector<16xi32>, vector<16xi32>], vector<16xf32>,
          %get3A_287 = arith.constant 4 : i32
          %get3A_288 = arith.index_cast %get3A_287 : i32 to index
          %get3A_289 = arith.index_cast %scan3A_270 : i32 to index
          %get3A_290 = arith.constant 48 : index
          %get3A_291 = tpu.vector_load %arg7[%get3A_288, %get3A_289, %get3A_290] {strides = array<i32>} : memref<5x64x128xf32, #tpu.memory_space<vmem>>, vector<16xf32>,
          tpu.vector_store_idx %arg10[%add3A_12, %broadcast_in_dim3A], %get3A_291 : memref<128x128xf32, #tpu.memory_space<vmem>>[vector<16xi32>, vector<16xi32>], vector<16xf32>,
          %get3A_292 = arith.constant 4 : i32
          %get3A_293 = arith.index_cast %get3A_292 : i32 to index
          %get3A_294 = arith.index_cast %scan3A_270 : i32 to index
          %get3A_295 = arith.constant 64 : index
          %get3A_296 = tpu.vector_load %arg7[%get3A_293, %get3A_294, %get3A_295] {strides = array<i32>} : memref<5x64x128xf32, #tpu.memory_space<vmem>>, vector<16xf32>,
          tpu.vector_store_idx %arg10[%add3A_15, %broadcast_in_dim3A], %get3A_296 : memref<128x128xf32, #tpu.memory_space<vmem>>[vector<16xi32>, vector<16xi32>], vector<16xf32>,
          %get3A_297 = arith.constant 4 : i32
          %get3A_298 = arith.index_cast %get3A_297 : i32 to index
          %get3A_299 = arith.index_cast %scan3A_270 : i32 to index
          %get3A_300 = arith.constant 80 : index
          %get3A_301 = tpu.vector_load %arg7[%get3A_298, %get3A_299, %get3A_300] {strides = array<i32>} : memref<5x64x128xf32, #tpu.memory_space<vmem>>, vector<16xf32>,
          tpu.vector_store_idx %arg10[%add3A_18, %broadcast_in_dim3A], %get3A_301 : memref<128x128xf32, #tpu.memory_space<vmem>>[vector<16xi32>, vector<16xi32>], vector<16xf32>,
          %get3A_302 = arith.constant 4 : i32
          %get3A_303 = arith.index_cast %get3A_302 : i32 to index
          %get3A_304 = arith.index_cast %scan3A_270 : i32 to index
          %get3A_305 = arith.constant 96 : index
          %get3A_306 = tpu.vector_load %arg7[%get3A_303, %get3A_304, %get3A_305] {strides = array<i32>} : memref<5x64x128xf32, #tpu.memory_space<vmem>>, vector<16xf32>,
          tpu.vector_store_idx %arg10[%add3A_21, %broadcast_in_dim3A], %get3A_306 : memref<128x128xf32, #tpu.memory_space<vmem>>[vector<16xi32>, vector<16xi32>], vector<16xf32>,
          %get3A_307 = arith.constant 4 : i32
          %get3A_308 = arith.index_cast %get3A_307 : i32 to index
          %get3A_309 = arith.index_cast %scan3A_270 : i32 to index
          %get3A_310 = arith.constant 112 : index
          %get3A_311 = tpu.vector_load %arg7[%get3A_308, %get3A_309, %get3A_310] {strides = array<i32>} : memref<5x64x128xf32, #tpu.memory_space<vmem>>, vector<16xf32>,
          tpu.vector_store_idx %arg10[%add3A_24, %broadcast_in_dim3A], %get3A_311 : memref<128x128xf32, #tpu.memory_space<vmem>>[vector<16xi32>, vector<16xi32>], vector<16xf32>,
        }
        %scan3A_265 = arith.constant 64 : i32
        %dma_start3A_266 = arith.constant 0 : i32
        %dma_start3A_267 = tpu.memref_slice %arg6[%multiple_of3A, %dma_start3A_266] : memref<100096x128xf32, #tpu.memory_space<hbm>> -> memref<128x128xf32, #tpu.memory_space<hbm>>
        %dma_start3A_268 = arith.constant 0 : i32
        %dma_start3A_269 = tpu.memref_slice %arg6[%multiple_of3A, %dma_start3A_268] : memref<100096x128xf32, #tpu.memory_space<hbm>> -> memref<128x128xf32, #tpu.memory_space<hbm>>
        tpu.enqueue_dma source(%arg10 : memref<128x128xf32, #tpu.memory_space<vmem>>) target(%dma_start3A_269 : memref<128x128xf32, #tpu.memory_space<hbm>>) target_semaphore(%arg16 : memref<!tpu.dma_semaphore, #tpu.memory_space<semaphore_mem>>)
      } else {
      }
    }
    %scan3A_29 = arith.constant 25 : i32
    %dma_wait3A = arith.constant 0 : i32
    %dma_wait3A_30 = arith.constant 0 : i32
    %dma_wait3A_31 = tpu.memref_slice %arg4[%dma_wait3A, %dma_wait3A_30] : memref<100096x128xf32, #tpu.memory_space<hbm>> -> memref<128x128xf32, #tpu.memory_space<hbm>>
    %dma_wait3A_32 = arith.constant 0 : i32
    %dma_wait3A_33 = arith.constant 0 : i32
    %dma_wait3A_34 = tpu.memref_slice %arg4[%dma_wait3A_32, %dma_wait3A_33] : memref<100096x128xf32, #tpu.memory_space<hbm>> -> memref<128x128xf32, #tpu.memory_space<hbm>>
    tpu.wait_dma2 semaphore(%arg16 : memref<!tpu.dma_semaphore, #tpu.memory_space<semaphore_mem>>) src(%arg8 : memref<128x128xf32, #tpu.memory_space<vmem>>) dst(%dma_wait3A_34 : memref<128x128xf32, #tpu.memory_space<hbm>>)
    %dma_wait3A_35 = arith.constant 0 : i32
    %dma_wait3A_36 = arith.constant 0 : i32
    %dma_wait3A_37 = tpu.memref_slice %arg5[%dma_wait3A_35, %dma_wait3A_36] : memref<100096x128xf32, #tpu.memory_space<hbm>> -> memref<128x128xf32, #tpu.memory_space<hbm>>
    %dma_wait3A_38 = arith.constant 0 : i32
    %dma_wait3A_39 = arith.constant 0 : i32
    %dma_wait3A_40 = tpu.memref_slice %arg5[%dma_wait3A_38, %dma_wait3A_39] : memref<100096x128xf32, #tpu.memory_space<hbm>> -> memref<128x128xf32, #tpu.memory_space<hbm>>
    tpu.wait_dma2 semaphore(%arg16 : memref<!tpu.dma_semaphore, #tpu.memory_space<semaphore_mem>>) src(%arg9 : memref<128x128xf32, #tpu.memory_space<vmem>>) dst(%dma_wait3A_40 : memref<128x128xf32, #tpu.memory_space<hbm>>)
    %dma_wait3A_41 = arith.constant 0 : i32
    %dma_wait3A_42 = arith.constant 0 : i32
    %dma_wait3A_43 = tpu.memref_slice %arg6[%dma_wait3A_41, %dma_wait3A_42] : memref<100096x128xf32, #tpu.memory_space<hbm>> -> memref<128x128xf32, #tpu.memory_space<hbm>>
    %dma_wait3A_44 = arith.constant 0 : i32
    %dma_wait3A_45 = arith.constant 0 : i32
    %dma_wait3A_46 = tpu.memref_slice %arg6[%dma_wait3A_44, %dma_wait3A_45] : memref<100096x128xf32, #tpu.memory_space<hbm>> -> memref<128x128xf32, #tpu.memory_space<hbm>>
    tpu.wait_dma2 semaphore(%arg16 : memref<!tpu.dma_semaphore, #tpu.memory_space<semaphore_mem>>) src(%arg10 : memref<128x128xf32, #tpu.memory_space<vmem>>) dst(%dma_wait3A_46 : memref<128x128xf32, #tpu.memory_space<hbm>>)
    return
  }
}

#map = affine_map<(d0, d1) -> (0, 0, 0)>
#map1 = affine_map<(d0, d1) -> (0, 0)>
#map2 = affine_map<(d0, d1) -> (0)>
#map3 = affine_map<(d0, d1) -> (0, 0, 0, 0)>
module attributes {stable_mosaic.version = 14 : i64} {
  func.func @_sc_main(%arg0: i32, %arg1: i32, %arg2: memref<200x8x1024xf32, #tpu.memory_space<hbm>>, %arg3: memref<200x2x1024xi32, #tpu.memory_space<hbm>>, %arg4: memref<3x1024xi32, #tpu.memory_space<hbm>>, %arg5: memref<100096x128xf32, #tpu.memory_space<hbm>>, %arg6: memref<100096x128xf32, #tpu.memory_space<hbm>>, %arg7: memref<100096x128xf32, #tpu.memory_space<hbm>>, %arg8: memref<256xf32, #tpu.memory_space<hbm>>, %arg9: memref<256xf32, #tpu.memory_space<hbm>>, %arg10: memref<192xf32, #tpu.memory_space<hbm>>, %arg11: memref<192xf32, #tpu.memory_space<hbm>>, %arg12: memref<9600x8x8x128xf32, #tpu.memory_space<hbm>>, %arg13: memref<4800x8x8x128xf32, #tpu.memory_space<hbm>>, %arg14: memref<24x8x8x128xf32, #tpu.memory_space<hbm>>, %arg15: memref<8x128xf32, #tpu.memory_space<vmem>>, %arg16: memref<128xi32, #tpu.memory_space<vmem>>, %arg17: memref<128xi32, #tpu.memory_space<vmem>>, %arg18: memref<128x128xf32, #tpu.memory_space<vmem>>, %arg19: memref<128x128xf32, #tpu.memory_space<vmem>>, %arg20: memref<48x8x128xf32, #tpu.memory_space<vmem>>, %arg21: memref<24x8x128xf32, #tpu.memory_space<vmem>>, %arg22: memref<256xf32, #tpu.memory_space<vmem>>, %arg23: memref<256xf32, #tpu.memory_space<vmem>>, %arg24: memref<192xf32, #tpu.memory_space<vmem>>, %arg25: memref<192xf32, #tpu.memory_space<vmem>>, %arg26: memref<!tpu.dma_semaphore, #tpu.memory_space<semaphore_mem>>, %arg27: memref<!tpu.dma_semaphore, #tpu.memory_space<semaphore_mem>>, %arg28: memref<!tpu.dma_semaphore, #tpu.memory_space<semaphore_mem>>, %arg29: memref<!tpu.dma_semaphore, #tpu.memory_space<semaphore_mem>>, %arg30: memref<!tpu.dma_semaphore, #tpu.memory_space<semaphore_mem>>) attributes {dimension_semantics = [#tpu.dimension_semantics<core_parallel>, #tpu.dimension_semantics<subcore_parallel>], iteration_bounds = array<i64: 2, 16>, scalar_prefetch = 0 : i64, scratch_operands = 16 : i64, tpu.core_type = #tpu.core_type<sc_vector_subcore>, window_params = [{transform_indices = #map}, {transform_indices = #map}, {transform_indices = #map1}, {transform_indices = #map1}, {transform_indices = #map1}, {transform_indices = #map1}, {transform_indices = #map2}, {transform_indices = #map2}, {transform_indices = #map2}, {transform_indices = #map2}, {transform_indices = #map3}, {transform_indices = #map3}, {transform_indices = #map3}]} {
    %mul3A = arith.constant 2 : i32
    %mul3A_0 = arith.muli %arg1, %mul3A : i32
    %add3A = arith.addi %mul3A_0, %arg0 : i32
    %iota3A = tpu.iota {dimensions = array<i32: 0>} : vector<16xi32>
    %add3A_1 = arith.constant 0 : i32
    %add3A_2 = vector.broadcast %add3A_1 : i32 to vector<16xi32>
    %add3A_3 = arith.addi %iota3A, %add3A_2 : vector<16xi32>
    %add3A_4 = arith.constant 16 : i32
    %add3A_5 = vector.broadcast %add3A_4 : i32 to vector<16xi32>
    %add3A_6 = arith.addi %iota3A, %add3A_5 : vector<16xi32>
    %add3A_7 = arith.constant 32 : i32
    %add3A_8 = vector.broadcast %add3A_7 : i32 to vector<16xi32>
    %add3A_9 = arith.addi %iota3A, %add3A_8 : vector<16xi32>
    %add3A_10 = arith.constant 48 : i32
    %add3A_11 = vector.broadcast %add3A_10 : i32 to vector<16xi32>
    %add3A_12 = arith.addi %iota3A, %add3A_11 : vector<16xi32>
    %add3A_13 = arith.constant 64 : i32
    %add3A_14 = vector.broadcast %add3A_13 : i32 to vector<16xi32>
    %add3A_15 = arith.addi %iota3A, %add3A_14 : vector<16xi32>
    %add3A_16 = arith.constant 80 : i32
    %add3A_17 = vector.broadcast %add3A_16 : i32 to vector<16xi32>
    %add3A_18 = arith.addi %iota3A, %add3A_17 : vector<16xi32>
    %add3A_19 = arith.constant 96 : i32
    %add3A_20 = vector.broadcast %add3A_19 : i32 to vector<16xi32>
    %add3A_21 = arith.addi %iota3A, %add3A_20 : vector<16xi32>
    %add3A_22 = arith.constant 112 : i32
    %add3A_23 = vector.broadcast %add3A_22 : i32 to vector<16xi32>
    %add3A_24 = arith.addi %iota3A, %add3A_23 : vector<16xi32>
    "tpu.region"() ({
      %run_scoped3A = tpu.sem_alloc : memref<!tpu.dma_semaphore, #tpu.memory_space<semaphore_mem>>
      tpu.enqueue_dma source(%arg8 : memref<256xf32, #tpu.memory_space<hbm>>) target(%arg22 : memref<256xf32, #tpu.memory_space<vmem>>) target_semaphore(%run_scoped3A : memref<!tpu.dma_semaphore, #tpu.memory_space<semaphore_mem>>)
      tpu.wait_dma2 semaphore(%run_scoped3A : memref<!tpu.dma_semaphore, #tpu.memory_space<semaphore_mem>>) src(%arg8 : memref<256xf32, #tpu.memory_space<hbm>>) dst(%arg22 : memref<256xf32, #tpu.memory_space<vmem>>)
      tpu.yield
    }) : () -> ()
    "tpu.region"() ({
      %run_scoped3A = tpu.sem_alloc : memref<!tpu.dma_semaphore, #tpu.memory_space<semaphore_mem>>
      tpu.enqueue_dma source(%arg9 : memref<256xf32, #tpu.memory_space<hbm>>) target(%arg23 : memref<256xf32, #tpu.memory_space<vmem>>) target_semaphore(%run_scoped3A : memref<!tpu.dma_semaphore, #tpu.memory_space<semaphore_mem>>)
      tpu.wait_dma2 semaphore(%run_scoped3A : memref<!tpu.dma_semaphore, #tpu.memory_space<semaphore_mem>>) src(%arg9 : memref<256xf32, #tpu.memory_space<hbm>>) dst(%arg23 : memref<256xf32, #tpu.memory_space<vmem>>)
      tpu.yield
    }) : () -> ()
    "tpu.region"() ({
      %run_scoped3A = tpu.sem_alloc : memref<!tpu.dma_semaphore, #tpu.memory_space<semaphore_mem>>
      tpu.enqueue_dma source(%arg10 : memref<192xf32, #tpu.memory_space<hbm>>) target(%arg24 : memref<192xf32, #tpu.memory_space<vmem>>) target_semaphore(%run_scoped3A : memref<!tpu.dma_semaphore, #tpu.memory_space<semaphore_mem>>)
      tpu.wait_dma2 semaphore(%run_scoped3A : memref<!tpu.dma_semaphore, #tpu.memory_space<semaphore_mem>>) src(%arg10 : memref<192xf32, #tpu.memory_space<hbm>>) dst(%arg24 : memref<192xf32, #tpu.memory_space<vmem>>)
      tpu.yield
    }) : () -> ()
    "tpu.region"() ({
      %run_scoped3A = tpu.sem_alloc : memref<!tpu.dma_semaphore, #tpu.memory_space<semaphore_mem>>
      tpu.enqueue_dma source(%arg11 : memref<192xf32, #tpu.memory_space<hbm>>) target(%arg25 : memref<192xf32, #tpu.memory_space<vmem>>) target_semaphore(%run_scoped3A : memref<!tpu.dma_semaphore, #tpu.memory_space<semaphore_mem>>)
      tpu.wait_dma2 semaphore(%run_scoped3A : memref<!tpu.dma_semaphore, #tpu.memory_space<semaphore_mem>>) src(%arg11 : memref<192xf32, #tpu.memory_space<hbm>>) dst(%arg25 : memref<192xf32, #tpu.memory_space<vmem>>)
      tpu.yield
    }) : () -> ()
    %mul3A_25 = arith.constant 50 : i32
    %mul3A_26 = arith.muli %add3A, %mul3A_25 : i32
    %jit3A = arith.constant 8 : i32
    %div3A = arith.divsi %mul3A_26, %jit3A : i32
    %sign3A = arith.constant 0 : i32
    %sign3A_27 = arith.cmpi sgt, %mul3A_26, %sign3A : i32
    %sign3A_28 = arith.extui %sign3A_27 : i1 to i32
    %sign3A_29 = arith.constant 0 : i32
    %sign3A_30 = arith.cmpi slt, %mul3A_26, %sign3A_29 : i32
    %sign3A_31 = arith.extui %sign3A_30 : i1 to i32
    %sign3A_32 = arith.subi %sign3A_28, %sign3A_31 : i32
    %sign3A_33 = arith.constant 0 : i32
    %sign3A_34 = arith.cmpi sgt, %jit3A, %sign3A_33 : i32
    %sign3A_35 = arith.extui %sign3A_34 : i1 to i32
    %sign3A_36 = arith.constant 0 : i32
    %sign3A_37 = arith.cmpi slt, %jit3A, %sign3A_36 : i32
    %sign3A_38 = arith.extui %sign3A_37 : i1 to i32
    %sign3A_39 = arith.subi %sign3A_35, %sign3A_38 : i32
    %ne3A = arith.cmpi ne, %sign3A_32, %sign3A_39 : i32
    %rem3A = arith.remsi %mul3A_26, %jit3A : i32
    %ne3A_40 = arith.constant 0 : i32
    %ne3A_41 = arith.cmpi ne, %rem3A, %ne3A_40 : i32
    %and3A = arith.andi %ne3A, %ne3A_41 : i1
    %sub3A = arith.constant 1 : i32
    %sub3A_42 = arith.subi %div3A, %sub3A : i32
    %select_n3A = arith.select %and3A, %sub3A_42, %div3A : i32
    %jit3A_43 = arith.constant 8 : i32
    %eq3A = arith.constant 0 : i32
    %eq3A_44 = arith.cmpi eq, %jit3A_43, %eq3A : i32
    %jit3A_45 = arith.constant 1 : i32
    %select_n3A_46 = arith.select %eq3A_44, %jit3A_45, %jit3A_43 : i32
    %rem3A_47 = arith.remsi %mul3A_26, %select_n3A_46 : i32
    %ne3A_48 = arith.constant 0 : i32
    %ne3A_49 = arith.cmpi ne, %rem3A_47, %ne3A_48 : i32
    %lt3A = arith.constant 0 : i32
    %lt3A_50 = arith.cmpi slt, %rem3A_47, %lt3A : i32
    %lt3A_51 = arith.constant 0 : i32
    %lt3A_52 = arith.cmpi slt, %select_n3A_46, %lt3A_51 : i32
    %ne3A_53 = arith.xori %lt3A_50, %lt3A_52 : i1
    %and3A_54 = arith.andi %ne3A_53, %ne3A_49 : i1
    %add3A_55 = arith.addi %rem3A_47, %select_n3A_46 : i32
    %select_n3A_56 = arith.select %and3A_54, %add3A_55, %rem3A_47 : i32
    %mul3A_57 = arith.constant 128 : i32
    %mul3A_58 = arith.muli %select_n3A_56, %mul3A_57 : i32
    %multiple_of3A = tpu.assume_multiple %mul3A_58, 128 : i32
    %dma_start3A = arith.constant 0 : i32
    %dma_start3A_59 = tpu.memref_slice %arg2[%select_n3A, %dma_start3A, %multiple_of3A] : memref<200x8x1024xf32, #tpu.memory_space<hbm>> -> memref<1x8x128xf32, #tpu.memory_space<hbm>>
    %dma_start3A_60 = tpu.memref_squeeze %dma_start3A_59 : memref<1x8x128xf32, #tpu.memory_space<hbm>> -> memref<8x128xf32, #tpu.memory_space<hbm>>
    %dma_start3A_61 = arith.constant 0 : i32
    %dma_start3A_62 = tpu.memref_slice %arg2[%select_n3A, %dma_start3A_61, %multiple_of3A] : memref<200x8x1024xf32, #tpu.memory_space<hbm>> -> memref<1x8x128xf32, #tpu.memory_space<hbm>>
    %dma_start3A_63 = tpu.memref_squeeze %dma_start3A_62 : memref<1x8x128xf32, #tpu.memory_space<hbm>> -> memref<8x128xf32, #tpu.memory_space<hbm>>
    tpu.enqueue_dma source(%dma_start3A_63 : memref<8x128xf32, #tpu.memory_space<hbm>>) target(%arg15 : memref<8x128xf32, #tpu.memory_space<vmem>>) target_semaphore(%arg26 : memref<!tpu.dma_semaphore, #tpu.memory_space<semaphore_mem>>)
    %dma_start3A_64 = arith.constant 0 : i32
    %dma_start3A_65 = tpu.memref_slice %arg3[%select_n3A, %dma_start3A_64, %multiple_of3A] : memref<200x2x1024xi32, #tpu.memory_space<hbm>> -> memref<1x1x128xi32, #tpu.memory_space<hbm>>
    %dma_start3A_66 = tpu.memref_squeeze %dma_start3A_65 : memref<1x1x128xi32, #tpu.memory_space<hbm>> -> memref<128xi32, #tpu.memory_space<hbm>>
    %dma_start3A_67 = tpu.memref_slice %arg3[%select_n3A, %dma_start3A_64, %multiple_of3A] : memref<200x2x1024xi32, #tpu.memory_space<hbm>> -> memref<1x1x128xi32, #tpu.memory_space<hbm>>
    %dma_start3A_68 = tpu.memref_squeeze %dma_start3A_67 : memref<1x1x128xi32, #tpu.memory_space<hbm>> -> memref<128xi32, #tpu.memory_space<hbm>>
    tpu.enqueue_dma source(%dma_start3A_68 : memref<128xi32, #tpu.memory_space<hbm>>) target(%arg16 : memref<128xi32, #tpu.memory_space<vmem>>) target_semaphore(%arg27 : memref<!tpu.dma_semaphore, #tpu.memory_space<semaphore_mem>>)
    %dma_start3A_69 = arith.constant 1 : i32
    %dma_start3A_70 = tpu.memref_slice %arg3[%select_n3A, %dma_start3A_69, %multiple_of3A] : memref<200x2x1024xi32, #tpu.memory_space<hbm>> -> memref<1x1x128xi32, #tpu.memory_space<hbm>>
    %dma_start3A_71 = tpu.memref_squeeze %dma_start3A_70 : memref<1x1x128xi32, #tpu.memory_space<hbm>> -> memref<128xi32, #tpu.memory_space<hbm>>
    %dma_start3A_72 = tpu.memref_slice %arg3[%select_n3A, %dma_start3A_69, %multiple_of3A] : memref<200x2x1024xi32, #tpu.memory_space<hbm>> -> memref<1x1x128xi32, #tpu.memory_space<hbm>>
    %dma_start3A_73 = tpu.memref_squeeze %dma_start3A_72 : memref<1x1x128xi32, #tpu.memory_space<hbm>> -> memref<128xi32, #tpu.memory_space<hbm>>
    tpu.enqueue_dma source(%dma_start3A_73 : memref<128xi32, #tpu.memory_space<hbm>>) target(%arg17 : memref<128xi32, #tpu.memory_space<vmem>>) target_semaphore(%arg27 : memref<!tpu.dma_semaphore, #tpu.memory_space<semaphore_mem>>)
    %scan3A = arith.constant 0 : i32
    %scan3A_74 = arith.constant 0 : i32
    %scan3A_75 = arith.constant 50 : i32
    %scan3A_76 = arith.addi %scan3A_74, %scan3A_75 : i32
    %scan3A_77 = arith.constant 1 : i32
    scf.for %scan3A_103 = %scan3A_74 to %scan3A_76 step %scan3A_77  : i32 {
      %mul3A_104 = arith.constant 50 : i32
      %mul3A_105 = arith.muli %add3A, %mul3A_104 : i32
      %add3A_106 = arith.addi %mul3A_105, %scan3A_103 : i32
      %jit3A_107 = arith.constant 8 : i32
      %div3A_108 = arith.divsi %add3A_106, %jit3A_107 : i32
      %sign3A_109 = arith.constant 0 : i32
      %sign3A_110 = arith.cmpi sgt, %add3A_106, %sign3A_109 : i32
      %sign3A_111 = arith.extui %sign3A_110 : i1 to i32
      %sign3A_112 = arith.constant 0 : i32
      %sign3A_113 = arith.cmpi slt, %add3A_106, %sign3A_112 : i32
      %sign3A_114 = arith.extui %sign3A_113 : i1 to i32
      %sign3A_115 = arith.subi %sign3A_111, %sign3A_114 : i32
      %sign3A_116 = arith.constant 0 : i32
      %sign3A_117 = arith.cmpi sgt, %jit3A_107, %sign3A_116 : i32
      %sign3A_118 = arith.extui %sign3A_117 : i1 to i32
      %sign3A_119 = arith.constant 0 : i32
      %sign3A_120 = arith.cmpi slt, %jit3A_107, %sign3A_119 : i32
      %sign3A_121 = arith.extui %sign3A_120 : i1 to i32
      %sign3A_122 = arith.subi %sign3A_118, %sign3A_121 : i32
      %ne3A_123 = arith.cmpi ne, %sign3A_115, %sign3A_122 : i32
      %rem3A_124 = arith.remsi %add3A_106, %jit3A_107 : i32
      %ne3A_125 = arith.constant 0 : i32
      %ne3A_126 = arith.cmpi ne, %rem3A_124, %ne3A_125 : i32
      %and3A_127 = arith.andi %ne3A_123, %ne3A_126 : i1
      %sub3A_128 = arith.constant 1 : i32
      %sub3A_129 = arith.subi %div3A_108, %sub3A_128 : i32
      %select_n3A_130 = arith.select %and3A_127, %sub3A_129, %div3A_108 : i32
      %jit3A_131 = arith.constant 8 : i32
      %eq3A_132 = arith.constant 0 : i32
      %eq3A_133 = arith.cmpi eq, %jit3A_131, %eq3A_132 : i32
      %jit3A_134 = arith.constant 1 : i32
      %select_n3A_135 = arith.select %eq3A_133, %jit3A_134, %jit3A_131 : i32
      %rem3A_136 = arith.remsi %add3A_106, %select_n3A_135 : i32
      %ne3A_137 = arith.constant 0 : i32
      %ne3A_138 = arith.cmpi ne, %rem3A_136, %ne3A_137 : i32
      %lt3A_139 = arith.constant 0 : i32
      %lt3A_140 = arith.cmpi slt, %rem3A_136, %lt3A_139 : i32
      %lt3A_141 = arith.constant 0 : i32
      %lt3A_142 = arith.cmpi slt, %select_n3A_135, %lt3A_141 : i32
      %ne3A_143 = arith.xori %lt3A_140, %lt3A_142 : i1
      %and3A_144 = arith.andi %ne3A_143, %ne3A_138 : i1
      %add3A_145 = arith.addi %rem3A_136, %select_n3A_135 : i32
      %select_n3A_146 = arith.select %and3A_144, %add3A_145, %rem3A_136 : i32
      %dma_wait3A_147 = arith.constant 0 : i32
      %dma_wait3A_148 = arith.constant 0 : i32
      %dma_wait3A_149 = arith.constant 0 : i32
      %dma_wait3A_150 = tpu.memref_slice %arg2[%dma_wait3A_147, %dma_wait3A_148, %dma_wait3A_149] : memref<200x8x1024xf32, #tpu.memory_space<hbm>> -> memref<1x8x128xf32, #tpu.memory_space<hbm>>
      %dma_wait3A_151 = tpu.memref_squeeze %dma_wait3A_150 : memref<1x8x128xf32, #tpu.memory_space<hbm>> -> memref<8x128xf32, #tpu.memory_space<hbm>>
      %dma_wait3A_152 = arith.constant 0 : i32
      %dma_wait3A_153 = arith.constant 0 : i32
      %dma_wait3A_154 = tpu.memref_slice %arg2[%dma_wait3A_147, %dma_wait3A_152, %dma_wait3A_153] : memref<200x8x1024xf32, #tpu.memory_space<hbm>> -> memref<1x8x128xf32, #tpu.memory_space<hbm>>
      %dma_wait3A_155 = tpu.memref_squeeze %dma_wait3A_154 : memref<1x8x128xf32, #tpu.memory_space<hbm>> -> memref<8x128xf32, #tpu.memory_space<hbm>>
      tpu.wait_dma2 semaphore(%arg26 : memref<!tpu.dma_semaphore, #tpu.memory_space<semaphore_mem>>) src(%dma_wait3A_155 : memref<8x128xf32, #tpu.memory_space<hbm>>) dst(%arg15 : memref<8x128xf32, #tpu.memory_space<vmem>>)
      %dma_wait3A_156 = arith.constant 0 : i32
      %dma_wait3A_157 = arith.constant 0 : i32
      %dma_wait3A_158 = arith.constant 0 : i32
      %dma_wait3A_159 = tpu.memref_slice %arg3[%dma_wait3A_156, %dma_wait3A_157, %dma_wait3A_158] : memref<200x2x1024xi32, #tpu.memory_space<hbm>> -> memref<1x1x128xi32, #tpu.memory_space<hbm>>
      %dma_wait3A_160 = tpu.memref_squeeze %dma_wait3A_159 : memref<1x1x128xi32, #tpu.memory_space<hbm>> -> memref<128xi32, #tpu.memory_space<hbm>>
      %dma_wait3A_161 = arith.constant 0 : i32
      %dma_wait3A_162 = tpu.memref_slice %arg3[%dma_wait3A_156, %dma_wait3A_157, %dma_wait3A_161] : memref<200x2x1024xi32, #tpu.memory_space<hbm>> -> memref<1x1x128xi32, #tpu.memory_space<hbm>>
      %dma_wait3A_163 = tpu.memref_squeeze %dma_wait3A_162 : memref<1x1x128xi32, #tpu.memory_space<hbm>> -> memref<128xi32, #tpu.memory_space<hbm>>
      tpu.wait_dma2 semaphore(%arg27 : memref<!tpu.dma_semaphore, #tpu.memory_space<semaphore_mem>>) src(%dma_wait3A_163 : memref<128xi32, #tpu.memory_space<hbm>>) dst(%arg16 : memref<128xi32, #tpu.memory_space<vmem>>)
      %dma_wait3A_164 = arith.constant 0 : i32
      %dma_wait3A_165 = arith.constant 1 : i32
      %dma_wait3A_166 = arith.constant 0 : i32
      %dma_wait3A_167 = tpu.memref_slice %arg3[%dma_wait3A_164, %dma_wait3A_165, %dma_wait3A_166] : memref<200x2x1024xi32, #tpu.memory_space<hbm>> -> memref<1x1x128xi32, #tpu.memory_space<hbm>>
      %dma_wait3A_168 = tpu.memref_squeeze %dma_wait3A_167 : memref<1x1x128xi32, #tpu.memory_space<hbm>> -> memref<128xi32, #tpu.memory_space<hbm>>
      %dma_wait3A_169 = arith.constant 0 : i32
      %dma_wait3A_170 = tpu.memref_slice %arg3[%dma_wait3A_164, %dma_wait3A_165, %dma_wait3A_169] : memref<200x2x1024xi32, #tpu.memory_space<hbm>> -> memref<1x1x128xi32, #tpu.memory_space<hbm>>
      %dma_wait3A_171 = tpu.memref_squeeze %dma_wait3A_170 : memref<1x1x128xi32, #tpu.memory_space<hbm>> -> memref<128xi32, #tpu.memory_space<hbm>>
      tpu.wait_dma2 semaphore(%arg27 : memref<!tpu.dma_semaphore, #tpu.memory_space<semaphore_mem>>) src(%dma_wait3A_171 : memref<128xi32, #tpu.memory_space<hbm>>) dst(%arg17 : memref<128xi32, #tpu.memory_space<vmem>>)
      %dma_start3A_172 = arith.constant 0 : i32
      %dma_start3A_173 = arith.constant 0 : i32
      %dma_start3A_174 = tpu.memref_slice %arg5[%dma_start3A_172, %dma_start3A_173] : memref<100096x128xf32, #tpu.memory_space<hbm>> -> memref<100096x128xf32, #tpu.memory_space<hbm>>
      tpu.enqueue_indirect_dma source(%dma_start3A_174 : memref<100096x128xf32, #tpu.memory_space<hbm>>) target(%arg18 : memref<128x128xf32, #tpu.memory_space<vmem>>) offsets(%arg16 : memref<128xi32, #tpu.memory_space<vmem>>) semaphore(%arg28 : memref<!tpu.dma_semaphore, #tpu.memory_space<semaphore_mem>>)
      %dma_start3A_175 = arith.constant 0 : i32
      %dma_start3A_176 = arith.constant 0 : i32
      %dma_start3A_177 = tpu.memref_slice %arg5[%dma_start3A_175, %dma_start3A_176] : memref<100096x128xf32, #tpu.memory_space<hbm>> -> memref<100096x128xf32, #tpu.memory_space<hbm>>
      tpu.enqueue_indirect_dma source(%dma_start3A_177 : memref<100096x128xf32, #tpu.memory_space<hbm>>) target(%arg19 : memref<128x128xf32, #tpu.memory_space<vmem>>) offsets(%arg17 : memref<128xi32, #tpu.memory_space<vmem>>) semaphore(%arg28 : memref<!tpu.dma_semaphore, #tpu.memory_space<semaphore_mem>>)
      %gt3A = arith.constant 0 : i32
      %gt3A_178 = arith.cmpi sgt, %scan3A_103, %gt3A : i32
      %convert_element_type3A_179 = arith.extui %gt3A_178 : i1 to i32
      %cond3A_180 = arith.constant 0 : i32
      %cond3A_181 = arith.cmpi ne, %convert_element_type3A_179, %cond3A_180 : i32
      scf.if %cond3A_181 {
        %dma_wait3A_503 = arith.constant 0 : i32
        %dma_wait3A_504 = arith.constant 0 : i32
        %dma_wait3A_505 = arith.constant 0 : i32
        %dma_wait3A_506 = arith.constant 0 : i32
        %dma_wait3A_507 = tpu.memref_slice %arg12[%dma_wait3A_504, %dma_wait3A_503, %dma_wait3A_505, %dma_wait3A_506] : memref<9600x8x8x128xf32, #tpu.memory_space<hbm>> -> memref<48x1x8x128xf32, #tpu.memory_space<hbm>>
        %dma_wait3A_508 = tpu.memref_squeeze %dma_wait3A_507 : memref<48x1x8x128xf32, #tpu.memory_space<hbm>> -> memref<48x8x128xf32, #tpu.memory_space<hbm>>
        %dma_wait3A_509 = arith.constant 0 : i32
        %dma_wait3A_510 = arith.constant 0 : i32
        %dma_wait3A_511 = arith.constant 0 : i32
        %dma_wait3A_512 = tpu.memref_slice %arg12[%dma_wait3A_509, %dma_wait3A_503, %dma_wait3A_510, %dma_wait3A_511] : memref<9600x8x8x128xf32, #tpu.memory_space<hbm>> -> memref<48x1x8x128xf32, #tpu.memory_space<hbm>>
        %dma_wait3A_513 = tpu.memref_squeeze %dma_wait3A_512 : memref<48x1x8x128xf32, #tpu.memory_space<hbm>> -> memref<48x8x128xf32, #tpu.memory_space<hbm>>
        tpu.wait_dma2 semaphore(%arg29 : memref<!tpu.dma_semaphore, #tpu.memory_space<semaphore_mem>>) src(%arg20 : memref<48x8x128xf32, #tpu.memory_space<vmem>>) dst(%dma_wait3A_513 : memref<48x8x128xf32, #tpu.memory_space<hbm>>)
      } else {
      }
      %get3A = arith.constant 0 : i32
      %get3A_182 = arith.index_cast %get3A : i32 to index
      %get3A_183 = arith.constant 0 : index
      %get3A_184 = tpu.vector_load %arg15[%get3A_182, %get3A_183] {strides = array<i32>} : memref<8x128xf32, #tpu.memory_space<vmem>>, vector<16xf32>,
      %get3A_185 = arith.constant 0 : i32
      %get3A_186 = arith.index_cast %get3A_185 : i32 to index
      %get3A_187 = arith.constant 16 : index
      %get3A_188 = tpu.vector_load %arg15[%get3A_186, %get3A_187] {strides = array<i32>} : memref<8x128xf32, #tpu.memory_space<vmem>>, vector<16xf32>,
      %get3A_189 = arith.constant 0 : i32
      %get3A_190 = arith.index_cast %get3A_189 : i32 to index
      %get3A_191 = arith.constant 32 : index
      %get3A_192 = tpu.vector_load %arg15[%get3A_190, %get3A_191] {strides = array<i32>} : memref<8x128xf32, #tpu.memory_space<vmem>>, vector<16xf32>,
      %get3A_193 = arith.constant 0 : i32
      %get3A_194 = arith.index_cast %get3A_193 : i32 to index
      %get3A_195 = arith.constant 48 : index
      %get3A_196 = tpu.vector_load %arg15[%get3A_194, %get3A_195] {strides = array<i32>} : memref<8x128xf32, #tpu.memory_space<vmem>>, vector<16xf32>,
      %get3A_197 = arith.constant 0 : i32
      %get3A_198 = arith.index_cast %get3A_197 : i32 to index
      %get3A_199 = arith.constant 64 : index
      %get3A_200 = tpu.vector_load %arg15[%get3A_198, %get3A_199] {strides = array<i32>} : memref<8x128xf32, #tpu.memory_space<vmem>>, vector<16xf32>,
      %get3A_201 = arith.constant 0 : i32
      %get3A_202 = arith.index_cast %get3A_201 : i32 to index
      %get3A_203 = arith.constant 80 : index
      %get3A_204 = tpu.vector_load %arg15[%get3A_202, %get3A_203] {strides = array<i32>} : memref<8x128xf32, #tpu.memory_space<vmem>>, vector<16xf32>,
      %get3A_205 = arith.constant 0 : i32
      %get3A_206 = arith.index_cast %get3A_205 : i32 to index
      %get3A_207 = arith.constant 96 : index
      %get3A_208 = tpu.vector_load %arg15[%get3A_206, %get3A_207] {strides = array<i32>} : memref<8x128xf32, #tpu.memory_space<vmem>>, vector<16xf32>,
      %get3A_209 = arith.constant 0 : i32
      %get3A_210 = arith.index_cast %get3A_209 : i32 to index
      %get3A_211 = arith.constant 112 : index
      %get3A_212 = tpu.vector_load %arg15[%get3A_210, %get3A_211] {strides = array<i32>} : memref<8x128xf32, #tpu.memory_space<vmem>>, vector<16xf32>,
      %scan3A_213 = arith.constant 0 : i32
      %scan3A_214 = arith.constant 0 : i32
      %scan3A_215 = arith.constant 64 : i32
      %scan3A_216 = arith.addi %scan3A_214, %scan3A_215 : i32
      %scan3A_217 = arith.constant 1 : i32
      scf.for %scan3A_503 = %scan3A_214 to %scan3A_216 step %scan3A_217  : i32 {
        %jit3A_504 = arith.constant 8 : i32
        %div3A_505 = arith.divsi %scan3A_503, %jit3A_504 : i32
        %sign3A_506 = arith.constant 0 : i32
        %sign3A_507 = arith.cmpi sgt, %scan3A_503, %sign3A_506 : i32
        %sign3A_508 = arith.extui %sign3A_507 : i1 to i32
        %sign3A_509 = arith.constant 0 : i32
        %sign3A_510 = arith.cmpi slt, %scan3A_503, %sign3A_509 : i32
        %sign3A_511 = arith.extui %sign3A_510 : i1 to i32
        %sign3A_512 = arith.subi %sign3A_508, %sign3A_511 : i32
        %sign3A_513 = arith.constant 0 : i32
        %sign3A_514 = arith.cmpi sgt, %jit3A_504, %sign3A_513 : i32
        %sign3A_515 = arith.extui %sign3A_514 : i1 to i32
        %sign3A_516 = arith.constant 0 : i32
        %sign3A_517 = arith.cmpi slt, %jit3A_504, %sign3A_516 : i32
        %sign3A_518 = arith.extui %sign3A_517 : i1 to i32
        %sign3A_519 = arith.subi %sign3A_515, %sign3A_518 : i32
        %ne3A_520 = arith.cmpi ne, %sign3A_512, %sign3A_519 : i32
        %rem3A_521 = arith.remsi %scan3A_503, %jit3A_504 : i32
        %ne3A_522 = arith.constant 0 : i32
        %ne3A_523 = arith.cmpi ne, %rem3A_521, %ne3A_522 : i32
        %and3A_524 = arith.andi %ne3A_520, %ne3A_523 : i1
        %sub3A_525 = arith.constant 1 : i32
        %sub3A_526 = arith.subi %div3A_505, %sub3A_525 : i32
        %select_n3A_527 = arith.select %and3A_524, %sub3A_526, %div3A_505 : i32
        %jit3A_528 = arith.constant 8 : i32
        %eq3A_529 = arith.constant 0 : i32
        %eq3A_530 = arith.cmpi eq, %jit3A_528, %eq3A_529 : i32
        %jit3A_531 = arith.constant 1 : i32
        %select_n3A_532 = arith.select %eq3A_530, %jit3A_531, %jit3A_528 : i32
        %rem3A_533 = arith.remsi %scan3A_503, %select_n3A_532 : i32
        %ne3A_534 = arith.constant 0 : i32
        %ne3A_535 = arith.cmpi ne, %rem3A_533, %ne3A_534 : i32
        %lt3A_536 = arith.constant 0 : i32
        %lt3A_537 = arith.cmpi slt, %rem3A_533, %lt3A_536 : i32
        %lt3A_538 = arith.constant 0 : i32
        %lt3A_539 = arith.cmpi slt, %select_n3A_532, %lt3A_538 : i32
        %ne3A_540 = arith.xori %lt3A_537, %lt3A_539 : i1
        %and3A_541 = arith.andi %ne3A_540, %ne3A_535 : i1
        %add3A_542 = arith.addi %rem3A_533, %select_n3A_532 : i32
        %select_n3A_543 = arith.select %and3A_541, %add3A_542, %rem3A_533 : i32
        %add3A_544 = arith.constant 0 : i32
        %add3A_545 = arith.addi %add3A_544, %scan3A_503 : i32
        %broadcast_in_dim3A = vector.broadcast %add3A_545 : i32 to vector<16xi32>
        %gather3A = tpu.vector_load_idx %arg22[%broadcast_in_dim3A] : memref<256xf32, #tpu.memory_space<vmem>>[vector<16xi32>], vector<16xf32>,
        %mul3A_546 = arith.mulf %get3A_184, %gather3A : vector<16xf32>
        %add3A_547 = arith.constant 0 : i32
        %add3A_548 = arith.addi %add3A_547, %select_n3A_527 : i32
        %swap3A = arith.index_cast %add3A_548 : i32 to index
        %swap3A_549 = arith.index_cast %select_n3A_543 : i32 to index
        %swap3A_550 = arith.constant 0 : index
        %swap3A_551 = tpu.vector_load %arg20[%swap3A, %swap3A_549, %swap3A_550] {strides = array<i32>} : memref<48x8x128xf32, #tpu.memory_space<vmem>>, vector<16xf32>,
        tpu.vector_store %arg20[%swap3A, %swap3A_549, %swap3A_550], %mul3A_546 {strides = array<i32>} : memref<48x8x128xf32, #tpu.memory_space<vmem>>, vector<16xf32>,
        %mul3A_552 = arith.mulf %get3A_188, %gather3A : vector<16xf32>
        %add3A_553 = arith.constant 0 : i32
        %add3A_554 = arith.addi %add3A_553, %select_n3A_527 : i32
        %swap3A_555 = arith.index_cast %add3A_554 : i32 to index
        %swap3A_556 = arith.index_cast %select_n3A_543 : i32 to index
        %swap3A_557 = arith.constant 16 : index
        %swap3A_558 = tpu.vector_load %arg20[%swap3A_555, %swap3A_556, %swap3A_557] {strides = array<i32>} : memref<48x8x128xf32, #tpu.memory_space<vmem>>, vector<16xf32>,
        tpu.vector_store %arg20[%swap3A_555, %swap3A_556, %swap3A_557], %mul3A_552 {strides = array<i32>} : memref<48x8x128xf32, #tpu.memory_space<vmem>>, vector<16xf32>,
        %mul3A_559 = arith.mulf %get3A_192, %gather3A : vector<16xf32>
        %add3A_560 = arith.constant 0 : i32
        %add3A_561 = arith.addi %add3A_560, %select_n3A_527 : i32
        %swap3A_562 = arith.index_cast %add3A_561 : i32 to index
        %swap3A_563 = arith.index_cast %select_n3A_543 : i32 to index
        %swap3A_564 = arith.constant 32 : index
        %swap3A_565 = tpu.vector_load %arg20[%swap3A_562, %swap3A_563, %swap3A_564] {strides = array<i32>} : memref<48x8x128xf32, #tpu.memory_space<vmem>>, vector<16xf32>,
        tpu.vector_store %arg20[%swap3A_562, %swap3A_563, %swap3A_564], %mul3A_559 {strides = array<i32>} : memref<48x8x128xf32, #tpu.memory_space<vmem>>, vector<16xf32>,
        %mul3A_566 = arith.mulf %get3A_196, %gather3A : vector<16xf32>
        %add3A_567 = arith.constant 0 : i32
        %add3A_568 = arith.addi %add3A_567, %select_n3A_527 : i32
        %swap3A_569 = arith.index_cast %add3A_568 : i32 to index
        %swap3A_570 = arith.index_cast %select_n3A_543 : i32 to index
        %swap3A_571 = arith.constant 48 : index
        %swap3A_572 = tpu.vector_load %arg20[%swap3A_569, %swap3A_570, %swap3A_571] {strides = array<i32>} : memref<48x8x128xf32, #tpu.memory_space<vmem>>, vector<16xf32>,
        tpu.vector_store %arg20[%swap3A_569, %swap3A_570, %swap3A_571], %mul3A_566 {strides = array<i32>} : memref<48x8x128xf32, #tpu.memory_space<vmem>>, vector<16xf32>,
        %mul3A_573 = arith.mulf %get3A_200, %gather3A : vector<16xf32>
        %add3A_574 = arith.constant 0 : i32
        %add3A_575 = arith.addi %add3A_574, %select_n3A_527 : i32
        %swap3A_576 = arith.index_cast %add3A_575 : i32 to index
        %swap3A_577 = arith.index_cast %select_n3A_543 : i32 to index
        %swap3A_578 = arith.constant 64 : index
        %swap3A_579 = tpu.vector_load %arg20[%swap3A_576, %swap3A_577, %swap3A_578] {strides = array<i32>} : memref<48x8x128xf32, #tpu.memory_space<vmem>>, vector<16xf32>,
        tpu.vector_store %arg20[%swap3A_576, %swap3A_577, %swap3A_578], %mul3A_573 {strides = array<i32>} : memref<48x8x128xf32, #tpu.memory_space<vmem>>, vector<16xf32>,
        %mul3A_580 = arith.mulf %get3A_204, %gather3A : vector<16xf32>
        %add3A_581 = arith.constant 0 : i32
        %add3A_582 = arith.addi %add3A_581, %select_n3A_527 : i32
        %swap3A_583 = arith.index_cast %add3A_582 : i32 to index
        %swap3A_584 = arith.index_cast %select_n3A_543 : i32 to index
        %swap3A_585 = arith.constant 80 : index
        %swap3A_586 = tpu.vector_load %arg20[%swap3A_583, %swap3A_584, %swap3A_585] {strides = array<i32>} : memref<48x8x128xf32, #tpu.memory_space<vmem>>, vector<16xf32>,
        tpu.vector_store %arg20[%swap3A_583, %swap3A_584, %swap3A_585], %mul3A_580 {strides = array<i32>} : memref<48x8x128xf32, #tpu.memory_space<vmem>>, vector<16xf32>,
        %mul3A_587 = arith.mulf %get3A_208, %gather3A : vector<16xf32>
        %add3A_588 = arith.constant 0 : i32
        %add3A_589 = arith.addi %add3A_588, %select_n3A_527 : i32
        %swap3A_590 = arith.index_cast %add3A_589 : i32 to index
        %swap3A_591 = arith.index_cast %select_n3A_543 : i32 to index
        %swap3A_592 = arith.constant 96 : index
        %swap3A_593 = tpu.vector_load %arg20[%swap3A_590, %swap3A_591, %swap3A_592] {strides = array<i32>} : memref<48x8x128xf32, #tpu.memory_space<vmem>>, vector<16xf32>,
        tpu.vector_store %arg20[%swap3A_590, %swap3A_591, %swap3A_592], %mul3A_587 {strides = array<i32>} : memref<48x8x128xf32, #tpu.memory_space<vmem>>, vector<16xf32>,
        %mul3A_594 = arith.mulf %get3A_212, %gather3A : vector<16xf32>
        %add3A_595 = arith.constant 0 : i32
        %add3A_596 = arith.addi %add3A_595, %select_n3A_527 : i32
        %swap3A_597 = arith.index_cast %add3A_596 : i32 to index
        %swap3A_598 = arith.index_cast %select_n3A_543 : i32 to index
        %swap3A_599 = arith.constant 112 : index
        %swap3A_600 = tpu.vector_load %arg20[%swap3A_597, %swap3A_598, %swap3A_599] {strides = array<i32>} : memref<48x8x128xf32, #tpu.memory_space<vmem>>, vector<16xf32>,
        tpu.vector_store %arg20[%swap3A_597, %swap3A_598, %swap3A_599], %mul3A_594 {strides = array<i32>} : memref<48x8x128xf32, #tpu.memory_space<vmem>>, vector<16xf32>,
      }
      %scan3A_218 = arith.constant 64 : i32
      %get3A_219 = arith.constant 1 : i32
      %get3A_220 = arith.index_cast %get3A_219 : i32 to index
      %get3A_221 = arith.constant 0 : index
      %get3A_222 = tpu.vector_load %arg15[%get3A_220, %get3A_221] {strides = array<i32>} : memref<8x128xf32, #tpu.memory_space<vmem>>, vector<16xf32>,
      %get3A_223 = arith.constant 1 : i32
      %get3A_224 = arith.index_cast %get3A_223 : i32 to index
      %get3A_225 = arith.constant 16 : index
      %get3A_226 = tpu.vector_load %arg15[%get3A_224, %get3A_225] {strides = array<i32>} : memref<8x128xf32, #tpu.memory_space<vmem>>, vector<16xf32>,
      %get3A_227 = arith.constant 1 : i32
      %get3A_228 = arith.index_cast %get3A_227 : i32 to index
      %get3A_229 = arith.constant 32 : index
      %get3A_230 = tpu.vector_load %arg15[%get3A_228, %get3A_229] {strides = array<i32>} : memref<8x128xf32, #tpu.memory_space<vmem>>, vector<16xf32>,
      %get3A_231 = arith.constant 1 : i32
      %get3A_232 = arith.index_cast %get3A_231 : i32 to index
      %get3A_233 = arith.constant 48 : index
      %get3A_234 = tpu.vector_load %arg15[%get3A_232, %get3A_233] {strides = array<i32>} : memref<8x128xf32, #tpu.memory_space<vmem>>, vector<16xf32>,
      %get3A_235 = arith.constant 1 : i32
      %get3A_236 = arith.index_cast %get3A_235 : i32 to index
      %get3A_237 = arith.constant 64 : index
      %get3A_238 = tpu.vector_load %arg15[%get3A_236, %get3A_237] {strides = array<i32>} : memref<8x128xf32, #tpu.memory_space<vmem>>, vector<16xf32>,
      %get3A_239 = arith.constant 1 : i32
      %get3A_240 = arith.index_cast %get3A_239 : i32 to index
      %get3A_241 = arith.constant 80 : index
      %get3A_242 = tpu.vector_load %arg15[%get3A_240, %get3A_241] {strides = array<i32>} : memref<8x128xf32, #tpu.memory_space<vmem>>, vector<16xf32>,
      %get3A_243 = arith.constant 1 : i32
      %get3A_244 = arith.index_cast %get3A_243 : i32 to index
      %get3A_245 = arith.constant 96 : index
      %get3A_246 = tpu.vector_load %arg15[%get3A_244, %get3A_245] {strides = array<i32>} : memref<8x128xf32, #tpu.memory_space<vmem>>, vector<16xf32>,
      %get3A_247 = arith.constant 1 : i32
      %get3A_248 = arith.index_cast %get3A_247 : i32 to index
      %get3A_249 = arith.constant 112 : index
      %get3A_250 = tpu.vector_load %arg15[%get3A_248, %get3A_249] {strides = array<i32>} : memref<8x128xf32, #tpu.memory_space<vmem>>, vector<16xf32>,
      %scan3A_251 = arith.constant 0 : i32
      %scan3A_252 = arith.constant 0 : i32
      %scan3A_253 = arith.constant 64 : i32
      %scan3A_254 = arith.addi %scan3A_252, %scan3A_253 : i32
      %scan3A_255 = arith.constant 1 : i32
      scf.for %scan3A_503 = %scan3A_252 to %scan3A_254 step %scan3A_255  : i32 {
        %jit3A_504 = arith.constant 8 : i32
        %div3A_505 = arith.divsi %scan3A_503, %jit3A_504 : i32
        %sign3A_506 = arith.constant 0 : i32
        %sign3A_507 = arith.cmpi sgt, %scan3A_503, %sign3A_506 : i32
        %sign3A_508 = arith.extui %sign3A_507 : i1 to i32
        %sign3A_509 = arith.constant 0 : i32
        %sign3A_510 = arith.cmpi slt, %scan3A_503, %sign3A_509 : i32
        %sign3A_511 = arith.extui %sign3A_510 : i1 to i32
        %sign3A_512 = arith.subi %sign3A_508, %sign3A_511 : i32
        %sign3A_513 = arith.constant 0 : i32
        %sign3A_514 = arith.cmpi sgt, %jit3A_504, %sign3A_513 : i32
        %sign3A_515 = arith.extui %sign3A_514 : i1 to i32
        %sign3A_516 = arith.constant 0 : i32
        %sign3A_517 = arith.cmpi slt, %jit3A_504, %sign3A_516 : i32
        %sign3A_518 = arith.extui %sign3A_517 : i1 to i32
        %sign3A_519 = arith.subi %sign3A_515, %sign3A_518 : i32
        %ne3A_520 = arith.cmpi ne, %sign3A_512, %sign3A_519 : i32
        %rem3A_521 = arith.remsi %scan3A_503, %jit3A_504 : i32
        %ne3A_522 = arith.constant 0 : i32
        %ne3A_523 = arith.cmpi ne, %rem3A_521, %ne3A_522 : i32
        %and3A_524 = arith.andi %ne3A_520, %ne3A_523 : i1
        %sub3A_525 = arith.constant 1 : i32
        %sub3A_526 = arith.subi %div3A_505, %sub3A_525 : i32
        %select_n3A_527 = arith.select %and3A_524, %sub3A_526, %div3A_505 : i32
        %jit3A_528 = arith.constant 8 : i32
        %eq3A_529 = arith.constant 0 : i32
        %eq3A_530 = arith.cmpi eq, %jit3A_528, %eq3A_529 : i32
        %jit3A_531 = arith.constant 1 : i32
        %select_n3A_532 = arith.select %eq3A_530, %jit3A_531, %jit3A_528 : i32
        %rem3A_533 = arith.remsi %scan3A_503, %select_n3A_532 : i32
        %ne3A_534 = arith.constant 0 : i32
        %ne3A_535 = arith.cmpi ne, %rem3A_533, %ne3A_534 : i32
        %lt3A_536 = arith.constant 0 : i32
        %lt3A_537 = arith.cmpi slt, %rem3A_533, %lt3A_536 : i32
        %lt3A_538 = arith.constant 0 : i32
        %lt3A_539 = arith.cmpi slt, %select_n3A_532, %lt3A_538 : i32
        %ne3A_540 = arith.xori %lt3A_537, %lt3A_539 : i1
        %and3A_541 = arith.andi %ne3A_540, %ne3A_535 : i1
        %add3A_542 = arith.addi %rem3A_533, %select_n3A_532 : i32
        %select_n3A_543 = arith.select %and3A_541, %add3A_542, %rem3A_533 : i32
        %add3A_544 = arith.constant 64 : i32
        %add3A_545 = arith.addi %add3A_544, %scan3A_503 : i32
        %broadcast_in_dim3A = vector.broadcast %add3A_545 : i32 to vector<16xi32>
        %gather3A = tpu.vector_load_idx %arg22[%broadcast_in_dim3A] : memref<256xf32, #tpu.memory_space<vmem>>[vector<16xi32>], vector<16xf32>,
        %mul3A_546 = arith.mulf %get3A_222, %gather3A : vector<16xf32>
        %add3A_547 = arith.constant 8 : i32
        %add3A_548 = arith.addi %add3A_547, %select_n3A_527 : i32
        %swap3A = arith.index_cast %add3A_548 : i32 to index
        %swap3A_549 = arith.index_cast %select_n3A_543 : i32 to index
        %swap3A_550 = arith.constant 0 : index
        %swap3A_551 = tpu.vector_load %arg20[%swap3A, %swap3A_549, %swap3A_550] {strides = array<i32>} : memref<48x8x128xf32, #tpu.memory_space<vmem>>, vector<16xf32>,
        tpu.vector_store %arg20[%swap3A, %swap3A_549, %swap3A_550], %mul3A_546 {strides = array<i32>} : memref<48x8x128xf32, #tpu.memory_space<vmem>>, vector<16xf32>,
        %mul3A_552 = arith.mulf %get3A_226, %gather3A : vector<16xf32>
        %add3A_553 = arith.constant 8 : i32
        %add3A_554 = arith.addi %add3A_553, %select_n3A_527 : i32
        %swap3A_555 = arith.index_cast %add3A_554 : i32 to index
        %swap3A_556 = arith.index_cast %select_n3A_543 : i32 to index
        %swap3A_557 = arith.constant 16 : index
        %swap3A_558 = tpu.vector_load %arg20[%swap3A_555, %swap3A_556, %swap3A_557] {strides = array<i32>} : memref<48x8x128xf32, #tpu.memory_space<vmem>>, vector<16xf32>,
        tpu.vector_store %arg20[%swap3A_555, %swap3A_556, %swap3A_557], %mul3A_552 {strides = array<i32>} : memref<48x8x128xf32, #tpu.memory_space<vmem>>, vector<16xf32>,
        %mul3A_559 = arith.mulf %get3A_230, %gather3A : vector<16xf32>
        %add3A_560 = arith.constant 8 : i32
        %add3A_561 = arith.addi %add3A_560, %select_n3A_527 : i32
        %swap3A_562 = arith.index_cast %add3A_561 : i32 to index
        %swap3A_563 = arith.index_cast %select_n3A_543 : i32 to index
        %swap3A_564 = arith.constant 32 : index
        %swap3A_565 = tpu.vector_load %arg20[%swap3A_562, %swap3A_563, %swap3A_564] {strides = array<i32>} : memref<48x8x128xf32, #tpu.memory_space<vmem>>, vector<16xf32>,
        tpu.vector_store %arg20[%swap3A_562, %swap3A_563, %swap3A_564], %mul3A_559 {strides = array<i32>} : memref<48x8x128xf32, #tpu.memory_space<vmem>>, vector<16xf32>,
        %mul3A_566 = arith.mulf %get3A_234, %gather3A : vector<16xf32>
        %add3A_567 = arith.constant 8 : i32
        %add3A_568 = arith.addi %add3A_567, %select_n3A_527 : i32
        %swap3A_569 = arith.index_cast %add3A_568 : i32 to index
        %swap3A_570 = arith.index_cast %select_n3A_543 : i32 to index
        %swap3A_571 = arith.constant 48 : index
        %swap3A_572 = tpu.vector_load %arg20[%swap3A_569, %swap3A_570, %swap3A_571] {strides = array<i32>} : memref<48x8x128xf32, #tpu.memory_space<vmem>>, vector<16xf32>,
        tpu.vector_store %arg20[%swap3A_569, %swap3A_570, %swap3A_571], %mul3A_566 {strides = array<i32>} : memref<48x8x128xf32, #tpu.memory_space<vmem>>, vector<16xf32>,
        %mul3A_573 = arith.mulf %get3A_238, %gather3A : vector<16xf32>
        %add3A_574 = arith.constant 8 : i32
        %add3A_575 = arith.addi %add3A_574, %select_n3A_527 : i32
        %swap3A_576 = arith.index_cast %add3A_575 : i32 to index
        %swap3A_577 = arith.index_cast %select_n3A_543 : i32 to index
        %swap3A_578 = arith.constant 64 : index
        %swap3A_579 = tpu.vector_load %arg20[%swap3A_576, %swap3A_577, %swap3A_578] {strides = array<i32>} : memref<48x8x128xf32, #tpu.memory_space<vmem>>, vector<16xf32>,
        tpu.vector_store %arg20[%swap3A_576, %swap3A_577, %swap3A_578], %mul3A_573 {strides = array<i32>} : memref<48x8x128xf32, #tpu.memory_space<vmem>>, vector<16xf32>,
        %mul3A_580 = arith.mulf %get3A_242, %gather3A : vector<16xf32>
        %add3A_581 = arith.constant 8 : i32
        %add3A_582 = arith.addi %add3A_581, %select_n3A_527 : i32
        %swap3A_583 = arith.index_cast %add3A_582 : i32 to index
        %swap3A_584 = arith.index_cast %select_n3A_543 : i32 to index
        %swap3A_585 = arith.constant 80 : index
        %swap3A_586 = tpu.vector_load %arg20[%swap3A_583, %swap3A_584, %swap3A_585] {strides = array<i32>} : memref<48x8x128xf32, #tpu.memory_space<vmem>>, vector<16xf32>,
        tpu.vector_store %arg20[%swap3A_583, %swap3A_584, %swap3A_585], %mul3A_580 {strides = array<i32>} : memref<48x8x128xf32, #tpu.memory_space<vmem>>, vector<16xf32>,
        %mul3A_587 = arith.mulf %get3A_246, %gather3A : vector<16xf32>
        %add3A_588 = arith.constant 8 : i32
        %add3A_589 = arith.addi %add3A_588, %select_n3A_527 : i32
        %swap3A_590 = arith.index_cast %add3A_589 : i32 to index
        %swap3A_591 = arith.index_cast %select_n3A_543 : i32 to index
        %swap3A_592 = arith.constant 96 : index
        %swap3A_593 = tpu.vector_load %arg20[%swap3A_590, %swap3A_591, %swap3A_592] {strides = array<i32>} : memref<48x8x128xf32, #tpu.memory_space<vmem>>, vector<16xf32>,
        tpu.vector_store %arg20[%swap3A_590, %swap3A_591, %swap3A_592], %mul3A_587 {strides = array<i32>} : memref<48x8x128xf32, #tpu.memory_space<vmem>>, vector<16xf32>,
        %mul3A_594 = arith.mulf %get3A_250, %gather3A : vector<16xf32>
        %add3A_595 = arith.constant 8 : i32
        %add3A_596 = arith.addi %add3A_595, %select_n3A_527 : i32
        %swap3A_597 = arith.index_cast %add3A_596 : i32 to index
        %swap3A_598 = arith.index_cast %select_n3A_543 : i32 to index
        %swap3A_599 = arith.constant 112 : index
        %swap3A_600 = tpu.vector_load %arg20[%swap3A_597, %swap3A_598, %swap3A_599] {strides = array<i32>} : memref<48x8x128xf32, #tpu.memory_space<vmem>>, vector<16xf32>,
        tpu.vector_store %arg20[%swap3A_597, %swap3A_598, %swap3A_599], %mul3A_594 {strides = array<i32>} : memref<48x8x128xf32, #tpu.memory_space<vmem>>, vector<16xf32>,
      }
      %scan3A_256 = arith.constant 64 : i32
      %get3A_257 = arith.constant 2 : i32
      %get3A_258 = arith.index_cast %get3A_257 : i32 to index
      %get3A_259 = arith.constant 0 : index
      %get3A_260 = tpu.vector_load %arg15[%get3A_258, %get3A_259] {strides = array<i32>} : memref<8x128xf32, #tpu.memory_space<vmem>>, vector<16xf32>,
      %get3A_261 = arith.constant 2 : i32
      %get3A_262 = arith.index_cast %get3A_261 : i32 to index
      %get3A_263 = arith.constant 16 : index
      %get3A_264 = tpu.vector_load %arg15[%get3A_262, %get3A_263] {strides = array<i32>} : memref<8x128xf32, #tpu.memory_space<vmem>>, vector<16xf32>,
      %get3A_265 = arith.constant 2 : i32
      %get3A_266 = arith.index_cast %get3A_265 : i32 to index
      %get3A_267 = arith.constant 32 : index
      %get3A_268 = tpu.vector_load %arg15[%get3A_266, %get3A_267] {strides = array<i32>} : memref<8x128xf32, #tpu.memory_space<vmem>>, vector<16xf32>,
      %get3A_269 = arith.constant 2 : i32
      %get3A_270 = arith.index_cast %get3A_269 : i32 to index
      %get3A_271 = arith.constant 48 : index
      %get3A_272 = tpu.vector_load %arg15[%get3A_270, %get3A_271] {strides = array<i32>} : memref<8x128xf32, #tpu.memory_space<vmem>>, vector<16xf32>,
      %get3A_273 = arith.constant 2 : i32
      %get3A_274 = arith.index_cast %get3A_273 : i32 to index
      %get3A_275 = arith.constant 64 : index
      %get3A_276 = tpu.vector_load %arg15[%get3A_274, %get3A_275] {strides = array<i32>} : memref<8x128xf32, #tpu.memory_space<vmem>>, vector<16xf32>,
      %get3A_277 = arith.constant 2 : i32
      %get3A_278 = arith.index_cast %get3A_277 : i32 to index
      %get3A_279 = arith.constant 80 : index
      %get3A_280 = tpu.vector_load %arg15[%get3A_278, %get3A_279] {strides = array<i32>} : memref<8x128xf32, #tpu.memory_space<vmem>>, vector<16xf32>,
      %get3A_281 = arith.constant 2 : i32
      %get3A_282 = arith.index_cast %get3A_281 : i32 to index
      %get3A_283 = arith.constant 96 : index
      %get3A_284 = tpu.vector_load %arg15[%get3A_282, %get3A_283] {strides = array<i32>} : memref<8x128xf32, #tpu.memory_space<vmem>>, vector<16xf32>,
      %get3A_285 = arith.constant 2 : i32
      %get3A_286 = arith.index_cast %get3A_285 : i32 to index
      %get3A_287 = arith.constant 112 : index
      %get3A_288 = tpu.vector_load %arg15[%get3A_286, %get3A_287] {strides = array<i32>} : memref<8x128xf32, #tpu.memory_space<vmem>>, vector<16xf32>,
      %scan3A_289 = arith.constant 0 : i32
      %scan3A_290 = arith.constant 0 : i32
      %scan3A_291 = arith.constant 64 : i32
      %scan3A_292 = arith.addi %scan3A_290, %scan3A_291 : i32
      %scan3A_293 = arith.constant 1 : i32
      scf.for %scan3A_503 = %scan3A_290 to %scan3A_292 step %scan3A_293  : i32 {
        %jit3A_504 = arith.constant 8 : i32
        %div3A_505 = arith.divsi %scan3A_503, %jit3A_504 : i32
        %sign3A_506 = arith.constant 0 : i32
        %sign3A_507 = arith.cmpi sgt, %scan3A_503, %sign3A_506 : i32
        %sign3A_508 = arith.extui %sign3A_507 : i1 to i32
        %sign3A_509 = arith.constant 0 : i32
        %sign3A_510 = arith.cmpi slt, %scan3A_503, %sign3A_509 : i32
        %sign3A_511 = arith.extui %sign3A_510 : i1 to i32
        %sign3A_512 = arith.subi %sign3A_508, %sign3A_511 : i32
        %sign3A_513 = arith.constant 0 : i32
        %sign3A_514 = arith.cmpi sgt, %jit3A_504, %sign3A_513 : i32
        %sign3A_515 = arith.extui %sign3A_514 : i1 to i32
        %sign3A_516 = arith.constant 0 : i32
        %sign3A_517 = arith.cmpi slt, %jit3A_504, %sign3A_516 : i32
        %sign3A_518 = arith.extui %sign3A_517 : i1 to i32
        %sign3A_519 = arith.subi %sign3A_515, %sign3A_518 : i32
        %ne3A_520 = arith.cmpi ne, %sign3A_512, %sign3A_519 : i32
        %rem3A_521 = arith.remsi %scan3A_503, %jit3A_504 : i32
        %ne3A_522 = arith.constant 0 : i32
        %ne3A_523 = arith.cmpi ne, %rem3A_521, %ne3A_522 : i32
        %and3A_524 = arith.andi %ne3A_520, %ne3A_523 : i1
        %sub3A_525 = arith.constant 1 : i32
        %sub3A_526 = arith.subi %div3A_505, %sub3A_525 : i32
        %select_n3A_527 = arith.select %and3A_524, %sub3A_526, %div3A_505 : i32
        %jit3A_528 = arith.constant 8 : i32
        %eq3A_529 = arith.constant 0 : i32
        %eq3A_530 = arith.cmpi eq, %jit3A_528, %eq3A_529 : i32
        %jit3A_531 = arith.constant 1 : i32
        %select_n3A_532 = arith.select %eq3A_530, %jit3A_531, %jit3A_528 : i32
        %rem3A_533 = arith.remsi %scan3A_503, %select_n3A_532 : i32
        %ne3A_534 = arith.constant 0 : i32
        %ne3A_535 = arith.cmpi ne, %rem3A_533, %ne3A_534 : i32
        %lt3A_536 = arith.constant 0 : i32
        %lt3A_537 = arith.cmpi slt, %rem3A_533, %lt3A_536 : i32
        %lt3A_538 = arith.constant 0 : i32
        %lt3A_539 = arith.cmpi slt, %select_n3A_532, %lt3A_538 : i32
        %ne3A_540 = arith.xori %lt3A_537, %lt3A_539 : i1
        %and3A_541 = arith.andi %ne3A_540, %ne3A_535 : i1
        %add3A_542 = arith.addi %rem3A_533, %select_n3A_532 : i32
        %select_n3A_543 = arith.select %and3A_541, %add3A_542, %rem3A_533 : i32
        %add3A_544 = arith.constant 128 : i32
        %add3A_545 = arith.addi %add3A_544, %scan3A_503 : i32
        %broadcast_in_dim3A = vector.broadcast %add3A_545 : i32 to vector<16xi32>
        %gather3A = tpu.vector_load_idx %arg22[%broadcast_in_dim3A] : memref<256xf32, #tpu.memory_space<vmem>>[vector<16xi32>], vector<16xf32>,
        %mul3A_546 = arith.mulf %get3A_260, %gather3A : vector<16xf32>
        %add3A_547 = arith.constant 16 : i32
        %add3A_548 = arith.addi %add3A_547, %select_n3A_527 : i32
        %swap3A = arith.index_cast %add3A_548 : i32 to index
        %swap3A_549 = arith.index_cast %select_n3A_543 : i32 to index
        %swap3A_550 = arith.constant 0 : index
        %swap3A_551 = tpu.vector_load %arg20[%swap3A, %swap3A_549, %swap3A_550] {strides = array<i32>} : memref<48x8x128xf32, #tpu.memory_space<vmem>>, vector<16xf32>,
        tpu.vector_store %arg20[%swap3A, %swap3A_549, %swap3A_550], %mul3A_546 {strides = array<i32>} : memref<48x8x128xf32, #tpu.memory_space<vmem>>, vector<16xf32>,
        %mul3A_552 = arith.mulf %get3A_264, %gather3A : vector<16xf32>
        %add3A_553 = arith.constant 16 : i32
        %add3A_554 = arith.addi %add3A_553, %select_n3A_527 : i32
        %swap3A_555 = arith.index_cast %add3A_554 : i32 to index
        %swap3A_556 = arith.index_cast %select_n3A_543 : i32 to index
        %swap3A_557 = arith.constant 16 : index
        %swap3A_558 = tpu.vector_load %arg20[%swap3A_555, %swap3A_556, %swap3A_557] {strides = array<i32>} : memref<48x8x128xf32, #tpu.memory_space<vmem>>, vector<16xf32>,
        tpu.vector_store %arg20[%swap3A_555, %swap3A_556, %swap3A_557], %mul3A_552 {strides = array<i32>} : memref<48x8x128xf32, #tpu.memory_space<vmem>>, vector<16xf32>,
        %mul3A_559 = arith.mulf %get3A_268, %gather3A : vector<16xf32>
        %add3A_560 = arith.constant 16 : i32
        %add3A_561 = arith.addi %add3A_560, %select_n3A_527 : i32
        %swap3A_562 = arith.index_cast %add3A_561 : i32 to index
        %swap3A_563 = arith.index_cast %select_n3A_543 : i32 to index
        %swap3A_564 = arith.constant 32 : index
        %swap3A_565 = tpu.vector_load %arg20[%swap3A_562, %swap3A_563, %swap3A_564] {strides = array<i32>} : memref<48x8x128xf32, #tpu.memory_space<vmem>>, vector<16xf32>,
        tpu.vector_store %arg20[%swap3A_562, %swap3A_563, %swap3A_564], %mul3A_559 {strides = array<i32>} : memref<48x8x128xf32, #tpu.memory_space<vmem>>, vector<16xf32>,
        %mul3A_566 = arith.mulf %get3A_272, %gather3A : vector<16xf32>
        %add3A_567 = arith.constant 16 : i32
        %add3A_568 = arith.addi %add3A_567, %select_n3A_527 : i32
        %swap3A_569 = arith.index_cast %add3A_568 : i32 to index
        %swap3A_570 = arith.index_cast %select_n3A_543 : i32 to index
        %swap3A_571 = arith.constant 48 : index
        %swap3A_572 = tpu.vector_load %arg20[%swap3A_569, %swap3A_570, %swap3A_571] {strides = array<i32>} : memref<48x8x128xf32, #tpu.memory_space<vmem>>, vector<16xf32>,
        tpu.vector_store %arg20[%swap3A_569, %swap3A_570, %swap3A_571], %mul3A_566 {strides = array<i32>} : memref<48x8x128xf32, #tpu.memory_space<vmem>>, vector<16xf32>,
        %mul3A_573 = arith.mulf %get3A_276, %gather3A : vector<16xf32>
        %add3A_574 = arith.constant 16 : i32
        %add3A_575 = arith.addi %add3A_574, %select_n3A_527 : i32
        %swap3A_576 = arith.index_cast %add3A_575 : i32 to index
        %swap3A_577 = arith.index_cast %select_n3A_543 : i32 to index
        %swap3A_578 = arith.constant 64 : index
        %swap3A_579 = tpu.vector_load %arg20[%swap3A_576, %swap3A_577, %swap3A_578] {strides = array<i32>} : memref<48x8x128xf32, #tpu.memory_space<vmem>>, vector<16xf32>,
        tpu.vector_store %arg20[%swap3A_576, %swap3A_577, %swap3A_578], %mul3A_573 {strides = array<i32>} : memref<48x8x128xf32, #tpu.memory_space<vmem>>, vector<16xf32>,
        %mul3A_580 = arith.mulf %get3A_280, %gather3A : vector<16xf32>
        %add3A_581 = arith.constant 16 : i32
        %add3A_582 = arith.addi %add3A_581, %select_n3A_527 : i32
        %swap3A_583 = arith.index_cast %add3A_582 : i32 to index
        %swap3A_584 = arith.index_cast %select_n3A_543 : i32 to index
        %swap3A_585 = arith.constant 80 : index
        %swap3A_586 = tpu.vector_load %arg20[%swap3A_583, %swap3A_584, %swap3A_585] {strides = array<i32>} : memref<48x8x128xf32, #tpu.memory_space<vmem>>, vector<16xf32>,
        tpu.vector_store %arg20[%swap3A_583, %swap3A_584, %swap3A_585], %mul3A_580 {strides = array<i32>} : memref<48x8x128xf32, #tpu.memory_space<vmem>>, vector<16xf32>,
        %mul3A_587 = arith.mulf %get3A_284, %gather3A : vector<16xf32>
        %add3A_588 = arith.constant 16 : i32
        %add3A_589 = arith.addi %add3A_588, %select_n3A_527 : i32
        %swap3A_590 = arith.index_cast %add3A_589 : i32 to index
        %swap3A_591 = arith.index_cast %select_n3A_543 : i32 to index
        %swap3A_592 = arith.constant 96 : index
        %swap3A_593 = tpu.vector_load %arg20[%swap3A_590, %swap3A_591, %swap3A_592] {strides = array<i32>} : memref<48x8x128xf32, #tpu.memory_space<vmem>>, vector<16xf32>,
        tpu.vector_store %arg20[%swap3A_590, %swap3A_591, %swap3A_592], %mul3A_587 {strides = array<i32>} : memref<48x8x128xf32, #tpu.memory_space<vmem>>, vector<16xf32>,
        %mul3A_594 = arith.mulf %get3A_288, %gather3A : vector<16xf32>
        %add3A_595 = arith.constant 16 : i32
        %add3A_596 = arith.addi %add3A_595, %select_n3A_527 : i32
        %swap3A_597 = arith.index_cast %add3A_596 : i32 to index
        %swap3A_598 = arith.index_cast %select_n3A_543 : i32 to index
        %swap3A_599 = arith.constant 112 : index
        %swap3A_600 = tpu.vector_load %arg20[%swap3A_597, %swap3A_598, %swap3A_599] {strides = array<i32>} : memref<48x8x128xf32, #tpu.memory_space<vmem>>, vector<16xf32>,
        tpu.vector_store %arg20[%swap3A_597, %swap3A_598, %swap3A_599], %mul3A_594 {strides = array<i32>} : memref<48x8x128xf32, #tpu.memory_space<vmem>>, vector<16xf32>,
      }
      %scan3A_294 = arith.constant 64 : i32
      %get3A_295 = arith.constant 3 : i32
      %get3A_296 = arith.index_cast %get3A_295 : i32 to index
      %get3A_297 = arith.constant 0 : index
      %get3A_298 = tpu.vector_load %arg15[%get3A_296, %get3A_297] {strides = array<i32>} : memref<8x128xf32, #tpu.memory_space<vmem>>, vector<16xf32>,
      %get3A_299 = arith.constant 3 : i32
      %get3A_300 = arith.index_cast %get3A_299 : i32 to index
      %get3A_301 = arith.constant 16 : index
      %get3A_302 = tpu.vector_load %arg15[%get3A_300, %get3A_301] {strides = array<i32>} : memref<8x128xf32, #tpu.memory_space<vmem>>, vector<16xf32>,
      %get3A_303 = arith.constant 3 : i32
      %get3A_304 = arith.index_cast %get3A_303 : i32 to index
      %get3A_305 = arith.constant 32 : index
      %get3A_306 = tpu.vector_load %arg15[%get3A_304, %get3A_305] {strides = array<i32>} : memref<8x128xf32, #tpu.memory_space<vmem>>, vector<16xf32>,
      %get3A_307 = arith.constant 3 : i32
      %get3A_308 = arith.index_cast %get3A_307 : i32 to index
      %get3A_309 = arith.constant 48 : index
      %get3A_310 = tpu.vector_load %arg15[%get3A_308, %get3A_309] {strides = array<i32>} : memref<8x128xf32, #tpu.memory_space<vmem>>, vector<16xf32>,
      %get3A_311 = arith.constant 3 : i32
      %get3A_312 = arith.index_cast %get3A_311 : i32 to index
      %get3A_313 = arith.constant 64 : index
      %get3A_314 = tpu.vector_load %arg15[%get3A_312, %get3A_313] {strides = array<i32>} : memref<8x128xf32, #tpu.memory_space<vmem>>, vector<16xf32>,
      %get3A_315 = arith.constant 3 : i32
      %get3A_316 = arith.index_cast %get3A_315 : i32 to index
      %get3A_317 = arith.constant 80 : index
      %get3A_318 = tpu.vector_load %arg15[%get3A_316, %get3A_317] {strides = array<i32>} : memref<8x128xf32, #tpu.memory_space<vmem>>, vector<16xf32>,
      %get3A_319 = arith.constant 3 : i32
      %get3A_320 = arith.index_cast %get3A_319 : i32 to index
      %get3A_321 = arith.constant 96 : index
      %get3A_322 = tpu.vector_load %arg15[%get3A_320, %get3A_321] {strides = array<i32>} : memref<8x128xf32, #tpu.memory_space<vmem>>, vector<16xf32>,
      %get3A_323 = arith.constant 3 : i32
      %get3A_324 = arith.index_cast %get3A_323 : i32 to index
      %get3A_325 = arith.constant 112 : index
      %get3A_326 = tpu.vector_load %arg15[%get3A_324, %get3A_325] {strides = array<i32>} : memref<8x128xf32, #tpu.memory_space<vmem>>, vector<16xf32>,
      %scan3A_327 = arith.constant 0 : i32
      %scan3A_328 = arith.constant 0 : i32
      %scan3A_329 = arith.constant 64 : i32
      %scan3A_330 = arith.addi %scan3A_328, %scan3A_329 : i32
      %scan3A_331 = arith.constant 1 : i32
      scf.for %scan3A_503 = %scan3A_328 to %scan3A_330 step %scan3A_331  : i32 {
        %jit3A_504 = arith.constant 8 : i32
        %div3A_505 = arith.divsi %scan3A_503, %jit3A_504 : i32
        %sign3A_506 = arith.constant 0 : i32
        %sign3A_507 = arith.cmpi sgt, %scan3A_503, %sign3A_506 : i32
        %sign3A_508 = arith.extui %sign3A_507 : i1 to i32
        %sign3A_509 = arith.constant 0 : i32
        %sign3A_510 = arith.cmpi slt, %scan3A_503, %sign3A_509 : i32
        %sign3A_511 = arith.extui %sign3A_510 : i1 to i32
        %sign3A_512 = arith.subi %sign3A_508, %sign3A_511 : i32
        %sign3A_513 = arith.constant 0 : i32
        %sign3A_514 = arith.cmpi sgt, %jit3A_504, %sign3A_513 : i32
        %sign3A_515 = arith.extui %sign3A_514 : i1 to i32
        %sign3A_516 = arith.constant 0 : i32
        %sign3A_517 = arith.cmpi slt, %jit3A_504, %sign3A_516 : i32
        %sign3A_518 = arith.extui %sign3A_517 : i1 to i32
        %sign3A_519 = arith.subi %sign3A_515, %sign3A_518 : i32
        %ne3A_520 = arith.cmpi ne, %sign3A_512, %sign3A_519 : i32
        %rem3A_521 = arith.remsi %scan3A_503, %jit3A_504 : i32
        %ne3A_522 = arith.constant 0 : i32
        %ne3A_523 = arith.cmpi ne, %rem3A_521, %ne3A_522 : i32
        %and3A_524 = arith.andi %ne3A_520, %ne3A_523 : i1
        %sub3A_525 = arith.constant 1 : i32
        %sub3A_526 = arith.subi %div3A_505, %sub3A_525 : i32
        %select_n3A_527 = arith.select %and3A_524, %sub3A_526, %div3A_505 : i32
        %jit3A_528 = arith.constant 8 : i32
        %eq3A_529 = arith.constant 0 : i32
        %eq3A_530 = arith.cmpi eq, %jit3A_528, %eq3A_529 : i32
        %jit3A_531 = arith.constant 1 : i32
        %select_n3A_532 = arith.select %eq3A_530, %jit3A_531, %jit3A_528 : i32
        %rem3A_533 = arith.remsi %scan3A_503, %select_n3A_532 : i32
        %ne3A_534 = arith.constant 0 : i32
        %ne3A_535 = arith.cmpi ne, %rem3A_533, %ne3A_534 : i32
        %lt3A_536 = arith.constant 0 : i32
        %lt3A_537 = arith.cmpi slt, %rem3A_533, %lt3A_536 : i32
        %lt3A_538 = arith.constant 0 : i32
        %lt3A_539 = arith.cmpi slt, %select_n3A_532, %lt3A_538 : i32
        %ne3A_540 = arith.xori %lt3A_537, %lt3A_539 : i1
        %and3A_541 = arith.andi %ne3A_540, %ne3A_535 : i1
        %add3A_542 = arith.addi %rem3A_533, %select_n3A_532 : i32
        %select_n3A_543 = arith.select %and3A_541, %add3A_542, %rem3A_533 : i32
        %add3A_544 = arith.constant 192 : i32
        %add3A_545 = arith.addi %add3A_544, %scan3A_503 : i32
        %broadcast_in_dim3A = vector.broadcast %add3A_545 : i32 to vector<16xi32>
        %gather3A = tpu.vector_load_idx %arg22[%broadcast_in_dim3A] : memref<256xf32, #tpu.memory_space<vmem>>[vector<16xi32>], vector<16xf32>,
        %mul3A_546 = arith.mulf %get3A_298, %gather3A : vector<16xf32>
        %add3A_547 = arith.constant 24 : i32
        %add3A_548 = arith.addi %add3A_547, %select_n3A_527 : i32
        %swap3A = arith.index_cast %add3A_548 : i32 to index
        %swap3A_549 = arith.index_cast %select_n3A_543 : i32 to index
        %swap3A_550 = arith.constant 0 : index
        %swap3A_551 = tpu.vector_load %arg20[%swap3A, %swap3A_549, %swap3A_550] {strides = array<i32>} : memref<48x8x128xf32, #tpu.memory_space<vmem>>, vector<16xf32>,
        tpu.vector_store %arg20[%swap3A, %swap3A_549, %swap3A_550], %mul3A_546 {strides = array<i32>} : memref<48x8x128xf32, #tpu.memory_space<vmem>>, vector<16xf32>,
        %mul3A_552 = arith.mulf %get3A_302, %gather3A : vector<16xf32>
        %add3A_553 = arith.constant 24 : i32
        %add3A_554 = arith.addi %add3A_553, %select_n3A_527 : i32
        %swap3A_555 = arith.index_cast %add3A_554 : i32 to index
        %swap3A_556 = arith.index_cast %select_n3A_543 : i32 to index
        %swap3A_557 = arith.constant 16 : index
        %swap3A_558 = tpu.vector_load %arg20[%swap3A_555, %swap3A_556, %swap3A_557] {strides = array<i32>} : memref<48x8x128xf32, #tpu.memory_space<vmem>>, vector<16xf32>,
        tpu.vector_store %arg20[%swap3A_555, %swap3A_556, %swap3A_557], %mul3A_552 {strides = array<i32>} : memref<48x8x128xf32, #tpu.memory_space<vmem>>, vector<16xf32>,
        %mul3A_559 = arith.mulf %get3A_306, %gather3A : vector<16xf32>
        %add3A_560 = arith.constant 24 : i32
        %add3A_561 = arith.addi %add3A_560, %select_n3A_527 : i32
        %swap3A_562 = arith.index_cast %add3A_561 : i32 to index
        %swap3A_563 = arith.index_cast %select_n3A_543 : i32 to index
        %swap3A_564 = arith.constant 32 : index
        %swap3A_565 = tpu.vector_load %arg20[%swap3A_562, %swap3A_563, %swap3A_564] {strides = array<i32>} : memref<48x8x128xf32, #tpu.memory_space<vmem>>, vector<16xf32>,
        tpu.vector_store %arg20[%swap3A_562, %swap3A_563, %swap3A_564], %mul3A_559 {strides = array<i32>} : memref<48x8x128xf32, #tpu.memory_space<vmem>>, vector<16xf32>,
        %mul3A_566 = arith.mulf %get3A_310, %gather3A : vector<16xf32>
        %add3A_567 = arith.constant 24 : i32
        %add3A_568 = arith.addi %add3A_567, %select_n3A_527 : i32
        %swap3A_569 = arith.index_cast %add3A_568 : i32 to index
        %swap3A_570 = arith.index_cast %select_n3A_543 : i32 to index
        %swap3A_571 = arith.constant 48 : index
        %swap3A_572 = tpu.vector_load %arg20[%swap3A_569, %swap3A_570, %swap3A_571] {strides = array<i32>} : memref<48x8x128xf32, #tpu.memory_space<vmem>>, vector<16xf32>,
        tpu.vector_store %arg20[%swap3A_569, %swap3A_570, %swap3A_571], %mul3A_566 {strides = array<i32>} : memref<48x8x128xf32, #tpu.memory_space<vmem>>, vector<16xf32>,
        %mul3A_573 = arith.mulf %get3A_314, %gather3A : vector<16xf32>
        %add3A_574 = arith.constant 24 : i32
        %add3A_575 = arith.addi %add3A_574, %select_n3A_527 : i32
        %swap3A_576 = arith.index_cast %add3A_575 : i32 to index
        %swap3A_577 = arith.index_cast %select_n3A_543 : i32 to index
        %swap3A_578 = arith.constant 64 : index
        %swap3A_579 = tpu.vector_load %arg20[%swap3A_576, %swap3A_577, %swap3A_578] {strides = array<i32>} : memref<48x8x128xf32, #tpu.memory_space<vmem>>, vector<16xf32>,
        tpu.vector_store %arg20[%swap3A_576, %swap3A_577, %swap3A_578], %mul3A_573 {strides = array<i32>} : memref<48x8x128xf32, #tpu.memory_space<vmem>>, vector<16xf32>,
        %mul3A_580 = arith.mulf %get3A_318, %gather3A : vector<16xf32>
        %add3A_581 = arith.constant 24 : i32
        %add3A_582 = arith.addi %add3A_581, %select_n3A_527 : i32
        %swap3A_583 = arith.index_cast %add3A_582 : i32 to index
        %swap3A_584 = arith.index_cast %select_n3A_543 : i32 to index
        %swap3A_585 = arith.constant 80 : index
        %swap3A_586 = tpu.vector_load %arg20[%swap3A_583, %swap3A_584, %swap3A_585] {strides = array<i32>} : memref<48x8x128xf32, #tpu.memory_space<vmem>>, vector<16xf32>,
        tpu.vector_store %arg20[%swap3A_583, %swap3A_584, %swap3A_585], %mul3A_580 {strides = array<i32>} : memref<48x8x128xf32, #tpu.memory_space<vmem>>, vector<16xf32>,
        %mul3A_587 = arith.mulf %get3A_322, %gather3A : vector<16xf32>
        %add3A_588 = arith.constant 24 : i32
        %add3A_589 = arith.addi %add3A_588, %select_n3A_527 : i32
        %swap3A_590 = arith.index_cast %add3A_589 : i32 to index
        %swap3A_591 = arith.index_cast %select_n3A_543 : i32 to index
        %swap3A_592 = arith.constant 96 : index
        %swap3A_593 = tpu.vector_load %arg20[%swap3A_590, %swap3A_591, %swap3A_592] {strides = array<i32>} : memref<48x8x128xf32, #tpu.memory_space<vmem>>, vector<16xf32>,
        tpu.vector_store %arg20[%swap3A_590, %swap3A_591, %swap3A_592], %mul3A_587 {strides = array<i32>} : memref<48x8x128xf32, #tpu.memory_space<vmem>>, vector<16xf32>,
        %mul3A_594 = arith.mulf %get3A_326, %gather3A : vector<16xf32>
        %add3A_595 = arith.constant 24 : i32
        %add3A_596 = arith.addi %add3A_595, %select_n3A_527 : i32
        %swap3A_597 = arith.index_cast %add3A_596 : i32 to index
        %swap3A_598 = arith.index_cast %select_n3A_543 : i32 to index
        %swap3A_599 = arith.constant 112 : index
        %swap3A_600 = tpu.vector_load %arg20[%swap3A_597, %swap3A_598, %swap3A_599] {strides = array<i32>} : memref<48x8x128xf32, #tpu.memory_space<vmem>>, vector<16xf32>,
        tpu.vector_store %arg20[%swap3A_597, %swap3A_598, %swap3A_599], %mul3A_594 {strides = array<i32>} : memref<48x8x128xf32, #tpu.memory_space<vmem>>, vector<16xf32>,
      }
      %scan3A_332 = arith.constant 64 : i32
      %gt3A_333 = arith.constant 0 : i32
      %gt3A_334 = arith.cmpi sgt, %scan3A_103, %gt3A_333 : i32
      %convert_element_type3A_335 = arith.extui %gt3A_334 : i1 to i32
      %cond3A_336 = arith.constant 0 : i32
      %cond3A_337 = arith.cmpi ne, %convert_element_type3A_335, %cond3A_336 : i32
      scf.if %cond3A_337 {
        %dma_wait3A_503 = arith.constant 0 : i32
        %dma_wait3A_504 = arith.constant 0 : i32
        %dma_wait3A_505 = arith.constant 0 : i32
        %dma_wait3A_506 = arith.constant 0 : i32
        %dma_wait3A_507 = tpu.memref_slice %arg13[%dma_wait3A_504, %dma_wait3A_503, %dma_wait3A_505, %dma_wait3A_506] : memref<4800x8x8x128xf32, #tpu.memory_space<hbm>> -> memref<24x1x8x128xf32, #tpu.memory_space<hbm>>
        %dma_wait3A_508 = tpu.memref_squeeze %dma_wait3A_507 : memref<24x1x8x128xf32, #tpu.memory_space<hbm>> -> memref<24x8x128xf32, #tpu.memory_space<hbm>>
        %dma_wait3A_509 = arith.constant 0 : i32
        %dma_wait3A_510 = arith.constant 0 : i32
        %dma_wait3A_511 = arith.constant 0 : i32
        %dma_wait3A_512 = tpu.memref_slice %arg13[%dma_wait3A_509, %dma_wait3A_503, %dma_wait3A_510, %dma_wait3A_511] : memref<4800x8x8x128xf32, #tpu.memory_space<hbm>> -> memref<24x1x8x128xf32, #tpu.memory_space<hbm>>
        %dma_wait3A_513 = tpu.memref_squeeze %dma_wait3A_512 : memref<24x1x8x128xf32, #tpu.memory_space<hbm>> -> memref<24x8x128xf32, #tpu.memory_space<hbm>>
        tpu.wait_dma2 semaphore(%arg30 : memref<!tpu.dma_semaphore, #tpu.memory_space<semaphore_mem>>) src(%arg21 : memref<24x8x128xf32, #tpu.memory_space<vmem>>) dst(%dma_wait3A_513 : memref<24x8x128xf32, #tpu.memory_space<hbm>>)
      } else {
      }
      %get3A_338 = arith.constant 4 : i32
      %get3A_339 = arith.index_cast %get3A_338 : i32 to index
      %get3A_340 = arith.constant 0 : index
      %get3A_341 = tpu.vector_load %arg15[%get3A_339, %get3A_340] {strides = array<i32>} : memref<8x128xf32, #tpu.memory_space<vmem>>, vector<16xf32>,
      %get3A_342 = arith.constant 4 : i32
      %get3A_343 = arith.index_cast %get3A_342 : i32 to index
      %get3A_344 = arith.constant 16 : index
      %get3A_345 = tpu.vector_load %arg15[%get3A_343, %get3A_344] {strides = array<i32>} : memref<8x128xf32, #tpu.memory_space<vmem>>, vector<16xf32>,
      %get3A_346 = arith.constant 4 : i32
      %get3A_347 = arith.index_cast %get3A_346 : i32 to index
      %get3A_348 = arith.constant 32 : index
      %get3A_349 = tpu.vector_load %arg15[%get3A_347, %get3A_348] {strides = array<i32>} : memref<8x128xf32, #tpu.memory_space<vmem>>, vector<16xf32>,
      %get3A_350 = arith.constant 4 : i32
      %get3A_351 = arith.index_cast %get3A_350 : i32 to index
      %get3A_352 = arith.constant 48 : index
      %get3A_353 = tpu.vector_load %arg15[%get3A_351, %get3A_352] {strides = array<i32>} : memref<8x128xf32, #tpu.memory_space<vmem>>, vector<16xf32>,
      %get3A_354 = arith.constant 4 : i32
      %get3A_355 = arith.index_cast %get3A_354 : i32 to index
      %get3A_356 = arith.constant 64 : index
      %get3A_357 = tpu.vector_load %arg15[%get3A_355, %get3A_356] {strides = array<i32>} : memref<8x128xf32, #tpu.memory_space<vmem>>, vector<16xf32>,
      %get3A_358 = arith.constant 4 : i32
      %get3A_359 = arith.index_cast %get3A_358 : i32 to index
      %get3A_360 = arith.constant 80 : index
      %get3A_361 = tpu.vector_load %arg15[%get3A_359, %get3A_360] {strides = array<i32>} : memref<8x128xf32, #tpu.memory_space<vmem>>, vector<16xf32>,
      %get3A_362 = arith.constant 4 : i32
      %get3A_363 = arith.index_cast %get3A_362 : i32 to index
      %get3A_364 = arith.constant 96 : index
      %get3A_365 = tpu.vector_load %arg15[%get3A_363, %get3A_364] {strides = array<i32>} : memref<8x128xf32, #tpu.memory_space<vmem>>, vector<16xf32>,
      %get3A_366 = arith.constant 4 : i32
      %get3A_367 = arith.index_cast %get3A_366 : i32 to index
      %get3A_368 = arith.constant 112 : index
      %get3A_369 = tpu.vector_load %arg15[%get3A_367, %get3A_368] {strides = array<i32>} : memref<8x128xf32, #tpu.memory_space<vmem>>, vector<16xf32>,
      %scan3A_370 = arith.constant 0 : i32
      %scan3A_371 = arith.constant 0 : i32
      %scan3A_372 = arith.constant 64 : i32
      %scan3A_373 = arith.addi %scan3A_371, %scan3A_372 : i32
      %scan3A_374 = arith.constant 1 : i32
      scf.for %scan3A_503 = %scan3A_371 to %scan3A_373 step %scan3A_374  : i32 {
        %jit3A_504 = arith.constant 8 : i32
        %div3A_505 = arith.divsi %scan3A_503, %jit3A_504 : i32
        %sign3A_506 = arith.constant 0 : i32
        %sign3A_507 = arith.cmpi sgt, %scan3A_503, %sign3A_506 : i32
        %sign3A_508 = arith.extui %sign3A_507 : i1 to i32
        %sign3A_509 = arith.constant 0 : i32
        %sign3A_510 = arith.cmpi slt, %scan3A_503, %sign3A_509 : i32
        %sign3A_511 = arith.extui %sign3A_510 : i1 to i32
        %sign3A_512 = arith.subi %sign3A_508, %sign3A_511 : i32
        %sign3A_513 = arith.constant 0 : i32
        %sign3A_514 = arith.cmpi sgt, %jit3A_504, %sign3A_513 : i32
        %sign3A_515 = arith.extui %sign3A_514 : i1 to i32
        %sign3A_516 = arith.constant 0 : i32
        %sign3A_517 = arith.cmpi slt, %jit3A_504, %sign3A_516 : i32
        %sign3A_518 = arith.extui %sign3A_517 : i1 to i32
        %sign3A_519 = arith.subi %sign3A_515, %sign3A_518 : i32
        %ne3A_520 = arith.cmpi ne, %sign3A_512, %sign3A_519 : i32
        %rem3A_521 = arith.remsi %scan3A_503, %jit3A_504 : i32
        %ne3A_522 = arith.constant 0 : i32
        %ne3A_523 = arith.cmpi ne, %rem3A_521, %ne3A_522 : i32
        %and3A_524 = arith.andi %ne3A_520, %ne3A_523 : i1
        %sub3A_525 = arith.constant 1 : i32
        %sub3A_526 = arith.subi %div3A_505, %sub3A_525 : i32
        %select_n3A_527 = arith.select %and3A_524, %sub3A_526, %div3A_505 : i32
        %jit3A_528 = arith.constant 8 : i32
        %eq3A_529 = arith.constant 0 : i32
        %eq3A_530 = arith.cmpi eq, %jit3A_528, %eq3A_529 : i32
        %jit3A_531 = arith.constant 1 : i32
        %select_n3A_532 = arith.select %eq3A_530, %jit3A_531, %jit3A_528 : i32
        %rem3A_533 = arith.remsi %scan3A_503, %select_n3A_532 : i32
        %ne3A_534 = arith.constant 0 : i32
        %ne3A_535 = arith.cmpi ne, %rem3A_533, %ne3A_534 : i32
        %lt3A_536 = arith.constant 0 : i32
        %lt3A_537 = arith.cmpi slt, %rem3A_533, %lt3A_536 : i32
        %lt3A_538 = arith.constant 0 : i32
        %lt3A_539 = arith.cmpi slt, %select_n3A_532, %lt3A_538 : i32
        %ne3A_540 = arith.xori %lt3A_537, %lt3A_539 : i1
        %and3A_541 = arith.andi %ne3A_540, %ne3A_535 : i1
        %add3A_542 = arith.addi %rem3A_533, %select_n3A_532 : i32
        %select_n3A_543 = arith.select %and3A_541, %add3A_542, %rem3A_533 : i32
        %add3A_544 = arith.constant 0 : i32
        %add3A_545 = arith.addi %add3A_544, %scan3A_503 : i32
        %broadcast_in_dim3A = vector.broadcast %add3A_545 : i32 to vector<16xi32>
        %gather3A = tpu.vector_load_idx %arg24[%broadcast_in_dim3A] : memref<192xf32, #tpu.memory_space<vmem>>[vector<16xi32>], vector<16xf32>,
        %mul3A_546 = arith.mulf %get3A_341, %gather3A : vector<16xf32>
        %add3A_547 = arith.constant 0 : i32
        %add3A_548 = arith.addi %add3A_547, %select_n3A_527 : i32
        %swap3A = arith.index_cast %add3A_548 : i32 to index
        %swap3A_549 = arith.index_cast %select_n3A_543 : i32 to index
        %swap3A_550 = arith.constant 0 : index
        %swap3A_551 = tpu.vector_load %arg21[%swap3A, %swap3A_549, %swap3A_550] {strides = array<i32>} : memref<24x8x128xf32, #tpu.memory_space<vmem>>, vector<16xf32>,
        tpu.vector_store %arg21[%swap3A, %swap3A_549, %swap3A_550], %mul3A_546 {strides = array<i32>} : memref<24x8x128xf32, #tpu.memory_space<vmem>>, vector<16xf32>,
        %mul3A_552 = arith.mulf %get3A_345, %gather3A : vector<16xf32>
        %add3A_553 = arith.constant 0 : i32
        %add3A_554 = arith.addi %add3A_553, %select_n3A_527 : i32
        %swap3A_555 = arith.index_cast %add3A_554 : i32 to index
        %swap3A_556 = arith.index_cast %select_n3A_543 : i32 to index
        %swap3A_557 = arith.constant 16 : index
        %swap3A_558 = tpu.vector_load %arg21[%swap3A_555, %swap3A_556, %swap3A_557] {strides = array<i32>} : memref<24x8x128xf32, #tpu.memory_space<vmem>>, vector<16xf32>,
        tpu.vector_store %arg21[%swap3A_555, %swap3A_556, %swap3A_557], %mul3A_552 {strides = array<i32>} : memref<24x8x128xf32, #tpu.memory_space<vmem>>, vector<16xf32>,
        %mul3A_559 = arith.mulf %get3A_349, %gather3A : vector<16xf32>
        %add3A_560 = arith.constant 0 : i32
        %add3A_561 = arith.addi %add3A_560, %select_n3A_527 : i32
        %swap3A_562 = arith.index_cast %add3A_561 : i32 to index
        %swap3A_563 = arith.index_cast %select_n3A_543 : i32 to index
        %swap3A_564 = arith.constant 32 : index
        %swap3A_565 = tpu.vector_load %arg21[%swap3A_562, %swap3A_563, %swap3A_564] {strides = array<i32>} : memref<24x8x128xf32, #tpu.memory_space<vmem>>, vector<16xf32>,
        tpu.vector_store %arg21[%swap3A_562, %swap3A_563, %swap3A_564], %mul3A_559 {strides = array<i32>} : memref<24x8x128xf32, #tpu.memory_space<vmem>>, vector<16xf32>,
        %mul3A_566 = arith.mulf %get3A_353, %gather3A : vector<16xf32>
        %add3A_567 = arith.constant 0 : i32
        %add3A_568 = arith.addi %add3A_567, %select_n3A_527 : i32
        %swap3A_569 = arith.index_cast %add3A_568 : i32 to index
        %swap3A_570 = arith.index_cast %select_n3A_543 : i32 to index
        %swap3A_571 = arith.constant 48 : index
        %swap3A_572 = tpu.vector_load %arg21[%swap3A_569, %swap3A_570, %swap3A_571] {strides = array<i32>} : memref<24x8x128xf32, #tpu.memory_space<vmem>>, vector<16xf32>,
        tpu.vector_store %arg21[%swap3A_569, %swap3A_570, %swap3A_571], %mul3A_566 {strides = array<i32>} : memref<24x8x128xf32, #tpu.memory_space<vmem>>, vector<16xf32>,
        %mul3A_573 = arith.mulf %get3A_357, %gather3A : vector<16xf32>
        %add3A_574 = arith.constant 0 : i32
        %add3A_575 = arith.addi %add3A_574, %select_n3A_527 : i32
        %swap3A_576 = arith.index_cast %add3A_575 : i32 to index
        %swap3A_577 = arith.index_cast %select_n3A_543 : i32 to index
        %swap3A_578 = arith.constant 64 : index
        %swap3A_579 = tpu.vector_load %arg21[%swap3A_576, %swap3A_577, %swap3A_578] {strides = array<i32>} : memref<24x8x128xf32, #tpu.memory_space<vmem>>, vector<16xf32>,
        tpu.vector_store %arg21[%swap3A_576, %swap3A_577, %swap3A_578], %mul3A_573 {strides = array<i32>} : memref<24x8x128xf32, #tpu.memory_space<vmem>>, vector<16xf32>,
        %mul3A_580 = arith.mulf %get3A_361, %gather3A : vector<16xf32>
        %add3A_581 = arith.constant 0 : i32
        %add3A_582 = arith.addi %add3A_581, %select_n3A_527 : i32
        %swap3A_583 = arith.index_cast %add3A_582 : i32 to index
        %swap3A_584 = arith.index_cast %select_n3A_543 : i32 to index
        %swap3A_585 = arith.constant 80 : index
        %swap3A_586 = tpu.vector_load %arg21[%swap3A_583, %swap3A_584, %swap3A_585] {strides = array<i32>} : memref<24x8x128xf32, #tpu.memory_space<vmem>>, vector<16xf32>,
        tpu.vector_store %arg21[%swap3A_583, %swap3A_584, %swap3A_585], %mul3A_580 {strides = array<i32>} : memref<24x8x128xf32, #tpu.memory_space<vmem>>, vector<16xf32>,
        %mul3A_587 = arith.mulf %get3A_365, %gather3A : vector<16xf32>
        %add3A_588 = arith.constant 0 : i32
        %add3A_589 = arith.addi %add3A_588, %select_n3A_527 : i32
        %swap3A_590 = arith.index_cast %add3A_589 : i32 to index
        %swap3A_591 = arith.index_cast %select_n3A_543 : i32 to index
        %swap3A_592 = arith.constant 96 : index
        %swap3A_593 = tpu.vector_load %arg21[%swap3A_590, %swap3A_591, %swap3A_592] {strides = array<i32>} : memref<24x8x128xf32, #tpu.memory_space<vmem>>, vector<16xf32>,
        tpu.vector_store %arg21[%swap3A_590, %swap3A_591, %swap3A_592], %mul3A_587 {strides = array<i32>} : memref<24x8x128xf32, #tpu.memory_space<vmem>>, vector<16xf32>,
        %mul3A_594 = arith.mulf %get3A_369, %gather3A : vector<16xf32>
        %add3A_595 = arith.constant 0 : i32
        %add3A_596 = arith.addi %add3A_595, %select_n3A_527 : i32
        %swap3A_597 = arith.index_cast %add3A_596 : i32 to index
        %swap3A_598 = arith.index_cast %select_n3A_543 : i32 to index
        %swap3A_599 = arith.constant 112 : index
        %swap3A_600 = tpu.vector_load %arg21[%swap3A_597, %swap3A_598, %swap3A_599] {strides = array<i32>} : memref<24x8x128xf32, #tpu.memory_space<vmem>>, vector<16xf32>,
        tpu.vector_store %arg21[%swap3A_597, %swap3A_598, %swap3A_599], %mul3A_594 {strides = array<i32>} : memref<24x8x128xf32, #tpu.memory_space<vmem>>, vector<16xf32>,
      }
      %scan3A_375 = arith.constant 64 : i32
      %get3A_376 = arith.constant 5 : i32
      %get3A_377 = arith.index_cast %get3A_376 : i32 to index
      %get3A_378 = arith.constant 0 : index
      %get3A_379 = tpu.vector_load %arg15[%get3A_377, %get3A_378] {strides = array<i32>} : memref<8x128xf32, #tpu.memory_space<vmem>>, vector<16xf32>,
      %get3A_380 = arith.constant 5 : i32
      %get3A_381 = arith.index_cast %get3A_380 : i32 to index
      %get3A_382 = arith.constant 16 : index
      %get3A_383 = tpu.vector_load %arg15[%get3A_381, %get3A_382] {strides = array<i32>} : memref<8x128xf32, #tpu.memory_space<vmem>>, vector<16xf32>,
      %get3A_384 = arith.constant 5 : i32
      %get3A_385 = arith.index_cast %get3A_384 : i32 to index
      %get3A_386 = arith.constant 32 : index
      %get3A_387 = tpu.vector_load %arg15[%get3A_385, %get3A_386] {strides = array<i32>} : memref<8x128xf32, #tpu.memory_space<vmem>>, vector<16xf32>,
      %get3A_388 = arith.constant 5 : i32
      %get3A_389 = arith.index_cast %get3A_388 : i32 to index
      %get3A_390 = arith.constant 48 : index
      %get3A_391 = tpu.vector_load %arg15[%get3A_389, %get3A_390] {strides = array<i32>} : memref<8x128xf32, #tpu.memory_space<vmem>>, vector<16xf32>,
      %get3A_392 = arith.constant 5 : i32
      %get3A_393 = arith.index_cast %get3A_392 : i32 to index
      %get3A_394 = arith.constant 64 : index
      %get3A_395 = tpu.vector_load %arg15[%get3A_393, %get3A_394] {strides = array<i32>} : memref<8x128xf32, #tpu.memory_space<vmem>>, vector<16xf32>,
      %get3A_396 = arith.constant 5 : i32
      %get3A_397 = arith.index_cast %get3A_396 : i32 to index
      %get3A_398 = arith.constant 80 : index
      %get3A_399 = tpu.vector_load %arg15[%get3A_397, %get3A_398] {strides = array<i32>} : memref<8x128xf32, #tpu.memory_space<vmem>>, vector<16xf32>,
      %get3A_400 = arith.constant 5 : i32
      %get3A_401 = arith.index_cast %get3A_400 : i32 to index
      %get3A_402 = arith.constant 96 : index
      %get3A_403 = tpu.vector_load %arg15[%get3A_401, %get3A_402] {strides = array<i32>} : memref<8x128xf32, #tpu.memory_space<vmem>>, vector<16xf32>,
      %get3A_404 = arith.constant 5 : i32
      %get3A_405 = arith.index_cast %get3A_404 : i32 to index
      %get3A_406 = arith.constant 112 : index
      %get3A_407 = tpu.vector_load %arg15[%get3A_405, %get3A_406] {strides = array<i32>} : memref<8x128xf32, #tpu.memory_space<vmem>>, vector<16xf32>,
      %scan3A_408 = arith.constant 0 : i32
      %scan3A_409 = arith.constant 0 : i32
      %scan3A_410 = arith.constant 64 : i32
      %scan3A_411 = arith.addi %scan3A_409, %scan3A_410 : i32
      %scan3A_412 = arith.constant 1 : i32
      scf.for %scan3A_503 = %scan3A_409 to %scan3A_411 step %scan3A_412  : i32 {
        %jit3A_504 = arith.constant 8 : i32
        %div3A_505 = arith.divsi %scan3A_503, %jit3A_504 : i32
        %sign3A_506 = arith.constant 0 : i32
        %sign3A_507 = arith.cmpi sgt, %scan3A_503, %sign3A_506 : i32
        %sign3A_508 = arith.extui %sign3A_507 : i1 to i32
        %sign3A_509 = arith.constant 0 : i32
        %sign3A_510 = arith.cmpi slt, %scan3A_503, %sign3A_509 : i32
        %sign3A_511 = arith.extui %sign3A_510 : i1 to i32
        %sign3A_512 = arith.subi %sign3A_508, %sign3A_511 : i32
        %sign3A_513 = arith.constant 0 : i32
        %sign3A_514 = arith.cmpi sgt, %jit3A_504, %sign3A_513 : i32
        %sign3A_515 = arith.extui %sign3A_514 : i1 to i32
        %sign3A_516 = arith.constant 0 : i32
        %sign3A_517 = arith.cmpi slt, %jit3A_504, %sign3A_516 : i32
        %sign3A_518 = arith.extui %sign3A_517 : i1 to i32
        %sign3A_519 = arith.subi %sign3A_515, %sign3A_518 : i32
        %ne3A_520 = arith.cmpi ne, %sign3A_512, %sign3A_519 : i32
        %rem3A_521 = arith.remsi %scan3A_503, %jit3A_504 : i32
        %ne3A_522 = arith.constant 0 : i32
        %ne3A_523 = arith.cmpi ne, %rem3A_521, %ne3A_522 : i32
        %and3A_524 = arith.andi %ne3A_520, %ne3A_523 : i1
        %sub3A_525 = arith.constant 1 : i32
        %sub3A_526 = arith.subi %div3A_505, %sub3A_525 : i32
        %select_n3A_527 = arith.select %and3A_524, %sub3A_526, %div3A_505 : i32
        %jit3A_528 = arith.constant 8 : i32
        %eq3A_529 = arith.constant 0 : i32
        %eq3A_530 = arith.cmpi eq, %jit3A_528, %eq3A_529 : i32
        %jit3A_531 = arith.constant 1 : i32
        %select_n3A_532 = arith.select %eq3A_530, %jit3A_531, %jit3A_528 : i32
        %rem3A_533 = arith.remsi %scan3A_503, %select_n3A_532 : i32
        %ne3A_534 = arith.constant 0 : i32
        %ne3A_535 = arith.cmpi ne, %rem3A_533, %ne3A_534 : i32
        %lt3A_536 = arith.constant 0 : i32
        %lt3A_537 = arith.cmpi slt, %rem3A_533, %lt3A_536 : i32
        %lt3A_538 = arith.constant 0 : i32
        %lt3A_539 = arith.cmpi slt, %select_n3A_532, %lt3A_538 : i32
        %ne3A_540 = arith.xori %lt3A_537, %lt3A_539 : i1
        %and3A_541 = arith.andi %ne3A_540, %ne3A_535 : i1
        %add3A_542 = arith.addi %rem3A_533, %select_n3A_532 : i32
        %select_n3A_543 = arith.select %and3A_541, %add3A_542, %rem3A_533 : i32
        %add3A_544 = arith.constant 64 : i32
        %add3A_545 = arith.addi %add3A_544, %scan3A_503 : i32
        %broadcast_in_dim3A = vector.broadcast %add3A_545 : i32 to vector<16xi32>
        %gather3A = tpu.vector_load_idx %arg24[%broadcast_in_dim3A] : memref<192xf32, #tpu.memory_space<vmem>>[vector<16xi32>], vector<16xf32>,
        %mul3A_546 = arith.mulf %get3A_379, %gather3A : vector<16xf32>
        %add3A_547 = arith.constant 8 : i32
        %add3A_548 = arith.addi %add3A_547, %select_n3A_527 : i32
        %swap3A = arith.index_cast %add3A_548 : i32 to index
        %swap3A_549 = arith.index_cast %select_n3A_543 : i32 to index
        %swap3A_550 = arith.constant 0 : index
        %swap3A_551 = tpu.vector_load %arg21[%swap3A, %swap3A_549, %swap3A_550] {strides = array<i32>} : memref<24x8x128xf32, #tpu.memory_space<vmem>>, vector<16xf32>,
        tpu.vector_store %arg21[%swap3A, %swap3A_549, %swap3A_550], %mul3A_546 {strides = array<i32>} : memref<24x8x128xf32, #tpu.memory_space<vmem>>, vector<16xf32>,
        %mul3A_552 = arith.mulf %get3A_383, %gather3A : vector<16xf32>
        %add3A_553 = arith.constant 8 : i32
        %add3A_554 = arith.addi %add3A_553, %select_n3A_527 : i32
        %swap3A_555 = arith.index_cast %add3A_554 : i32 to index
        %swap3A_556 = arith.index_cast %select_n3A_543 : i32 to index
        %swap3A_557 = arith.constant 16 : index
        %swap3A_558 = tpu.vector_load %arg21[%swap3A_555, %swap3A_556, %swap3A_557] {strides = array<i32>} : memref<24x8x128xf32, #tpu.memory_space<vmem>>, vector<16xf32>,
        tpu.vector_store %arg21[%swap3A_555, %swap3A_556, %swap3A_557], %mul3A_552 {strides = array<i32>} : memref<24x8x128xf32, #tpu.memory_space<vmem>>, vector<16xf32>,
        %mul3A_559 = arith.mulf %get3A_387, %gather3A : vector<16xf32>
        %add3A_560 = arith.constant 8 : i32
        %add3A_561 = arith.addi %add3A_560, %select_n3A_527 : i32
        %swap3A_562 = arith.index_cast %add3A_561 : i32 to index
        %swap3A_563 = arith.index_cast %select_n3A_543 : i32 to index
        %swap3A_564 = arith.constant 32 : index
        %swap3A_565 = tpu.vector_load %arg21[%swap3A_562, %swap3A_563, %swap3A_564] {strides = array<i32>} : memref<24x8x128xf32, #tpu.memory_space<vmem>>, vector<16xf32>,
        tpu.vector_store %arg21[%swap3A_562, %swap3A_563, %swap3A_564], %mul3A_559 {strides = array<i32>} : memref<24x8x128xf32, #tpu.memory_space<vmem>>, vector<16xf32>,
        %mul3A_566 = arith.mulf %get3A_391, %gather3A : vector<16xf32>
        %add3A_567 = arith.constant 8 : i32
        %add3A_568 = arith.addi %add3A_567, %select_n3A_527 : i32
        %swap3A_569 = arith.index_cast %add3A_568 : i32 to index
        %swap3A_570 = arith.index_cast %select_n3A_543 : i32 to index
        %swap3A_571 = arith.constant 48 : index
        %swap3A_572 = tpu.vector_load %arg21[%swap3A_569, %swap3A_570, %swap3A_571] {strides = array<i32>} : memref<24x8x128xf32, #tpu.memory_space<vmem>>, vector<16xf32>,
        tpu.vector_store %arg21[%swap3A_569, %swap3A_570, %swap3A_571], %mul3A_566 {strides = array<i32>} : memref<24x8x128xf32, #tpu.memory_space<vmem>>, vector<16xf32>,
        %mul3A_573 = arith.mulf %get3A_395, %gather3A : vector<16xf32>
        %add3A_574 = arith.constant 8 : i32
        %add3A_575 = arith.addi %add3A_574, %select_n3A_527 : i32
        %swap3A_576 = arith.index_cast %add3A_575 : i32 to index
        %swap3A_577 = arith.index_cast %select_n3A_543 : i32 to index
        %swap3A_578 = arith.constant 64 : index
        %swap3A_579 = tpu.vector_load %arg21[%swap3A_576, %swap3A_577, %swap3A_578] {strides = array<i32>} : memref<24x8x128xf32, #tpu.memory_space<vmem>>, vector<16xf32>,
        tpu.vector_store %arg21[%swap3A_576, %swap3A_577, %swap3A_578], %mul3A_573 {strides = array<i32>} : memref<24x8x128xf32, #tpu.memory_space<vmem>>, vector<16xf32>,
        %mul3A_580 = arith.mulf %get3A_399, %gather3A : vector<16xf32>
        %add3A_581 = arith.constant 8 : i32
        %add3A_582 = arith.addi %add3A_581, %select_n3A_527 : i32
        %swap3A_583 = arith.index_cast %add3A_582 : i32 to index
        %swap3A_584 = arith.index_cast %select_n3A_543 : i32 to index
        %swap3A_585 = arith.constant 80 : index
        %swap3A_586 = tpu.vector_load %arg21[%swap3A_583, %swap3A_584, %swap3A_585] {strides = array<i32>} : memref<24x8x128xf32, #tpu.memory_space<vmem>>, vector<16xf32>,
        tpu.vector_store %arg21[%swap3A_583, %swap3A_584, %swap3A_585], %mul3A_580 {strides = array<i32>} : memref<24x8x128xf32, #tpu.memory_space<vmem>>, vector<16xf32>,
        %mul3A_587 = arith.mulf %get3A_403, %gather3A : vector<16xf32>
        %add3A_588 = arith.constant 8 : i32
        %add3A_589 = arith.addi %add3A_588, %select_n3A_527 : i32
        %swap3A_590 = arith.index_cast %add3A_589 : i32 to index
        %swap3A_591 = arith.index_cast %select_n3A_543 : i32 to index
        %swap3A_592 = arith.constant 96 : index
        %swap3A_593 = tpu.vector_load %arg21[%swap3A_590, %swap3A_591, %swap3A_592] {strides = array<i32>} : memref<24x8x128xf32, #tpu.memory_space<vmem>>, vector<16xf32>,
        tpu.vector_store %arg21[%swap3A_590, %swap3A_591, %swap3A_592], %mul3A_587 {strides = array<i32>} : memref<24x8x128xf32, #tpu.memory_space<vmem>>, vector<16xf32>,
        %mul3A_594 = arith.mulf %get3A_407, %gather3A : vector<16xf32>
        %add3A_595 = arith.constant 8 : i32
        %add3A_596 = arith.addi %add3A_595, %select_n3A_527 : i32
        %swap3A_597 = arith.index_cast %add3A_596 : i32 to index
        %swap3A_598 = arith.index_cast %select_n3A_543 : i32 to index
        %swap3A_599 = arith.constant 112 : index
        %swap3A_600 = tpu.vector_load %arg21[%swap3A_597, %swap3A_598, %swap3A_599] {strides = array<i32>} : memref<24x8x128xf32, #tpu.memory_space<vmem>>, vector<16xf32>,
        tpu.vector_store %arg21[%swap3A_597, %swap3A_598, %swap3A_599], %mul3A_594 {strides = array<i32>} : memref<24x8x128xf32, #tpu.memory_space<vmem>>, vector<16xf32>,
      }
      %scan3A_413 = arith.constant 64 : i32
      %get3A_414 = arith.constant 6 : i32
      %get3A_415 = arith.index_cast %get3A_414 : i32 to index
      %get3A_416 = arith.constant 0 : index
      %get3A_417 = tpu.vector_load %arg15[%get3A_415, %get3A_416] {strides = array<i32>} : memref<8x128xf32, #tpu.memory_space<vmem>>, vector<16xf32>,
      %get3A_418 = arith.constant 6 : i32
      %get3A_419 = arith.index_cast %get3A_418 : i32 to index
      %get3A_420 = arith.constant 16 : index
      %get3A_421 = tpu.vector_load %arg15[%get3A_419, %get3A_420] {strides = array<i32>} : memref<8x128xf32, #tpu.memory_space<vmem>>, vector<16xf32>,
      %get3A_422 = arith.constant 6 : i32
      %get3A_423 = arith.index_cast %get3A_422 : i32 to index
      %get3A_424 = arith.constant 32 : index
      %get3A_425 = tpu.vector_load %arg15[%get3A_423, %get3A_424] {strides = array<i32>} : memref<8x128xf32, #tpu.memory_space<vmem>>, vector<16xf32>,
      %get3A_426 = arith.constant 6 : i32
      %get3A_427 = arith.index_cast %get3A_426 : i32 to index
      %get3A_428 = arith.constant 48 : index
      %get3A_429 = tpu.vector_load %arg15[%get3A_427, %get3A_428] {strides = array<i32>} : memref<8x128xf32, #tpu.memory_space<vmem>>, vector<16xf32>,
      %get3A_430 = arith.constant 6 : i32
      %get3A_431 = arith.index_cast %get3A_430 : i32 to index
      %get3A_432 = arith.constant 64 : index
      %get3A_433 = tpu.vector_load %arg15[%get3A_431, %get3A_432] {strides = array<i32>} : memref<8x128xf32, #tpu.memory_space<vmem>>, vector<16xf32>,
      %get3A_434 = arith.constant 6 : i32
      %get3A_435 = arith.index_cast %get3A_434 : i32 to index
      %get3A_436 = arith.constant 80 : index
      %get3A_437 = tpu.vector_load %arg15[%get3A_435, %get3A_436] {strides = array<i32>} : memref<8x128xf32, #tpu.memory_space<vmem>>, vector<16xf32>,
      %get3A_438 = arith.constant 6 : i32
      %get3A_439 = arith.index_cast %get3A_438 : i32 to index
      %get3A_440 = arith.constant 96 : index
      %get3A_441 = tpu.vector_load %arg15[%get3A_439, %get3A_440] {strides = array<i32>} : memref<8x128xf32, #tpu.memory_space<vmem>>, vector<16xf32>,
      %get3A_442 = arith.constant 6 : i32
      %get3A_443 = arith.index_cast %get3A_442 : i32 to index
      %get3A_444 = arith.constant 112 : index
      %get3A_445 = tpu.vector_load %arg15[%get3A_443, %get3A_444] {strides = array<i32>} : memref<8x128xf32, #tpu.memory_space<vmem>>, vector<16xf32>,
      %scan3A_446 = arith.constant 0 : i32
      %scan3A_447 = arith.constant 0 : i32
      %scan3A_448 = arith.constant 64 : i32
      %scan3A_449 = arith.addi %scan3A_447, %scan3A_448 : i32
      %scan3A_450 = arith.constant 1 : i32
      scf.for %scan3A_503 = %scan3A_447 to %scan3A_449 step %scan3A_450  : i32 {
        %jit3A_504 = arith.constant 8 : i32
        %div3A_505 = arith.divsi %scan3A_503, %jit3A_504 : i32
        %sign3A_506 = arith.constant 0 : i32
        %sign3A_507 = arith.cmpi sgt, %scan3A_503, %sign3A_506 : i32
        %sign3A_508 = arith.extui %sign3A_507 : i1 to i32
        %sign3A_509 = arith.constant 0 : i32
        %sign3A_510 = arith.cmpi slt, %scan3A_503, %sign3A_509 : i32
        %sign3A_511 = arith.extui %sign3A_510 : i1 to i32
        %sign3A_512 = arith.subi %sign3A_508, %sign3A_511 : i32
        %sign3A_513 = arith.constant 0 : i32
        %sign3A_514 = arith.cmpi sgt, %jit3A_504, %sign3A_513 : i32
        %sign3A_515 = arith.extui %sign3A_514 : i1 to i32
        %sign3A_516 = arith.constant 0 : i32
        %sign3A_517 = arith.cmpi slt, %jit3A_504, %sign3A_516 : i32
        %sign3A_518 = arith.extui %sign3A_517 : i1 to i32
        %sign3A_519 = arith.subi %sign3A_515, %sign3A_518 : i32
        %ne3A_520 = arith.cmpi ne, %sign3A_512, %sign3A_519 : i32
        %rem3A_521 = arith.remsi %scan3A_503, %jit3A_504 : i32
        %ne3A_522 = arith.constant 0 : i32
        %ne3A_523 = arith.cmpi ne, %rem3A_521, %ne3A_522 : i32
        %and3A_524 = arith.andi %ne3A_520, %ne3A_523 : i1
        %sub3A_525 = arith.constant 1 : i32
        %sub3A_526 = arith.subi %div3A_505, %sub3A_525 : i32
        %select_n3A_527 = arith.select %and3A_524, %sub3A_526, %div3A_505 : i32
        %jit3A_528 = arith.constant 8 : i32
        %eq3A_529 = arith.constant 0 : i32
        %eq3A_530 = arith.cmpi eq, %jit3A_528, %eq3A_529 : i32
        %jit3A_531 = arith.constant 1 : i32
        %select_n3A_532 = arith.select %eq3A_530, %jit3A_531, %jit3A_528 : i32
        %rem3A_533 = arith.remsi %scan3A_503, %select_n3A_532 : i32
        %ne3A_534 = arith.constant 0 : i32
        %ne3A_535 = arith.cmpi ne, %rem3A_533, %ne3A_534 : i32
        %lt3A_536 = arith.constant 0 : i32
        %lt3A_537 = arith.cmpi slt, %rem3A_533, %lt3A_536 : i32
        %lt3A_538 = arith.constant 0 : i32
        %lt3A_539 = arith.cmpi slt, %select_n3A_532, %lt3A_538 : i32
        %ne3A_540 = arith.xori %lt3A_537, %lt3A_539 : i1
        %and3A_541 = arith.andi %ne3A_540, %ne3A_535 : i1
        %add3A_542 = arith.addi %rem3A_533, %select_n3A_532 : i32
        %select_n3A_543 = arith.select %and3A_541, %add3A_542, %rem3A_533 : i32
        %add3A_544 = arith.constant 128 : i32
        %add3A_545 = arith.addi %add3A_544, %scan3A_503 : i32
        %broadcast_in_dim3A = vector.broadcast %add3A_545 : i32 to vector<16xi32>
        %gather3A = tpu.vector_load_idx %arg24[%broadcast_in_dim3A] : memref<192xf32, #tpu.memory_space<vmem>>[vector<16xi32>], vector<16xf32>,
        %mul3A_546 = arith.mulf %get3A_417, %gather3A : vector<16xf32>
        %add3A_547 = arith.constant 16 : i32
        %add3A_548 = arith.addi %add3A_547, %select_n3A_527 : i32
        %swap3A = arith.index_cast %add3A_548 : i32 to index
        %swap3A_549 = arith.index_cast %select_n3A_543 : i32 to index
        %swap3A_550 = arith.constant 0 : index
        %swap3A_551 = tpu.vector_load %arg21[%swap3A, %swap3A_549, %swap3A_550] {strides = array<i32>} : memref<24x8x128xf32, #tpu.memory_space<vmem>>, vector<16xf32>,
        tpu.vector_store %arg21[%swap3A, %swap3A_549, %swap3A_550], %mul3A_546 {strides = array<i32>} : memref<24x8x128xf32, #tpu.memory_space<vmem>>, vector<16xf32>,
        %mul3A_552 = arith.mulf %get3A_421, %gather3A : vector<16xf32>
        %add3A_553 = arith.constant 16 : i32
        %add3A_554 = arith.addi %add3A_553, %select_n3A_527 : i32
        %swap3A_555 = arith.index_cast %add3A_554 : i32 to index
        %swap3A_556 = arith.index_cast %select_n3A_543 : i32 to index
        %swap3A_557 = arith.constant 16 : index
        %swap3A_558 = tpu.vector_load %arg21[%swap3A_555, %swap3A_556, %swap3A_557] {strides = array<i32>} : memref<24x8x128xf32, #tpu.memory_space<vmem>>, vector<16xf32>,
        tpu.vector_store %arg21[%swap3A_555, %swap3A_556, %swap3A_557], %mul3A_552 {strides = array<i32>} : memref<24x8x128xf32, #tpu.memory_space<vmem>>, vector<16xf32>,
        %mul3A_559 = arith.mulf %get3A_425, %gather3A : vector<16xf32>
        %add3A_560 = arith.constant 16 : i32
        %add3A_561 = arith.addi %add3A_560, %select_n3A_527 : i32
        %swap3A_562 = arith.index_cast %add3A_561 : i32 to index
        %swap3A_563 = arith.index_cast %select_n3A_543 : i32 to index
        %swap3A_564 = arith.constant 32 : index
        %swap3A_565 = tpu.vector_load %arg21[%swap3A_562, %swap3A_563, %swap3A_564] {strides = array<i32>} : memref<24x8x128xf32, #tpu.memory_space<vmem>>, vector<16xf32>,
        tpu.vector_store %arg21[%swap3A_562, %swap3A_563, %swap3A_564], %mul3A_559 {strides = array<i32>} : memref<24x8x128xf32, #tpu.memory_space<vmem>>, vector<16xf32>,
        %mul3A_566 = arith.mulf %get3A_429, %gather3A : vector<16xf32>
        %add3A_567 = arith.constant 16 : i32
        %add3A_568 = arith.addi %add3A_567, %select_n3A_527 : i32
        %swap3A_569 = arith.index_cast %add3A_568 : i32 to index
        %swap3A_570 = arith.index_cast %select_n3A_543 : i32 to index
        %swap3A_571 = arith.constant 48 : index
        %swap3A_572 = tpu.vector_load %arg21[%swap3A_569, %swap3A_570, %swap3A_571] {strides = array<i32>} : memref<24x8x128xf32, #tpu.memory_space<vmem>>, vector<16xf32>,
        tpu.vector_store %arg21[%swap3A_569, %swap3A_570, %swap3A_571], %mul3A_566 {strides = array<i32>} : memref<24x8x128xf32, #tpu.memory_space<vmem>>, vector<16xf32>,
        %mul3A_573 = arith.mulf %get3A_433, %gather3A : vector<16xf32>
        %add3A_574 = arith.constant 16 : i32
        %add3A_575 = arith.addi %add3A_574, %select_n3A_527 : i32
        %swap3A_576 = arith.index_cast %add3A_575 : i32 to index
        %swap3A_577 = arith.index_cast %select_n3A_543 : i32 to index
        %swap3A_578 = arith.constant 64 : index
        %swap3A_579 = tpu.vector_load %arg21[%swap3A_576, %swap3A_577, %swap3A_578] {strides = array<i32>} : memref<24x8x128xf32, #tpu.memory_space<vmem>>, vector<16xf32>,
        tpu.vector_store %arg21[%swap3A_576, %swap3A_577, %swap3A_578], %mul3A_573 {strides = array<i32>} : memref<24x8x128xf32, #tpu.memory_space<vmem>>, vector<16xf32>,
        %mul3A_580 = arith.mulf %get3A_437, %gather3A : vector<16xf32>
        %add3A_581 = arith.constant 16 : i32
        %add3A_582 = arith.addi %add3A_581, %select_n3A_527 : i32
        %swap3A_583 = arith.index_cast %add3A_582 : i32 to index
        %swap3A_584 = arith.index_cast %select_n3A_543 : i32 to index
        %swap3A_585 = arith.constant 80 : index
        %swap3A_586 = tpu.vector_load %arg21[%swap3A_583, %swap3A_584, %swap3A_585] {strides = array<i32>} : memref<24x8x128xf32, #tpu.memory_space<vmem>>, vector<16xf32>,
        tpu.vector_store %arg21[%swap3A_583, %swap3A_584, %swap3A_585], %mul3A_580 {strides = array<i32>} : memref<24x8x128xf32, #tpu.memory_space<vmem>>, vector<16xf32>,
        %mul3A_587 = arith.mulf %get3A_441, %gather3A : vector<16xf32>
        %add3A_588 = arith.constant 16 : i32
        %add3A_589 = arith.addi %add3A_588, %select_n3A_527 : i32
        %swap3A_590 = arith.index_cast %add3A_589 : i32 to index
        %swap3A_591 = arith.index_cast %select_n3A_543 : i32 to index
        %swap3A_592 = arith.constant 96 : index
        %swap3A_593 = tpu.vector_load %arg21[%swap3A_590, %swap3A_591, %swap3A_592] {strides = array<i32>} : memref<24x8x128xf32, #tpu.memory_space<vmem>>, vector<16xf32>,
        tpu.vector_store %arg21[%swap3A_590, %swap3A_591, %swap3A_592], %mul3A_587 {strides = array<i32>} : memref<24x8x128xf32, #tpu.memory_space<vmem>>, vector<16xf32>,
        %mul3A_594 = arith.mulf %get3A_445, %gather3A : vector<16xf32>
        %add3A_595 = arith.constant 16 : i32
        %add3A_596 = arith.addi %add3A_595, %select_n3A_527 : i32
        %swap3A_597 = arith.index_cast %add3A_596 : i32 to index
        %swap3A_598 = arith.index_cast %select_n3A_543 : i32 to index
        %swap3A_599 = arith.constant 112 : index
        %swap3A_600 = tpu.vector_load %arg21[%swap3A_597, %swap3A_598, %swap3A_599] {strides = array<i32>} : memref<24x8x128xf32, #tpu.memory_space<vmem>>, vector<16xf32>,
        tpu.vector_store %arg21[%swap3A_597, %swap3A_598, %swap3A_599], %mul3A_594 {strides = array<i32>} : memref<24x8x128xf32, #tpu.memory_space<vmem>>, vector<16xf32>,
      }
      %scan3A_451 = arith.constant 64 : i32
      %dma_wait3A_452 = arith.constant 0 : i32
      %dma_wait3A_453 = arith.constant 0 : i32
      %dma_wait3A_454 = tpu.memref_slice %arg5[%dma_wait3A_452, %dma_wait3A_453] : memref<100096x128xf32, #tpu.memory_space<hbm>> -> memref<128x128xf32, #tpu.memory_space<hbm>>
      %dma_wait3A_455 = arith.constant 0 : i32
      %dma_wait3A_456 = arith.constant 0 : i32
      %dma_wait3A_457 = tpu.memref_slice %arg5[%dma_wait3A_455, %dma_wait3A_456] : memref<100096x128xf32, #tpu.memory_space<hbm>> -> memref<128x128xf32, #tpu.memory_space<hbm>>
      tpu.wait_dma2 semaphore(%arg28 : memref<!tpu.dma_semaphore, #tpu.memory_space<semaphore_mem>>) src(%dma_wait3A_457 : memref<128x128xf32, #tpu.memory_space<hbm>>) dst(%arg18 : memref<128x128xf32, #tpu.memory_space<vmem>>)
      %dma_wait3A_458 = arith.constant 0 : i32
      %dma_wait3A_459 = arith.constant 0 : i32
      %dma_wait3A_460 = tpu.memref_slice %arg5[%dma_wait3A_458, %dma_wait3A_459] : memref<100096x128xf32, #tpu.memory_space<hbm>> -> memref<128x128xf32, #tpu.memory_space<hbm>>
      %dma_wait3A_461 = arith.constant 0 : i32
      %dma_wait3A_462 = arith.constant 0 : i32
      %dma_wait3A_463 = tpu.memref_slice %arg5[%dma_wait3A_461, %dma_wait3A_462] : memref<100096x128xf32, #tpu.memory_space<hbm>> -> memref<128x128xf32, #tpu.memory_space<hbm>>
      tpu.wait_dma2 semaphore(%arg28 : memref<!tpu.dma_semaphore, #tpu.memory_space<semaphore_mem>>) src(%dma_wait3A_463 : memref<128x128xf32, #tpu.memory_space<hbm>>) dst(%arg19 : memref<128x128xf32, #tpu.memory_space<vmem>>)
      %scan3A_464 = arith.constant 0 : i32
      %scan3A_465 = arith.constant 0 : i32
      %scan3A_466 = arith.constant 64 : i32
      %scan3A_467 = arith.addi %scan3A_465, %scan3A_466 : i32
      %scan3A_468 = arith.constant 1 : i32
      scf.for %scan3A_503 = %scan3A_465 to %scan3A_467 step %scan3A_468  : i32 {
        %jit3A_504 = arith.constant 8 : i32
        %div3A_505 = arith.divsi %scan3A_503, %jit3A_504 : i32
        %sign3A_506 = arith.constant 0 : i32
        %sign3A_507 = arith.cmpi sgt, %scan3A_503, %sign3A_506 : i32
        %sign3A_508 = arith.extui %sign3A_507 : i1 to i32
        %sign3A_509 = arith.constant 0 : i32
        %sign3A_510 = arith.cmpi slt, %scan3A_503, %sign3A_509 : i32
        %sign3A_511 = arith.extui %sign3A_510 : i1 to i32
        %sign3A_512 = arith.subi %sign3A_508, %sign3A_511 : i32
        %sign3A_513 = arith.constant 0 : i32
        %sign3A_514 = arith.cmpi sgt, %jit3A_504, %sign3A_513 : i32
        %sign3A_515 = arith.extui %sign3A_514 : i1 to i32
        %sign3A_516 = arith.constant 0 : i32
        %sign3A_517 = arith.cmpi slt, %jit3A_504, %sign3A_516 : i32
        %sign3A_518 = arith.extui %sign3A_517 : i1 to i32
        %sign3A_519 = arith.subi %sign3A_515, %sign3A_518 : i32
        %ne3A_520 = arith.cmpi ne, %sign3A_512, %sign3A_519 : i32
        %rem3A_521 = arith.remsi %scan3A_503, %jit3A_504 : i32
        %ne3A_522 = arith.constant 0 : i32
        %ne3A_523 = arith.cmpi ne, %rem3A_521, %ne3A_522 : i32
        %and3A_524 = arith.andi %ne3A_520, %ne3A_523 : i1
        %sub3A_525 = arith.constant 1 : i32
        %sub3A_526 = arith.subi %div3A_505, %sub3A_525 : i32
        %select_n3A_527 = arith.select %and3A_524, %sub3A_526, %div3A_505 : i32
        %jit3A_528 = arith.constant 8 : i32
        %eq3A_529 = arith.constant 0 : i32
        %eq3A_530 = arith.cmpi eq, %jit3A_528, %eq3A_529 : i32
        %jit3A_531 = arith.constant 1 : i32
        %select_n3A_532 = arith.select %eq3A_530, %jit3A_531, %jit3A_528 : i32
        %rem3A_533 = arith.remsi %scan3A_503, %select_n3A_532 : i32
        %ne3A_534 = arith.constant 0 : i32
        %ne3A_535 = arith.cmpi ne, %rem3A_533, %ne3A_534 : i32
        %lt3A_536 = arith.constant 0 : i32
        %lt3A_537 = arith.cmpi slt, %rem3A_533, %lt3A_536 : i32
        %lt3A_538 = arith.constant 0 : i32
        %lt3A_539 = arith.cmpi slt, %select_n3A_532, %lt3A_538 : i32
        %ne3A_540 = arith.xori %lt3A_537, %lt3A_539 : i1
        %and3A_541 = arith.andi %ne3A_540, %ne3A_535 : i1
        %add3A_542 = arith.addi %rem3A_533, %select_n3A_532 : i32
        %select_n3A_543 = arith.select %and3A_541, %add3A_542, %rem3A_533 : i32
        %add3A_544 = arith.constant 0 : i32
        %add3A_545 = arith.addi %add3A_544, %scan3A_503 : i32
        %broadcast_in_dim3A = vector.broadcast %add3A_545 : i32 to vector<16xi32>
        %gather3A = tpu.vector_load_idx %arg18[%add3A_3, %broadcast_in_dim3A] : memref<128x128xf32, #tpu.memory_space<vmem>>[vector<16xi32>, vector<16xi32>], vector<16xf32>,
        %add3A_546 = arith.constant 32 : i32
        %add3A_547 = arith.addi %add3A_546, %select_n3A_527 : i32
        %swap3A = arith.index_cast %add3A_547 : i32 to index
        %swap3A_548 = arith.index_cast %select_n3A_543 : i32 to index
        %swap3A_549 = arith.constant 0 : index
        %swap3A_550 = tpu.vector_load %arg20[%swap3A, %swap3A_548, %swap3A_549] {strides = array<i32>} : memref<48x8x128xf32, #tpu.memory_space<vmem>>, vector<16xf32>,
        tpu.vector_store %arg20[%swap3A, %swap3A_548, %swap3A_549], %gather3A {strides = array<i32>} : memref<48x8x128xf32, #tpu.memory_space<vmem>>, vector<16xf32>,
        %gather3A_551 = tpu.vector_load_idx %arg18[%add3A_6, %broadcast_in_dim3A] : memref<128x128xf32, #tpu.memory_space<vmem>>[vector<16xi32>, vector<16xi32>], vector<16xf32>,
        %add3A_552 = arith.constant 32 : i32
        %add3A_553 = arith.addi %add3A_552, %select_n3A_527 : i32
        %swap3A_554 = arith.index_cast %add3A_553 : i32 to index
        %swap3A_555 = arith.index_cast %select_n3A_543 : i32 to index
        %swap3A_556 = arith.constant 16 : index
        %swap3A_557 = tpu.vector_load %arg20[%swap3A_554, %swap3A_555, %swap3A_556] {strides = array<i32>} : memref<48x8x128xf32, #tpu.memory_space<vmem>>, vector<16xf32>,
        tpu.vector_store %arg20[%swap3A_554, %swap3A_555, %swap3A_556], %gather3A_551 {strides = array<i32>} : memref<48x8x128xf32, #tpu.memory_space<vmem>>, vector<16xf32>,
        %gather3A_558 = tpu.vector_load_idx %arg18[%add3A_9, %broadcast_in_dim3A] : memref<128x128xf32, #tpu.memory_space<vmem>>[vector<16xi32>, vector<16xi32>], vector<16xf32>,
        %add3A_559 = arith.constant 32 : i32
        %add3A_560 = arith.addi %add3A_559, %select_n3A_527 : i32
        %swap3A_561 = arith.index_cast %add3A_560 : i32 to index
        %swap3A_562 = arith.index_cast %select_n3A_543 : i32 to index
        %swap3A_563 = arith.constant 32 : index
        %swap3A_564 = tpu.vector_load %arg20[%swap3A_561, %swap3A_562, %swap3A_563] {strides = array<i32>} : memref<48x8x128xf32, #tpu.memory_space<vmem>>, vector<16xf32>,
        tpu.vector_store %arg20[%swap3A_561, %swap3A_562, %swap3A_563], %gather3A_558 {strides = array<i32>} : memref<48x8x128xf32, #tpu.memory_space<vmem>>, vector<16xf32>,
        %gather3A_565 = tpu.vector_load_idx %arg18[%add3A_12, %broadcast_in_dim3A] : memref<128x128xf32, #tpu.memory_space<vmem>>[vector<16xi32>, vector<16xi32>], vector<16xf32>,
        %add3A_566 = arith.constant 32 : i32
        %add3A_567 = arith.addi %add3A_566, %select_n3A_527 : i32
        %swap3A_568 = arith.index_cast %add3A_567 : i32 to index
        %swap3A_569 = arith.index_cast %select_n3A_543 : i32 to index
        %swap3A_570 = arith.constant 48 : index
        %swap3A_571 = tpu.vector_load %arg20[%swap3A_568, %swap3A_569, %swap3A_570] {strides = array<i32>} : memref<48x8x128xf32, #tpu.memory_space<vmem>>, vector<16xf32>,
        tpu.vector_store %arg20[%swap3A_568, %swap3A_569, %swap3A_570], %gather3A_565 {strides = array<i32>} : memref<48x8x128xf32, #tpu.memory_space<vmem>>, vector<16xf32>,
        %gather3A_572 = tpu.vector_load_idx %arg18[%add3A_15, %broadcast_in_dim3A] : memref<128x128xf32, #tpu.memory_space<vmem>>[vector<16xi32>, vector<16xi32>], vector<16xf32>,
        %add3A_573 = arith.constant 32 : i32
        %add3A_574 = arith.addi %add3A_573, %select_n3A_527 : i32
        %swap3A_575 = arith.index_cast %add3A_574 : i32 to index
        %swap3A_576 = arith.index_cast %select_n3A_543 : i32 to index
        %swap3A_577 = arith.constant 64 : index
        %swap3A_578 = tpu.vector_load %arg20[%swap3A_575, %swap3A_576, %swap3A_577] {strides = array<i32>} : memref<48x8x128xf32, #tpu.memory_space<vmem>>, vector<16xf32>,
        tpu.vector_store %arg20[%swap3A_575, %swap3A_576, %swap3A_577], %gather3A_572 {strides = array<i32>} : memref<48x8x128xf32, #tpu.memory_space<vmem>>, vector<16xf32>,
        %gather3A_579 = tpu.vector_load_idx %arg18[%add3A_18, %broadcast_in_dim3A] : memref<128x128xf32, #tpu.memory_space<vmem>>[vector<16xi32>, vector<16xi32>], vector<16xf32>,
        %add3A_580 = arith.constant 32 : i32
        %add3A_581 = arith.addi %add3A_580, %select_n3A_527 : i32
        %swap3A_582 = arith.index_cast %add3A_581 : i32 to index
        %swap3A_583 = arith.index_cast %select_n3A_543 : i32 to index
        %swap3A_584 = arith.constant 80 : index
        %swap3A_585 = tpu.vector_load %arg20[%swap3A_582, %swap3A_583, %swap3A_584] {strides = array<i32>} : memref<48x8x128xf32, #tpu.memory_space<vmem>>, vector<16xf32>,
        tpu.vector_store %arg20[%swap3A_582, %swap3A_583, %swap3A_584], %gather3A_579 {strides = array<i32>} : memref<48x8x128xf32, #tpu.memory_space<vmem>>, vector<16xf32>,
        %gather3A_586 = tpu.vector_load_idx %arg18[%add3A_21, %broadcast_in_dim3A] : memref<128x128xf32, #tpu.memory_space<vmem>>[vector<16xi32>, vector<16xi32>], vector<16xf32>,
        %add3A_587 = arith.constant 32 : i32
        %add3A_588 = arith.addi %add3A_587, %select_n3A_527 : i32
        %swap3A_589 = arith.index_cast %add3A_588 : i32 to index
        %swap3A_590 = arith.index_cast %select_n3A_543 : i32 to index
        %swap3A_591 = arith.constant 96 : index
        %swap3A_592 = tpu.vector_load %arg20[%swap3A_589, %swap3A_590, %swap3A_591] {strides = array<i32>} : memref<48x8x128xf32, #tpu.memory_space<vmem>>, vector<16xf32>,
        tpu.vector_store %arg20[%swap3A_589, %swap3A_590, %swap3A_591], %gather3A_586 {strides = array<i32>} : memref<48x8x128xf32, #tpu.memory_space<vmem>>, vector<16xf32>,
        %gather3A_593 = tpu.vector_load_idx %arg18[%add3A_24, %broadcast_in_dim3A] : memref<128x128xf32, #tpu.memory_space<vmem>>[vector<16xi32>, vector<16xi32>], vector<16xf32>,
        %add3A_594 = arith.constant 32 : i32
        %add3A_595 = arith.addi %add3A_594, %select_n3A_527 : i32
        %swap3A_596 = arith.index_cast %add3A_595 : i32 to index
        %swap3A_597 = arith.index_cast %select_n3A_543 : i32 to index
        %swap3A_598 = arith.constant 112 : index
        %swap3A_599 = tpu.vector_load %arg20[%swap3A_596, %swap3A_597, %swap3A_598] {strides = array<i32>} : memref<48x8x128xf32, #tpu.memory_space<vmem>>, vector<16xf32>,
        tpu.vector_store %arg20[%swap3A_596, %swap3A_597, %swap3A_598], %gather3A_593 {strides = array<i32>} : memref<48x8x128xf32, #tpu.memory_space<vmem>>, vector<16xf32>,
      }
      %scan3A_469 = arith.constant 64 : i32
      %scan3A_470 = arith.constant 0 : i32
      %scan3A_471 = arith.constant 0 : i32
      %scan3A_472 = arith.constant 64 : i32
      %scan3A_473 = arith.addi %scan3A_471, %scan3A_472 : i32
      %scan3A_474 = arith.constant 1 : i32
      scf.for %scan3A_503 = %scan3A_471 to %scan3A_473 step %scan3A_474  : i32 {
        %jit3A_504 = arith.constant 8 : i32
        %div3A_505 = arith.divsi %scan3A_503, %jit3A_504 : i32
        %sign3A_506 = arith.constant 0 : i32
        %sign3A_507 = arith.cmpi sgt, %scan3A_503, %sign3A_506 : i32
        %sign3A_508 = arith.extui %sign3A_507 : i1 to i32
        %sign3A_509 = arith.constant 0 : i32
        %sign3A_510 = arith.cmpi slt, %scan3A_503, %sign3A_509 : i32
        %sign3A_511 = arith.extui %sign3A_510 : i1 to i32
        %sign3A_512 = arith.subi %sign3A_508, %sign3A_511 : i32
        %sign3A_513 = arith.constant 0 : i32
        %sign3A_514 = arith.cmpi sgt, %jit3A_504, %sign3A_513 : i32
        %sign3A_515 = arith.extui %sign3A_514 : i1 to i32
        %sign3A_516 = arith.constant 0 : i32
        %sign3A_517 = arith.cmpi slt, %jit3A_504, %sign3A_516 : i32
        %sign3A_518 = arith.extui %sign3A_517 : i1 to i32
        %sign3A_519 = arith.subi %sign3A_515, %sign3A_518 : i32
        %ne3A_520 = arith.cmpi ne, %sign3A_512, %sign3A_519 : i32
        %rem3A_521 = arith.remsi %scan3A_503, %jit3A_504 : i32
        %ne3A_522 = arith.constant 0 : i32
        %ne3A_523 = arith.cmpi ne, %rem3A_521, %ne3A_522 : i32
        %and3A_524 = arith.andi %ne3A_520, %ne3A_523 : i1
        %sub3A_525 = arith.constant 1 : i32
        %sub3A_526 = arith.subi %div3A_505, %sub3A_525 : i32
        %select_n3A_527 = arith.select %and3A_524, %sub3A_526, %div3A_505 : i32
        %jit3A_528 = arith.constant 8 : i32
        %eq3A_529 = arith.constant 0 : i32
        %eq3A_530 = arith.cmpi eq, %jit3A_528, %eq3A_529 : i32
        %jit3A_531 = arith.constant 1 : i32
        %select_n3A_532 = arith.select %eq3A_530, %jit3A_531, %jit3A_528 : i32
        %rem3A_533 = arith.remsi %scan3A_503, %select_n3A_532 : i32
        %ne3A_534 = arith.constant 0 : i32
        %ne3A_535 = arith.cmpi ne, %rem3A_533, %ne3A_534 : i32
        %lt3A_536 = arith.constant 0 : i32
        %lt3A_537 = arith.cmpi slt, %rem3A_533, %lt3A_536 : i32
        %lt3A_538 = arith.constant 0 : i32
        %lt3A_539 = arith.cmpi slt, %select_n3A_532, %lt3A_538 : i32
        %ne3A_540 = arith.xori %lt3A_537, %lt3A_539 : i1
        %and3A_541 = arith.andi %ne3A_540, %ne3A_535 : i1
        %add3A_542 = arith.addi %rem3A_533, %select_n3A_532 : i32
        %select_n3A_543 = arith.select %and3A_541, %add3A_542, %rem3A_533 : i32
        %add3A_544 = arith.constant 64 : i32
        %add3A_545 = arith.addi %add3A_544, %scan3A_503 : i32
        %broadcast_in_dim3A = vector.broadcast %add3A_545 : i32 to vector<16xi32>
        %gather3A = tpu.vector_load_idx %arg19[%add3A_3, %broadcast_in_dim3A] : memref<128x128xf32, #tpu.memory_space<vmem>>[vector<16xi32>, vector<16xi32>], vector<16xf32>,
        %add3A_546 = arith.constant 40 : i32
        %add3A_547 = arith.addi %add3A_546, %select_n3A_527 : i32
        %swap3A = arith.index_cast %add3A_547 : i32 to index
        %swap3A_548 = arith.index_cast %select_n3A_543 : i32 to index
        %swap3A_549 = arith.constant 0 : index
        %swap3A_550 = tpu.vector_load %arg20[%swap3A, %swap3A_548, %swap3A_549] {strides = array<i32>} : memref<48x8x128xf32, #tpu.memory_space<vmem>>, vector<16xf32>,
        tpu.vector_store %arg20[%swap3A, %swap3A_548, %swap3A_549], %gather3A {strides = array<i32>} : memref<48x8x128xf32, #tpu.memory_space<vmem>>, vector<16xf32>,
        %gather3A_551 = tpu.vector_load_idx %arg19[%add3A_6, %broadcast_in_dim3A] : memref<128x128xf32, #tpu.memory_space<vmem>>[vector<16xi32>, vector<16xi32>], vector<16xf32>,
        %add3A_552 = arith.constant 40 : i32
        %add3A_553 = arith.addi %add3A_552, %select_n3A_527 : i32
        %swap3A_554 = arith.index_cast %add3A_553 : i32 to index
        %swap3A_555 = arith.index_cast %select_n3A_543 : i32 to index
        %swap3A_556 = arith.constant 16 : index
        %swap3A_557 = tpu.vector_load %arg20[%swap3A_554, %swap3A_555, %swap3A_556] {strides = array<i32>} : memref<48x8x128xf32, #tpu.memory_space<vmem>>, vector<16xf32>,
        tpu.vector_store %arg20[%swap3A_554, %swap3A_555, %swap3A_556], %gather3A_551 {strides = array<i32>} : memref<48x8x128xf32, #tpu.memory_space<vmem>>, vector<16xf32>,
        %gather3A_558 = tpu.vector_load_idx %arg19[%add3A_9, %broadcast_in_dim3A] : memref<128x128xf32, #tpu.memory_space<vmem>>[vector<16xi32>, vector<16xi32>], vector<16xf32>,
        %add3A_559 = arith.constant 40 : i32
        %add3A_560 = arith.addi %add3A_559, %select_n3A_527 : i32
        %swap3A_561 = arith.index_cast %add3A_560 : i32 to index
        %swap3A_562 = arith.index_cast %select_n3A_543 : i32 to index
        %swap3A_563 = arith.constant 32 : index
        %swap3A_564 = tpu.vector_load %arg20[%swap3A_561, %swap3A_562, %swap3A_563] {strides = array<i32>} : memref<48x8x128xf32, #tpu.memory_space<vmem>>, vector<16xf32>,
        tpu.vector_store %arg20[%swap3A_561, %swap3A_562, %swap3A_563], %gather3A_558 {strides = array<i32>} : memref<48x8x128xf32, #tpu.memory_space<vmem>>, vector<16xf32>,
        %gather3A_565 = tpu.vector_load_idx %arg19[%add3A_12, %broadcast_in_dim3A] : memref<128x128xf32, #tpu.memory_space<vmem>>[vector<16xi32>, vector<16xi32>], vector<16xf32>,
        %add3A_566 = arith.constant 40 : i32
        %add3A_567 = arith.addi %add3A_566, %select_n3A_527 : i32
        %swap3A_568 = arith.index_cast %add3A_567 : i32 to index
        %swap3A_569 = arith.index_cast %select_n3A_543 : i32 to index
        %swap3A_570 = arith.constant 48 : index
        %swap3A_571 = tpu.vector_load %arg20[%swap3A_568, %swap3A_569, %swap3A_570] {strides = array<i32>} : memref<48x8x128xf32, #tpu.memory_space<vmem>>, vector<16xf32>,
        tpu.vector_store %arg20[%swap3A_568, %swap3A_569, %swap3A_570], %gather3A_565 {strides = array<i32>} : memref<48x8x128xf32, #tpu.memory_space<vmem>>, vector<16xf32>,
        %gather3A_572 = tpu.vector_load_idx %arg19[%add3A_15, %broadcast_in_dim3A] : memref<128x128xf32, #tpu.memory_space<vmem>>[vector<16xi32>, vector<16xi32>], vector<16xf32>,
        %add3A_573 = arith.constant 40 : i32
        %add3A_574 = arith.addi %add3A_573, %select_n3A_527 : i32
        %swap3A_575 = arith.index_cast %add3A_574 : i32 to index
        %swap3A_576 = arith.index_cast %select_n3A_543 : i32 to index
        %swap3A_577 = arith.constant 64 : index
        %swap3A_578 = tpu.vector_load %arg20[%swap3A_575, %swap3A_576, %swap3A_577] {strides = array<i32>} : memref<48x8x128xf32, #tpu.memory_space<vmem>>, vector<16xf32>,
        tpu.vector_store %arg20[%swap3A_575, %swap3A_576, %swap3A_577], %gather3A_572 {strides = array<i32>} : memref<48x8x128xf32, #tpu.memory_space<vmem>>, vector<16xf32>,
        %gather3A_579 = tpu.vector_load_idx %arg19[%add3A_18, %broadcast_in_dim3A] : memref<128x128xf32, #tpu.memory_space<vmem>>[vector<16xi32>, vector<16xi32>], vector<16xf32>,
        %add3A_580 = arith.constant 40 : i32
        %add3A_581 = arith.addi %add3A_580, %select_n3A_527 : i32
        %swap3A_582 = arith.index_cast %add3A_581 : i32 to index
        %swap3A_583 = arith.index_cast %select_n3A_543 : i32 to index
        %swap3A_584 = arith.constant 80 : index
        %swap3A_585 = tpu.vector_load %arg20[%swap3A_582, %swap3A_583, %swap3A_584] {strides = array<i32>} : memref<48x8x128xf32, #tpu.memory_space<vmem>>, vector<16xf32>,
        tpu.vector_store %arg20[%swap3A_582, %swap3A_583, %swap3A_584], %gather3A_579 {strides = array<i32>} : memref<48x8x128xf32, #tpu.memory_space<vmem>>, vector<16xf32>,
        %gather3A_586 = tpu.vector_load_idx %arg19[%add3A_21, %broadcast_in_dim3A] : memref<128x128xf32, #tpu.memory_space<vmem>>[vector<16xi32>, vector<16xi32>], vector<16xf32>,
        %add3A_587 = arith.constant 40 : i32
        %add3A_588 = arith.addi %add3A_587, %select_n3A_527 : i32
        %swap3A_589 = arith.index_cast %add3A_588 : i32 to index
        %swap3A_590 = arith.index_cast %select_n3A_543 : i32 to index
        %swap3A_591 = arith.constant 96 : index
        %swap3A_592 = tpu.vector_load %arg20[%swap3A_589, %swap3A_590, %swap3A_591] {strides = array<i32>} : memref<48x8x128xf32, #tpu.memory_space<vmem>>, vector<16xf32>,
        tpu.vector_store %arg20[%swap3A_589, %swap3A_590, %swap3A_591], %gather3A_586 {strides = array<i32>} : memref<48x8x128xf32, #tpu.memory_space<vmem>>, vector<16xf32>,
        %gather3A_593 = tpu.vector_load_idx %arg19[%add3A_24, %broadcast_in_dim3A] : memref<128x128xf32, #tpu.memory_space<vmem>>[vector<16xi32>, vector<16xi32>], vector<16xf32>,
        %add3A_594 = arith.constant 40 : i32
        %add3A_595 = arith.addi %add3A_594, %select_n3A_527 : i32
        %swap3A_596 = arith.index_cast %add3A_595 : i32 to index
        %swap3A_597 = arith.index_cast %select_n3A_543 : i32 to index
        %swap3A_598 = arith.constant 112 : index
        %swap3A_599 = tpu.vector_load %arg20[%swap3A_596, %swap3A_597, %swap3A_598] {strides = array<i32>} : memref<48x8x128xf32, #tpu.memory_space<vmem>>, vector<16xf32>,
        tpu.vector_store %arg20[%swap3A_596, %swap3A_597, %swap3A_598], %gather3A_593 {strides = array<i32>} : memref<48x8x128xf32, #tpu.memory_space<vmem>>, vector<16xf32>,
      }
      %scan3A_475 = arith.constant 64 : i32
      %add3A_476 = arith.constant 1 : i32
      %add3A_477 = arith.addi %scan3A_103, %add3A_476 : i32
      %lt3A_478 = arith.constant 50 : i32
      %lt3A_479 = arith.cmpi slt, %add3A_477, %lt3A_478 : i32
      %convert_element_type3A_480 = arith.extui %lt3A_479 : i1 to i32
      %cond3A_481 = arith.constant 0 : i32
      %cond3A_482 = arith.cmpi ne, %convert_element_type3A_480, %cond3A_481 : i32
      scf.if %cond3A_482 {
        %add3A_503 = arith.constant 1 : i32
        %add3A_504 = arith.addi %add3A_106, %add3A_503 : i32
        %jit3A_505 = arith.constant 8 : i32
        %div3A_506 = arith.divsi %add3A_504, %jit3A_505 : i32
        %sign3A_507 = arith.constant 0 : i32
        %sign3A_508 = arith.cmpi sgt, %add3A_504, %sign3A_507 : i32
        %sign3A_509 = arith.extui %sign3A_508 : i1 to i32
        %sign3A_510 = arith.constant 0 : i32
        %sign3A_511 = arith.cmpi slt, %add3A_504, %sign3A_510 : i32
        %sign3A_512 = arith.extui %sign3A_511 : i1 to i32
        %sign3A_513 = arith.subi %sign3A_509, %sign3A_512 : i32
        %sign3A_514 = arith.constant 0 : i32
        %sign3A_515 = arith.cmpi sgt, %jit3A_505, %sign3A_514 : i32
        %sign3A_516 = arith.extui %sign3A_515 : i1 to i32
        %sign3A_517 = arith.constant 0 : i32
        %sign3A_518 = arith.cmpi slt, %jit3A_505, %sign3A_517 : i32
        %sign3A_519 = arith.extui %sign3A_518 : i1 to i32
        %sign3A_520 = arith.subi %sign3A_516, %sign3A_519 : i32
        %ne3A_521 = arith.cmpi ne, %sign3A_513, %sign3A_520 : i32
        %rem3A_522 = arith.remsi %add3A_504, %jit3A_505 : i32
        %ne3A_523 = arith.constant 0 : i32
        %ne3A_524 = arith.cmpi ne, %rem3A_522, %ne3A_523 : i32
        %and3A_525 = arith.andi %ne3A_521, %ne3A_524 : i1
        %sub3A_526 = arith.constant 1 : i32
        %sub3A_527 = arith.subi %div3A_506, %sub3A_526 : i32
        %select_n3A_528 = arith.select %and3A_525, %sub3A_527, %div3A_506 : i32
        %jit3A_529 = arith.constant 8 : i32
        %eq3A_530 = arith.constant 0 : i32
        %eq3A_531 = arith.cmpi eq, %jit3A_529, %eq3A_530 : i32
        %jit3A_532 = arith.constant 1 : i32
        %select_n3A_533 = arith.select %eq3A_531, %jit3A_532, %jit3A_529 : i32
        %rem3A_534 = arith.remsi %add3A_504, %select_n3A_533 : i32
        %ne3A_535 = arith.constant 0 : i32
        %ne3A_536 = arith.cmpi ne, %rem3A_534, %ne3A_535 : i32
        %lt3A_537 = arith.constant 0 : i32
        %lt3A_538 = arith.cmpi slt, %rem3A_534, %lt3A_537 : i32
        %lt3A_539 = arith.constant 0 : i32
        %lt3A_540 = arith.cmpi slt, %select_n3A_533, %lt3A_539 : i32
        %ne3A_541 = arith.xori %lt3A_538, %lt3A_540 : i1
        %and3A_542 = arith.andi %ne3A_541, %ne3A_536 : i1
        %add3A_543 = arith.addi %rem3A_534, %select_n3A_533 : i32
        %select_n3A_544 = arith.select %and3A_542, %add3A_543, %rem3A_534 : i32
        %mul3A_545 = arith.constant 128 : i32
        %mul3A_546 = arith.muli %select_n3A_544, %mul3A_545 : i32
        %multiple_of3A_547 = tpu.assume_multiple %mul3A_546, 128 : i32
        %dma_start3A_548 = arith.constant 0 : i32
        %dma_start3A_549 = tpu.memref_slice %arg2[%select_n3A_528, %dma_start3A_548, %multiple_of3A_547] : memref<200x8x1024xf32, #tpu.memory_space<hbm>> -> memref<1x8x128xf32, #tpu.memory_space<hbm>>
        %dma_start3A_550 = tpu.memref_squeeze %dma_start3A_549 : memref<1x8x128xf32, #tpu.memory_space<hbm>> -> memref<8x128xf32, #tpu.memory_space<hbm>>
        %dma_start3A_551 = arith.constant 0 : i32
        %dma_start3A_552 = tpu.memref_slice %arg2[%select_n3A_528, %dma_start3A_551, %multiple_of3A_547] : memref<200x8x1024xf32, #tpu.memory_space<hbm>> -> memref<1x8x128xf32, #tpu.memory_space<hbm>>
        %dma_start3A_553 = tpu.memref_squeeze %dma_start3A_552 : memref<1x8x128xf32, #tpu.memory_space<hbm>> -> memref<8x128xf32, #tpu.memory_space<hbm>>
        tpu.enqueue_dma source(%dma_start3A_553 : memref<8x128xf32, #tpu.memory_space<hbm>>) target(%arg15 : memref<8x128xf32, #tpu.memory_space<vmem>>) target_semaphore(%arg26 : memref<!tpu.dma_semaphore, #tpu.memory_space<semaphore_mem>>)
        %dma_start3A_554 = arith.constant 0 : i32
        %dma_start3A_555 = tpu.memref_slice %arg3[%select_n3A_528, %dma_start3A_554, %multiple_of3A_547] : memref<200x2x1024xi32, #tpu.memory_space<hbm>> -> memref<1x1x128xi32, #tpu.memory_space<hbm>>
        %dma_start3A_556 = tpu.memref_squeeze %dma_start3A_555 : memref<1x1x128xi32, #tpu.memory_space<hbm>> -> memref<128xi32, #tpu.memory_space<hbm>>
        %dma_start3A_557 = tpu.memref_slice %arg3[%select_n3A_528, %dma_start3A_554, %multiple_of3A_547] : memref<200x2x1024xi32, #tpu.memory_space<hbm>> -> memref<1x1x128xi32, #tpu.memory_space<hbm>>
        %dma_start3A_558 = tpu.memref_squeeze %dma_start3A_557 : memref<1x1x128xi32, #tpu.memory_space<hbm>> -> memref<128xi32, #tpu.memory_space<hbm>>
        tpu.enqueue_dma source(%dma_start3A_558 : memref<128xi32, #tpu.memory_space<hbm>>) target(%arg16 : memref<128xi32, #tpu.memory_space<vmem>>) target_semaphore(%arg27 : memref<!tpu.dma_semaphore, #tpu.memory_space<semaphore_mem>>)
        %dma_start3A_559 = arith.constant 1 : i32
        %dma_start3A_560 = tpu.memref_slice %arg3[%select_n3A_528, %dma_start3A_559, %multiple_of3A_547] : memref<200x2x1024xi32, #tpu.memory_space<hbm>> -> memref<1x1x128xi32, #tpu.memory_space<hbm>>
        %dma_start3A_561 = tpu.memref_squeeze %dma_start3A_560 : memref<1x1x128xi32, #tpu.memory_space<hbm>> -> memref<128xi32, #tpu.memory_space<hbm>>
        %dma_start3A_562 = tpu.memref_slice %arg3[%select_n3A_528, %dma_start3A_559, %multiple_of3A_547] : memref<200x2x1024xi32, #tpu.memory_space<hbm>> -> memref<1x1x128xi32, #tpu.memory_space<hbm>>
        %dma_start3A_563 = tpu.memref_squeeze %dma_start3A_562 : memref<1x1x128xi32, #tpu.memory_space<hbm>> -> memref<128xi32, #tpu.memory_space<hbm>>
        tpu.enqueue_dma source(%dma_start3A_563 : memref<128xi32, #tpu.memory_space<hbm>>) target(%arg17 : memref<128xi32, #tpu.memory_space<vmem>>) target_semaphore(%arg27 : memref<!tpu.dma_semaphore, #tpu.memory_space<semaphore_mem>>)
      } else {
      }
      %mul3A_483 = arith.constant 48 : i32
      %mul3A_484 = arith.muli %select_n3A_130, %mul3A_483 : i32
      %dma_start3A_485 = arith.constant 0 : i32
      %dma_start3A_486 = arith.constant 0 : i32
      %dma_start3A_487 = tpu.memref_slice %arg12[%mul3A_484, %select_n3A_146, %dma_start3A_485, %dma_start3A_486] : memref<9600x8x8x128xf32, #tpu.memory_space<hbm>> -> memref<48x1x8x128xf32, #tpu.memory_space<hbm>>
      %dma_start3A_488 = tpu.memref_squeeze %dma_start3A_487 : memref<48x1x8x128xf32, #tpu.memory_space<hbm>> -> memref<48x8x128xf32, #tpu.memory_space<hbm>>
      %dma_start3A_489 = arith.constant 0 : i32
      %dma_start3A_490 = arith.constant 0 : i32
      %dma_start3A_491 = tpu.memref_slice %arg12[%mul3A_484, %select_n3A_146, %dma_start3A_489, %dma_start3A_490] : memref<9600x8x8x128xf32, #tpu.memory_space<hbm>> -> memref<48x1x8x128xf32, #tpu.memory_space<hbm>>
      %dma_start3A_492 = tpu.memref_squeeze %dma_start3A_491 : memref<48x1x8x128xf32, #tpu.memory_space<hbm>> -> memref<48x8x128xf32, #tpu.memory_space<hbm>>
      tpu.enqueue_dma source(%arg20 : memref<48x8x128xf32, #tpu.memory_space<vmem>>) target(%dma_start3A_492 : memref<48x8x128xf32, #tpu.memory_space<hbm>>) target_semaphore(%arg29 : memref<!tpu.dma_semaphore, #tpu.memory_space<semaphore_mem>>)
      %mul3A_493 = arith.constant 24 : i32
      %mul3A_494 = arith.muli %select_n3A_130, %mul3A_493 : i32
      %dma_start3A_495 = arith.constant 0 : i32
      %dma_start3A_496 = arith.constant 0 : i32
      %dma_start3A_497 = tpu.memref_slice %arg13[%mul3A_494, %select_n3A_146, %dma_start3A_495, %dma_start3A_496] : memref<4800x8x8x128xf32, #tpu.memory_space<hbm>> -> memref<24x1x8x128xf32, #tpu.memory_space<hbm>>
      %dma_start3A_498 = tpu.memref_squeeze %dma_start3A_497 : memref<24x1x8x128xf32, #tpu.memory_space<hbm>> -> memref<24x8x128xf32, #tpu.memory_space<hbm>>
      %dma_start3A_499 = arith.constant 0 : i32
      %dma_start3A_500 = arith.constant 0 : i32
      %dma_start3A_501 = tpu.memref_slice %arg13[%mul3A_494, %select_n3A_146, %dma_start3A_499, %dma_start3A_500] : memref<4800x8x8x128xf32, #tpu.memory_space<hbm>> -> memref<24x1x8x128xf32, #tpu.memory_space<hbm>>
      %dma_start3A_502 = tpu.memref_squeeze %dma_start3A_501 : memref<24x1x8x128xf32, #tpu.memory_space<hbm>> -> memref<24x8x128xf32, #tpu.memory_space<hbm>>
      tpu.enqueue_dma source(%arg21 : memref<24x8x128xf32, #tpu.memory_space<vmem>>) target(%dma_start3A_502 : memref<24x8x128xf32, #tpu.memory_space<hbm>>) target_semaphore(%arg30 : memref<!tpu.dma_semaphore, #tpu.memory_space<semaphore_mem>>)
    }
    %scan3A_78 = arith.constant 50 : i32
    %dma_wait3A = arith.constant 0 : i32
    %dma_wait3A_79 = arith.constant 0 : i32
    %dma_wait3A_80 = arith.constant 0 : i32
    %dma_wait3A_81 = arith.constant 0 : i32
    %dma_wait3A_82 = tpu.memref_slice %arg12[%dma_wait3A_79, %dma_wait3A, %dma_wait3A_80, %dma_wait3A_81] : memref<9600x8x8x128xf32, #tpu.memory_space<hbm>> -> memref<48x1x8x128xf32, #tpu.memory_space<hbm>>
    %dma_wait3A_83 = tpu.memref_squeeze %dma_wait3A_82 : memref<48x1x8x128xf32, #tpu.memory_space<hbm>> -> memref<48x8x128xf32, #tpu.memory_space<hbm>>
    %dma_wait3A_84 = arith.constant 0 : i32
    %dma_wait3A_85 = arith.constant 0 : i32
    %dma_wait3A_86 = arith.constant 0 : i32
    %dma_wait3A_87 = tpu.memref_slice %arg12[%dma_wait3A_84, %dma_wait3A, %dma_wait3A_85, %dma_wait3A_86] : memref<9600x8x8x128xf32, #tpu.memory_space<hbm>> -> memref<48x1x8x128xf32, #tpu.memory_space<hbm>>
    %dma_wait3A_88 = tpu.memref_squeeze %dma_wait3A_87 : memref<48x1x8x128xf32, #tpu.memory_space<hbm>> -> memref<48x8x128xf32, #tpu.memory_space<hbm>>
    tpu.wait_dma2 semaphore(%arg29 : memref<!tpu.dma_semaphore, #tpu.memory_space<semaphore_mem>>) src(%arg20 : memref<48x8x128xf32, #tpu.memory_space<vmem>>) dst(%dma_wait3A_88 : memref<48x8x128xf32, #tpu.memory_space<hbm>>)
    %dma_wait3A_89 = arith.constant 0 : i32
    %dma_wait3A_90 = arith.constant 0 : i32
    %dma_wait3A_91 = arith.constant 0 : i32
    %dma_wait3A_92 = arith.constant 0 : i32
    %dma_wait3A_93 = tpu.memref_slice %arg13[%dma_wait3A_90, %dma_wait3A_89, %dma_wait3A_91, %dma_wait3A_92] : memref<4800x8x8x128xf32, #tpu.memory_space<hbm>> -> memref<24x1x8x128xf32, #tpu.memory_space<hbm>>
    %dma_wait3A_94 = tpu.memref_squeeze %dma_wait3A_93 : memref<24x1x8x128xf32, #tpu.memory_space<hbm>> -> memref<24x8x128xf32, #tpu.memory_space<hbm>>
    %dma_wait3A_95 = arith.constant 0 : i32
    %dma_wait3A_96 = arith.constant 0 : i32
    %dma_wait3A_97 = arith.constant 0 : i32
    %dma_wait3A_98 = tpu.memref_slice %arg13[%dma_wait3A_95, %dma_wait3A_89, %dma_wait3A_96, %dma_wait3A_97] : memref<4800x8x8x128xf32, #tpu.memory_space<hbm>> -> memref<24x1x8x128xf32, #tpu.memory_space<hbm>>
    %dma_wait3A_99 = tpu.memref_squeeze %dma_wait3A_98 : memref<24x1x8x128xf32, #tpu.memory_space<hbm>> -> memref<24x8x128xf32, #tpu.memory_space<hbm>>
    tpu.wait_dma2 semaphore(%arg30 : memref<!tpu.dma_semaphore, #tpu.memory_space<semaphore_mem>>) src(%arg21 : memref<24x8x128xf32, #tpu.memory_space<vmem>>) dst(%dma_wait3A_99 : memref<24x8x128xf32, #tpu.memory_space<hbm>>)
    %lt3A_100 = arith.constant 24 : i32
    %lt3A_101 = arith.cmpi slt, %add3A, %lt3A_100 : i32
    %convert_element_type3A = arith.extui %lt3A_101 : i1 to i32
    %cond3A = arith.constant 0 : i32
    %cond3A_102 = arith.cmpi ne, %convert_element_type3A, %cond3A : i32
    scf.if %cond3A_102 {
      %jit3A_103 = arith.constant 8 : i32
      %div3A_104 = arith.divsi %add3A, %jit3A_103 : i32
      %sign3A_105 = arith.constant 0 : i32
      %sign3A_106 = arith.cmpi sgt, %add3A, %sign3A_105 : i32
      %sign3A_107 = arith.extui %sign3A_106 : i1 to i32
      %sign3A_108 = arith.constant 0 : i32
      %sign3A_109 = arith.cmpi slt, %add3A, %sign3A_108 : i32
      %sign3A_110 = arith.extui %sign3A_109 : i1 to i32
      %sign3A_111 = arith.subi %sign3A_107, %sign3A_110 : i32
      %sign3A_112 = arith.constant 0 : i32
      %sign3A_113 = arith.cmpi sgt, %jit3A_103, %sign3A_112 : i32
      %sign3A_114 = arith.extui %sign3A_113 : i1 to i32
      %sign3A_115 = arith.constant 0 : i32
      %sign3A_116 = arith.cmpi slt, %jit3A_103, %sign3A_115 : i32
      %sign3A_117 = arith.extui %sign3A_116 : i1 to i32
      %sign3A_118 = arith.subi %sign3A_114, %sign3A_117 : i32
      %ne3A_119 = arith.cmpi ne, %sign3A_111, %sign3A_118 : i32
      %rem3A_120 = arith.remsi %add3A, %jit3A_103 : i32
      %ne3A_121 = arith.constant 0 : i32
      %ne3A_122 = arith.cmpi ne, %rem3A_120, %ne3A_121 : i32
      %and3A_123 = arith.andi %ne3A_119, %ne3A_122 : i1
      %sub3A_124 = arith.constant 1 : i32
      %sub3A_125 = arith.subi %div3A_104, %sub3A_124 : i32
      %select_n3A_126 = arith.select %and3A_123, %sub3A_125, %div3A_104 : i32
      %jit3A_127 = arith.constant 8 : i32
      %eq3A_128 = arith.constant 0 : i32
      %eq3A_129 = arith.cmpi eq, %jit3A_127, %eq3A_128 : i32
      %jit3A_130 = arith.constant 1 : i32
      %select_n3A_131 = arith.select %eq3A_129, %jit3A_130, %jit3A_127 : i32
      %rem3A_132 = arith.remsi %add3A, %select_n3A_131 : i32
      %ne3A_133 = arith.constant 0 : i32
      %ne3A_134 = arith.cmpi ne, %rem3A_132, %ne3A_133 : i32
      %lt3A_135 = arith.constant 0 : i32
      %lt3A_136 = arith.cmpi slt, %rem3A_132, %lt3A_135 : i32
      %lt3A_137 = arith.constant 0 : i32
      %lt3A_138 = arith.cmpi slt, %select_n3A_131, %lt3A_137 : i32
      %ne3A_139 = arith.xori %lt3A_136, %lt3A_138 : i1
      %and3A_140 = arith.andi %ne3A_139, %ne3A_134 : i1
      %add3A_141 = arith.addi %rem3A_132, %select_n3A_131 : i32
      %select_n3A_142 = arith.select %and3A_140, %add3A_141, %rem3A_132 : i32
      %mul3A_143 = arith.constant 128 : i32
      %mul3A_144 = arith.muli %select_n3A_142, %mul3A_143 : i32
      %multiple_of3A_145 = tpu.assume_multiple %mul3A_144, 128 : i32
      "tpu.region"() ({
        %run_scoped3A = tpu.sem_alloc : memref<!tpu.dma_semaphore, #tpu.memory_space<semaphore_mem>>
        %dma_start3A_187 = tpu.memref_slice %arg4[%select_n3A_126, %multiple_of3A_145] : memref<3x1024xi32, #tpu.memory_space<hbm>> -> memref<1x128xi32, #tpu.memory_space<hbm>>
        %dma_start3A_188 = tpu.memref_squeeze %dma_start3A_187 : memref<1x128xi32, #tpu.memory_space<hbm>> -> memref<128xi32, #tpu.memory_space<hbm>>
        %dma_start3A_189 = tpu.memref_slice %arg4[%select_n3A_126, %multiple_of3A_145] : memref<3x1024xi32, #tpu.memory_space<hbm>> -> memref<1x128xi32, #tpu.memory_space<hbm>>
        %dma_start3A_190 = tpu.memref_squeeze %dma_start3A_189 : memref<1x128xi32, #tpu.memory_space<hbm>> -> memref<128xi32, #tpu.memory_space<hbm>>
        tpu.enqueue_dma source(%dma_start3A_190 : memref<128xi32, #tpu.memory_space<hbm>>) target(%arg16 : memref<128xi32, #tpu.memory_space<vmem>>) target_semaphore(%run_scoped3A : memref<!tpu.dma_semaphore, #tpu.memory_space<semaphore_mem>>)
        %dma_wait3A_191 = tpu.memref_slice %arg4[%select_n3A_126, %multiple_of3A_145] : memref<3x1024xi32, #tpu.memory_space<hbm>> -> memref<1x128xi32, #tpu.memory_space<hbm>>
        %dma_wait3A_192 = tpu.memref_squeeze %dma_wait3A_191 : memref<1x128xi32, #tpu.memory_space<hbm>> -> memref<128xi32, #tpu.memory_space<hbm>>
        %dma_wait3A_193 = tpu.memref_slice %arg4[%select_n3A_126, %multiple_of3A_145] : memref<3x1024xi32, #tpu.memory_space<hbm>> -> memref<1x128xi32, #tpu.memory_space<hbm>>
        %dma_wait3A_194 = tpu.memref_squeeze %dma_wait3A_193 : memref<1x128xi32, #tpu.memory_space<hbm>> -> memref<128xi32, #tpu.memory_space<hbm>>
        tpu.wait_dma2 semaphore(%run_scoped3A : memref<!tpu.dma_semaphore, #tpu.memory_space<semaphore_mem>>) src(%dma_wait3A_194 : memref<128xi32, #tpu.memory_space<hbm>>) dst(%arg16 : memref<128xi32, #tpu.memory_space<vmem>>)
        tpu.yield
      }) : () -> ()
      %eq3A_146 = arith.constant 0 : i32
      %eq3A_147 = arith.cmpi eq, %select_n3A_126, %eq3A_146 : i32
      %convert_element_type3A_148 = arith.extui %eq3A_147 : i1 to i32
      %cond3A_149 = arith.constant 0 : i32
      %cond3A_150 = arith.cmpi ne, %convert_element_type3A_148, %cond3A_149 : i32
      scf.if %cond3A_150 {
        %dma_start3A_187 = arith.constant 0 : i32
        %dma_start3A_188 = arith.constant 0 : i32
        %dma_start3A_189 = tpu.memref_slice %arg6[%dma_start3A_187, %dma_start3A_188] : memref<100096x128xf32, #tpu.memory_space<hbm>> -> memref<100096x128xf32, #tpu.memory_space<hbm>>
        tpu.enqueue_indirect_dma source(%dma_start3A_189 : memref<100096x128xf32, #tpu.memory_space<hbm>>) target(%arg18 : memref<128x128xf32, #tpu.memory_space<vmem>>) offsets(%arg16 : memref<128xi32, #tpu.memory_space<vmem>>) semaphore(%arg28 : memref<!tpu.dma_semaphore, #tpu.memory_space<semaphore_mem>>)
        %dma_wait3A_190 = arith.constant 0 : i32
        %dma_wait3A_191 = arith.constant 0 : i32
        %dma_wait3A_192 = tpu.memref_slice %arg6[%dma_wait3A_190, %dma_wait3A_191] : memref<100096x128xf32, #tpu.memory_space<hbm>> -> memref<100096x128xf32, #tpu.memory_space<hbm>>
        tpu.wait_indirect_dma semaphore(%arg28 : memref<!tpu.dma_semaphore, #tpu.memory_space<semaphore_mem>>) src(%dma_wait3A_192 : memref<100096x128xf32, #tpu.memory_space<hbm>>) dst(%arg18 : memref<128x128xf32, #tpu.memory_space<vmem>>)
      } else {
      }
      %eq3A_151 = arith.constant 1 : i32
      %eq3A_152 = arith.cmpi eq, %select_n3A_126, %eq3A_151 : i32
      %convert_element_type3A_153 = arith.extui %eq3A_152 : i1 to i32
      %cond3A_154 = arith.constant 0 : i32
      %cond3A_155 = arith.cmpi ne, %convert_element_type3A_153, %cond3A_154 : i32
      scf.if %cond3A_155 {
        %dma_start3A_187 = arith.constant 0 : i32
        %dma_start3A_188 = arith.constant 0 : i32
        %dma_start3A_189 = tpu.memref_slice %arg6[%dma_start3A_187, %dma_start3A_188] : memref<100096x128xf32, #tpu.memory_space<hbm>> -> memref<100096x128xf32, #tpu.memory_space<hbm>>
        tpu.enqueue_indirect_dma source(%dma_start3A_189 : memref<100096x128xf32, #tpu.memory_space<hbm>>) target(%arg18 : memref<128x128xf32, #tpu.memory_space<vmem>>) offsets(%arg16 : memref<128xi32, #tpu.memory_space<vmem>>) semaphore(%arg28 : memref<!tpu.dma_semaphore, #tpu.memory_space<semaphore_mem>>)
        %dma_wait3A_190 = arith.constant 0 : i32
        %dma_wait3A_191 = arith.constant 0 : i32
        %dma_wait3A_192 = tpu.memref_slice %arg6[%dma_wait3A_190, %dma_wait3A_191] : memref<100096x128xf32, #tpu.memory_space<hbm>> -> memref<100096x128xf32, #tpu.memory_space<hbm>>
        tpu.wait_indirect_dma semaphore(%arg28 : memref<!tpu.dma_semaphore, #tpu.memory_space<semaphore_mem>>) src(%dma_wait3A_192 : memref<100096x128xf32, #tpu.memory_space<hbm>>) dst(%arg18 : memref<128x128xf32, #tpu.memory_space<vmem>>)
      } else {
      }
      %eq3A_156 = arith.constant 2 : i32
      %eq3A_157 = arith.cmpi eq, %select_n3A_126, %eq3A_156 : i32
      %convert_element_type3A_158 = arith.extui %eq3A_157 : i1 to i32
      %cond3A_159 = arith.constant 0 : i32
      %cond3A_160 = arith.cmpi ne, %convert_element_type3A_158, %cond3A_159 : i32
      scf.if %cond3A_160 {
        %dma_start3A_187 = arith.constant 0 : i32
        %dma_start3A_188 = arith.constant 0 : i32
        %dma_start3A_189 = tpu.memref_slice %arg7[%dma_start3A_187, %dma_start3A_188] : memref<100096x128xf32, #tpu.memory_space<hbm>> -> memref<100096x128xf32, #tpu.memory_space<hbm>>
        tpu.enqueue_indirect_dma source(%dma_start3A_189 : memref<100096x128xf32, #tpu.memory_space<hbm>>) target(%arg18 : memref<128x128xf32, #tpu.memory_space<vmem>>) offsets(%arg16 : memref<128xi32, #tpu.memory_space<vmem>>) semaphore(%arg28 : memref<!tpu.dma_semaphore, #tpu.memory_space<semaphore_mem>>)
        %dma_wait3A_190 = arith.constant 0 : i32
        %dma_wait3A_191 = arith.constant 0 : i32
        %dma_wait3A_192 = tpu.memref_slice %arg7[%dma_wait3A_190, %dma_wait3A_191] : memref<100096x128xf32, #tpu.memory_space<hbm>> -> memref<100096x128xf32, #tpu.memory_space<hbm>>
        tpu.wait_indirect_dma semaphore(%arg28 : memref<!tpu.dma_semaphore, #tpu.memory_space<semaphore_mem>>) src(%dma_wait3A_192 : memref<100096x128xf32, #tpu.memory_space<hbm>>) dst(%arg18 : memref<128x128xf32, #tpu.memory_space<vmem>>)
      } else {
      }
      %jit3A_161 = arith.constant 2 : i32
      %eq3A_162 = arith.constant 0 : i32
      %eq3A_163 = arith.cmpi eq, %jit3A_161, %eq3A_162 : i32
      %jit3A_164 = arith.constant 1 : i32
      %select_n3A_165 = arith.select %eq3A_163, %jit3A_164, %jit3A_161 : i32
      %rem3A_166 = arith.remsi %select_n3A_126, %select_n3A_165 : i32
      %ne3A_167 = arith.constant 0 : i32
      %ne3A_168 = arith.cmpi ne, %rem3A_166, %ne3A_167 : i32
      %lt3A_169 = arith.constant 0 : i32
      %lt3A_170 = arith.cmpi slt, %rem3A_166, %lt3A_169 : i32
      %lt3A_171 = arith.constant 0 : i32
      %lt3A_172 = arith.cmpi slt, %select_n3A_165, %lt3A_171 : i32
      %ne3A_173 = arith.xori %lt3A_170, %lt3A_172 : i1
      %and3A_174 = arith.andi %ne3A_173, %ne3A_168 : i1
      %add3A_175 = arith.addi %rem3A_166, %select_n3A_165 : i32
      %select_n3A_176 = arith.select %and3A_174, %add3A_175, %rem3A_166 : i32
      %mul3A_177 = arith.constant 64 : i32
      %mul3A_178 = arith.muli %select_n3A_176, %mul3A_177 : i32
      %scan3A_179 = arith.constant 0 : i32
      %scan3A_180 = arith.constant 0 : i32
      %scan3A_181 = arith.constant 64 : i32
      %scan3A_182 = arith.addi %scan3A_180, %scan3A_181 : i32
      %scan3A_183 = arith.constant 1 : i32
      scf.for %scan3A_187 = %scan3A_180 to %scan3A_182 step %scan3A_183  : i32 {
        %jit3A_188 = arith.constant 8 : i32
        %div3A_189 = arith.divsi %scan3A_187, %jit3A_188 : i32
        %sign3A_190 = arith.constant 0 : i32
        %sign3A_191 = arith.cmpi sgt, %scan3A_187, %sign3A_190 : i32
        %sign3A_192 = arith.extui %sign3A_191 : i1 to i32
        %sign3A_193 = arith.constant 0 : i32
        %sign3A_194 = arith.cmpi slt, %scan3A_187, %sign3A_193 : i32
        %sign3A_195 = arith.extui %sign3A_194 : i1 to i32
        %sign3A_196 = arith.subi %sign3A_192, %sign3A_195 : i32
        %sign3A_197 = arith.constant 0 : i32
        %sign3A_198 = arith.cmpi sgt, %jit3A_188, %sign3A_197 : i32
        %sign3A_199 = arith.extui %sign3A_198 : i1 to i32
        %sign3A_200 = arith.constant 0 : i32
        %sign3A_201 = arith.cmpi slt, %jit3A_188, %sign3A_200 : i32
        %sign3A_202 = arith.extui %sign3A_201 : i1 to i32
        %sign3A_203 = arith.subi %sign3A_199, %sign3A_202 : i32
        %ne3A_204 = arith.cmpi ne, %sign3A_196, %sign3A_203 : i32
        %rem3A_205 = arith.remsi %scan3A_187, %jit3A_188 : i32
        %ne3A_206 = arith.constant 0 : i32
        %ne3A_207 = arith.cmpi ne, %rem3A_205, %ne3A_206 : i32
        %and3A_208 = arith.andi %ne3A_204, %ne3A_207 : i1
        %sub3A_209 = arith.constant 1 : i32
        %sub3A_210 = arith.subi %div3A_189, %sub3A_209 : i32
        %select_n3A_211 = arith.select %and3A_208, %sub3A_210, %div3A_189 : i32
        %jit3A_212 = arith.constant 8 : i32
        %eq3A_213 = arith.constant 0 : i32
        %eq3A_214 = arith.cmpi eq, %jit3A_212, %eq3A_213 : i32
        %jit3A_215 = arith.constant 1 : i32
        %select_n3A_216 = arith.select %eq3A_214, %jit3A_215, %jit3A_212 : i32
        %rem3A_217 = arith.remsi %scan3A_187, %select_n3A_216 : i32
        %ne3A_218 = arith.constant 0 : i32
        %ne3A_219 = arith.cmpi ne, %rem3A_217, %ne3A_218 : i32
        %lt3A_220 = arith.constant 0 : i32
        %lt3A_221 = arith.cmpi slt, %rem3A_217, %lt3A_220 : i32
        %lt3A_222 = arith.constant 0 : i32
        %lt3A_223 = arith.cmpi slt, %select_n3A_216, %lt3A_222 : i32
        %ne3A_224 = arith.xori %lt3A_221, %lt3A_223 : i1
        %and3A_225 = arith.andi %ne3A_224, %ne3A_219 : i1
        %add3A_226 = arith.addi %rem3A_217, %select_n3A_216 : i32
        %select_n3A_227 = arith.select %and3A_225, %add3A_226, %rem3A_217 : i32
        %add3A_228 = arith.addi %mul3A_178, %scan3A_187 : i32
        %broadcast_in_dim3A = vector.broadcast %add3A_228 : i32 to vector<16xi32>
        %gather3A = tpu.vector_load_idx %arg18[%add3A_3, %broadcast_in_dim3A] : memref<128x128xf32, #tpu.memory_space<vmem>>[vector<16xi32>, vector<16xi32>], vector<16xf32>,
        %swap3A = arith.index_cast %select_n3A_211 : i32 to index
        %swap3A_229 = arith.index_cast %select_n3A_227 : i32 to index
        %swap3A_230 = arith.constant 0 : index
        %swap3A_231 = tpu.vector_load %arg21[%swap3A, %swap3A_229, %swap3A_230] {strides = array<i32>} : memref<24x8x128xf32, #tpu.memory_space<vmem>>, vector<16xf32>,
        tpu.vector_store %arg21[%swap3A, %swap3A_229, %swap3A_230], %gather3A {strides = array<i32>} : memref<24x8x128xf32, #tpu.memory_space<vmem>>, vector<16xf32>,
        %gather3A_232 = tpu.vector_load_idx %arg18[%add3A_6, %broadcast_in_dim3A] : memref<128x128xf32, #tpu.memory_space<vmem>>[vector<16xi32>, vector<16xi32>], vector<16xf32>,
        %swap3A_233 = arith.index_cast %select_n3A_211 : i32 to index
        %swap3A_234 = arith.index_cast %select_n3A_227 : i32 to index
        %swap3A_235 = arith.constant 16 : index
        %swap3A_236 = tpu.vector_load %arg21[%swap3A_233, %swap3A_234, %swap3A_235] {strides = array<i32>} : memref<24x8x128xf32, #tpu.memory_space<vmem>>, vector<16xf32>,
        tpu.vector_store %arg21[%swap3A_233, %swap3A_234, %swap3A_235], %gather3A_232 {strides = array<i32>} : memref<24x8x128xf32, #tpu.memory_space<vmem>>, vector<16xf32>,
        %gather3A_237 = tpu.vector_load_idx %arg18[%add3A_9, %broadcast_in_dim3A] : memref<128x128xf32, #tpu.memory_space<vmem>>[vector<16xi32>, vector<16xi32>], vector<16xf32>,
        %swap3A_238 = arith.index_cast %select_n3A_211 : i32 to index
        %swap3A_239 = arith.index_cast %select_n3A_227 : i32 to index
        %swap3A_240 = arith.constant 32 : index
        %swap3A_241 = tpu.vector_load %arg21[%swap3A_238, %swap3A_239, %swap3A_240] {strides = array<i32>} : memref<24x8x128xf32, #tpu.memory_space<vmem>>, vector<16xf32>,
        tpu.vector_store %arg21[%swap3A_238, %swap3A_239, %swap3A_240], %gather3A_237 {strides = array<i32>} : memref<24x8x128xf32, #tpu.memory_space<vmem>>, vector<16xf32>,
        %gather3A_242 = tpu.vector_load_idx %arg18[%add3A_12, %broadcast_in_dim3A] : memref<128x128xf32, #tpu.memory_space<vmem>>[vector<16xi32>, vector<16xi32>], vector<16xf32>,
        %swap3A_243 = arith.index_cast %select_n3A_211 : i32 to index
        %swap3A_244 = arith.index_cast %select_n3A_227 : i32 to index
        %swap3A_245 = arith.constant 48 : index
        %swap3A_246 = tpu.vector_load %arg21[%swap3A_243, %swap3A_244, %swap3A_245] {strides = array<i32>} : memref<24x8x128xf32, #tpu.memory_space<vmem>>, vector<16xf32>,
        tpu.vector_store %arg21[%swap3A_243, %swap3A_244, %swap3A_245], %gather3A_242 {strides = array<i32>} : memref<24x8x128xf32, #tpu.memory_space<vmem>>, vector<16xf32>,
        %gather3A_247 = tpu.vector_load_idx %arg18[%add3A_15, %broadcast_in_dim3A] : memref<128x128xf32, #tpu.memory_space<vmem>>[vector<16xi32>, vector<16xi32>], vector<16xf32>,
        %swap3A_248 = arith.index_cast %select_n3A_211 : i32 to index
        %swap3A_249 = arith.index_cast %select_n3A_227 : i32 to index
        %swap3A_250 = arith.constant 64 : index
        %swap3A_251 = tpu.vector_load %arg21[%swap3A_248, %swap3A_249, %swap3A_250] {strides = array<i32>} : memref<24x8x128xf32, #tpu.memory_space<vmem>>, vector<16xf32>,
        tpu.vector_store %arg21[%swap3A_248, %swap3A_249, %swap3A_250], %gather3A_247 {strides = array<i32>} : memref<24x8x128xf32, #tpu.memory_space<vmem>>, vector<16xf32>,
        %gather3A_252 = tpu.vector_load_idx %arg18[%add3A_18, %broadcast_in_dim3A] : memref<128x128xf32, #tpu.memory_space<vmem>>[vector<16xi32>, vector<16xi32>], vector<16xf32>,
        %swap3A_253 = arith.index_cast %select_n3A_211 : i32 to index
        %swap3A_254 = arith.index_cast %select_n3A_227 : i32 to index
        %swap3A_255 = arith.constant 80 : index
        %swap3A_256 = tpu.vector_load %arg21[%swap3A_253, %swap3A_254, %swap3A_255] {strides = array<i32>} : memref<24x8x128xf32, #tpu.memory_space<vmem>>, vector<16xf32>,
        tpu.vector_store %arg21[%swap3A_253, %swap3A_254, %swap3A_255], %gather3A_252 {strides = array<i32>} : memref<24x8x128xf32, #tpu.memory_space<vmem>>, vector<16xf32>,
        %gather3A_257 = tpu.vector_load_idx %arg18[%add3A_21, %broadcast_in_dim3A] : memref<128x128xf32, #tpu.memory_space<vmem>>[vector<16xi32>, vector<16xi32>], vector<16xf32>,
        %swap3A_258 = arith.index_cast %select_n3A_211 : i32 to index
        %swap3A_259 = arith.index_cast %select_n3A_227 : i32 to index
        %swap3A_260 = arith.constant 96 : index
        %swap3A_261 = tpu.vector_load %arg21[%swap3A_258, %swap3A_259, %swap3A_260] {strides = array<i32>} : memref<24x8x128xf32, #tpu.memory_space<vmem>>, vector<16xf32>,
        tpu.vector_store %arg21[%swap3A_258, %swap3A_259, %swap3A_260], %gather3A_257 {strides = array<i32>} : memref<24x8x128xf32, #tpu.memory_space<vmem>>, vector<16xf32>,
        %gather3A_262 = tpu.vector_load_idx %arg18[%add3A_24, %broadcast_in_dim3A] : memref<128x128xf32, #tpu.memory_space<vmem>>[vector<16xi32>, vector<16xi32>], vector<16xf32>,
        %swap3A_263 = arith.index_cast %select_n3A_211 : i32 to index
        %swap3A_264 = arith.index_cast %select_n3A_227 : i32 to index
        %swap3A_265 = arith.constant 112 : index
        %swap3A_266 = tpu.vector_load %arg21[%swap3A_263, %swap3A_264, %swap3A_265] {strides = array<i32>} : memref<24x8x128xf32, #tpu.memory_space<vmem>>, vector<16xf32>,
        tpu.vector_store %arg21[%swap3A_263, %swap3A_264, %swap3A_265], %gather3A_262 {strides = array<i32>} : memref<24x8x128xf32, #tpu.memory_space<vmem>>, vector<16xf32>,
      }
      %scan3A_184 = arith.constant 64 : i32
      %mul3A_185 = arith.constant 8 : i32
      %mul3A_186 = arith.muli %select_n3A_126, %mul3A_185 : i32
      "tpu.region"() ({
        %run_scoped3A = tpu.sem_alloc : memref<!tpu.dma_semaphore, #tpu.memory_space<semaphore_mem>>
        %dma_start3A_187 = arith.constant 0 : i32
        %dma_start3A_188 = arith.constant 0 : i32
        %dma_start3A_189 = arith.constant 0 : i32
        %dma_start3A_190 = tpu.memref_slice %arg21[%dma_start3A_187, %dma_start3A_188, %dma_start3A_189] : memref<24x8x128xf32, #tpu.memory_space<vmem>> -> memref<8x8x128xf32, #tpu.memory_space<vmem>>
        %dma_start3A_191 = arith.constant 0 : i32
        %dma_start3A_192 = arith.constant 0 : i32
        %dma_start3A_193 = tpu.memref_slice %arg14[%mul3A_186, %select_n3A_142, %dma_start3A_191, %dma_start3A_192] : memref<24x8x8x128xf32, #tpu.memory_space<hbm>> -> memref<8x1x8x128xf32, #tpu.memory_space<hbm>>
        %dma_start3A_194 = tpu.memref_squeeze %dma_start3A_193 : memref<8x1x8x128xf32, #tpu.memory_space<hbm>> -> memref<8x8x128xf32, #tpu.memory_space<hbm>>
        %dma_start3A_195 = arith.constant 0 : i32
        %dma_start3A_196 = arith.constant 0 : i32
        %dma_start3A_197 = tpu.memref_slice %arg14[%mul3A_186, %select_n3A_142, %dma_start3A_195, %dma_start3A_196] : memref<24x8x8x128xf32, #tpu.memory_space<hbm>> -> memref<8x1x8x128xf32, #tpu.memory_space<hbm>>
        %dma_start3A_198 = tpu.memref_squeeze %dma_start3A_197 : memref<8x1x8x128xf32, #tpu.memory_space<hbm>> -> memref<8x8x128xf32, #tpu.memory_space<hbm>>
        %dma_start3A_199 = arith.constant 0 : i32
        %dma_start3A_200 = arith.constant 0 : i32
        %dma_start3A_201 = arith.constant 0 : i32
        %dma_start3A_202 = tpu.memref_slice %arg21[%dma_start3A_199, %dma_start3A_200, %dma_start3A_201] : memref<24x8x128xf32, #tpu.memory_space<vmem>> -> memref<8x8x128xf32, #tpu.memory_space<vmem>>
        tpu.enqueue_dma source(%dma_start3A_202 : memref<8x8x128xf32, #tpu.memory_space<vmem>>) target(%dma_start3A_198 : memref<8x8x128xf32, #tpu.memory_space<hbm>>) target_semaphore(%run_scoped3A : memref<!tpu.dma_semaphore, #tpu.memory_space<semaphore_mem>>)
        %dma_wait3A_203 = arith.constant 0 : i32
        %dma_wait3A_204 = arith.constant 0 : i32
        %dma_wait3A_205 = arith.constant 0 : i32
        %dma_wait3A_206 = tpu.memref_slice %arg21[%dma_wait3A_203, %dma_wait3A_204, %dma_wait3A_205] : memref<24x8x128xf32, #tpu.memory_space<vmem>> -> memref<8x8x128xf32, #tpu.memory_space<vmem>>
        %dma_wait3A_207 = arith.constant 0 : i32
        %dma_wait3A_208 = arith.constant 0 : i32
        %dma_wait3A_209 = tpu.memref_slice %arg14[%mul3A_186, %select_n3A_142, %dma_wait3A_207, %dma_wait3A_208] : memref<24x8x8x128xf32, #tpu.memory_space<hbm>> -> memref<8x1x8x128xf32, #tpu.memory_space<hbm>>
        %dma_wait3A_210 = tpu.memref_squeeze %dma_wait3A_209 : memref<8x1x8x128xf32, #tpu.memory_space<hbm>> -> memref<8x8x128xf32, #tpu.memory_space<hbm>>
        %dma_wait3A_211 = arith.constant 0 : i32
        %dma_wait3A_212 = arith.constant 0 : i32
        %dma_wait3A_213 = tpu.memref_slice %arg14[%mul3A_186, %select_n3A_142, %dma_wait3A_211, %dma_wait3A_212] : memref<24x8x8x128xf32, #tpu.memory_space<hbm>> -> memref<8x1x8x128xf32, #tpu.memory_space<hbm>>
        %dma_wait3A_214 = tpu.memref_squeeze %dma_wait3A_213 : memref<8x1x8x128xf32, #tpu.memory_space<hbm>> -> memref<8x8x128xf32, #tpu.memory_space<hbm>>
        %dma_wait3A_215 = arith.constant 0 : i32
        %dma_wait3A_216 = arith.constant 0 : i32
        %dma_wait3A_217 = arith.constant 0 : i32
        %dma_wait3A_218 = tpu.memref_slice %arg21[%dma_wait3A_215, %dma_wait3A_216, %dma_wait3A_217] : memref<24x8x128xf32, #tpu.memory_space<vmem>> -> memref<8x8x128xf32, #tpu.memory_space<vmem>>
        tpu.wait_dma2 semaphore(%run_scoped3A : memref<!tpu.dma_semaphore, #tpu.memory_space<semaphore_mem>>) src(%dma_wait3A_218 : memref<8x8x128xf32, #tpu.memory_space<vmem>>) dst(%dma_wait3A_214 : memref<8x8x128xf32, #tpu.memory_space<hbm>>)
        tpu.yield
      }) : () -> ()
    } else {
    }
    return
  }
}

</mosaic_0001>

<sc_bundles>
// kernel: kernel.4.cloned.1.call-start
scs
__scs_entry_jumppad:
0x0: {  	(pc) =	sbr.rel $0x88, $3  }
0x1: {  	(tag) =	ssettag $0x0;
	lr =	simm.s32 $0x1  }
0x2: {  	[smem:$0x3F97] =	sst lr;
	_ =	strace $0xD0000000  }
0x3: {  	_ = 	snop  }
0x4: {  	_ = 	snop  }
0x5: {  	_ = 	snop  }
0x6: {  	_ = 	snop  }
0x7: {  	_ = 	snop  }
__scs_overlays_trampoline_lowered:
0x8: {  	[smem:$0x3FA6] =	sst s0  }
0x9: {  	[smem:$0x3FA7] =	sst s1  }
0xa: {  	[smem:$0x3FA8] =	sst s2  }
0xb: {  	[smem:$0x3FA9] =	sst s3  }
0xc: {  	[smem:$0x3FAA] =	sst s4  }
0xd: {  	[smem:$0x3FAB] =	sst s5  }
0xe: {  	[smem:$0x3FAC] =	sst s6  }
0xf: {  	[smem:$0x3FAD] =	sst s7  }
0x10: {  	[smem:$0x3FAE] =	sst s8  }
0x11: {  	[smem:$0x3FAF] =	sst s9;
	s0 =	simm.s32 @!p0 $0x0  }
0x12: {  	s1 =	sld [smem:$0x3F95];
	s0 =	simm.s32 @p0 $0x1  }
0x13: {  	[smem:$0x3FB0] =	sst s0;
	s0 =	simm.s32 @!p1 $0x0  }
0x14: {  	s2 =	sld [smem:$0x3F94];
	s0 =	simm.s32 @p1 $0x1  }
0x15: {  	[smem:$0x3FB1] =	sst s0;
	s0 =	simm.s32 @!p2 $0x0  }
0x16: {  	s3 =	sld [smem:$0x3FDB];
	s0 =	simm.s32 @p2 $0x1  }
0x17: {  	s4 =	simm.s32 $0x1BF5;
	[smem:$0x3FB3] =	sst s0  }
0x18: {  	s0 =	sld [smem:$0x3F96];
	_ =	swait.ge [sflag:s4], $0x0  }
0x19: {  	s7 =	sld [smem:$0x3F97]  }
0x1a: {  	s8 =	sadd.s32 $0xFFFFE003, lr  }
0x1b: {  	s9 =	sadd.s32 $0xFFFFFEF7, lr;
	s5 =	simm.s32 $0xFFFFFFFF;
	p2 =	slt.u32 s8, $0xFFFFF086  }
0x1c: {  	p1 =	slt.u32 s9, $0xF7A;
	s5 =	simm.s32 @!p2 $0x0  }
0x1d: {  	s5 =	simm.s32 @p1 $0x1;
	p0 =	seq.s32 s7, s2  }
0x1e: {  	s7 =	smul.u32 @!p0 $0xF7A, s2;
	p2 =	seq.s32 @!p0 s5, $0x0  }
0x1f: {  	s9 =	smul.u32 $0xF7A, s1;
	s8 =	simm.s32 @!p0 $0x1BF5;
	p2 =	por !p2, p0  }
0x20: {  	[sflag:s8] =	ssyncset.s32 @!p0 $0xFFFFF086;
	s6 =	sadd.s32 @!p0 s3, s7;
	s7 =	simm.s32 @!p0 $0x108  }
0x21: {  	s3 =	sadd.s32 s3, s9;
	s6 =	sadd.s32 @!p0 $0x88, s6;
	s7 =	simm.s32 @p2 $0x1082  }
0x22: {  	[simem:s7], [sflag:s8] =	dma.local @!p0 [hbm:s6], $0xF7A  }
0x23: {  	s9 =	sor.u32 $0xD0000000, s2;
	s6 =	simm.s32 $0x108;
	_ =	swait.ge @!p0 [sflag:s8], $0x0  }
0x24: {  	s3 =	sadd.s32 $0x88, s3;
	s6 =	simm.s32 @!p1 $0x1082;
	[sflag:s4] =	ssyncset.s32 $0xFFFFF086  }
0x25: {  	[simem:s6], [sflag:s4] =	dma.local [hbm:s3], $0xF7A  }
0x26: {  	[smem:$0x3F97] =	sst s1;
	(tag) =	ssettag s2;
	_ =	strace s9  }
0x27: {  	s1 =	sld [smem:$0x3FA7]  }
0x28: {  	s2 =	sld [smem:$0x3FA8]  }
0x29: {  	s4 =	sld [smem:$0x3FAA]  }
0x2a: {  	p0 =	seq.s32 s5, $0x0;
	s5 =	sld [smem:$0x3FAB]  }
0x2b: {  	s6 =	sld [smem:$0x3FAC]  }
0x2c: {  	s7 =	sld [smem:$0x3FAD]  }
0x2d: {  	s3 =	simm.s32 $0x108;
	s8 =	sld [smem:$0x3FAE]  }
0x2e: {  	s3 =	simm.s32 @!p0 $0x1082;
	s9 =	sld [smem:$0x3FAF]  }
0x2f: {  	lr =	sadd.s32 s0, s3;
	s0 =	sld [smem:$0x3FA6]  }
0x30: {  	s3 =	sld [smem:$0x3FA9]  }
0x31: {  	[smem:$0x3FB2] =	sst s10  }
0x32: {  	s10 =	sld [smem:$0x3FB0];
	_ =	sdelay $0x3  }
0x33: {  	p0 =	seq.s32 s10, $0x1;
	s10 =	sld [smem:$0x3FB2];
	_ =	sdelay $0x3  }
0x34: {  	[smem:$0x3FB2] =	sst s10  }
0x35: {  	s10 =	sld [smem:$0x3FB1];
	_ =	sdelay $0x3  }
0x36: {  	p1 =	seq.s32 s10, $0x1;
	s10 =	sld [smem:$0x3FB2];
	_ =	sdelay $0x3  }
0x37: {  	[smem:$0x3FB2] =	sst s10  }
0x38: {  	s10 =	sld [smem:$0x3FB3]  }
0x39: {  	_ = 	snop;
	(pc) =	sbr.ind lr, $3  }
0x3a: {  	_ = 	snop  }
0x3b: {  	_ = 	snop  }
0x3c: {  	p2 =	seq.s32 s10, $0x1;
	s10 =	sld [smem:$0x3FB2]  }
0x3d: {  	_ =	shalt  }
0x3e: {  	_ =	shalt  }
0x3f: {  	_ =	shalt  }
0x40: {  	_ =	shalt  }
0x41: {  	_ =	shalt  }
0x42: {  	_ =	shalt  }
0x43: {  	_ =	shalt  }
0x44: {  	_ =	shalt  }
0x45: {  	_ =	shalt  }
0x46: {  	_ =	shalt  }
0x47: {  	_ =	shalt  }
0x48: {  	_ =	shalt  }
0x49: {  	_ =	shalt  }
0x4a: {  	_ =	shalt  }
0x4b: {  	_ =	shalt  }
0x4c: {  	_ =	shalt  }
0x4d: {  	_ =	shalt  }
0x4e: {  	_ =	shalt  }
0x4f: {  	_ =	shalt  }
0x50: {  	_ =	shalt  }
0x51: {  	_ =	shalt  }
0x52: {  	_ =	shalt  }
0x53: {  	_ =	shalt  }
0x54: {  	_ =	shalt  }
0x55: {  	_ =	shalt  }
0x56: {  	_ =	shalt  }
0x57: {  	_ =	shalt  }
0x58: {  	_ =	shalt  }
0x59: {  	_ =	shalt  }
0x5a: {  	_ =	shalt  }
0x5b: {  	_ =	shalt  }
0x5c: {  	_ =	shalt  }
0x5d: {  	_ =	shalt  }
0x5e: {  	_ =	shalt  }
0x5f: {  	_ =	shalt  }
0x60: {  	_ =	shalt  }
0x61: {  	_ =	shalt  }
0x62: {  	_ =	shalt  }
0x63: {  	_ =	shalt  }
0x64: {  	_ =	shalt  }
0x65: {  	_ =	shalt  }
0x66: {  	_ =	shalt  }
0x67: {  	_ =	shalt  }
0x68: {  	_ =	shalt  }
0x69: {  	_ =	shalt  }
0x6a: {  	_ =	shalt  }
0x6b: {  	_ =	shalt  }
0x6c: {  	_ =	shalt  }
0x6d: {  	_ =	shalt  }
0x6e: {  	_ =	shalt  }
0x6f: {  	_ =	shalt  }
0x70: {  	_ =	shalt  }
0x71: {  	_ =	shalt  }
0x72: {  	_ =	shalt  }
0x73: {  	_ =	shalt  }
0x74: {  	_ =	shalt  }
0x75: {  	_ =	shalt  }
0x76: {  	_ =	shalt  }
0x77: {  	_ =	shalt  }
0x78: {  	_ =	shalt  }
0x79: {  	_ =	shalt  }
0x7a: {  	_ =	shalt  }
0x7b: {  	_ =	shalt  }
0x7c: {  	_ =	shalt  }
0x7d: {  	_ =	shalt  }
0x7e: {  	_ =	shalt  }
0x7f: {  	_ =	shalt  }
0x80: {  	_ =	shalt  }
0x81: {  	_ =	shalt  }
0x82: {  	_ =	shalt  }
0x83: {  	_ =	shalt  }
0x84: {  	_ =	shalt  }
0x85: {  	_ =	shalt  }
0x86: {  	_ =	shalt  }
0x87: {  	_ =	shalt  }
.Lfunc_end0:
.L_simem_size_0:
called_computation_lowered:
.L_overlay_start_0:
0x88: {  	s2 =	sld [smem:$0x3FD9]  }
0x89: {  	s3 =	sld [smem:$0x3FFE];
	_ =	sdelay $0x1  }
0x8a: {  	s1 =	srdreg.scid  }
0x8b: {  	s0 =	sand.u32 $0x1, s1  }
0x8c: {  	s17 =	sshll.u32 s0, $0xA;
	s2 =	sadd.s32 s3, s2  }
0x8d: {  	s2 =	sadd.s32 s2, s17  }
0x8e: {  	[smem:$0x3FBE] =	sst s2  }
0x8f: {  	_ = 	snop  }
0x90: {  	s2 =	sld [smem:$0x3FC5]  }
0x91: {  	s18 =	sld [smem:$0x3FC4];
	(tm) =	ssettm $0x1  }
0x92: {  	s4 =	sld [smem:$0x3FFB];
	_ =	sdelay $0x3  }
0x93: {  	_ =	strace s4  }
0x94: {  	s4 =	sld [smem:$0x3FFC];
	_ =	sdelay $0x3  }
0x95: {  	_ =	strace s4  }
0x96: {  	s4 =	sld [smem:$0x3FFD];
	_ =	sdelay $0x3  }
0x97: {  	_ =	strace s4  }
0x98: {  	_ =	strace $0x8FFFFFFF  }
0x99: {  	s19 =	sld [smem:$0x3FDB];
	_ =	sdelay $0x1  }
0x9a: {  	s5 =	simm.s32 $_scs_section_size  }
0x9b: {  	s6 =	simm.s32 $_size__tile_overlayer_lowered;
	s7 =	simm.s32 $_tile_overlayer_lowered  }
0x9c: {  	s22 =	simm.s32 $0x1BFF;
	s21 =	sshll.u32 s7, $0x1;
	s4 =	sadd.s32 s5, s19  }
0x9d: {  	s8 =	simm.s32 $0x0;
	s20 =	sshll.u32 s6, $0x1;
	s6 =	sadd.s32 s21, s4  }
0x9e: {  	[timem:s8], [sflag:s22] =	dma.local [hbm:s6], s20  }
0x9f: {  	_ =	swait.ge [sflag:s22], s20  }
0xa0: {  	s5 =	ssub.s32 $0x0, s20;
	[sflag:s22] =	ssyncset.done $0x0  }
0xa1: {  	[sflag:s22] =	ssyncadd.s32 s5;
	_ =	sdelay $0x1  }
0xa2: {  	s23 =	simm.s32 $0x1B8B  }
0xa3: {  	_ =	swait.ge [sflag:s23], $0x1  }
0xa4: {  	[sflag:s23] =	ssyncset.done $0x0  }
0xa5: {  	s25 =	simm.s32 $0x1B8E;
	s24 =	sld [smem:$0x3FFE];
	[sflag:s23] =	ssyncadd.s32 $0xFFFFFFFF  }
0xa6: {  	s26 =	simm.s32 $execute0_lowered;
	[smem:$0x3FD2] =	sst s25  }
0xa7: {  	s6 =	sshll.u32 s26, $0x1;
	_ =	strace $0x80000046;
	[dreg:$0x1] =	wrdreg $0xFFFFFFFF  }
0xa8: {  	s28 =	simm.s32 $_size_execute0_lowered;
	s4 =	sadd.s32 s4, s6;
	[dreg:$0x0] =	wrdreg $0x0  }
0xa9: {  	s6 =	sshll.u32 s28, $0x1;
	[dreg:$0x2] =	wrdreg s4  }
0xaa: {  	[dreg:$0x3] =	wrdreg s6  }
0xab: {  	[dreg:$0x4] =	wrdreg $0xC0  }
0xac: {  	_ =	task [dreg:s8], $0x5FFFF  }
0xad: {  	[dreg:$0x1] =	wrdreg $0xFFFFFFFF  }
0xae: {  	[dreg:$0x0] =	wrdreg $0x60  }
0xaf: {  	[dreg:$0x2] =	wrdreg s18  }
0xb0: {  	[dreg:$0x3] =	wrdreg s2  }
0xb1: {  	[dreg:$0x4] =	wrdreg s24  }
0xb2: {  	[dreg:$0x5] =	wrdreg $0x9  }
0xb3: {  	_ =	task.clear_ibuf [dreg:s8], $0x6FFFF;
	_ =	strace $0x90000046  }
0xb4: {  	s29 =	simm.s32 $0x9;
	_ =	strace $0x80000048  }
0xb5: {  	_ =	swait.ge [sflag:s29], $0x1  }
0xb6: {  	[sflag:s29] =	ssyncadd.s32 $0xFFFFFFFF  }
0xb7: {  	_ =	strace $0x90000048  }
0xb8: {  	_ =	sfence  }
0xb9: {  	s30 =	sld [smem:$0x0];
	_ =	sdelay $0x2  }
0xba: {  	s31 =	sshll.u32 s1, $0xD;
	s1 =	sshrl.u32 s1, $0x2  }
0xbb: {  	s3 =	sand.u32 $0x4000, s31;
	s1 =	sadd.s32 s1, s30  }
0xbc: {  	s0 =	sor.u32 s3, s0;
	s1 =	sshll.u32 s1, $0x11  }
0xbd: {  	s0 =	sor.u32 s1, s0  }
0xbe: {  	s0 =	sadd.s32 $0x8F2B, s0  }
0xbf: {  	[sflag:s0] =	ssyncadd.remote.s32 $0x1  }
0xc0: {  	_ =	sfence.sel $0xFFFF  }
0xc1: {  	[dreg:$0x0] =	wrdreg $0xFFFFFFFF;
	(pc) =	sbr.abs _section_cstart, $3  }
0xc2: {  	[dreg:$0x1] =	wrdreg $0xFFFFFFFF  }
0xc3: {  	_ =	task.clear_ibuf [dreg:s8], $0x2FFFF;
	_ =	strace $0x9FFFFFFF  }
0xc4: {  	(tm) =	ssettm $0x7FFFFFFF  }
0xc5: {  	_ =	shalt  }
tec
execute0_lowered:
.L_overlay_start_1:
0x0: {  	(tag) =	ssettag $0x1  }
0x1: {  	s1 =	rddreg [dreg:$0x0]  }
0x2: {  	s2 =	rddreg [dreg:$0x1]  }
0x3: {  	s0 =	rddreg [dreg:$0x2];
	s3 =	simm.s32 $0x0  }
0x4: {  	s4 =	srdreg.scid;
	s10 =	stileid.u32;
	s11 =	simm.s32 $0x400  }
0x5: {  	s12 =	simm.s32 $0xC3800;
	s13 =	simm.s32 $0x2000;
	s14 =	simm.s32 $0x4000  }
0x6: {  	s15 =	simm.s32 $0x6000;
	s16 =	simm.s32 $0x8000;
	s17 =	simm.s32 $0x1  }
0x7: {  	s18 =	simm.s32 $0xA000;
	s19 =	simm.s32 $0x2;
	s20 =	simm.s32 $0x3  }
0x8: {  	v0 =	vlaneseq.u32;
	s21 =	simm.s32 $0xE000;
	s22 =	simm.s32 $0x4;
	s23 =	simm.s32 $0x5  }
.Ltmp0:
0x9: {  	s24 =	simm.s32 $0x12000;
	s4 =	sand.u32 $0x1, s4;
	v0 =	vmul.u32 $0x80, v0;
	(pc) =	sbr.rel .LBB2_1-.Ltmp0, $4  }
0xa: {  	s25 =	simm.s32 $0x6;
	s26 =	simm.s32 $0x0;
	s5 =	ssub.s32 $0x2, s4  }
0xb: {  	[smem:$0x7FF] =	sst s3;
	s7 =	sadd.s32 $0x188C00, s0;
	s9 =	sshrl.u32 s5, $0x1;
	v1 =	vor.u32 $0x800, v0  }
0xc: {  	s6 =	sadd.s32 $0x1C00, s0;
	s8 =	sadd.s32 $0x30FC00, s0;
	v2 =	vor.u32 $0x1000, v0;
	v3 =	vor.u32 $0x1800, v0;
	v4 =	vor.u32 $0x2000, v0;
	s31 =	ssub.s32 s5, s9  }
0xd: {  	_ =	strace $0x80000047;
	v5 =	vor.u32 $0x2800, v0;
	v6 =	vor.u32 $0x3000, v0;
	v7 =	vor.u32 $0x3800, v0;
	s9 =	sshll.u32 s10, $0x1;
	s10 =	smax.u32 s31, $0x1  }
.LBB2_15:
0xe: {  	_ =	swait.ge [sflag:s25], $0x4000  }
0xf: {  	[sflag:s25] =	ssyncset.done $0x0  }
0x10: {  	s26 =	sadd.s32 $0x1, s26;
	[sflag:s25] =	ssyncadd.s32 $0xFFFFC000  }
0x11: {  	p0 =	sne.s32 s26, s10;
	_ =	swait.ge [sflag:s25], $0x4000  }
.Ltmp1:
0x12: {  	[sflag:s25] =	ssyncset.done $0x0;
	(pc) =	sbr.rel @!p0 .LBB2_16-.Ltmp1, $4  }
0x13: {  	[sflag:s25] =	ssyncadd.s32 $0xFFFFC000  }
0x14: {  	_ =	swait.ge [sflag:s25], $0x4000  }
0x15: {  	[sflag:s25] =	ssyncset.done $0x0  }
0x16: {  	[sflag:s25] =	ssyncadd.s32 $0xFFFFC000  }
.LBB2_1:
.Ltmp2:
0x17: {  	(pc) =	sbr.rel .LBB2_2-.Ltmp2, $2  }
0x18: {  	_ =	sdelay $0x2  }
0x19: {  	s28 =	simm.s32 $0x0  }
.LBB2_14:
0x1a: {  	s28 =	sadd.s32 $0x1, s28  }
0x1b: {  	p0 =	sne.s32 s28, $0x19  }
.Ltmp3:
0x1c: {  	_ = 	snop;
	(pc) =	sbr.rel @!p0 .LBB2_15-.Ltmp3, $1  }
0x1d: {  	_ =	sdelay $0x3  }
.LBB2_2:
0x1e: {  	s0 =	sshll.u32 s28, $0x5  }
0x1f: {  	s0 =	sor.u32 s9, s0  }
0x20: {  	p0 =	sgt.u32 s0, $0x30D  }
.Ltmp4:
0x21: {  	_ = 	snop;
	(pc) =	sbr.rel @p0 .LBB2_14-.Ltmp4, $1  }
0x22: {  	_ =	sdelay $0x3  }
0x23: {  	s29 =	sor.u32 s4, s0  }
0x24: {  	s0 =	sshll.u32 s29, $0x7  }
0x25: {  	s5 =	sadd.s32 s1, s0  }
0x26: {  	[tilespmem:s3], [sflag:$0x1] =	stream.strided.gather [hbm4b:s5+s11], $0x2000, s12, s11, $0x38;
	[tilespmem:$0x16000] =	vst v63  }
0x27: {  	s5 =	sand.u32 $0x1FFFFF80, s0  }
0x28: {  	s30 =	sadd.s32 $0xC3800, s5  }
0x29: {  	s31 =	sadd.s32 s1, s30  }
0x2a: {  	[tilespmem:s13], [sflag:$0x2] =	stream.strided.gather [hbm4b:s31+s11], $0x2000, s12, s11, $0x38;
	[tilespmem:$0x16000] =	vst v63  }
0x2b: {  	s0 =	sadd.s32 s2, s0  }
0x2c: {  	[tilespmem:s14], [sflag:$0x3] =	stream.strided.gather [hbm4b:s0+s11], $0x2000, s12, s11, $0x38;
	[tilespmem:$0x16000] =	vst v63  }
0x2d: {  	s5 =	sadd.s32 s2, s5;
	s31 =	sadd.s32 s2, s30  }
0x2e: {  	[tilespmem:s15], [sflag:$0x4] =	stream.strided.gather [hbm4b:s31+s11], $0x2000, s12, s11, $0x38;
	[tilespmem:$0x16000] =	vst v63  }
0x2f: {  	p0 =	seq.s32 s28, $0x0;
	s0 =	sadd.s32 $0x187000, s5  }
0x30: {  	[tilespmem:s16], [sflag:$0x5] =	stream.strided.gather [hbm4b:s0+s11], $0x2000, s12, s11, $0x38;
	[tilespmem:$0x16000] =	vst v63  }
0x31: {  	s0 =	simm.s32 @!p0 $0x6  }
0x32: {  	_ =	swait.ge @!p0 [sflag:s0], $0x4000  }
0x33: {  	[sflag:s0] =	ssyncset.done @!p0 $0x0  }
0x34: {  	[sflag:s0] =	ssyncadd.s32 @!p0 $0xFFFFC000  }
0x35: {  	_ =	swait.ge @!p0 [sflag:s0], $0x4000  }
0x36: {  	[sflag:s0] =	ssyncset.done @!p0 $0x0  }
0x37: {  	[sflag:s0] =	ssyncadd.s32 @!p0 $0xFFFFC000  }
0x38: {  	_ =	swait.ge @!p0 [sflag:s0], $0x4000  }
0x39: {  	s31 =	simm.s32 $0x0;
	[sflag:s0] =	ssyncset.done @!p0 $0x0  }
0x3a: {  	v8 =	vmov s31;
	[sflag:s0] =	ssyncadd.s32 @!p0 $0xFFFFC000  }
0x3b: {  	v8 =	vand.u32 $0x7F, v8;
	_ =	swait.ge [sflag:s17], $0x2000  }
0x3c: {  	v9 =	vbroadcast v8, $0x0;
	[sflag:s17] =	ssyncset.done $0x0  }
0x3d: {  	s30 =	simm.s32 $0x40;
	[sflag:s17] =	ssyncadd.s32 $0xFFFFE000  }
0x3e: {  	v10 =	vor.u32 v0, v9;
	v8 =	vld [tilespmem:s30+$0xFFFFFFC0];
	_ =	sdelay $0x4  }
0x3f: {  	[tilespmem:v10+s18+$0x0] =	vst.idx.msk $0xffff, v8  }
0x40: {  	v10 =	vor.u32 v1, v9;
	v8 =	vld [tilespmem:s30+$0xFFFFFFD0];
	_ =	sdelay $0x4  }
0x41: {  	[tilespmem:v10+s18+$0x0] =	vst.idx.msk $0xffff, v8  }
0x42: {  	v10 =	vor.u32 v2, v9;
	v8 =	vld [tilespmem:s30+$0xFFFFFFE0];
	_ =	sdelay $0x4  }
0x43: {  	[tilespmem:v10+s18+$0x0] =	vst.idx.msk $0xffff, v8  }
0x44: {  	v10 =	vor.u32 v3, v9;
	v8 =	vld [tilespmem:s30+$0xFFFFFFF0];
	_ =	sdelay $0x4  }
0x45: {  	[tilespmem:v10+s18+$0x0] =	vst.idx.msk $0xffff, v8  }
0x46: {  	v10 =	vor.u32 v4, v9;
	v8 =	vld [tilespmem:s30+$0x0];
	_ =	sdelay $0x4  }
0x47: {  	[tilespmem:v10+s18+$0x0] =	vst.idx.msk $0xffff, v8  }
0x48: {  	v10 =	vor.u32 v5, v9;
	v8 =	vld [tilespmem:s30+$0x10];
	_ =	sdelay $0x4  }
0x49: {  	[tilespmem:v10+s18+$0x0] =	vst.idx.msk $0xffff, v8  }
0x4a: {  	v10 =	vor.u32 v6, v9;
	v8 =	vld [tilespmem:s30+$0x20];
	_ =	sdelay $0x4  }
0x4b: {  	[tilespmem:v10+s18+$0x0] =	vst.idx.msk $0xffff, v8  }
0x4c: {  	v9 =	vor.u32 v7, v9;
	v8 =	vld [tilespmem:s30+$0x30]  }
0x4d: {  	s31 =	simm.s32 $0x1  }
0x4e: {  	s0 =	simm.s32 $0x2;
	v10 =	vmov s31  }
.LBB2_4:
0x4f: {  	p0 =	sne.s32 s0, $0x3F;
	v10 =	vand.u32 $0x7F, v10  }
0x50: {  	v10 =	vbroadcast v10, $0x0  }
0x51: {  	s30 =	sadd.s32 $0x80, s30;
	[tilespmem:v9+s18+$0x0] =	vst.idx.msk $0xffff, v8  }
0x52: {  	v8 =	vld [tilespmem:s30+$0xFFFFFFC0];
	v9 =	vor.u32 v0, v10;
	_ =	sdelay $0x4  }
0x53: {  	[tilespmem:v9+s18+$0x0] =	vst.idx.msk $0xffff, v8  }
0x54: {  	v9 =	vor.u32 v1, v10;
	v8 =	vld [tilespmem:s30+$0xFFFFFFD0];
	_ =	sdelay $0x4  }
0x55: {  	[tilespmem:v9+s18+$0x0] =	vst.idx.msk $0xffff, v8  }
0x56: {  	v9 =	vor.u32 v2, v10;
	v8 =	vld [tilespmem:s30+$0xFFFFFFE0];
	_ =	sdelay $0x4  }
0x57: {  	[tilespmem:v9+s18+$0x0] =	vst.idx.msk $0xffff, v8  }
0x58: {  	v9 =	vor.u32 v3, v10;
	v8 =	vld [tilespmem:s30+$0xFFFFFFF0];
	_ =	sdelay $0x4  }
0x59: {  	[tilespmem:v9+s18+$0x0] =	vst.idx.msk $0xffff, v8  }
0x5a: {  	v9 =	vor.u32 v4, v10;
	v8 =	vld [tilespmem:s30+$0x0];
	_ =	sdelay $0x4  }
0x5b: {  	[tilespmem:v9+s18+$0x0] =	vst.idx.msk $0xffff, v8  }
0x5c: {  	v9 =	vor.u32 v5, v10;
	v8 =	vld [tilespmem:s30+$0x10];
	_ =	sdelay $0x4  }
0x5d: {  	[tilespmem:v9+s18+$0x0] =	vst.idx.msk $0xffff, v8  }
0x5e: {  	v9 =	vor.u32 v6, v10;
	v8 =	vld [tilespmem:s30+$0x20];
	_ =	sdelay $0x3  }
.Ltmp5:
0x5f: {  	(pc) =	sbr.rel @p0 .LBB2_4-.Ltmp5, $3  }
0x60: {  	[tilespmem:v9+s18+$0x0] =	vst.idx.msk $0xffff, v8  }
0x61: {  	v9 =	vor.u32 v7, v10;
	v8 =	vld [tilespmem:s30+$0x30];
	_ =	sdelay $0x1  }
0x62: {  	v10 =	vmov s0;
	s0 =	sadd.s32 $0x1, s0  }
0x63: {  	_ =	sdelay $0x1  }
0x64: {  	v10 =	vand.u32 $0x7F, v10  }
0x65: {  	v10 =	vbroadcast v10, $0x0  }
0x66: {  	s0 =	sadd.s32 $0x80, s30;
	[tilespmem:v9+s18+$0x0] =	vst.idx.msk $0xffff, v8  }
0x67: {  	v8 =	vld [tilespmem:s0+$0xFFFFFFC0];
	v9 =	vor.u32 v0, v10;
	_ =	sdelay $0x4  }
0x68: {  	[tilespmem:v9+s18+$0x0] =	vst.idx.msk $0xffff, v8  }
0x69: {  	v9 =	vor.u32 v1, v10;
	v8 =	vld [tilespmem:s0+$0xFFFFFFD0];
	_ =	sdelay $0x4  }
0x6a: {  	[tilespmem:v9+s18+$0x0] =	vst.idx.msk $0xffff, v8  }
0x6b: {  	v9 =	vor.u32 v2, v10;
	v8 =	vld [tilespmem:s0+$0xFFFFFFE0];
	_ =	sdelay $0x4  }
0x6c: {  	[tilespmem:v9+s18+$0x0] =	vst.idx.msk $0xffff, v8  }
0x6d: {  	v9 =	vor.u32 v3, v10;
	v8 =	vld [tilespmem:s0+$0xFFFFFFF0];
	_ =	sdelay $0x4  }
0x6e: {  	[tilespmem:v9+s18+$0x0] =	vst.idx.msk $0xffff, v8  }
0x6f: {  	v9 =	vor.u32 v4, v10;
	v8 =	vld [tilespmem:s0+$0x0];
	_ =	sdelay $0x4  }
0x70: {  	[tilespmem:v9+s18+$0x0] =	vst.idx.msk $0xffff, v8  }
0x71: {  	v9 =	vor.u32 v5, v10;
	v8 =	vld [tilespmem:s0+$0x10];
	_ =	sdelay $0x4  }
0x72: {  	[tilespmem:v9+s18+$0x0] =	vst.idx.msk $0xffff, v8  }
0x73: {  	v9 =	vor.u32 v6, v10;
	v8 =	vld [tilespmem:s0+$0x20];
	_ =	sdelay $0x4  }
0x74: {  	[tilespmem:v9+s18+$0x0] =	vst.idx.msk $0xffff, v8  }
0x75: {  	v9 =	vor.u32 v7, v10;
	v8 =	vld [tilespmem:s0+$0x30];
	_ =	sdelay $0x3  }
0x76: {  	s5 =	simm.s32 $0x40  }
0x77: {  	[tilespmem:v9+s18+$0x0] =	vst.idx.msk $0xffff, v8;
	v8 =	vmov s5  }
0x78: {  	_ =	swait.ge [sflag:s19], $0x2000;
	v8 =	vand.u32 $0x7F, v8  }
0x79: {  	[sflag:s19] =	ssyncset.done $0x0;
	v9 =	vbroadcast v8, $0x0  }
0x7a: {  	s30 =	simm.s32 $0x2070;
	[sflag:s19] =	ssyncadd.s32 $0xFFFFE000  }
0x7b: {  	v8 =	vld [tilespmem:s30+$0xFFFFFF90];
	v10 =	vor.u32 v0, v9;
	_ =	sdelay $0x4  }
0x7c: {  	[tilespmem:v10+s18+$0x0] =	vst.idx.msk $0xffff, v8  }
0x7d: {  	v10 =	vor.u32 v1, v9;
	v8 =	vld [tilespmem:s30+$0xFFFFFFA0];
	_ =	sdelay $0x4  }
0x7e: {  	[tilespmem:v10+s18+$0x0] =	vst.idx.msk $0xffff, v8  }
0x7f: {  	v10 =	vor.u32 v2, v9;
	v8 =	vld [tilespmem:s30+$0xFFFFFFB0];
	_ =	sdelay $0x4  }
0x80: {  	[tilespmem:v10+s18+$0x0] =	vst.idx.msk $0xffff, v8  }
0x81: {  	v10 =	vor.u32 v3, v9;
	v8 =	vld [tilespmem:s30+$0xFFFFFFC0];
	_ =	sdelay $0x4  }
0x82: {  	[tilespmem:v10+s18+$0x0] =	vst.idx.msk $0xffff, v8  }
0x83: {  	v10 =	vor.u32 v4, v9;
	v8 =	vld [tilespmem:s30+$0xFFFFFFD0];
	_ =	sdelay $0x4  }
0x84: {  	[tilespmem:v10+s18+$0x0] =	vst.idx.msk $0xffff, v8  }
0x85: {  	v10 =	vor.u32 v5, v9;
	v8 =	vld [tilespmem:s30+$0xFFFFFFE0];
	_ =	sdelay $0x4  }
0x86: {  	[tilespmem:v10+s18+$0x0] =	vst.idx.msk $0xffff, v8  }
0x87: {  	v10 =	vor.u32 v6, v9;
	v8 =	vld [tilespmem:s30+$0xFFFFFFF0];
	_ =	sdelay $0x4  }
0x88: {  	[tilespmem:v10+s18+$0x0] =	vst.idx.msk $0xffff, v8  }
0x89: {  	v9 =	vor.u32 v7, v9;
	v8 =	vld [tilespmem:s30+$0x0]  }
0x8a: {  	s31 =	simm.s32 $0x41  }
0x8b: {  	s0 =	simm.s32 $0x42;
	v10 =	vmov s31  }
.LBB2_6:
0x8c: {  	p0 =	sne.s32 s0, $0x7F;
	v10 =	vand.u32 $0x7F, v10  }
0x8d: {  	v10 =	vbroadcast v10, $0x0  }
0x8e: {  	s30 =	sadd.s32 $0x80, s30;
	[tilespmem:v9+s18+$0x0] =	vst.idx.msk $0xffff, v8  }
0x8f: {  	v8 =	vld [tilespmem:s30+$0xFFFFFF90];
	v9 =	vor.u32 v0, v10;
	_ =	sdelay $0x4  }
0x90: {  	[tilespmem:v9+s18+$0x0] =	vst.idx.msk $0xffff, v8  }
0x91: {  	v9 =	vor.u32 v1, v10;
	v8 =	vld [tilespmem:s30+$0xFFFFFFA0];
	_ =	sdelay $0x4  }
0x92: {  	[tilespmem:v9+s18+$0x0] =	vst.idx.msk $0xffff, v8  }
0x93: {  	v9 =	vor.u32 v2, v10;
	v8 =	vld [tilespmem:s30+$0xFFFFFFB0];
	_ =	sdelay $0x4  }
0x94: {  	[tilespmem:v9+s18+$0x0] =	vst.idx.msk $0xffff, v8  }
0x95: {  	v9 =	vor.u32 v3, v10;
	v8 =	vld [tilespmem:s30+$0xFFFFFFC0];
	_ =	sdelay $0x4  }
0x96: {  	[tilespmem:v9+s18+$0x0] =	vst.idx.msk $0xffff, v8  }
0x97: {  	v9 =	vor.u32 v4, v10;
	v8 =	vld [tilespmem:s30+$0xFFFFFFD0];
	_ =	sdelay $0x4  }
0x98: {  	[tilespmem:v9+s18+$0x0] =	vst.idx.msk $0xffff, v8  }
0x99: {  	v9 =	vor.u32 v5, v10;
	v8 =	vld [tilespmem:s30+$0xFFFFFFE0];
	_ =	sdelay $0x4  }
0x9a: {  	[tilespmem:v9+s18+$0x0] =	vst.idx.msk $0xffff, v8  }
0x9b: {  	v9 =	vor.u32 v6, v10;
	v8 =	vld [tilespmem:s30+$0xFFFFFFF0];
	_ =	sdelay $0x3  }
.Ltmp6:
0x9c: {  	(pc) =	sbr.rel @p0 .LBB2_6-.Ltmp6, $3  }
0x9d: {  	[tilespmem:v9+s18+$0x0] =	vst.idx.msk $0xffff, v8  }
0x9e: {  	v9 =	vor.u32 v7, v10;
	v8 =	vld [tilespmem:s30+$0x0];
	_ =	sdelay $0x1  }
0x9f: {  	v10 =	vmov s0;
	s0 =	sadd.s32 $0x1, s0  }
0xa0: {  	_ =	sdelay $0x1  }
0xa1: {  	v10 =	vand.u32 $0x7F, v10  }
0xa2: {  	v10 =	vbroadcast v10, $0x0  }
0xa3: {  	s0 =	sadd.s32 $0x80, s30;
	[tilespmem:v9+s18+$0x0] =	vst.idx.msk $0xffff, v8  }
0xa4: {  	v8 =	vld [tilespmem:s0+$0xFFFFFF90];
	v9 =	vor.u32 v0, v10;
	_ =	sdelay $0x4  }
0xa5: {  	[tilespmem:v9+s18+$0x0] =	vst.idx.msk $0xffff, v8  }
0xa6: {  	v9 =	vor.u32 v1, v10;
	v8 =	vld [tilespmem:s0+$0xFFFFFFA0];
	_ =	sdelay $0x4  }
0xa7: {  	[tilespmem:v9+s18+$0x0] =	vst.idx.msk $0xffff, v8  }
0xa8: {  	v9 =	vor.u32 v2, v10;
	v8 =	vld [tilespmem:s0+$0xFFFFFFB0];
	_ =	sdelay $0x4  }
0xa9: {  	[tilespmem:v9+s18+$0x0] =	vst.idx.msk $0xffff, v8  }
0xaa: {  	v9 =	vor.u32 v3, v10;
	v8 =	vld [tilespmem:s0+$0xFFFFFFC0];
	_ =	sdelay $0x4  }
0xab: {  	[tilespmem:v9+s18+$0x0] =	vst.idx.msk $0xffff, v8  }
0xac: {  	v9 =	vor.u32 v4, v10;
	v8 =	vld [tilespmem:s0+$0xFFFFFFD0];
	_ =	sdelay $0x4  }
0xad: {  	[tilespmem:v9+s18+$0x0] =	vst.idx.msk $0xffff, v8  }
0xae: {  	v9 =	vor.u32 v5, v10;
	v8 =	vld [tilespmem:s0+$0xFFFFFFE0];
	_ =	sdelay $0x4  }
0xaf: {  	[tilespmem:v9+s18+$0x0] =	vst.idx.msk $0xffff, v8  }
0xb0: {  	v9 =	vor.u32 v6, v10;
	v8 =	vld [tilespmem:s0+$0xFFFFFFF0];
	_ =	sdelay $0x4  }
0xb1: {  	[tilespmem:v9+s18+$0x0] =	vst.idx.msk $0xffff, v8  }
0xb2: {  	v9 =	vor.u32 v7, v10;
	v8 =	vld [tilespmem:s0+$0x0];
	_ =	sdelay $0x3  }
0xb3: {  	s29 =	sshll.u32 s29, $0xB  }
0xb4: {  	s5 =	simm.s32 $0x0;
	s0 =	sadd.s32 s6, s29;
	[tilespmem:v9+s18+$0x0] =	vst.idx.msk $0xffff, v8  }
0xb5: {  	v8 =	vmov s5;
	[hbm4b:s0+s5] =	stream.linear.scatter [tilespmem:s18], [sflag:$0x6], $0x4000, $0x38;
	[tilespmem:$0x16000] =	vst v63  }
0xb6: {  	v8 =	vand.u32 $0x7F, v8;
	_ =	swait.ge [sflag:s20], $0x2000  }
0xb7: {  	v9 =	vbroadcast v8, $0x0;
	[sflag:s20] =	ssyncset.done $0x0  }
0xb8: {  	s5 =	simm.s32 $0x0;
	[sflag:s20] =	ssyncadd.s32 $0xFFFFE000  }
0xb9: {  	v10 =	vor.u32 v0, v9;
	v8 =	vld [tilespmem:s5+$0x4000];
	_ =	sdelay $0x4  }
0xba: {  	[tilespmem:v10+s21+$0x0] =	vst.idx.msk $0xffff, v8  }
0xbb: {  	v10 =	vor.u32 v1, v9;
	v8 =	vld [tilespmem:s5+$0x4010];
	_ =	sdelay $0x4  }
0xbc: {  	[tilespmem:v10+s21+$0x0] =	vst.idx.msk $0xffff, v8  }
0xbd: {  	v10 =	vor.u32 v2, v9;
	v8 =	vld [tilespmem:s5+$0x4020];
	_ =	sdelay $0x4  }
0xbe: {  	[tilespmem:v10+s21+$0x0] =	vst.idx.msk $0xffff, v8  }
0xbf: {  	v10 =	vor.u32 v3, v9;
	v8 =	vld [tilespmem:s5+$0x4030];
	_ =	sdelay $0x4  }
0xc0: {  	[tilespmem:v10+s21+$0x0] =	vst.idx.msk $0xffff, v8  }
0xc1: {  	v10 =	vor.u32 v4, v9;
	v8 =	vld [tilespmem:s5+$0x4040];
	_ =	sdelay $0x4  }
0xc2: {  	[tilespmem:v10+s21+$0x0] =	vst.idx.msk $0xffff, v8  }
0xc3: {  	v10 =	vor.u32 v5, v9;
	v8 =	vld [tilespmem:s5+$0x4050];
	_ =	sdelay $0x4  }
0xc4: {  	[tilespmem:v10+s21+$0x0] =	vst.idx.msk $0xffff, v8  }
0xc5: {  	v10 =	vor.u32 v6, v9;
	v8 =	vld [tilespmem:s5+$0x4060];
	_ =	sdelay $0x4  }
0xc6: {  	[tilespmem:v10+s21+$0x0] =	vst.idx.msk $0xffff, v8  }
0xc7: {  	v9 =	vor.u32 v7, v9;
	v8 =	vld [tilespmem:s5+$0x4070]  }
0xc8: {  	s31 =	simm.s32 $0x1  }
0xc9: {  	s30 =	simm.s32 $0x200;
	s0 =	simm.s32 $0x400;
	v10 =	vmov s31  }
.LBB2_8:
0xca: {  	p0 =	sne.s32 s0, $0x7E00;
	v10 =	vand.u32 $0x7F, v10  }
0xcb: {  	v10 =	vbroadcast v10, $0x0  }
0xcc: {  	s5 =	sshra.s32 s30, $0x2;
	s30 =	smov.u32 s0;
	[tilespmem:v9+s21+$0x0] =	vst.idx.msk $0xffff, v8  }
0xcd: {  	v8 =	vld [tilespmem:s5+$0x4000];
	v9 =	vor.u32 v0, v10;
	_ =	sdelay $0x4  }
0xce: {  	[tilespmem:v9+s21+$0x0] =	vst.idx.msk $0xffff, v8  }
0xcf: {  	v9 =	vor.u32 v1, v10;
	v8 =	vld [tilespmem:s5+$0x4010];
	_ =	sdelay $0x4  }
0xd0: {  	[tilespmem:v9+s21+$0x0] =	vst.idx.msk $0xffff, v8  }
0xd1: {  	v9 =	vor.u32 v2, v10;
	v8 =	vld [tilespmem:s5+$0x4020];
	_ =	sdelay $0x4  }
0xd2: {  	[tilespmem:v9+s21+$0x0] =	vst.idx.msk $0xffff, v8  }
0xd3: {  	v9 =	vor.u32 v3, v10;
	v8 =	vld [tilespmem:s5+$0x4030];
	_ =	sdelay $0x4  }
0xd4: {  	[tilespmem:v9+s21+$0x0] =	vst.idx.msk $0xffff, v8  }
0xd5: {  	v9 =	vor.u32 v4, v10;
	v8 =	vld [tilespmem:s5+$0x4040];
	_ =	sdelay $0x4  }
0xd6: {  	[tilespmem:v9+s21+$0x0] =	vst.idx.msk $0xffff, v8  }
0xd7: {  	v9 =	vor.u32 v5, v10;
	v8 =	vld [tilespmem:s5+$0x4050];
	_ =	sdelay $0x4  }
0xd8: {  	[tilespmem:v9+s21+$0x0] =	vst.idx.msk $0xffff, v8  }
0xd9: {  	v9 =	vor.u32 v6, v10;
	v8 =	vld [tilespmem:s5+$0x4060];
	_ =	sdelay $0x3  }
.Ltmp7:
0xda: {  	(pc) =	sbr.rel @p0 .LBB2_8-.Ltmp7, $4  }
0xdb: {  	[tilespmem:v9+s21+$0x0] =	vst.idx.msk $0xffff, v8  }
0xdc: {  	v9 =	vor.u32 v7, v10;
	v8 =	vld [tilespmem:s5+$0x4070]  }
0xdd: {  	s31 =	sadd.s32 $0x1, s31  }
0xde: {  	s0 =	sadd.s32 $0x200, s0;
	v10 =	vmov s31  }
0xdf: {  	_ =	sdelay $0x1  }
0xe0: {  	v10 =	vand.u32 $0x7F, v10  }
0xe1: {  	v10 =	vbroadcast v10, $0x0  }
0xe2: {  	s0 =	sshra.s32 s30, $0x2;
	[tilespmem:v9+s21+$0x0] =	vst.idx.msk $0xffff, v8  }
0xe3: {  	v8 =	vld [tilespmem:s0+$0x4000];
	v9 =	vor.u32 v0, v10;
	_ =	sdelay $0x4  }
0xe4: {  	[tilespmem:v9+s21+$0x0] =	vst.idx.msk $0xffff, v8  }
0xe5: {  	v9 =	vor.u32 v1, v10;
	v8 =	vld [tilespmem:s0+$0x4010];
	_ =	sdelay $0x4  }
0xe6: {  	[tilespmem:v9+s21+$0x0] =	vst.idx.msk $0xffff, v8  }
0xe7: {  	v9 =	vor.u32 v2, v10;
	v8 =	vld [tilespmem:s0+$0x4020];
	_ =	sdelay $0x4  }
0xe8: {  	[tilespmem:v9+s21+$0x0] =	vst.idx.msk $0xffff, v8  }
0xe9: {  	v9 =	vor.u32 v3, v10;
	v8 =	vld [tilespmem:s0+$0x4030];
	_ =	sdelay $0x4  }
0xea: {  	[tilespmem:v9+s21+$0x0] =	vst.idx.msk $0xffff, v8  }
0xeb: {  	v9 =	vor.u32 v4, v10;
	v8 =	vld [tilespmem:s0+$0x4040];
	_ =	sdelay $0x4  }
0xec: {  	[tilespmem:v9+s21+$0x0] =	vst.idx.msk $0xffff, v8  }
0xed: {  	v9 =	vor.u32 v5, v10;
	v8 =	vld [tilespmem:s0+$0x4050];
	_ =	sdelay $0x4  }
0xee: {  	[tilespmem:v9+s21+$0x0] =	vst.idx.msk $0xffff, v8  }
0xef: {  	v9 =	vor.u32 v6, v10;
	v8 =	vld [tilespmem:s0+$0x4060];
	_ =	sdelay $0x4  }
0xf0: {  	[tilespmem:v9+s21+$0x0] =	vst.idx.msk $0xffff, v8  }
0xf1: {  	v9 =	vor.u32 v7, v10;
	v8 =	vld [tilespmem:s0+$0x4070];
	_ =	sdelay $0x3  }
0xf2: {  	s5 =	simm.s32 $0x40  }
0xf3: {  	[tilespmem:v9+s21+$0x0] =	vst.idx.msk $0xffff, v8;
	v8 =	vmov s5  }
0xf4: {  	_ =	swait.ge [sflag:s22], $0x2000;
	v8 =	vand.u32 $0x7F, v8  }
0xf5: {  	[sflag:s22] =	ssyncset.done $0x0;
	v9 =	vbroadcast v8, $0x0  }
0xf6: {  	s5 =	simm.s32 $0x0;
	[sflag:s22] =	ssyncadd.s32 $0xFFFFE000  }
0xf7: {  	v8 =	vld [tilespmem:s5+$0x6000];
	v10 =	vor.u32 v0, v9;
	_ =	sdelay $0x4  }
0xf8: {  	[tilespmem:v10+s21+$0x0] =	vst.idx.msk $0xffff, v8  }
0xf9: {  	v10 =	vor.u32 v1, v9;
	v8 =	vld [tilespmem:s5+$0x6010];
	_ =	sdelay $0x4  }
0xfa: {  	[tilespmem:v10+s21+$0x0] =	vst.idx.msk $0xffff, v8  }
0xfb: {  	v10 =	vor.u32 v2, v9;
	v8 =	vld [tilespmem:s5+$0x6020];
	_ =	sdelay $0x4  }
0xfc: {  	[tilespmem:v10+s21+$0x0] =	vst.idx.msk $0xffff, v8  }
0xfd: {  	v10 =	vor.u32 v3, v9;
	v8 =	vld [tilespmem:s5+$0x6030];
	_ =	sdelay $0x4  }
0xfe: {  	[tilespmem:v10+s21+$0x0] =	vst.idx.msk $0xffff, v8  }
0xff: {  	v10 =	vor.u32 v4, v9;
	v8 =	vld [tilespmem:s5+$0x6040];
	_ =	sdelay $0x4  }
0x100: {  	[tilespmem:v10+s21+$0x0] =	vst.idx.msk $0xffff, v8  }
0x101: {  	v10 =	vor.u32 v5, v9;
	v8 =	vld [tilespmem:s5+$0x6050];
	_ =	sdelay $0x4  }
0x102: {  	[tilespmem:v10+s21+$0x0] =	vst.idx.msk $0xffff, v8  }
0x103: {  	v10 =	vor.u32 v6, v9;
	v8 =	vld [tilespmem:s5+$0x6060];
	_ =	sdelay $0x4  }
0x104: {  	[tilespmem:v10+s21+$0x0] =	vst.idx.msk $0xffff, v8  }
0x105: {  	v9 =	vor.u32 v7, v9;
	v8 =	vld [tilespmem:s5+$0x6070]  }
0x106: {  	s31 =	simm.s32 $0x41  }
0x107: {  	s30 =	simm.s32 $0x200;
	s0 =	simm.s32 $0x400;
	v10 =	vmov s31  }
.LBB2_10:
0x108: {  	p0 =	sne.s32 s0, $0x7E00;
	v10 =	vand.u32 $0x7F, v10  }
0x109: {  	v10 =	vbroadcast v10, $0x0  }
0x10a: {  	s5 =	sshra.s32 s30, $0x2;
	s30 =	smov.u32 s0;
	[tilespmem:v9+s21+$0x0] =	vst.idx.msk $0xffff, v8  }
0x10b: {  	v8 =	vld [tilespmem:s5+$0x6000];
	v9 =	vor.u32 v0, v10;
	_ =	sdelay $0x4  }
0x10c: {  	[tilespmem:v9+s21+$0x0] =	vst.idx.msk $0xffff, v8  }
0x10d: {  	v9 =	vor.u32 v1, v10;
	v8 =	vld [tilespmem:s5+$0x6010];
	_ =	sdelay $0x4  }
0x10e: {  	[tilespmem:v9+s21+$0x0] =	vst.idx.msk $0xffff, v8  }
0x10f: {  	v9 =	vor.u32 v2, v10;
	v8 =	vld [tilespmem:s5+$0x6020];
	_ =	sdelay $0x4  }
0x110: {  	[tilespmem:v9+s21+$0x0] =	vst.idx.msk $0xffff, v8  }
0x111: {  	v9 =	vor.u32 v3, v10;
	v8 =	vld [tilespmem:s5+$0x6030];
	_ =	sdelay $0x4  }
0x112: {  	[tilespmem:v9+s21+$0x0] =	vst.idx.msk $0xffff, v8  }
0x113: {  	v9 =	vor.u32 v4, v10;
	v8 =	vld [tilespmem:s5+$0x6040];
	_ =	sdelay $0x4  }
0x114: {  	[tilespmem:v9+s21+$0x0] =	vst.idx.msk $0xffff, v8  }
0x115: {  	v9 =	vor.u32 v5, v10;
	v8 =	vld [tilespmem:s5+$0x6050];
	_ =	sdelay $0x4  }
0x116: {  	[tilespmem:v9+s21+$0x0] =	vst.idx.msk $0xffff, v8  }
0x117: {  	v9 =	vor.u32 v6, v10;
	v8 =	vld [tilespmem:s5+$0x6060];
	_ =	sdelay $0x3  }
.Ltmp8:
0x118: {  	(pc) =	sbr.rel @p0 .LBB2_10-.Ltmp8, $4  }
0x119: {  	[tilespmem:v9+s21+$0x0] =	vst.idx.msk $0xffff, v8  }
0x11a: {  	v9 =	vor.u32 v7, v10;
	v8 =	vld [tilespmem:s5+$0x6070]  }
0x11b: {  	s31 =	sadd.s32 $0x1, s31  }
0x11c: {  	s0 =	sadd.s32 $0x200, s0;
	v10 =	vmov s31  }
0x11d: {  	_ =	sdelay $0x1  }
0x11e: {  	v10 =	vand.u32 $0x7F, v10  }
0x11f: {  	v10 =	vbroadcast v10, $0x0  }
0x120: {  	s0 =	sshra.s32 s30, $0x2;
	[tilespmem:v9+s21+$0x0] =	vst.idx.msk $0xffff, v8  }
0x121: {  	v8 =	vld [tilespmem:s0+$0x6000];
	v9 =	vor.u32 v0, v10;
	_ =	sdelay $0x4  }
0x122: {  	[tilespmem:v9+s21+$0x0] =	vst.idx.msk $0xffff, v8  }
0x123: {  	v9 =	vor.u32 v1, v10;
	v8 =	vld [tilespmem:s0+$0x6010];
	_ =	sdelay $0x4  }
0x124: {  	[tilespmem:v9+s21+$0x0] =	vst.idx.msk $0xffff, v8  }
0x125: {  	v9 =	vor.u32 v2, v10;
	v8 =	vld [tilespmem:s0+$0x6020];
	_ =	sdelay $0x4  }
0x126: {  	[tilespmem:v9+s21+$0x0] =	vst.idx.msk $0xffff, v8  }
0x127: {  	v9 =	vor.u32 v3, v10;
	v8 =	vld [tilespmem:s0+$0x6030];
	_ =	sdelay $0x4  }
0x128: {  	[tilespmem:v9+s21+$0x0] =	vst.idx.msk $0xffff, v8  }
0x129: {  	v9 =	vor.u32 v4, v10;
	v8 =	vld [tilespmem:s0+$0x6040];
	_ =	sdelay $0x4  }
0x12a: {  	[tilespmem:v9+s21+$0x0] =	vst.idx.msk $0xffff, v8  }
0x12b: {  	v9 =	vor.u32 v5, v10;
	v8 =	vld [tilespmem:s0+$0x6050];
	_ =	sdelay $0x4  }
0x12c: {  	[tilespmem:v9+s21+$0x0] =	vst.idx.msk $0xffff, v8  }
0x12d: {  	v9 =	vor.u32 v6, v10;
	v8 =	vld [tilespmem:s0+$0x6060];
	_ =	sdelay $0x4  }
0x12e: {  	[tilespmem:v9+s21+$0x0] =	vst.idx.msk $0xffff, v8  }
0x12f: {  	v9 =	vor.u32 v7, v10;
	v8 =	vld [tilespmem:s0+$0x6070];
	_ =	sdelay $0x4  }
0x130: {  	s5 =	simm.s32 $0x0;
	s0 =	sadd.s32 s7, s29;
	[tilespmem:v9+s21+$0x0] =	vst.idx.msk $0xffff, v8  }
0x131: {  	v8 =	vmov s5;
	[hbm4b:s0+s5] =	stream.linear.scatter [tilespmem:s21], [sflag:$0x6], $0x4000, $0x38;
	[tilespmem:$0x16000] =	vst v63  }
0x132: {  	v8 =	vand.u32 $0x7F, v8;
	_ =	swait.ge [sflag:s23], $0x2000  }
0x133: {  	v9 =	vbroadcast v8, $0x0;
	[sflag:s23] =	ssyncset.done $0x0  }
0x134: {  	s5 =	simm.s32 $0x0;
	[sflag:s23] =	ssyncadd.s32 $0xFFFFE000  }
0x135: {  	v10 =	vor.u32 v0, v9;
	v8 =	vld [tilespmem:s5+$0x8000];
	_ =	sdelay $0x4  }
0x136: {  	[tilespmem:v10+s24+$0x0] =	vst.idx.msk $0xffff, v8  }
0x137: {  	v10 =	vor.u32 v1, v9;
	v8 =	vld [tilespmem:s5+$0x8010];
	_ =	sdelay $0x4  }
0x138: {  	[tilespmem:v10+s24+$0x0] =	vst.idx.msk $0xffff, v8  }
0x139: {  	v10 =	vor.u32 v2, v9;
	v8 =	vld [tilespmem:s5+$0x8020];
	_ =	sdelay $0x4  }
0x13a: {  	[tilespmem:v10+s24+$0x0] =	vst.idx.msk $0xffff, v8  }
0x13b: {  	v10 =	vor.u32 v3, v9;
	v8 =	vld [tilespmem:s5+$0x8030];
	_ =	sdelay $0x4  }
0x13c: {  	[tilespmem:v10+s24+$0x0] =	vst.idx.msk $0xffff, v8  }
0x13d: {  	v10 =	vor.u32 v4, v9;
	v8 =	vld [tilespmem:s5+$0x8040];
	_ =	sdelay $0x4  }
0x13e: {  	[tilespmem:v10+s24+$0x0] =	vst.idx.msk $0xffff, v8  }
0x13f: {  	v10 =	vor.u32 v5, v9;
	v8 =	vld [tilespmem:s5+$0x8050];
	_ =	sdelay $0x4  }
0x140: {  	[tilespmem:v10+s24+$0x0] =	vst.idx.msk $0xffff, v8  }
0x141: {  	v10 =	vor.u32 v6, v9;
	v8 =	vld [tilespmem:s5+$0x8060];
	_ =	sdelay $0x4  }
0x142: {  	[tilespmem:v10+s24+$0x0] =	vst.idx.msk $0xffff, v8  }
0x143: {  	v9 =	vor.u32 v7, v9;
	v8 =	vld [tilespmem:s5+$0x8070]  }
0x144: {  	s31 =	simm.s32 $0x1  }
0x145: {  	s30 =	simm.s32 $0x200;
	s0 =	simm.s32 $0x400;
	v10 =	vmov s31  }
.LBB2_12:
0x146: {  	p0 =	sne.s32 s0, $0x7E00;
	v10 =	vand.u32 $0x7F, v10  }
0x147: {  	v10 =	vbroadcast v10, $0x0  }
0x148: {  	s5 =	sshra.s32 s30, $0x2;
	s30 =	smov.u32 s0;
	[tilespmem:v9+s24+$0x0] =	vst.idx.msk $0xffff, v8  }
0x149: {  	v8 =	vld [tilespmem:s5+$0x8000];
	v9 =	vor.u32 v0, v10;
	_ =	sdelay $0x4  }
0x14a: {  	[tilespmem:v9+s24+$0x0] =	vst.idx.msk $0xffff, v8  }
0x14b: {  	v9 =	vor.u32 v1, v10;
	v8 =	vld [tilespmem:s5+$0x8010];
	_ =	sdelay $0x4  }
0x14c: {  	[tilespmem:v9+s24+$0x0] =	vst.idx.msk $0xffff, v8  }
0x14d: {  	v9 =	vor.u32 v2, v10;
	v8 =	vld [tilespmem:s5+$0x8020];
	_ =	sdelay $0x4  }
0x14e: {  	[tilespmem:v9+s24+$0x0] =	vst.idx.msk $0xffff, v8  }
0x14f: {  	v9 =	vor.u32 v3, v10;
	v8 =	vld [tilespmem:s5+$0x8030];
	_ =	sdelay $0x4  }
0x150: {  	[tilespmem:v9+s24+$0x0] =	vst.idx.msk $0xffff, v8  }
0x151: {  	v9 =	vor.u32 v4, v10;
	v8 =	vld [tilespmem:s5+$0x8040];
	_ =	sdelay $0x4  }
0x152: {  	[tilespmem:v9+s24+$0x0] =	vst.idx.msk $0xffff, v8  }
0x153: {  	v9 =	vor.u32 v5, v10;
	v8 =	vld [tilespmem:s5+$0x8050];
	_ =	sdelay $0x4  }
0x154: {  	[tilespmem:v9+s24+$0x0] =	vst.idx.msk $0xffff, v8  }
0x155: {  	v9 =	vor.u32 v6, v10;
	v8 =	vld [tilespmem:s5+$0x8060];
	_ =	sdelay $0x3  }
.Ltmp9:
0x156: {  	(pc) =	sbr.rel @p0 .LBB2_12-.Ltmp9, $4  }
0x157: {  	[tilespmem:v9+s24+$0x0] =	vst.idx.msk $0xffff, v8  }
0x158: {  	v9 =	vor.u32 v7, v10;
	v8 =	vld [tilespmem:s5+$0x8070]  }
0x159: {  	s31 =	sadd.s32 $0x1, s31  }
0x15a: {  	s0 =	sadd.s32 $0x200, s0;
	v10 =	vmov s31  }
0x15b: {  	_ =	sdelay $0x1  }
0x15c: {  	v10 =	vand.u32 $0x7F, v10  }
0x15d: {  	v10 =	vbroadcast v10, $0x0  }
0x15e: {  	s0 =	sshra.s32 s30, $0x2;
	[tilespmem:v9+s24+$0x0] =	vst.idx.msk $0xffff, v8  }
0x15f: {  	v8 =	vld [tilespmem:s0+$0x8000];
	v56 =	vor.u32 v0, v10;
	_ =	sdelay $0x4  }
0x160: {  	[tilespmem:v56+s24+$0x0] =	vst.idx.msk $0xffff, v8  }
0x161: {  	v57 =	vor.u32 v1, v10;
	v8 =	vld [tilespmem:s0+$0x8010];
	_ =	sdelay $0x4  }
0x162: {  	[tilespmem:v57+s24+$0x0] =	vst.idx.msk $0xffff, v8  }
0x163: {  	v58 =	vor.u32 v2, v10;
	v8 =	vld [tilespmem:s0+$0x8020];
	_ =	sdelay $0x4  }
0x164: {  	[tilespmem:v58+s24+$0x0] =	vst.idx.msk $0xffff, v8  }
0x165: {  	v59 =	vor.u32 v3, v10;
	v8 =	vld [tilespmem:s0+$0x8030];
	_ =	sdelay $0x4  }
0x166: {  	[tilespmem:v59+s24+$0x0] =	vst.idx.msk $0xffff, v8  }
0x167: {  	v60 =	vor.u32 v4, v10;
	v8 =	vld [tilespmem:s0+$0x8040];
	_ =	sdelay $0x4  }
0x168: {  	[tilespmem:v60+s24+$0x0] =	vst.idx.msk $0xffff, v8  }
0x169: {  	v61 =	vor.u32 v5, v10;
	v8 =	vld [tilespmem:s0+$0x8050];
	_ =	sdelay $0x4  }
0x16a: {  	[tilespmem:v61+s24+$0x0] =	vst.idx.msk $0xffff, v8  }
0x16b: {  	v62 =	vor.u32 v6, v10;
	v8 =	vld [tilespmem:s0+$0x8060];
	_ =	sdelay $0x4  }
0x16c: {  	[tilespmem:v62+s24+$0x0] =	vst.idx.msk $0xffff, v8  }
0x16d: {  	v63 =	vor.u32 v7, v10;
	v8 =	vld [tilespmem:s0+$0x8070];
	_ =	sdelay $0x1  }
.Ltmp10:
0x16e: {  	_ = 	snop;
	(pc) =	sbr.rel .LBB2_14-.Ltmp10, $3  }
0x16f: {  	_ =	sdelay $0x1  }
0x170: {  	s31 =	sadd.s32 s8, s29;
	[tilespmem:v63+s24+$0x0] =	vst.idx.msk $0xffff, v8  }
0x171: {  	[hbm4b:s31+s3] =	stream.linear.scatter [tilespmem:s24], [sflag:$0x6], $0x4000, $0x38;
	[tilespmem:$0x16000] =	vst v63  }
.LBB2_16:
0x172: {  	_ =	sfence.sel $0x180000  }
0x173: {  	[bflag:$0x0] =	sbarrier.arrive $0xFFFF  }
0x174: {  	_ =	strace $0x90000047  }
0x175: {  	s0 =	stileid.u32;
	[bflag:$0x2] =	sbarrier.arrive $0xFFFF  }
0x176: {  	p0 =	sne.s32 s0, $0x0;
	s0 =	rddreg [dreg:$0x3]  }
0x177: {  	s0 =	sadd.s32 @!p0 $0x100000, s0  }
0x178: {  	[sflag:s0] =	ssyncadd.tile.s32 @!p0 $0x1;
	_ =	shalt  }
.Lfunc_end2:
_tile_overlayer_lowered:
.L_overlay_start_2:
0x179: {  	(tag) =	ssettag $0x2  }
0x17a: {  	s0 =	rddreg [dreg:$0x0];
	s2 =	stileid.u32  }
0x17b: {  	s1 =	rddreg [dreg:$0x1];
	p0 =	sne.s32 s2, $0x0  }
0x17c: {  	s3 =	rddreg [dreg:$0x2];
	[bflag:$0x3] =	sbarrier.arrive $0xFFFF;
	s2 =	simm.s32 @!p0 $0x1C07  }
0x17d: {  	[timem:s3], [sflag:s2] =	dma.local @!p0 [hbm:s0], s1  }
0x17e: {  	s0 =	simm.s32 @!p0 $0x7  }
0x17f: {  	_ =	swait.ge @!p0 [sflag:s0], s1  }
0x180: {  	s1 =	ssub.s32 @!p0 $0x0, s1;
	[sflag:s0] =	ssyncset.done @!p0 $0x0  }
0x181: {  	[sflag:s0] =	ssyncadd.s32 @!p0 s1  }
0x182: {  	[bflag:$0x3] =	sbarrier.arrive $0xFFFF  }
0x183: {  	_ =	shalt  }

// kernel: kernel.7.cloned.1.call-start
scs
__scs_entry_jumppad:
0x0: {  	(pc) =	sbr.rel $0x88, $3  }
0x1: {  	(tag) =	ssettag $0x0;
	lr =	simm.s32 $0x1  }
0x2: {  	[smem:$0x3F97] =	sst lr;
	_ =	strace $0xD0000000  }
0x3: {  	_ = 	snop  }
0x4: {  	_ = 	snop  }
0x5: {  	_ = 	snop  }
0x6: {  	_ = 	snop  }
0x7: {  	_ = 	snop  }
__scs_overlays_trampoline_lowered:
0x8: {  	[smem:$0x3FA6] =	sst s0  }
0x9: {  	[smem:$0x3FA7] =	sst s1  }
0xa: {  	[smem:$0x3FA8] =	sst s2  }
0xb: {  	[smem:$0x3FA9] =	sst s3  }
0xc: {  	[smem:$0x3FAA] =	sst s4  }
0xd: {  	[smem:$0x3FAB] =	sst s5  }
0xe: {  	[smem:$0x3FAC] =	sst s6  }
0xf: {  	[smem:$0x3FAD] =	sst s7  }
0x10: {  	[smem:$0x3FAE] =	sst s8  }
0x11: {  	[smem:$0x3FAF] =	sst s9;
	s0 =	simm.s32 @!p0 $0x0  }
0x12: {  	s1 =	sld [smem:$0x3F95];
	s0 =	simm.s32 @p0 $0x1  }
0x13: {  	[smem:$0x3FB0] =	sst s0;
	s0 =	simm.s32 @!p1 $0x0  }
0x14: {  	s2 =	sld [smem:$0x3F94];
	s0 =	simm.s32 @p1 $0x1  }
0x15: {  	[smem:$0x3FB1] =	sst s0;
	s0 =	simm.s32 @!p2 $0x0  }
0x16: {  	s3 =	sld [smem:$0x3FDB];
	s0 =	simm.s32 @p2 $0x1  }
0x17: {  	s4 =	simm.s32 $0x1BF5;
	[smem:$0x3FB3] =	sst s0  }
0x18: {  	s0 =	sld [smem:$0x3F96];
	_ =	swait.ge [sflag:s4], $0x0  }
0x19: {  	s7 =	sld [smem:$0x3F97]  }
0x1a: {  	s8 =	sadd.s32 $0xFFFFE003, lr  }
0x1b: {  	s9 =	sadd.s32 $0xFFFFFEF7, lr;
	s5 =	simm.s32 $0xFFFFFFFF;
	p2 =	slt.u32 s8, $0xFFFFF086  }
0x1c: {  	p1 =	slt.u32 s9, $0xF7A;
	s5 =	simm.s32 @!p2 $0x0  }
0x1d: {  	s5 =	simm.s32 @p1 $0x1;
	p0 =	seq.s32 s7, s2  }
0x1e: {  	s7 =	smul.u32 @!p0 $0xF7A, s2;
	p2 =	seq.s32 @!p0 s5, $0x0  }
0x1f: {  	s9 =	smul.u32 $0xF7A, s1;
	s8 =	simm.s32 @!p0 $0x1BF5;
	p2 =	por !p2, p0  }
0x20: {  	[sflag:s8] =	ssyncset.s32 @!p0 $0xFFFFF086;
	s6 =	sadd.s32 @!p0 s3, s7;
	s7 =	simm.s32 @!p0 $0x108  }
0x21: {  	s3 =	sadd.s32 s3, s9;
	s6 =	sadd.s32 @!p0 $0x88, s6;
	s7 =	simm.s32 @p2 $0x1082  }
0x22: {  	[simem:s7], [sflag:s8] =	dma.local @!p0 [hbm:s6], $0xF7A  }
0x23: {  	s9 =	sor.u32 $0xD0000000, s2;
	s6 =	simm.s32 $0x108;
	_ =	swait.ge @!p0 [sflag:s8], $0x0  }
0x24: {  	s3 =	sadd.s32 $0x88, s3;
	s6 =	simm.s32 @!p1 $0x1082;
	[sflag:s4] =	ssyncset.s32 $0xFFFFF086  }
0x25: {  	[simem:s6], [sflag:s4] =	dma.local [hbm:s3], $0xF7A  }
0x26: {  	[smem:$0x3F97] =	sst s1;
	(tag) =	ssettag s2;
	_ =	strace s9  }
0x27: {  	s1 =	sld [smem:$0x3FA7]  }
0x28: {  	s2 =	sld [smem:$0x3FA8]  }
0x29: {  	s4 =	sld [smem:$0x3FAA]  }
0x2a: {  	p0 =	seq.s32 s5, $0x0;
	s5 =	sld [smem:$0x3FAB]  }
0x2b: {  	s6 =	sld [smem:$0x3FAC]  }
0x2c: {  	s7 =	sld [smem:$0x3FAD]  }
0x2d: {  	s3 =	simm.s32 $0x108;
	s8 =	sld [smem:$0x3FAE]  }
0x2e: {  	s3 =	simm.s32 @!p0 $0x1082;
	s9 =	sld [smem:$0x3FAF]  }
0x2f: {  	lr =	sadd.s32 s0, s3;
	s0 =	sld [smem:$0x3FA6]  }
0x30: {  	s3 =	sld [smem:$0x3FA9]  }
0x31: {  	[smem:$0x3FB2] =	sst s10  }
0x32: {  	s10 =	sld [smem:$0x3FB0];
	_ =	sdelay $0x3  }
0x33: {  	p0 =	seq.s32 s10, $0x1;
	s10 =	sld [smem:$0x3FB2];
	_ =	sdelay $0x3  }
0x34: {  	[smem:$0x3FB2] =	sst s10  }
0x35: {  	s10 =	sld [smem:$0x3FB1];
	_ =	sdelay $0x3  }
0x36: {  	p1 =	seq.s32 s10, $0x1;
	s10 =	sld [smem:$0x3FB2];
	_ =	sdelay $0x3  }
0x37: {  	[smem:$0x3FB2] =	sst s10  }
0x38: {  	s10 =	sld [smem:$0x3FB3]  }
0x39: {  	_ = 	snop;
	(pc) =	sbr.ind lr, $3  }
0x3a: {  	_ = 	snop  }
0x3b: {  	_ = 	snop  }
0x3c: {  	p2 =	seq.s32 s10, $0x1;
	s10 =	sld [smem:$0x3FB2]  }
0x3d: {  	_ =	shalt  }
0x3e: {  	_ =	shalt  }
0x3f: {  	_ =	shalt  }
0x40: {  	_ =	shalt  }
0x41: {  	_ =	shalt  }
0x42: {  	_ =	shalt  }
0x43: {  	_ =	shalt  }
0x44: {  	_ =	shalt  }
0x45: {  	_ =	shalt  }
0x46: {  	_ =	shalt  }
0x47: {  	_ =	shalt  }
0x48: {  	_ =	shalt  }
0x49: {  	_ =	shalt  }
0x4a: {  	_ =	shalt  }
0x4b: {  	_ =	shalt  }
0x4c: {  	_ =	shalt  }
0x4d: {  	_ =	shalt  }
0x4e: {  	_ =	shalt  }
0x4f: {  	_ =	shalt  }
0x50: {  	_ =	shalt  }
0x51: {  	_ =	shalt  }
0x52: {  	_ =	shalt  }
0x53: {  	_ =	shalt  }
0x54: {  	_ =	shalt  }
0x55: {  	_ =	shalt  }
0x56: {  	_ =	shalt  }
0x57: {  	_ =	shalt  }
0x58: {  	_ =	shalt  }
0x59: {  	_ =	shalt  }
0x5a: {  	_ =	shalt  }
0x5b: {  	_ =	shalt  }
0x5c: {  	_ =	shalt  }
0x5d: {  	_ =	shalt  }
0x5e: {  	_ =	shalt  }
0x5f: {  	_ =	shalt  }
0x60: {  	_ =	shalt  }
0x61: {  	_ =	shalt  }
0x62: {  	_ =	shalt  }
0x63: {  	_ =	shalt  }
0x64: {  	_ =	shalt  }
0x65: {  	_ =	shalt  }
0x66: {  	_ =	shalt  }
0x67: {  	_ =	shalt  }
0x68: {  	_ =	shalt  }
0x69: {  	_ =	shalt  }
0x6a: {  	_ =	shalt  }
0x6b: {  	_ =	shalt  }
0x6c: {  	_ =	shalt  }
0x6d: {  	_ =	shalt  }
0x6e: {  	_ =	shalt  }
0x6f: {  	_ =	shalt  }
0x70: {  	_ =	shalt  }
0x71: {  	_ =	shalt  }
0x72: {  	_ =	shalt  }
0x73: {  	_ =	shalt  }
0x74: {  	_ =	shalt  }
0x75: {  	_ =	shalt  }
0x76: {  	_ =	shalt  }
0x77: {  	_ =	shalt  }
0x78: {  	_ =	shalt  }
0x79: {  	_ =	shalt  }
0x7a: {  	_ =	shalt  }
0x7b: {  	_ =	shalt  }
0x7c: {  	_ =	shalt  }
0x7d: {  	_ =	shalt  }
0x7e: {  	_ =	shalt  }
0x7f: {  	_ =	shalt  }
0x80: {  	_ =	shalt  }
0x81: {  	_ =	shalt  }
0x82: {  	_ =	shalt  }
0x83: {  	_ =	shalt  }
0x84: {  	_ =	shalt  }
0x85: {  	_ =	shalt  }
0x86: {  	_ =	shalt  }
0x87: {  	_ =	shalt  }
.Lfunc_end0:
.L_simem_size_0:
called_computation.1_lowered:
.L_overlay_start_0:
0x88: {  	s2 =	sld [smem:$0x3FD9]  }
0x89: {  	s3 =	sld [smem:$0x3FFE];
	_ =	sdelay $0x1  }
0x8a: {  	s1 =	srdreg.scid  }
0x8b: {  	s0 =	sand.u32 $0x1, s1  }
0x8c: {  	s14 =	sshll.u32 s0, $0xA;
	s2 =	sadd.s32 s3, s2  }
0x8d: {  	s2 =	sadd.s32 s2, s14  }
0x8e: {  	[smem:$0x3FBE] =	sst s2  }
0x8f: {  	_ = 	snop  }
0x90: {  	s2 =	sld [smem:$0x3FD0];
	_ =	sdelay $0x1  }
0x91: {  	s15 =	sld [smem:$0x3FC9]  }
0x92: {  	s5 =	simm.s32 $0xA;
	s6 =	simm.s32 $0x10;
	s4 =	sld [smem:$0x3FC7]  }
0x93: {  	[smem:s6], [sflag:s5] =	dma.local [hbm:s2], $0x1  }
0x94: {  	_ =	swait.eq [sflag:s5], $0x1  }
0x95: {  	s16 =	sld [smem:$0x10];
	[sflag:s5] =	ssyncset.done $0x0  }
0x96: {  	s17 =	sld [smem:$0x11];
	[sflag:s5] =	ssyncadd.s32 $0xFFFFFFFF  }
0x97: {  	s18 =	sld [smem:$0x12];
	(tm) =	ssettm $0x1  }
0x98: {  	s7 =	sld [smem:$0x3FFB];
	_ =	sdelay $0x3  }
0x99: {  	_ =	strace s7  }
0x9a: {  	s7 =	sld [smem:$0x3FFC];
	_ =	sdelay $0x3  }
0x9b: {  	_ =	strace s7  }
0x9c: {  	s7 =	sld [smem:$0x3FFD];
	_ =	sdelay $0x3  }
0x9d: {  	_ =	strace s7  }
0x9e: {  	_ =	strace $0x8FFFFFFF  }
0x9f: {  	s19 =	sld [smem:$0x3FDB];
	_ =	sdelay $0x1  }
0xa0: {  	s8 =	simm.s32 $_scs_section_size  }
0xa1: {  	s9 =	simm.s32 $_size__tile_overlayer_lowered;
	s10 =	simm.s32 $_tile_overlayer_lowered  }
0xa2: {  	s22 =	simm.s32 $0x1BFF;
	s21 =	sshll.u32 s10, $0x1;
	s7 =	sadd.s32 s8, s19  }
0xa3: {  	s11 =	simm.s32 $0x0;
	s20 =	sshll.u32 s9, $0x1;
	s9 =	sadd.s32 s21, s7  }
0xa4: {  	[timem:s11], [sflag:s22] =	dma.local [hbm:s9], s20  }
0xa5: {  	_ =	swait.ge [sflag:s22], s20  }
0xa6: {  	s8 =	ssub.s32 $0x0, s20;
	[sflag:s22] =	ssyncset.done $0x0  }
0xa7: {  	[sflag:s22] =	ssyncadd.s32 s8;
	_ =	sdelay $0x1  }
0xa8: {  	s23 =	simm.s32 $0x1B8B  }
0xa9: {  	_ =	swait.ge [sflag:s23], $0x1  }
0xaa: {  	[sflag:s23] =	ssyncset.done $0x0  }
0xab: {  	s25 =	simm.s32 $0x1B8E;
	s24 =	sld [smem:$0x3FFE];
	[sflag:s23] =	ssyncadd.s32 $0xFFFFFFFF  }
0xac: {  	s26 =	simm.s32 $execute0_lowered;
	[smem:$0x3FD2] =	sst s25  }
0xad: {  	s9 =	sshll.u32 s26, $0x1;
	_ =	strace $0x80000049;
	[dreg:$0x1] =	wrdreg $0xFFFFFFFF  }
0xae: {  	s28 =	simm.s32 $_size_execute0_lowered;
	s7 =	sadd.s32 s7, s9;
	[dreg:$0x0] =	wrdreg $0x0  }
0xaf: {  	s9 =	sshll.u32 s28, $0x1;
	[dreg:$0x2] =	wrdreg s7  }
0xb0: {  	[dreg:$0x3] =	wrdreg s9  }
0xb1: {  	[dreg:$0x4] =	wrdreg $0xC0  }
0xb2: {  	_ =	task [dreg:s11], $0x5FFFF  }
0xb3: {  	[dreg:$0x1] =	wrdreg $0xFFFFFFFF  }
0xb4: {  	[dreg:$0x0] =	wrdreg $0x60  }
0xb5: {  	[dreg:$0x2] =	wrdreg s24  }
0xb6: {  	[dreg:$0x3] =	wrdreg s4  }
0xb7: {  	[dreg:$0x4] =	wrdreg s15  }
0xb8: {  	[dreg:$0x5] =	wrdreg s17  }
0xb9: {  	[dreg:$0x6] =	wrdreg s18  }
0xba: {  	[dreg:$0x7] =	wrdreg s16  }
0xbb: {  	[dreg:$0x8] =	wrdreg $0x9  }
0xbc: {  	_ =	task.clear_ibuf [dreg:s11], $0x9FFFF;
	_ =	strace $0x90000049  }
0xbd: {  	s29 =	simm.s32 $0x9;
	_ =	strace $0x8000004B  }
0xbe: {  	_ =	swait.ge [sflag:s29], $0x1  }
0xbf: {  	[sflag:s29] =	ssyncadd.s32 $0xFFFFFFFF  }
0xc0: {  	_ =	strace $0x9000004B  }
0xc1: {  	_ =	sfence  }
0xc2: {  	s30 =	sld [smem:$0x0];
	_ =	sdelay $0x2  }
0xc3: {  	s31 =	sshll.u32 s1, $0xD;
	s1 =	sshrl.u32 s1, $0x2  }
0xc4: {  	s3 =	sand.u32 $0x4000, s31;
	s1 =	sadd.s32 s1, s30  }
0xc5: {  	s0 =	sor.u32 s3, s0;
	s1 =	sshll.u32 s1, $0x11  }
0xc6: {  	s0 =	sor.u32 s1, s0  }
0xc7: {  	s0 =	sadd.s32 $0x8F2B, s0  }
0xc8: {  	[sflag:s0] =	ssyncadd.remote.s32 $0x1  }
0xc9: {  	_ =	sfence.sel $0xFFFF  }
0xca: {  	[dreg:$0x0] =	wrdreg $0xFFFFFFFF;
	(pc) =	sbr.abs _section_cstart, $3  }
0xcb: {  	[dreg:$0x1] =	wrdreg $0xFFFFFFFF  }
0xcc: {  	_ =	task.clear_ibuf [dreg:s11], $0x2FFFF;
	_ =	strace $0x9FFFFFFF  }
0xcd: {  	(tm) =	ssettm $0x7FFFFFFF  }
tec
execute0_lowered:
.L_overlay_start_1:
0x0: {  	(tag) =	ssettag $0x1  }
0x1: {  	s0 =	rddreg [dreg:$0x0]  }
0x2: {  	s1 =	rddreg [dreg:$0x1]  }
0x3: {  	s4 =	rddreg [dreg:$0x2]  }
0x4: {  	s2 =	rddreg [dreg:$0x3]  }
0x5: {  	s3 =	rddreg [dreg:$0x4]  }
0x6: {  	s5 =	rddreg [dreg:$0x5]  }
0x7: {  	s6 =	simm.s32 $0x0;
	s14 =	srdreg.scid;
	s16 =	stileid.u32  }
0x8: {  	s28 =	simm.s32 $0x400;
	s29 =	simm.s32 $0x480;
	s30 =	simm.s32 $0x1  }
0x9: {  	s31 =	simm.s32 $0x2;
	[smem:$0x7FF] =	sst s6;
	s7 =	sand.u32 $0x1, s14  }
0xa: {  	s8 =	sshll.u32 s16, $0x1;
	s6 =	sadd.s32 $0x497400, s0;
	s9 =	sadd.s32 $0x496C00, s0  }
0xb: {  	s10 =	sadd.s32 $0x496E00, s0;
	_ =	strace $0x8000004A;
	[dreg:$0x7] =	wrdreg s9  }
0xc: {  	s11 =	sadd.s32 $0x497000, s0;
	s17 =	sadd.s32 $0x497200, s0;
	[dreg:$0x8] =	wrdreg s10  }
0xd: {  	s21 =	sshrl.u32 s16, $0x2;
	s24 =	sshll.u32 s16, $0x4;
	[dreg:$0x9] =	wrdreg s11  }
0xe: {  	s15 =	sor.u32 s7, s8;
	s8 =	sadd.s32 $0x1C00, s0;
	[dreg:$0xa] =	wrdreg s17  }
0xf: {  	s7 =	ssub.s32 $0x2, s7;
	s22 =	sshll.u32 s21, $0x4;
	s25 =	sshll.u32 s21, $0xD  }
0x10: {  	p0 =	seq.s32 s21, $0x2;
	s17 =	simm.s32 $0x2000;
	s21 =	simm.s32 $0x14500  }
0x11: {  	s10 =	smul.u32 $0x32, s15;
	s18 =	sshrl.u32 s7, $0x1;
	s9 =	sand.u32 $0x7, s15  }
0x12: {  	s15 =	sadd.s32 $0x10, s1;
	s4 =	sadd.s32 s4, s22;
	s22 =	simm.s32 $0x1A500  }
0x13: {  	s7 =	ssub.s32 s7, s18;
	s23 =	sshll.u32 s9, $0x6;
	s18 =	sand.u32 $0x40, s24  }
0x14: {  	s9 =	sshll.u32 s9, $0x7;
	s24 =	simm.s32 $0x4500;
	s12 =	sshrl.u32 s10, $0x3  }
0x15: {  	s13 =	sand.u32 $0x6, s10;
	s4 =	sadd.s32 s23, s4;
	s26 =	smax.u32 s7, $0x1  }
0x16: {  	s23 =	simm.s32 $0x6;
	s19 =	sshll.u32 s12, $0xA;
	s14 =	sshll.u32 s13, $0x7  }
0x17: {  	s12 =	sshll.u32 s12, $0x8;
	s13 =	sshll.u32 s13, $0x5;
	[dreg:$0xe] =	wrdreg s4  }
0x18: {  	s4 =	sadd.s32 s5, s25;
	s5 =	simm.s32 $0x30FC00;
	[dreg:$0x10] =	wrdreg s26  }
0x19: {  	s25 =	simm.s32 $0x1A700;
	s26 =	simm.s32 $0x3;
	s14 =	sadd.s32 s6, s14  }
0x1a: {  	v0 =	vlaneseq.u32;
	s20 =	sor.u32 s13, s12;
	s4 =	sadd.s32 s9, s4;
	s5 =	simm.s32 @!p0 $0x188C00  }
.Ltmp0:
0x1b: {  	v0 =	vmul.u32 $0x80, v0;
	s11 =	sadd.s32 s19, s14;
	[dreg:$0xf] =	wrdreg s4;
	(pc) =	sbr.rel .LBB2_1-.Ltmp0, $4  }
0x1c: {  	p0 =	sgt.u32 s16, $0xB;
	s13 =	sadd.s32 s1, s20;
	[dreg:$0xb] =	wrdreg s11  }
0x1d: {  	v1 =	vor.u32 $0x800, v0;
	s0 =	sadd.s32 s5, s0;
	s4 =	simm.s32 $0x500;
	[dreg:$0xc] =	wrdreg s13  }
0x1e: {  	v2 =	vor.u32 $0x1000, v0;
	v3 =	vor.u32 $0x1800, v0;
	v4 =	vor.u32 $0x2000, v0;
	s19 =	simm.s32 $0x8500;
	s11 =	sadd.s32 s20, s15;
	[dreg:$0x11] =	wrdreg s0  }
0x1f: {  	v5 =	vor.u32 $0x2800, v0;
	v6 =	vor.u32 $0x3000, v0;
	v7 =	vor.u32 $0x3800, v0;
	s0 =	simm.s32 $0x80;
	[dreg:$0xd] =	wrdreg s11;
	s11 =	simm.s32 $0x0  }
.LBB2_25:
0x20: {  	s11 =	sadd.s32 $0x1, s11;
	s5 =	rddreg [dreg:$0x10]  }
0x21: {  	p1 =	sne.s32 s11, s5  }
.Ltmp1:
0x22: {  	_ = 	snop;
	(pc) =	sbr.rel @!p1 .LBB2_26-.Ltmp1, $1  }
0x23: {  	_ =	sdelay $0x3  }
.LBB2_1:
0x24: {  	s5 =	simm.s32 $0x0;
	s7 =	rddreg [dreg:$0x7]  }
0x25: {  	[tilespmem:s22], [sflag:$0x6] =	stream.linear.gather [hbm4b:s7+s5], $0x100, $0x38;
	[tilespmem:$0x1A900] =	vst v63  }
0x26: {  	_ =	swait.ge [sflag:s23], $0x100  }
0x27: {  	[sflag:s23] =	ssyncset.done $0x0  }
0x28: {  	s9 =	simm.s32 $0x1A600;
	s20 =	rddreg [dreg:$0x8];
	[sflag:s23] =	ssyncadd.s32 $0xFFFFFF00  }
0x29: {  	[tilespmem:s9], [sflag:$0x6] =	stream.linear.gather [hbm4b:s20+s5], $0x100, $0x38;
	[tilespmem:$0x1A900] =	vst v63  }
0x2a: {  	_ =	swait.ge [sflag:s23], $0x100  }
0x2b: {  	[sflag:s23] =	ssyncset.done $0x0  }
0x2c: {  	s9 =	rddreg [dreg:$0x9];
	[sflag:s23] =	ssyncadd.s32 $0xFFFFFF00  }
0x2d: {  	[tilespmem:s25], [sflag:$0x6] =	stream.linear.gather [hbm4b:s9+s5], $0x100, $0x38;
	[tilespmem:$0x1A900] =	vst v63  }
0x2e: {  	_ =	swait.ge [sflag:s23], $0x100  }
0x2f: {  	[sflag:s23] =	ssyncset.done $0x0  }
0x30: {  	s13 =	simm.s32 $0x1A800;
	s12 =	rddreg [dreg:$0xa];
	[sflag:s23] =	ssyncadd.s32 $0xFFFFFF00  }
0x31: {  	[tilespmem:s13], [sflag:$0x6] =	stream.linear.gather [hbm4b:s12+s5], $0x100, $0x38;
	[tilespmem:$0x1A900] =	vst v63  }
0x32: {  	_ =	swait.ge [sflag:s23], $0x100  }
0x33: {  	[sflag:s23] =	ssyncset.done $0x0  }
0x34: {  	s14 =	rddreg [dreg:$0xb];
	[sflag:s23] =	ssyncadd.s32 $0xFFFFFF00  }
0x35: {  	[tilespmem:s5], [sflag:$0x1] =	stream.linear.gather [hbm4b:s14+s5], $0x400, $0x38;
	[tilespmem:$0x1A900] =	vst v63  }
0x36: {  	s16 =	rddreg [dreg:$0xc]  }
0x37: {  	[tilespmem:s28], [sflag:$0x2] =	stream.linear.gather [hbm4b:s16+s5], $0x80, $0x38;
	[tilespmem:$0x1A900] =	vst v63  }
0x38: {  	s12 =	simm.s32 $0x0;
	s20 =	rddreg [dreg:$0xd]  }
0x39: {  	[tilespmem:s29], [sflag:$0x2] =	stream.linear.gather [hbm4b:s20+s5], $0x80, $0x38;
	[tilespmem:$0x1A900] =	vst v63  }
.LBB2_2:
0x3a: {  	_ =	swait.ge [sflag:s30], $0x400  }
0x3b: {  	[sflag:s30] =	ssyncset.done $0x0  }
0x3c: {  	[sflag:s30] =	ssyncadd.s32 $0xFFFFFC00  }
0x3d: {  	_ =	swait.ge [sflag:s31], $0x80  }
0x3e: {  	[sflag:s31] =	ssyncset.done $0x0  }
0x3f: {  	[sflag:s31] =	ssyncadd.s32 $0xFFFFFF80  }
0x40: {  	_ =	swait.ge [sflag:s31], $0x80  }
0x41: {  	[sflag:s31] =	ssyncset.done $0x0  }
0x42: {  	p1 =	seq.s32 s12, $0x0;
	[sflag:s31] =	ssyncadd.s32 $0xFFFFFF80  }
0x43: {  	[tilespmem:s4], [sflag:$0x3] =	stream.indirect.gather [hbm4b:s8+s0], $0x80, s28, s0, $0xb8;
	[tilespmem:$0x1A900] =	vst v63  }
0x44: {  	s5 =	simm.s32 @!p1 $0x4  }
0x45: {  	[tilespmem:s24], [sflag:$0x3] =	stream.indirect.gather [hbm4b:s8+s0], $0x80, s29, s0, $0xb8;
	[tilespmem:$0x1A900] =	vst v63  }
0x46: {  	s7 =	simm.s32 $0x0;
	_ =	swait.ge @!p1 [sflag:s5], $0xC000  }
0x47: {  	v8 =	vmov s7;
	[sflag:s5] =	ssyncset.done @!p1 $0x0  }
0x48: {  	[sflag:s5] =	ssyncadd.s32 @!p1 $0xFFFF4000  }
0x49: {  	v14 =	vld [tilespmem:$0x0]  }
0x4a: {  	v15 =	vld [tilespmem:$0x10]  }
0x4b: {  	v12 =	vld [tilespmem:$0x20]  }
0x4c: {  	v18 =	vld.idx.msk [tilespmem:v8+s22+$0x0], $0xffff  }
0x4d: {  	v13 =	vld [tilespmem:$0x30]  }
0x4e: {  	v11 =	vld [tilespmem:$0x40]  }
0x4f: {  	v10 =	vld [tilespmem:$0x50]  }
0x50: {  	v9 =	vld [tilespmem:$0x60]  }
0x51: {  	v8 =	vld [tilespmem:$0x70];
	v16 =	vmul.f32 v18, v14  }
0x52: {  	s5 =	simm.s32 $0x8540;
	v17 =	vmul.f32 v18, v15  }
0x53: {  	v19 =	vmul.f32 v18, v12;
	[tilespmem:s5+$0xFFFFFFC0] =	vst v16  }
0x54: {  	v21 =	vmul.f32 v18, v13;
	[tilespmem:s5+$0xFFFFFFD0] =	vst v17  }
0x55: {  	s13 =	sadd.s32 s10, s12;
	s20 =	simm.s32 $0x1;
	v17 =	vmul.f32 v18, v11;
	v16 =	vmul.f32 v18, v10;
	[tilespmem:s5+$0xFFFFFFE0] =	vst v19  }
0x56: {  	s14 =	sshrl.u32 s13, $0x3;
	v20 =	vmov s20;
	s7 =	simm.s32 $0x2;
	v19 =	vmul.f32 v18, v9;
	v18 =	vmul.f32 v18, v8;
	[tilespmem:s5+$0xFFFFFFF0] =	vst v21  }
.LBB2_3:
0x57: {  	p2 =	sne.s32 s7, $0x3F;
	[tilespmem:s5+$0x0] =	vst v17  }
0x58: {  	[tilespmem:s5+$0x10] =	vst v16  }
0x59: {  	[tilespmem:s5+$0x20] =	vst v19  }
0x5a: {  	[tilespmem:s5+$0x30] =	vst v18  }
0x5b: {  	v18 =	vld.idx.msk [tilespmem:v20+s22+$0x0], $0xffff;
	_ =	sdelay $0x5  }
0x5c: {  	v16 =	vmul.f32 v18, v14;
	v19 =	vmul.f32 v18, v15  }
.Ltmp2:
0x5d: {  	s5 =	sadd.s32 $0x80, s5;
	v20 =	vmul.f32 v18, v12;
	v21 =	vmul.f32 v18, v13;
	(pc) =	sbr.rel @p2 .LBB2_3-.Ltmp2, $4  }
0x5e: {  	v17 =	vmul.f32 v18, v11;
	[tilespmem:s5+$0xFFFFFFC0] =	vst v16;
	v16 =	vmul.f32 v18, v10  }
0x5f: {  	[tilespmem:s5+$0xFFFFFFD0] =	vst v19;
	v19 =	vmul.f32 v18, v9;
	v18 =	vmul.f32 v18, v8  }
0x60: {  	[tilespmem:s5+$0xFFFFFFE0] =	vst v20  }
0x61: {  	v20 =	vmov s7;
	s7 =	sadd.s32 $0x1, s7;
	[tilespmem:s5+$0xFFFFFFF0] =	vst v21  }
0x62: {  	[tilespmem:s5+$0x0] =	vst v17  }
0x63: {  	[tilespmem:s5+$0x10] =	vst v16  }
0x64: {  	[tilespmem:s5+$0x20] =	vst v19  }
0x65: {  	[tilespmem:s5+$0x30] =	vst v18  }
0x66: {  	v16 =	vld.idx.msk [tilespmem:v20+s22+$0x0], $0xffff;
	_ =	sdelay $0x4  }
0x67: {  	v14 =	vmul.f32 v16, v14  }
0x68: {  	s16 =	sadd.s32 $0x80, s5;
	v15 =	vmul.f32 v16, v15  }
0x69: {  	v12 =	vmul.f32 v16, v12;
	[tilespmem:s16+$0xFFFFFFC0] =	vst v14  }
0x6a: {  	v13 =	vmul.f32 v16, v13;
	[tilespmem:s16+$0xFFFFFFD0] =	vst v15  }
0x6b: {  	v11 =	vmul.f32 v16, v11;
	[tilespmem:s16+$0xFFFFFFE0] =	vst v12  }
0x6c: {  	v10 =	vmul.f32 v16, v10;
	[tilespmem:s16+$0xFFFFFFF0] =	vst v13  }
0x6d: {  	v9 =	vmul.f32 v16, v9;
	[tilespmem:s16+$0x0] =	vst v11  }
0x6e: {  	s7 =	simm.s32 $0x40;
	v8 =	vmul.f32 v16, v8;
	[tilespmem:s16+$0x10] =	vst v10  }
0x6f: {  	[tilespmem:s16+$0x20] =	vst v9;
	v9 =	vmov s7  }
0x70: {  	[tilespmem:s16+$0x30] =	vst v8  }
0x71: {  	v14 =	vld [tilespmem:$0x80]  }
0x72: {  	v15 =	vld [tilespmem:$0x90]  }
0x73: {  	v12 =	vld [tilespmem:$0xA0]  }
0x74: {  	v18 =	vld.idx.msk [tilespmem:v9+s22+$0x0], $0xffff  }
0x75: {  	v13 =	vld [tilespmem:$0xB0]  }
0x76: {  	v11 =	vld [tilespmem:$0xC0]  }
0x77: {  	v10 =	vld [tilespmem:$0xD0]  }
0x78: {  	v8 =	vld [tilespmem:$0xF0]  }
0x79: {  	v9 =	vld [tilespmem:$0xE0];
	v16 =	vmul.f32 v18, v14  }
0x7a: {  	s5 =	simm.s32 $0xA570;
	v17 =	vmul.f32 v18, v15  }
0x7b: {  	v19 =	vmul.f32 v18, v12;
	[tilespmem:s5+$0xFFFFFF90] =	vst v16  }
0x7c: {  	v21 =	vmul.f32 v18, v13;
	[tilespmem:s5+$0xFFFFFFA0] =	vst v17  }
0x7d: {  	s20 =	simm.s32 $0x41;
	v17 =	vmul.f32 v18, v11;
	v16 =	vmul.f32 v18, v10;
	[tilespmem:s5+$0xFFFFFFB0] =	vst v19  }
0x7e: {  	v20 =	vmov s20;
	s7 =	simm.s32 $0x42;
	v19 =	vmul.f32 v18, v9;
	v18 =	vmul.f32 v18, v8;
	[tilespmem:s5+$0xFFFFFFC0] =	vst v21  }
.LBB2_5:
0x7f: {  	p2 =	sne.s32 s7, $0x7F;
	[tilespmem:s5+$0xFFFFFFD0] =	vst v17  }
0x80: {  	[tilespmem:s5+$0xFFFFFFE0] =	vst v16  }
0x81: {  	[tilespmem:s5+$0xFFFFFFF0] =	vst v19  }
0x82: {  	[tilespmem:s5+$0x0] =	vst v18  }
0x83: {  	v18 =	vld.idx.msk [tilespmem:v20+s22+$0x0], $0xffff;
	_ =	sdelay $0x5  }
0x84: {  	v16 =	vmul.f32 v18, v14;
	v19 =	vmul.f32 v18, v15  }
.Ltmp3:
0x85: {  	s5 =	sadd.s32 $0x80, s5;
	v20 =	vmul.f32 v18, v12;
	v21 =	vmul.f32 v18, v13;
	(pc) =	sbr.rel @p2 .LBB2_5-.Ltmp3, $4  }
0x86: {  	v17 =	vmul.f32 v18, v11;
	[tilespmem:s5+$0xFFFFFF90] =	vst v16;
	v16 =	vmul.f32 v18, v10  }
0x87: {  	[tilespmem:s5+$0xFFFFFFA0] =	vst v19;
	v19 =	vmul.f32 v18, v9;
	v18 =	vmul.f32 v18, v8  }
0x88: {  	[tilespmem:s5+$0xFFFFFFB0] =	vst v20  }
0x89: {  	v20 =	vmov s7;
	s7 =	sadd.s32 $0x1, s7;
	[tilespmem:s5+$0xFFFFFFC0] =	vst v21  }
0x8a: {  	[tilespmem:s5+$0xFFFFFFD0] =	vst v17  }
0x8b: {  	[tilespmem:s5+$0xFFFFFFE0] =	vst v16  }
0x8c: {  	[tilespmem:s5+$0xFFFFFFF0] =	vst v19  }
0x8d: {  	[tilespmem:s5+$0x0] =	vst v18  }
0x8e: {  	v16 =	vld.idx.msk [tilespmem:v20+s22+$0x0], $0xffff;
	_ =	sdelay $0x4  }
0x8f: {  	v14 =	vmul.f32 v16, v14  }
0x90: {  	s20 =	sadd.s32 $0x80, s5;
	v15 =	vmul.f32 v16, v15  }
0x91: {  	v12 =	vmul.f32 v16, v12;
	[tilespmem:s20+$0xFFFFFF90] =	vst v14  }
0x92: {  	v13 =	vmul.f32 v16, v13;
	[tilespmem:s20+$0xFFFFFFA0] =	vst v15  }
0x93: {  	v11 =	vmul.f32 v16, v11;
	[tilespmem:s20+$0xFFFFFFB0] =	vst v12  }
0x94: {  	v10 =	vmul.f32 v16, v10;
	[tilespmem:s20+$0xFFFFFFC0] =	vst v13  }
0x95: {  	v9 =	vmul.f32 v16, v9;
	[tilespmem:s20+$0xFFFFFFD0] =	vst v11  }
0x96: {  	s7 =	simm.s32 $0x80;
	v8 =	vmul.f32 v16, v8;
	[tilespmem:s20+$0xFFFFFFE0] =	vst v10  }
0x97: {  	[tilespmem:s20+$0xFFFFFFF0] =	vst v9;
	v9 =	vmov s7  }
0x98: {  	[tilespmem:s20+$0x0] =	vst v8  }
0x99: {  	v14 =	vld [tilespmem:$0x100]  }
0x9a: {  	v15 =	vld [tilespmem:$0x110]  }
0x9b: {  	v12 =	vld [tilespmem:$0x120]  }
0x9c: {  	v18 =	vld.idx.msk [tilespmem:v9+s22+$0x0], $0xffff  }
0x9d: {  	v13 =	vld [tilespmem:$0x130]  }
0x9e: {  	v11 =	vld [tilespmem:$0x140]  }
0x9f: {  	v10 =	vld [tilespmem:$0x150]  }
0xa0: {  	v8 =	vld [tilespmem:$0x170]  }
0xa1: {  	v9 =	vld [tilespmem:$0x160];
	v16 =	vmul.f32 v18, v14  }
0xa2: {  	s7 =	simm.s32 $0x0;
	v17 =	vmul.f32 v18, v15  }
0xa3: {  	v19 =	vmul.f32 v18, v12;
	[tilespmem:s7+$0xC500] =	vst v16  }
0xa4: {  	v21 =	vmul.f32 v18, v13;
	[tilespmem:s7+$0xC510] =	vst v17  }
0xa5: {  	s9 =	simm.s32 $0x81;
	v17 =	vmul.f32 v18, v11;
	v16 =	vmul.f32 v18, v10;
	[tilespmem:s7+$0xC520] =	vst v19  }
0xa6: {  	s5 =	simm.s32 $0x200;
	s16 =	simm.s32 $0x400;
	v20 =	vmov s9;
	v19 =	vmul.f32 v18, v9;
	v18 =	vmul.f32 v18, v8;
	[tilespmem:s7+$0xC530] =	vst v21  }
.LBB2_7:
0xa7: {  	p2 =	sne.s32 s16, $0x7E00;
	[tilespmem:s7+$0xC540] =	vst v17  }
0xa8: {  	[tilespmem:s7+$0xC550] =	vst v16  }
0xa9: {  	[tilespmem:s7+$0xC560] =	vst v19  }
0xaa: {  	[tilespmem:s7+$0xC570] =	vst v18  }
0xab: {  	v18 =	vld.idx.msk [tilespmem:v20+s22+$0x0], $0xffff;
	_ =	sdelay $0x5  }
0xac: {  	v16 =	vmul.f32 v18, v14;
	v19 =	vmul.f32 v18, v15  }
.Ltmp4:
0xad: {  	s7 =	sshra.s32 s5, $0x2;
	s5 =	smov.u32 s16;
	v20 =	vmul.f32 v18, v12;
	v21 =	vmul.f32 v18, v13;
	(pc) =	sbr.rel @p2 .LBB2_7-.Ltmp4, $4  }
0xae: {  	v17 =	vmul.f32 v18, v11;
	[tilespmem:s7+$0xC500] =	vst v16;
	v16 =	vmul.f32 v18, v10  }
0xaf: {  	[tilespmem:s7+$0xC510] =	vst v19;
	v19 =	vmul.f32 v18, v9;
	v18 =	vmul.f32 v18, v8  }
0xb0: {  	s9 =	sadd.s32 $0x1, s9;
	[tilespmem:s7+$0xC520] =	vst v20  }
0xb1: {  	s16 =	sadd.s32 $0x200, s16;
	v20 =	vmov s9;
	[tilespmem:s7+$0xC530] =	vst v21  }
0xb2: {  	[tilespmem:s7+$0xC540] =	vst v17  }
0xb3: {  	[tilespmem:s7+$0xC550] =	vst v16  }
0xb4: {  	[tilespmem:s7+$0xC560] =	vst v19  }
0xb5: {  	[tilespmem:s7+$0xC570] =	vst v18  }
0xb6: {  	v16 =	vld.idx.msk [tilespmem:v20+s22+$0x0], $0xffff;
	_ =	sdelay $0x4  }
0xb7: {  	v14 =	vmul.f32 v16, v14  }
0xb8: {  	s5 =	sshra.s32 s5, $0x2;
	v15 =	vmul.f32 v16, v15  }
0xb9: {  	v12 =	vmul.f32 v16, v12;
	[tilespmem:s5+$0xC500] =	vst v14  }
0xba: {  	v13 =	vmul.f32 v16, v13;
	[tilespmem:s5+$0xC510] =	vst v15  }
0xbb: {  	v11 =	vmul.f32 v16, v11;
	[tilespmem:s5+$0xC520] =	vst v12  }
0xbc: {  	v10 =	vmul.f32 v16, v10;
	[tilespmem:s5+$0xC530] =	vst v13  }
0xbd: {  	v9 =	vmul.f32 v16, v9;
	[tilespmem:s5+$0xC540] =	vst v11  }
0xbe: {  	s20 =	simm.s32 $0xC0;
	v8 =	vmul.f32 v16, v8;
	[tilespmem:s5+$0xC550] =	vst v10  }
0xbf: {  	[tilespmem:s5+$0xC560] =	vst v9;
	v9 =	vmov s20  }
0xc0: {  	[tilespmem:s5+$0xC570] =	vst v8  }
0xc1: {  	v14 =	vld [tilespmem:$0x180]  }
0xc2: {  	v15 =	vld [tilespmem:$0x190]  }
0xc3: {  	v12 =	vld [tilespmem:$0x1A0]  }
0xc4: {  	v18 =	vld.idx.msk [tilespmem:v9+s22+$0x0], $0xffff  }
0xc5: {  	v13 =	vld [tilespmem:$0x1B0]  }
0xc6: {  	v11 =	vld [tilespmem:$0x1C0]  }
0xc7: {  	v10 =	vld [tilespmem:$0x1D0]  }
0xc8: {  	v8 =	vld [tilespmem:$0x1F0]  }
0xc9: {  	v9 =	vld [tilespmem:$0x1E0];
	v16 =	vmul.f32 v18, v14  }
0xca: {  	s7 =	simm.s32 $0x0;
	v17 =	vmul.f32 v18, v15  }
0xcb: {  	v19 =	vmul.f32 v18, v12;
	[tilespmem:s7+$0xE500] =	vst v16  }
0xcc: {  	v21 =	vmul.f32 v18, v13;
	[tilespmem:s7+$0xE510] =	vst v17  }
0xcd: {  	s9 =	simm.s32 $0xC1;
	v17 =	vmul.f32 v18, v11;
	v16 =	vmul.f32 v18, v10;
	[tilespmem:s7+$0xE520] =	vst v19  }
0xce: {  	s16 =	simm.s32 $0x400;
	v20 =	vmov s9;
	s5 =	simm.s32 $0x200;
	v19 =	vmul.f32 v18, v9;
	v18 =	vmul.f32 v18, v8;
	[tilespmem:s7+$0xE530] =	vst v21  }
.LBB2_9:
0xcf: {  	p2 =	sne.s32 s16, $0x7E00;
	[tilespmem:s7+$0xE540] =	vst v17  }
0xd0: {  	[tilespmem:s7+$0xE550] =	vst v16  }
0xd1: {  	[tilespmem:s7+$0xE560] =	vst v19  }
0xd2: {  	[tilespmem:s7+$0xE570] =	vst v18  }
0xd3: {  	v18 =	vld.idx.msk [tilespmem:v20+s22+$0x0], $0xffff;
	_ =	sdelay $0x5  }
0xd4: {  	v16 =	vmul.f32 v18, v14;
	v19 =	vmul.f32 v18, v15  }
.Ltmp5:
0xd5: {  	s7 =	sshra.s32 s5, $0x2;
	s5 =	smov.u32 s16;
	v20 =	vmul.f32 v18, v12;
	v21 =	vmul.f32 v18, v13;
	(pc) =	sbr.rel @p2 .LBB2_9-.Ltmp5, $4  }
0xd6: {  	v17 =	vmul.f32 v18, v11;
	[tilespmem:s7+$0xE500] =	vst v16;
	v16 =	vmul.f32 v18, v10  }
0xd7: {  	[tilespmem:s7+$0xE510] =	vst v19;
	v19 =	vmul.f32 v18, v9;
	v18 =	vmul.f32 v18, v8  }
0xd8: {  	s9 =	sadd.s32 $0x1, s9;
	[tilespmem:s7+$0xE520] =	vst v20  }
0xd9: {  	s16 =	sadd.s32 $0x200, s16;
	v20 =	vmov s9;
	[tilespmem:s7+$0xE530] =	vst v21  }
0xda: {  	[tilespmem:s7+$0xE540] =	vst v17  }
0xdb: {  	[tilespmem:s7+$0xE550] =	vst v16  }
0xdc: {  	[tilespmem:s7+$0xE560] =	vst v19  }
0xdd: {  	[tilespmem:s7+$0xE570] =	vst v18  }
0xde: {  	v16 =	vld.idx.msk [tilespmem:v20+s22+$0x0], $0xffff;
	_ =	sdelay $0x4  }
0xdf: {  	v14 =	vmul.f32 v16, v14  }
0xe0: {  	s5 =	sshra.s32 s5, $0x2;
	v15 =	vmul.f32 v16, v15  }
0xe1: {  	v12 =	vmul.f32 v16, v12;
	[tilespmem:s5+$0xE500] =	vst v14  }
0xe2: {  	v13 =	vmul.f32 v16, v13;
	[tilespmem:s5+$0xE510] =	vst v15  }
0xe3: {  	v11 =	vmul.f32 v16, v11;
	[tilespmem:s5+$0xE520] =	vst v12  }
0xe4: {  	v10 =	vmul.f32 v16, v10;
	[tilespmem:s5+$0xE530] =	vst v13  }
0xe5: {  	v9 =	vmul.f32 v16, v9;
	[tilespmem:s5+$0xE540] =	vst v11  }
0xe6: {  	v8 =	vmul.f32 v16, v8;
	[tilespmem:s5+$0xE550] =	vst v10  }
0xe7: {  	[tilespmem:s5+$0xE560] =	vst v9  }
0xe8: {  	[tilespmem:s5+$0xE570] =	vst v8;
	s5 =	simm.s32 @!p1 $0x5  }
0xe9: {  	s16 =	simm.s32 $0x0;
	_ =	swait.ge @!p1 [sflag:s5], $0x6000  }
0xea: {  	v8 =	vmov s16;
	[sflag:s5] =	ssyncset.done @!p1 $0x0  }
0xeb: {  	[sflag:s5] =	ssyncadd.s32 @!p1 $0xFFFFA000  }
0xec: {  	v14 =	vld [tilespmem:$0x200]  }
0xed: {  	v15 =	vld [tilespmem:$0x210]  }
0xee: {  	v12 =	vld [tilespmem:$0x220]  }
0xef: {  	v18 =	vld.idx.msk [tilespmem:v8+s25+$0x0], $0xffff  }
0xf0: {  	v13 =	vld [tilespmem:$0x230]  }
0xf1: {  	v11 =	vld [tilespmem:$0x240]  }
0xf2: {  	v10 =	vld [tilespmem:$0x250]  }
0xf3: {  	v9 =	vld [tilespmem:$0x260]  }
0xf4: {  	v8 =	vld [tilespmem:$0x270];
	v16 =	vmul.f32 v18, v14  }
0xf5: {  	s5 =	simm.s32 $0x14540;
	v17 =	vmul.f32 v18, v15  }
0xf6: {  	v19 =	vmul.f32 v18, v12;
	[tilespmem:s5+$0xFFFFFFC0] =	vst v16  }
0xf7: {  	v21 =	vmul.f32 v18, v13;
	[tilespmem:s5+$0xFFFFFFD0] =	vst v17  }
0xf8: {  	s20 =	simm.s32 $0x1;
	v17 =	vmul.f32 v18, v11;
	v16 =	vmul.f32 v18, v10;
	[tilespmem:s5+$0xFFFFFFE0] =	vst v19  }
0xf9: {  	s7 =	simm.s32 $0x2;
	v20 =	vmov s20;
	v19 =	vmul.f32 v18, v9;
	v18 =	vmul.f32 v18, v8;
	[tilespmem:s5+$0xFFFFFFF0] =	vst v21  }
.LBB2_11:
0xfa: {  	p1 =	sne.s32 s7, $0x3F;
	[tilespmem:s5+$0x0] =	vst v17  }
0xfb: {  	[tilespmem:s5+$0x10] =	vst v16  }
0xfc: {  	[tilespmem:s5+$0x20] =	vst v19  }
0xfd: {  	[tilespmem:s5+$0x30] =	vst v18  }
0xfe: {  	v18 =	vld.idx.msk [tilespmem:v20+s25+$0x0], $0xffff;
	_ =	sdelay $0x5  }
0xff: {  	v16 =	vmul.f32 v18, v14;
	v19 =	vmul.f32 v18, v15  }
.Ltmp6:
0x100: {  	s5 =	sadd.s32 $0x80, s5;
	v20 =	vmul.f32 v18, v12;
	v21 =	vmul.f32 v18, v13;
	(pc) =	sbr.rel @p1 .LBB2_11-.Ltmp6, $4  }
0x101: {  	v17 =	vmul.f32 v18, v11;
	[tilespmem:s5+$0xFFFFFFC0] =	vst v16;
	v16 =	vmul.f32 v18, v10  }
0x102: {  	[tilespmem:s5+$0xFFFFFFD0] =	vst v19;
	v19 =	vmul.f32 v18, v9;
	v18 =	vmul.f32 v18, v8  }
0x103: {  	[tilespmem:s5+$0xFFFFFFE0] =	vst v20  }
0x104: {  	v20 =	vmov s7;
	s7 =	sadd.s32 $0x1, s7;
	[tilespmem:s5+$0xFFFFFFF0] =	vst v21  }
0x105: {  	[tilespmem:s5+$0x0] =	vst v17  }
0x106: {  	[tilespmem:s5+$0x10] =	vst v16  }
0x107: {  	[tilespmem:s5+$0x20] =	vst v19  }
0x108: {  	[tilespmem:s5+$0x30] =	vst v18  }
0x109: {  	v16 =	vld.idx.msk [tilespmem:v20+s25+$0x0], $0xffff;
	_ =	sdelay $0x4  }
0x10a: {  	v14 =	vmul.f32 v16, v14  }
0x10b: {  	s16 =	sadd.s32 $0x80, s5;
	v15 =	vmul.f32 v16, v15  }
0x10c: {  	v12 =	vmul.f32 v16, v12;
	[tilespmem:s16+$0xFFFFFFC0] =	vst v14  }
0x10d: {  	v13 =	vmul.f32 v16, v13;
	[tilespmem:s16+$0xFFFFFFD0] =	vst v15  }
0x10e: {  	v11 =	vmul.f32 v16, v11;
	[tilespmem:s16+$0xFFFFFFE0] =	vst v12  }
0x10f: {  	v10 =	vmul.f32 v16, v10;
	[tilespmem:s16+$0xFFFFFFF0] =	vst v13  }
0x110: {  	v9 =	vmul.f32 v16, v9;
	[tilespmem:s16+$0x0] =	vst v11  }
0x111: {  	s7 =	simm.s32 $0x40;
	v8 =	vmul.f32 v16, v8;
	[tilespmem:s16+$0x10] =	vst v10  }
0x112: {  	[tilespmem:s16+$0x20] =	vst v9;
	v9 =	vmov s7  }
0x113: {  	[tilespmem:s16+$0x30] =	vst v8  }
0x114: {  	v14 =	vld [tilespmem:$0x280]  }
0x115: {  	v15 =	vld [tilespmem:$0x290]  }
0x116: {  	v12 =	vld [tilespmem:$0x2A0]  }
0x117: {  	v18 =	vld.idx.msk [tilespmem:v9+s25+$0x0], $0xffff  }
0x118: {  	v13 =	vld [tilespmem:$0x2B0]  }
0x119: {  	v11 =	vld [tilespmem:$0x2C0]  }
0x11a: {  	v10 =	vld [tilespmem:$0x2D0]  }
0x11b: {  	v8 =	vld [tilespmem:$0x2F0]  }
0x11c: {  	v9 =	vld [tilespmem:$0x2E0];
	v16 =	vmul.f32 v18, v14  }
0x11d: {  	s5 =	simm.s32 $0x16570;
	v17 =	vmul.f32 v18, v15  }
0x11e: {  	v19 =	vmul.f32 v18, v12;
	[tilespmem:s5+$0xFFFFFF90] =	vst v16  }
0x11f: {  	v21 =	vmul.f32 v18, v13;
	[tilespmem:s5+$0xFFFFFFA0] =	vst v17  }
0x120: {  	s20 =	simm.s32 $0x41;
	v17 =	vmul.f32 v18, v11;
	v16 =	vmul.f32 v18, v10;
	[tilespmem:s5+$0xFFFFFFB0] =	vst v19  }
0x121: {  	v20 =	vmov s20;
	s7 =	simm.s32 $0x42;
	v19 =	vmul.f32 v18, v9;
	v18 =	vmul.f32 v18, v8;
	[tilespmem:s5+$0xFFFFFFC0] =	vst v21  }
.LBB2_13:
0x122: {  	p1 =	sne.s32 s7, $0x7F;
	[tilespmem:s5+$0xFFFFFFD0] =	vst v17  }
0x123: {  	[tilespmem:s5+$0xFFFFFFE0] =	vst v16  }
0x124: {  	[tilespmem:s5+$0xFFFFFFF0] =	vst v19  }
0x125: {  	[tilespmem:s5+$0x0] =	vst v18  }
0x126: {  	v18 =	vld.idx.msk [tilespmem:v20+s25+$0x0], $0xffff;
	_ =	sdelay $0x5  }
0x127: {  	v16 =	vmul.f32 v18, v14;
	v19 =	vmul.f32 v18, v15  }
.Ltmp7:
0x128: {  	s5 =	sadd.s32 $0x80, s5;
	v20 =	vmul.f32 v18, v12;
	v21 =	vmul.f32 v18, v13;
	(pc) =	sbr.rel @p1 .LBB2_13-.Ltmp7, $4  }
0x129: {  	v17 =	vmul.f32 v18, v11;
	[tilespmem:s5+$0xFFFFFF90] =	vst v16;
	v16 =	vmul.f32 v18, v10  }
0x12a: {  	[tilespmem:s5+$0xFFFFFFA0] =	vst v19;
	v19 =	vmul.f32 v18, v9;
	v18 =	vmul.f32 v18, v8  }
0x12b: {  	[tilespmem:s5+$0xFFFFFFB0] =	vst v20  }
0x12c: {  	v20 =	vmov s7;
	s7 =	sadd.s32 $0x1, s7;
	[tilespmem:s5+$0xFFFFFFC0] =	vst v21  }
0x12d: {  	[tilespmem:s5+$0xFFFFFFD0] =	vst v17  }
0x12e: {  	[tilespmem:s5+$0xFFFFFFE0] =	vst v16  }
0x12f: {  	[tilespmem:s5+$0xFFFFFFF0] =	vst v19  }
0x130: {  	[tilespmem:s5+$0x0] =	vst v18  }
0x131: {  	v16 =	vld.idx.msk [tilespmem:v20+s25+$0x0], $0xffff;
	_ =	sdelay $0x4  }
0x132: {  	v14 =	vmul.f32 v16, v14  }
0x133: {  	s20 =	sadd.s32 $0x80, s5;
	v15 =	vmul.f32 v16, v15  }
0x134: {  	v12 =	vmul.f32 v16, v12;
	[tilespmem:s20+$0xFFFFFF90] =	vst v14  }
0x135: {  	v13 =	vmul.f32 v16, v13;
	[tilespmem:s20+$0xFFFFFFA0] =	vst v15  }
0x136: {  	v11 =	vmul.f32 v16, v11;
	[tilespmem:s20+$0xFFFFFFB0] =	vst v12  }
0x137: {  	v10 =	vmul.f32 v16, v10;
	[tilespmem:s20+$0xFFFFFFC0] =	vst v13  }
0x138: {  	v9 =	vmul.f32 v16, v9;
	[tilespmem:s20+$0xFFFFFFD0] =	vst v11  }
0x139: {  	s7 =	simm.s32 $0x80;
	v8 =	vmul.f32 v16, v8;
	[tilespmem:s20+$0xFFFFFFE0] =	vst v10  }
0x13a: {  	[tilespmem:s20+$0xFFFFFFF0] =	vst v9;
	v9 =	vmov s7  }
0x13b: {  	[tilespmem:s20+$0x0] =	vst v8  }
0x13c: {  	v14 =	vld [tilespmem:$0x300]  }
0x13d: {  	v15 =	vld [tilespmem:$0x310]  }
0x13e: {  	v12 =	vld [tilespmem:$0x320]  }
0x13f: {  	v18 =	vld.idx.msk [tilespmem:v9+s25+$0x0], $0xffff  }
0x140: {  	v13 =	vld [tilespmem:$0x330]  }
0x141: {  	v11 =	vld [tilespmem:$0x340]  }
0x142: {  	v10 =	vld [tilespmem:$0x350]  }
0x143: {  	v8 =	vld [tilespmem:$0x370]  }
0x144: {  	v9 =	vld [tilespmem:$0x360];
	v16 =	vmul.f32 v18, v14  }
0x145: {  	s7 =	simm.s32 $0x0;
	v17 =	vmul.f32 v18, v15  }
0x146: {  	v19 =	vmul.f32 v18, v12;
	[tilespmem:s7+$0x18500] =	vst v16  }
0x147: {  	v21 =	vmul.f32 v18, v13;
	[tilespmem:s7+$0x18510] =	vst v17  }
0x148: {  	s9 =	simm.s32 $0x81;
	v17 =	vmul.f32 v18, v11;
	v16 =	vmul.f32 v18, v10;
	[tilespmem:s7+$0x18520] =	vst v19  }
0x149: {  	s5 =	simm.s32 $0x200;
	s16 =	simm.s32 $0x400;
	v20 =	vmov s9;
	v19 =	vmul.f32 v18, v9;
	v18 =	vmul.f32 v18, v8;
	[tilespmem:s7+$0x18530] =	vst v21  }
.LBB2_15:
0x14a: {  	p1 =	sne.s32 s16, $0x7E00;
	[tilespmem:s7+$0x18540] =	vst v17  }
0x14b: {  	[tilespmem:s7+$0x18550] =	vst v16  }
0x14c: {  	[tilespmem:s7+$0x18560] =	vst v19  }
0x14d: {  	[tilespmem:s7+$0x18570] =	vst v18  }
0x14e: {  	v18 =	vld.idx.msk [tilespmem:v20+s25+$0x0], $0xffff;
	_ =	sdelay $0x5  }
0x14f: {  	v16 =	vmul.f32 v18, v14;
	v19 =	vmul.f32 v18, v15  }
.Ltmp8:
0x150: {  	s7 =	sshra.s32 s5, $0x2;
	s5 =	smov.u32 s16;
	v20 =	vmul.f32 v18, v12;
	v21 =	vmul.f32 v18, v13;
	(pc) =	sbr.rel @p1 .LBB2_15-.Ltmp8, $4  }
0x151: {  	v17 =	vmul.f32 v18, v11;
	[tilespmem:s7+$0x18500] =	vst v16;
	v16 =	vmul.f32 v18, v10  }
0x152: {  	[tilespmem:s7+$0x18510] =	vst v19;
	v19 =	vmul.f32 v18, v9;
	v18 =	vmul.f32 v18, v8  }
0x153: {  	s9 =	sadd.s32 $0x1, s9;
	[tilespmem:s7+$0x18520] =	vst v20  }
0x154: {  	s16 =	sadd.s32 $0x200, s16;
	v20 =	vmov s9;
	[tilespmem:s7+$0x18530] =	vst v21  }
0x155: {  	[tilespmem:s7+$0x18540] =	vst v17  }
0x156: {  	[tilespmem:s7+$0x18550] =	vst v16  }
0x157: {  	[tilespmem:s7+$0x18560] =	vst v19  }
0x158: {  	[tilespmem:s7+$0x18570] =	vst v18  }
0x159: {  	v16 =	vld.idx.msk [tilespmem:v20+s25+$0x0], $0xffff;
	_ =	sdelay $0x4  }
0x15a: {  	v14 =	vmul.f32 v16, v14  }
0x15b: {  	s5 =	sshra.s32 s5, $0x2;
	v15 =	vmul.f32 v16, v15  }
0x15c: {  	v12 =	vmul.f32 v16, v12;
	[tilespmem:s5+$0x18500] =	vst v14  }
0x15d: {  	v13 =	vmul.f32 v16, v13;
	[tilespmem:s5+$0x18510] =	vst v15  }
0x15e: {  	v11 =	vmul.f32 v16, v11;
	[tilespmem:s5+$0x18520] =	vst v12  }
0x15f: {  	v10 =	vmul.f32 v16, v10;
	[tilespmem:s5+$0x18530] =	vst v13  }
0x160: {  	s20 =	simm.s32 $0x0;
	v9 =	vmul.f32 v16, v9;
	[tilespmem:s5+$0x18540] =	vst v11  }
0x161: {  	v8 =	vmul.f32 v16, v8;
	[tilespmem:s5+$0x18550] =	vst v10;
	v10 =	vmov s20  }
0x162: {  	[tilespmem:s5+$0x18560] =	vst v9;
	v9 =	vand.u32 $0x7F, v10  }
0x163: {  	[tilespmem:s5+$0x18570] =	vst v8;
	v8 =	vbroadcast v9, $0x0  }
0x164: {  	_ =	swait.ge [sflag:s26], $0x4000  }
0x165: {  	[sflag:s26] =	ssyncset.done $0x0;
	v9 =	vor.u32 v0, v8  }
0x166: {  	[sflag:s26] =	ssyncadd.s32 $0xFFFFC000  }
0x167: {  	_ =	swait.ge [sflag:s26], $0x4000  }
0x168: {  	[sflag:s26] =	ssyncset.done $0x0  }
0x169: {  	[sflag:s26] =	ssyncadd.s32 $0xFFFFC000  }
0x16a: {  	v9 =	vld.idx.msk [tilespmem:v9+s4+$0x0], $0xffff  }
0x16b: {  	v10 =	vor.u32 v1, v8;
	_ =	sdelay $0x2  }
0x16c: {  	s20 =	simm.s32 $0x0  }
0x16d: {  	[tilespmem:s20+$0x10500] =	vst v9  }
0x16e: {  	v9 =	vld.idx.msk [tilespmem:v10+s4+$0x0], $0xffff  }
0x16f: {  	v10 =	vor.u32 v2, v8;
	_ =	sdelay $0x3  }
0x170: {  	[tilespmem:s20+$0x10510] =	vst v9  }
0x171: {  	v9 =	vld.idx.msk [tilespmem:v10+s4+$0x0], $0xffff  }
0x172: {  	v10 =	vor.u32 v3, v8;
	_ =	sdelay $0x3  }
0x173: {  	[tilespmem:s20+$0x10520] =	vst v9  }
0x174: {  	v9 =	vld.idx.msk [tilespmem:v10+s4+$0x0], $0xffff  }
0x175: {  	v10 =	vor.u32 v4, v8;
	_ =	sdelay $0x3  }
0x176: {  	[tilespmem:s20+$0x10530] =	vst v9  }
0x177: {  	v9 =	vld.idx.msk [tilespmem:v10+s4+$0x0], $0xffff  }
0x178: {  	v10 =	vor.u32 v5, v8;
	_ =	sdelay $0x3  }
0x179: {  	[tilespmem:s20+$0x10540] =	vst v9  }
0x17a: {  	v9 =	vld.idx.msk [tilespmem:v10+s4+$0x0], $0xffff  }
0x17b: {  	v10 =	vor.u32 v6, v8;
	_ =	sdelay $0x3  }
0x17c: {  	[tilespmem:s20+$0x10550] =	vst v9  }
0x17d: {  	v9 =	vld.idx.msk [tilespmem:v10+s4+$0x0], $0xffff  }
0x17e: {  	v8 =	vor.u32 v7, v8;
	_ =	sdelay $0x1  }
0x17f: {  	s9 =	simm.s32 $0x1  }
0x180: {  	s16 =	simm.s32 $0x200;
	s7 =	simm.s32 $0x200;
	s5 =	simm.s32 $0x400;
	v10 =	vmov s9  }
.LBB2_17:
0x181: {  	p1 =	sne.s32 s5, $0x7E00;
	v10 =	vand.u32 $0x7F, v10;
	[tilespmem:s20+$0x10560] =	vst v9  }
0x182: {  	v10 =	vbroadcast v10, $0x0;
	v8 =	vld.idx.msk [tilespmem:v8+s4+$0x0], $0xffff;
	_ =	sdelay $0x1  }
0x183: {  	v9 =	vor.u32 v0, v10;
	_ =	sdelay $0x3  }
0x184: {  	[tilespmem:s20+$0x10570] =	vst v8  }
0x185: {  	v8 =	vld.idx.msk [tilespmem:v9+s4+$0x0], $0xffff;
	_ =	sdelay $0x1  }
0x186: {  	v9 =	vor.u32 v1, v10;
	_ =	sdelay $0x2  }
0x187: {  	s20 =	sshra.s32 s7, $0x2;
	s7 =	smov.u32 s5  }
0x188: {  	[tilespmem:s20+$0x10500] =	vst v8  }
0x189: {  	v8 =	vld.idx.msk [tilespmem:v9+s4+$0x0], $0xffff;
	_ =	sdelay $0x1  }
0x18a: {  	v9 =	vor.u32 v2, v10;
	_ =	sdelay $0x3  }
0x18b: {  	[tilespmem:s20+$0x10510] =	vst v8  }
0x18c: {  	v8 =	vld.idx.msk [tilespmem:v9+s4+$0x0], $0xffff;
	_ =	sdelay $0x1  }
0x18d: {  	v9 =	vor.u32 v3, v10;
	_ =	sdelay $0x3  }
0x18e: {  	[tilespmem:s20+$0x10520] =	vst v8  }
0x18f: {  	v8 =	vld.idx.msk [tilespmem:v9+s4+$0x0], $0xffff;
	_ =	sdelay $0x1  }
0x190: {  	v9 =	vor.u32 v4, v10;
	_ =	sdelay $0x3  }
0x191: {  	[tilespmem:s20+$0x10530] =	vst v8  }
0x192: {  	v8 =	vld.idx.msk [tilespmem:v9+s4+$0x0], $0xffff;
	_ =	sdelay $0x1  }
0x193: {  	v9 =	vor.u32 v5, v10;
	_ =	sdelay $0x3  }
0x194: {  	[tilespmem:s20+$0x10540] =	vst v8  }
0x195: {  	v8 =	vld.idx.msk [tilespmem:v9+s4+$0x0], $0xffff;
	_ =	sdelay $0x1  }
0x196: {  	v9 =	vor.u32 v6, v10;
	_ =	sdelay $0x3  }
0x197: {  	[tilespmem:s20+$0x10550] =	vst v8  }
0x198: {  	v9 =	vld.idx.msk [tilespmem:v9+s4+$0x0], $0xffff  }
.Ltmp9:
0x199: {  	(pc) =	sbr.rel @p1 .LBB2_17-.Ltmp9, $3  }
0x19a: {  	v8 =	vor.u32 v7, v10;
	_ =	sdelay $0x1  }
0x19b: {  	s9 =	sadd.s32 $0x1, s9  }
0x19c: {  	s5 =	sadd.s32 $0x200, s5;
	v10 =	vmov s9  }
0x19d: {  	_ =	sdelay $0x1  }
0x19e: {  	v10 =	vand.u32 $0x7F, v10  }
0x19f: {  	[tilespmem:s20+$0x10560] =	vst v9;
	v9 =	vbroadcast v10, $0x0  }
0x1a0: {  	v8 =	vld.idx.msk [tilespmem:v8+s4+$0x0], $0xffff  }
0x1a1: {  	v10 =	vor.u32 v0, v9;
	_ =	sdelay $0x3  }
0x1a2: {  	[tilespmem:s20+$0x10570] =	vst v8  }
0x1a3: {  	v8 =	vld.idx.msk [tilespmem:v10+s4+$0x0], $0xffff  }
0x1a4: {  	v10 =	vor.u32 v1, v9;
	_ =	sdelay $0x2  }
0x1a5: {  	s5 =	sshra.s32 s7, $0x2  }
0x1a6: {  	[tilespmem:s5+$0x10500] =	vst v8  }
0x1a7: {  	v8 =	vld.idx.msk [tilespmem:v10+s4+$0x0], $0xffff  }
0x1a8: {  	v10 =	vor.u32 v2, v9;
	_ =	sdelay $0x3  }
0x1a9: {  	[tilespmem:s5+$0x10510] =	vst v8  }
0x1aa: {  	v8 =	vld.idx.msk [tilespmem:v10+s4+$0x0], $0xffff  }
0x1ab: {  	v10 =	vor.u32 v3, v9;
	_ =	sdelay $0x3  }
0x1ac: {  	[tilespmem:s5+$0x10520] =	vst v8  }
0x1ad: {  	v8 =	vld.idx.msk [tilespmem:v10+s4+$0x0], $0xffff  }
0x1ae: {  	v10 =	vor.u32 v4, v9;
	_ =	sdelay $0x3  }
0x1af: {  	[tilespmem:s5+$0x10530] =	vst v8  }
0x1b0: {  	v8 =	vld.idx.msk [tilespmem:v10+s4+$0x0], $0xffff  }
0x1b1: {  	v10 =	vor.u32 v5, v9;
	_ =	sdelay $0x3  }
0x1b2: {  	[tilespmem:s5+$0x10540] =	vst v8  }
0x1b3: {  	v8 =	vld.idx.msk [tilespmem:v10+s4+$0x0], $0xffff  }
0x1b4: {  	v10 =	vor.u32 v6, v9;
	_ =	sdelay $0x3  }
0x1b5: {  	[tilespmem:s5+$0x10550] =	vst v8  }
0x1b6: {  	v8 =	vld.idx.msk [tilespmem:v10+s4+$0x0], $0xffff  }
0x1b7: {  	v9 =	vor.u32 v7, v9  }
0x1b8: {  	s20 =	simm.s32 $0x40  }
0x1b9: {  	v10 =	vmov s20  }
0x1ba: {  	v10 =	vand.u32 $0x7F, v10  }
0x1bb: {  	[tilespmem:s5+$0x10560] =	vst v8;
	v8 =	vbroadcast v10, $0x0  }
0x1bc: {  	v9 =	vld.idx.msk [tilespmem:v9+s4+$0x0], $0xffff  }
0x1bd: {  	v10 =	vor.u32 v0, v8;
	_ =	sdelay $0x3  }
0x1be: {  	[tilespmem:s5+$0x10570] =	vst v9  }
0x1bf: {  	v9 =	vld.idx.msk [tilespmem:v10+s24+$0x0], $0xffff  }
0x1c0: {  	v10 =	vor.u32 v1, v8;
	_ =	sdelay $0x2  }
0x1c1: {  	s20 =	simm.s32 $0x0  }
0x1c2: {  	[tilespmem:s20+$0x12500] =	vst v9  }
0x1c3: {  	v9 =	vld.idx.msk [tilespmem:v10+s24+$0x0], $0xffff  }
0x1c4: {  	v10 =	vor.u32 v2, v8;
	_ =	sdelay $0x3  }
0x1c5: {  	[tilespmem:s20+$0x12510] =	vst v9  }
0x1c6: {  	v9 =	vld.idx.msk [tilespmem:v10+s24+$0x0], $0xffff  }
0x1c7: {  	v10 =	vor.u32 v3, v8;
	_ =	sdelay $0x3  }
0x1c8: {  	[tilespmem:s20+$0x12520] =	vst v9  }
0x1c9: {  	v9 =	vld.idx.msk [tilespmem:v10+s24+$0x0], $0xffff  }
0x1ca: {  	v10 =	vor.u32 v4, v8;
	_ =	sdelay $0x3  }
0x1cb: {  	[tilespmem:s20+$0x12530] =	vst v9  }
0x1cc: {  	v9 =	vld.idx.msk [tilespmem:v10+s24+$0x0], $0xffff  }
0x1cd: {  	v10 =	vor.u32 v5, v8;
	_ =	sdelay $0x3  }
0x1ce: {  	[tilespmem:s20+$0x12540] =	vst v9  }
0x1cf: {  	v9 =	vld.idx.msk [tilespmem:v10+s24+$0x0], $0xffff  }
0x1d0: {  	v10 =	vor.u32 v6, v8;
	_ =	sdelay $0x3  }
0x1d1: {  	[tilespmem:s20+$0x12550] =	vst v9  }
0x1d2: {  	v9 =	vld.idx.msk [tilespmem:v10+s24+$0x0], $0xffff  }
0x1d3: {  	v8 =	vor.u32 v7, v8;
	_ =	sdelay $0x1  }
0x1d4: {  	s7 =	simm.s32 $0x41  }
0x1d5: {  	s5 =	simm.s32 $0x400;
	v10 =	vmov s7  }
.LBB2_19:
0x1d6: {  	p1 =	sne.s32 s5, $0x7E00;
	v10 =	vand.u32 $0x7F, v10;
	[tilespmem:s20+$0x12560] =	vst v9  }
0x1d7: {  	v10 =	vbroadcast v10, $0x0;
	v8 =	vld.idx.msk [tilespmem:v8+s24+$0x0], $0xffff;
	_ =	sdelay $0x1  }
0x1d8: {  	v9 =	vor.u32 v0, v10;
	_ =	sdelay $0x3  }
0x1d9: {  	[tilespmem:s20+$0x12570] =	vst v8  }
0x1da: {  	v8 =	vld.idx.msk [tilespmem:v9+s24+$0x0], $0xffff;
	_ =	sdelay $0x1  }
0x1db: {  	v9 =	vor.u32 v1, v10;
	_ =	sdelay $0x2  }
0x1dc: {  	s20 =	sshra.s32 s16, $0x2;
	s16 =	smov.u32 s5  }
0x1dd: {  	[tilespmem:s20+$0x12500] =	vst v8  }
0x1de: {  	v8 =	vld.idx.msk [tilespmem:v9+s24+$0x0], $0xffff;
	_ =	sdelay $0x1  }
0x1df: {  	v9 =	vor.u32 v2, v10;
	_ =	sdelay $0x3  }
0x1e0: {  	[tilespmem:s20+$0x12510] =	vst v8  }
0x1e1: {  	v8 =	vld.idx.msk [tilespmem:v9+s24+$0x0], $0xffff;
	_ =	sdelay $0x1  }
0x1e2: {  	v9 =	vor.u32 v3, v10;
	_ =	sdelay $0x3  }
0x1e3: {  	[tilespmem:s20+$0x12520] =	vst v8  }
0x1e4: {  	v8 =	vld.idx.msk [tilespmem:v9+s24+$0x0], $0xffff;
	_ =	sdelay $0x1  }
0x1e5: {  	v9 =	vor.u32 v4, v10;
	_ =	sdelay $0x3  }
0x1e6: {  	[tilespmem:s20+$0x12530] =	vst v8  }
0x1e7: {  	v8 =	vld.idx.msk [tilespmem:v9+s24+$0x0], $0xffff;
	_ =	sdelay $0x1  }
0x1e8: {  	v9 =	vor.u32 v5, v10;
	_ =	sdelay $0x3  }
0x1e9: {  	[tilespmem:s20+$0x12540] =	vst v8  }
0x1ea: {  	v8 =	vld.idx.msk [tilespmem:v9+s24+$0x0], $0xffff;
	_ =	sdelay $0x1  }
0x1eb: {  	v9 =	vor.u32 v6, v10;
	_ =	sdelay $0x3  }
0x1ec: {  	[tilespmem:s20+$0x12550] =	vst v8  }
0x1ed: {  	v9 =	vld.idx.msk [tilespmem:v9+s24+$0x0], $0xffff  }
.Ltmp10:
0x1ee: {  	(pc) =	sbr.rel @p1 .LBB2_19-.Ltmp10, $3  }
0x1ef: {  	v8 =	vor.u32 v7, v10;
	_ =	sdelay $0x1  }
0x1f0: {  	s7 =	sadd.s32 $0x1, s7  }
0x1f1: {  	s5 =	sadd.s32 $0x200, s5;
	v10 =	vmov s7  }
0x1f2: {  	_ =	sdelay $0x1  }
0x1f3: {  	v10 =	vand.u32 $0x7F, v10  }
0x1f4: {  	[tilespmem:s20+$0x12560] =	vst v9;
	v57 =	vbroadcast v10, $0x0  }
0x1f5: {  	v8 =	vld.idx.msk [tilespmem:v8+s24+$0x0], $0xffff  }
0x1f6: {  	v10 =	vor.u32 v0, v57;
	_ =	sdelay $0x3  }
0x1f7: {  	[tilespmem:s20+$0x12570] =	vst v8  }
0x1f8: {  	v8 =	vld.idx.msk [tilespmem:v10+s24+$0x0], $0xffff  }
0x1f9: {  	v58 =	vor.u32 v1, v57;
	_ =	sdelay $0x2  }
0x1fa: {  	s5 =	sshra.s32 s16, $0x2  }
0x1fb: {  	[tilespmem:s5+$0x12500] =	vst v8  }
0x1fc: {  	v8 =	vld.idx.msk [tilespmem:v58+s24+$0x0], $0xffff  }
0x1fd: {  	v59 =	vor.u32 v2, v57;
	_ =	sdelay $0x3  }
0x1fe: {  	[tilespmem:s5+$0x12510] =	vst v8  }
0x1ff: {  	v8 =	vld.idx.msk [tilespmem:v59+s24+$0x0], $0xffff  }
0x200: {  	v60 =	vor.u32 v3, v57;
	_ =	sdelay $0x3  }
0x201: {  	[tilespmem:s5+$0x12520] =	vst v8  }
0x202: {  	v8 =	vld.idx.msk [tilespmem:v60+s24+$0x0], $0xffff  }
0x203: {  	v61 =	vor.u32 v4, v57;
	_ =	sdelay $0x3  }
0x204: {  	[tilespmem:s5+$0x12530] =	vst v8  }
0x205: {  	v8 =	vld.idx.msk [tilespmem:v61+s24+$0x0], $0xffff  }
0x206: {  	v62 =	vor.u32 v5, v57;
	_ =	sdelay $0x3  }
0x207: {  	[tilespmem:s5+$0x12540] =	vst v8  }
0x208: {  	v8 =	vld.idx.msk [tilespmem:v62+s24+$0x0], $0xffff  }
0x209: {  	v63 =	vor.u32 v6, v57;
	_ =	sdelay $0x3  }
0x20a: {  	[tilespmem:s5+$0x12550] =	vst v8  }
0x20b: {  	v8 =	vld.idx.msk [tilespmem:v63+s24+$0x0], $0xffff  }
0x20c: {  	v9 =	vor.u32 v7, v57;
	_ =	sdelay $0x3  }
0x20d: {  	p1 =	seq.s32 s12, $0x31;
	[tilespmem:s5+$0x12560] =	vst v8  }
0x20e: {  	s7 =	sadd.s32 @!p1 $0x1, s13;
	v8 =	vld.idx.msk [tilespmem:v9+s24+$0x0], $0xffff  }
0x20f: {  	s9 =	sshrl.u32 @!p1 s7, $0x3;
	s7 =	sand.u32 @!p1 $0x7, s7  }
0x210: {  	s16 =	sshll.u32 @!p1 s9, $0xD;
	s20 =	sshll.u32 @!p1 s7, $0xA  }
0x211: {  	s16 =	sor.u32 @!p1 s20, s16  }
0x212: {  	s16 =	sshrl.u32 @!p1 s16, $0x3  }
0x213: {  	[tilespmem:s5+$0x12570] =	vst v8;
	s5 =	sadd.s32 @!p1 s6, s16;
	s16 =	simm.s32 @!p1 $0x0  }
0x214: {  	[tilespmem:s16], [sflag:$0x1] =	stream.linear.gather @!p1 [hbm4b:s5+s16], $0x400, $0x38;
	[tilespmem:$0x1A900] =	vst v63  }
0x215: {  	s7 =	sshll.u32 @!p1 s7, $0x8;
	s5 =	sshll.u32 @!p1 s9, $0xB  }
0x216: {  	s5 =	sor.u32 @!p1 s7, s5  }
0x217: {  	s5 =	sshrl.u32 @!p1 s5, $0x3  }
0x218: {  	s13 =	sshll.u32 s13, $0xA;
	s9 =	simm.s32 @!p1 $0x400;
	s7 =	sadd.s32 @!p1 s1, s5  }
0x219: {  	[tilespmem:s9], [sflag:$0x2] =	stream.linear.gather @!p1 [hbm4b:s7+s16], $0x80, $0x38;
	[tilespmem:$0x1A900] =	vst v63  }
0x21a: {  	s5 =	sadd.s32 @!p1 s5, s15;
	s7 =	simm.s32 @!p1 $0x480;
	s9 =	smul.u32 $0x60000, s14  }
0x21b: {  	[tilespmem:s7], [sflag:$0x2] =	stream.linear.gather @!p1 [hbm4b:s5+s16], $0x80, $0x38;
	[tilespmem:$0x1A900] =	vst v63  }
0x21c: {  	s7 =	sand.u32 $0x1C00, s13  }
0x21d: {  	s12 =	sadd.s32 $0x1, s12;
	s16 =	smul.u32 $0x30000, s14;
	s5 =	sor.u32 s7, s9  }
0x21e: {  	p1 =	sne.s32 s12, $0x32;
	s5 =	sshrl.u32 s5, $0x3  }
.Ltmp11:
0x21f: {  	s20 =	sor.u32 s7, s16;
	s5 =	sadd.s32 s2, s5;
	(pc) =	sbr.rel @p1 .LBB2_2-.Ltmp11, $4  }
0x220: {  	[hbm4b:s5+s28] =	stream.strided.scatter [tilespmem:s19], [sflag:$0x4], $0xC000, s17, s28, $0x38;
	[tilespmem:$0x1A900] =	vst v63  }
0x221: {  	s5 =	sshrl.u32 s20, $0x3  }
0x222: {  	s5 =	sadd.s32 s3, s5  }
0x223: {  	[hbm4b:s5+s28] =	stream.strided.scatter [tilespmem:s21], [sflag:$0x5], $0x6000, s17, s28, $0x38;
	[tilespmem:$0x1A900] =	vst v63  }
0x224: {  	s5 =	simm.s32 $0x4  }
0x225: {  	_ =	swait.ge [sflag:s5], $0xC000  }
.Ltmp12:
0x226: {  	[sflag:s5] =	ssyncset.done $0x0;
	(pc) =	sbr.rel @p0 .LBB2_25-.Ltmp12, $4  }
0x227: {  	s20 =	simm.s32 $0x5;
	[sflag:s5] =	ssyncadd.s32 $0xFFFF4000  }
0x228: {  	_ =	swait.ge [sflag:s20], $0x6000  }
0x229: {  	[sflag:s20] =	ssyncset.done $0x0  }
0x22a: {  	[sflag:s20] =	ssyncadd.s32 $0xFFFFA000  }
0x22b: {  	s5 =	sadd.s32 $0x0, s18  }
0x22c: {  	s7 =	simm.s32 $0x0;
	s16 =	rddreg [dreg:$0xe];
	v8 =	vmov s5  }
0x22d: {  	[tilespmem:s28], [sflag:$0x6] =	stream.linear.gather [hbm4b:s16+s7], $0x80, $0x38;
	v8 =	vand.u32 $0x7F, v8;
	[tilespmem:$0x1A900] =	vst v63  }
0x22e: {  	_ =	swait.ge [sflag:s23], $0x80;
	v8 =	vbroadcast v8, $0x0  }
0x22f: {  	[sflag:s23] =	ssyncset.done $0x0  }
0x230: {  	s20 =	rddreg [dreg:$0x11];
	[sflag:s23] =	ssyncadd.s32 $0xFFFFFF80;
	v9 =	vor.u32 v0, v8  }
0x231: {  	[tilespmem:s4], [sflag:$0x3] =	stream.indirect.gather [hbm4b:s20+s0], $0x80, s28, s0, $0xb8;
	[tilespmem:$0x1A900] =	vst v63  }
0x232: {  	_ =	swait.ge [sflag:s26], $0x4000  }
0x233: {  	[sflag:s26] =	ssyncset.done $0x0  }
0x234: {  	[sflag:s26] =	ssyncadd.s32 $0xFFFFC000  }
0x235: {  	v9 =	vld.idx.msk [tilespmem:v9+s4+$0x0], $0xffff  }
0x236: {  	v10 =	vor.u32 v1, v8;
	_ =	sdelay $0x2  }
0x237: {  	s12 =	simm.s32 $0x14540  }
0x238: {  	[tilespmem:s12+$0xFFFFFFC0] =	vst v9  }
0x239: {  	v9 =	vld.idx.msk [tilespmem:v10+s4+$0x0], $0xffff  }
0x23a: {  	v10 =	vor.u32 v2, v8;
	_ =	sdelay $0x3  }
0x23b: {  	[tilespmem:s12+$0xFFFFFFD0] =	vst v9  }
0x23c: {  	v9 =	vld.idx.msk [tilespmem:v10+s4+$0x0], $0xffff  }
0x23d: {  	v10 =	vor.u32 v3, v8;
	_ =	sdelay $0x3  }
0x23e: {  	[tilespmem:s12+$0xFFFFFFE0] =	vst v9  }
0x23f: {  	v9 =	vld.idx.msk [tilespmem:v10+s4+$0x0], $0xffff  }
0x240: {  	v10 =	vor.u32 v4, v8;
	_ =	sdelay $0x3  }
0x241: {  	[tilespmem:s12+$0xFFFFFFF0] =	vst v9  }
0x242: {  	v9 =	vld.idx.msk [tilespmem:v10+s4+$0x0], $0xffff  }
0x243: {  	v10 =	vor.u32 v5, v8;
	_ =	sdelay $0x3  }
0x244: {  	[tilespmem:s12+$0x0] =	vst v9  }
0x245: {  	v9 =	vld.idx.msk [tilespmem:v10+s4+$0x0], $0xffff  }
0x246: {  	v10 =	vor.u32 v6, v8;
	_ =	sdelay $0x3  }
0x247: {  	[tilespmem:s12+$0x10] =	vst v9  }
0x248: {  	v9 =	vld.idx.msk [tilespmem:v10+s4+$0x0], $0xffff  }
0x249: {  	v8 =	vor.u32 v7, v8;
	_ =	sdelay $0x1  }
0x24a: {  	s7 =	sadd.s32 $0x1, s18;
	s5 =	simm.s32 $0x2  }
.LBB2_23:
0x24b: {  	p1 =	sne.s32 s5, $0x3F;
	v10 =	vmov s7  }
0x24c: {  	v10 =	vand.u32 $0x7F, v10;
	[tilespmem:s12+$0x20] =	vst v9  }
0x24d: {  	v10 =	vbroadcast v10, $0x0;
	v8 =	vld.idx.msk [tilespmem:v8+s4+$0x0], $0xffff;
	_ =	sdelay $0x1  }
0x24e: {  	v9 =	vor.u32 v0, v10;
	_ =	sdelay $0x3  }
0x24f: {  	[tilespmem:s12+$0x30] =	vst v8  }
0x250: {  	v8 =	vld.idx.msk [tilespmem:v9+s4+$0x0], $0xffff;
	_ =	sdelay $0x1  }
0x251: {  	v9 =	vor.u32 v1, v10;
	_ =	sdelay $0x2  }
0x252: {  	s12 =	sadd.s32 $0x80, s12  }
0x253: {  	[tilespmem:s12+$0xFFFFFFC0] =	vst v8  }
0x254: {  	v8 =	vld.idx.msk [tilespmem:v9+s4+$0x0], $0xffff;
	_ =	sdelay $0x1  }
0x255: {  	v9 =	vor.u32 v2, v10;
	_ =	sdelay $0x3  }
0x256: {  	[tilespmem:s12+$0xFFFFFFD0] =	vst v8  }
0x257: {  	v8 =	vld.idx.msk [tilespmem:v9+s4+$0x0], $0xffff;
	_ =	sdelay $0x1  }
0x258: {  	v9 =	vor.u32 v3, v10;
	_ =	sdelay $0x3  }
0x259: {  	[tilespmem:s12+$0xFFFFFFE0] =	vst v8  }
0x25a: {  	v8 =	vld.idx.msk [tilespmem:v9+s4+$0x0], $0xffff;
	_ =	sdelay $0x1  }
0x25b: {  	v9 =	vor.u32 v4, v10;
	_ =	sdelay $0x3  }
0x25c: {  	[tilespmem:s12+$0xFFFFFFF0] =	vst v8  }
0x25d: {  	v8 =	vld.idx.msk [tilespmem:v9+s4+$0x0], $0xffff;
	_ =	sdelay $0x1  }
0x25e: {  	v9 =	vor.u32 v5, v10;
	_ =	sdelay $0x3  }
0x25f: {  	[tilespmem:s12+$0x0] =	vst v8  }
0x260: {  	v8 =	vld.idx.msk [tilespmem:v9+s4+$0x0], $0xffff;
	_ =	sdelay $0x1  }
0x261: {  	v9 =	vor.u32 v6, v10;
	_ =	sdelay $0x3  }
0x262: {  	[tilespmem:s12+$0x10] =	vst v8  }
.Ltmp13:
0x263: {  	v9 =	vld.idx.msk [tilespmem:v9+s4+$0x0], $0xffff;
	(pc) =	sbr.rel @p1 .LBB2_23-.Ltmp13, $3  }
0x264: {  	_ = 	snop  }
0x265: {  	v8 =	vor.u32 v7, v10;
	_ =	sdelay $0x1  }
0x266: {  	s7 =	sadd.s32 s5, s18;
	s5 =	sadd.s32 $0x1, s5  }
0x267: {  	_ = 	snop  }
0x268: {  	v10 =	vmov s7  }
0x269: {  	v10 =	vand.u32 $0x7F, v10  }
0x26a: {  	[tilespmem:s12+$0x20] =	vst v9;
	v57 =	vbroadcast v10, $0x0  }
0x26b: {  	v8 =	vld.idx.msk [tilespmem:v8+s4+$0x0], $0xffff  }
0x26c: {  	v10 =	vor.u32 v0, v57;
	_ =	sdelay $0x3  }
0x26d: {  	[tilespmem:s12+$0x30] =	vst v8  }
0x26e: {  	v8 =	vld.idx.msk [tilespmem:v10+s4+$0x0], $0xffff  }
0x26f: {  	v58 =	vor.u32 v1, v57;
	_ =	sdelay $0x2  }
0x270: {  	s5 =	sadd.s32 $0x80, s12  }
0x271: {  	[tilespmem:s5+$0xFFFFFFC0] =	vst v8  }
0x272: {  	v8 =	vld.idx.msk [tilespmem:v58+s4+$0x0], $0xffff  }
0x273: {  	v59 =	vor.u32 v2, v57;
	_ =	sdelay $0x3  }
0x274: {  	[tilespmem:s5+$0xFFFFFFD0] =	vst v8  }
0x275: {  	v8 =	vld.idx.msk [tilespmem:v59+s4+$0x0], $0xffff  }
0x276: {  	v60 =	vor.u32 v3, v57;
	_ =	sdelay $0x3  }
0x277: {  	[tilespmem:s5+$0xFFFFFFE0] =	vst v8  }
0x278: {  	v8 =	vld.idx.msk [tilespmem:v60+s4+$0x0], $0xffff  }
0x279: {  	v61 =	vor.u32 v4, v57;
	_ =	sdelay $0x3  }
0x27a: {  	[tilespmem:s5+$0xFFFFFFF0] =	vst v8  }
0x27b: {  	v8 =	vld.idx.msk [tilespmem:v61+s4+$0x0], $0xffff  }
0x27c: {  	v62 =	vor.u32 v5, v57;
	_ =	sdelay $0x3  }
0x27d: {  	[tilespmem:s5+$0x0] =	vst v8  }
0x27e: {  	v8 =	vld.idx.msk [tilespmem:v62+s4+$0x0], $0xffff  }
0x27f: {  	v63 =	vor.u32 v6, v57;
	_ =	sdelay $0x3  }
0x280: {  	[tilespmem:s5+$0x10] =	vst v8  }
0x281: {  	v8 =	vld.idx.msk [tilespmem:v63+s4+$0x0], $0xffff  }
0x282: {  	v9 =	vor.u32 v7, v57;
	_ =	sdelay $0x3  }
0x283: {  	[tilespmem:s5+$0x20] =	vst v8  }
0x284: {  	v8 =	vld.idx.msk [tilespmem:v9+s4+$0x0], $0xffff;
	_ =	sdelay $0x4  }
.Ltmp14:
0x285: {  	s20 =	rddreg [dreg:$0xf];
	[tilespmem:s5+$0x30] =	vst v8;
	(pc) =	sbr.rel .LBB2_25-.Ltmp14, $4  }
0x286: {  	[hbm4b:s20+s28] =	stream.strided.scatter [tilespmem:s21], [sflag:$0x6], $0x2000, s17, s28, $0x38;
	[tilespmem:$0x1A900] =	vst v63  }
0x287: {  	_ =	swait.ge [sflag:s23], $0x2000  }
0x288: {  	[sflag:s23] =	ssyncset.done $0x0  }
0x289: {  	[sflag:s23] =	ssyncadd.s32 $0xFFFFE000  }
.LBB2_26:
0x28a: {  	_ =	sfence.sel $0x180000  }
0x28b: {  	[bflag:$0x0] =	sbarrier.arrive $0xFFFF  }
0x28c: {  	_ =	strace $0x9000004A  }
0x28d: {  	s0 =	stileid.u32;
	[bflag:$0x2] =	sbarrier.arrive $0xFFFF  }
0x28e: {  	p0 =	sne.s32 s0, $0x0;
	s0 =	rddreg [dreg:$0x6]  }
0x28f: {  	s0 =	sadd.s32 @!p0 $0x100000, s0  }
0x290: {  	[sflag:s0] =	ssyncadd.tile.s32 @!p0 $0x1;
	_ =	shalt  }
.Lfunc_end2:
_tile_overlayer_lowered:
.L_overlay_start_2:
0x291: {  	(tag) =	ssettag $0x2  }
0x292: {  	s0 =	rddreg [dreg:$0x0];
	s2 =	stileid.u32  }
0x293: {  	s1 =	rddreg [dreg:$0x1];
	p0 =	sne.s32 s2, $0x0  }
0x294: {  	s3 =	rddreg [dreg:$0x2];
	[bflag:$0x3] =	sbarrier.arrive $0xFFFF;
	s2 =	simm.s32 @!p0 $0x1C06  }
0x295: {  	[timem:s3], [sflag:s2] =	dma.local @!p0 [hbm:s0], s1  }
0x296: {  	s0 =	simm.s32 @!p0 $0x6  }
0x297: {  	_ =	swait.ge @!p0 [sflag:s0], s1  }
0x298: {  	s1 =	ssub.s32 @!p0 $0x0, s1;
	[sflag:s0] =	ssyncset.done @!p0 $0x0  }
0x299: {  	[sflag:s0] =	ssyncadd.s32 @!p0 s1  }
0x29a: {  	[bflag:$0x3] =	sbarrier.arrive $0xFFFF  }
0x29b: {  	_ =	shalt  }

</sc_bundles>
